<compile_context>
chip_gen: v7x
topology: tpu7x:2x2x1
jax: 0.10.2.dev20260603
libtpu: 0.0.44.dev20260713+nightly
codegen_flags: <defaults>
</compile_context>

<pallas_src>
import functools

import jax
import jax.numpy as jnp
from jax import lax
from jax.experimental import pallas as pl
from jax.experimental.pallas import tpu as pltpu
from jax.experimental.pallas import tpu_sc as plsc

_B, _T, _N, _C = 16, 4096, 64, 4
_PS = 2
_CB = _T // _PS
_TT = _T // 128
_PANEL = _TT * _C * 128
_TOT = _B * _T * _N * _C
_NPW = _N // 2
_PPC = 2
_CH = _PPC * _PANEL
_NCHUNK = _NPW // _PPC

_mesh = plsc.VectorSubcoreMesh(core_axis_name="c", subcore_axis_name="s")


@functools.partial(
    pl.kernel,
    out_type=jax.ShapeDtypeStruct((_TOT,), jnp.float32),
    mesh=_mesh,
    compiler_params=pltpu.CompilerParams(needs_layout_passes=False),
    scratch_types=[
        pltpu.VMEM((16,), jnp.int32),
        pltpu.VMEM((16, 128), jnp.int32),
        pltpu.VMEM((_CB + 16,), jnp.int32),
        pltpu.VMEM((_CB + 16,), jnp.int32),
        pltpu.VMEM((_CH,), jnp.float32),
        pltpu.VMEM((_CH,), jnp.float32),
        pltpu.VMEM((_CH,), jnp.float32),
        pltpu.VMEM((_T,), jnp.float32),
        pltpu.SemaphoreType.DMA,
        pltpu.SemaphoreType.DMA,
        pltpu.SemaphoreType.DMA,
        pltpu.SemaphoreType.DMA,
        pltpu.SemaphoreType.DMA,
        pltpu.SemaphoreType.DMA,
    ],
)
def _patch_perm(x_hbm, perm_hbm, out_hbm, pidx_v, pv_v, srcb_v, dstb_v,
                buf_a, buf_b, buf_c, st_v,
                isem_a, isem_b, isem_c, osem_a, osem_b, osem_c):
    cid = lax.axis_index("c")
    sid = lax.axis_index("s")
    wid = sid * 2 + cid
    b = wid // 2
    n0 = (wid % 2) * _NPW
    lane = lax.iota(jnp.int32, 16)
    base0 = (b * _N + n0) * _PANEL

    _NBUF = 3
    bufs = (buf_a, buf_b, buf_c)
    isems = (isem_a, isem_b, isem_c)
    osems = (osem_a, osem_b, osem_c)

    def start_in(i):
        return pltpu.async_copy(
            x_hbm.at[pl.ds(base0 + i * _CH, _CH)], bufs[i % _NBUF],
            isems[i % _NBUF])

    def start_out(i):
        return pltpu.async_copy(
            bufs[i % _NBUF], out_hbm.at[pl.ds(base0 + i * _CH, _CH)],
            osems[i % _NBUF])

    incopies = {0: start_in(0), 1: start_in(1)}

    pidx_v[pl.ds(0, 16)] = (b // 8) * 128 + lane * 8 + (b % 8)
    pltpu.async_copy(perm_hbm.at[pidx_v], pv_v, osem_a).wait()

    def build_idx(w, off):
        p = pv_v[w // 8, pl.ds((w % 8) * 16, 16)]
        j = w * 16 + lane
        m = p != j
        mi = jnp.where(m, 1, 0)
        pos = off + plsc.cumsum(mi) - mi
        fsrc = (p // 64) * 512 + ((p * 2) % 128)
        fdst = (j // 64) * 512 + ((j * 2) % 128)
        plsc.store_scatter(srcb_v, [pos], fsrc, mask=m)
        plsc.store_scatter(dstb_v, [pos], fdst, mask=m)
        return off + jnp.sum(mi)

    nmod = lax.fori_loop(0, _CB // 16, build_idx, 0)
    nit = (nmod + 15) // 16

    def process(buf, poff):
        def gather(u, c):
            o = pl.ds(u * 16, 16)
            tm = lane < (nmod - u * 16)
            s = srcb_v[o] + poff
            st_v[o] = plsc.load_gather(buf, [s], mask=tm)
            st_v[pl.ds(_CB + u * 16, 16)] = plsc.load_gather(
                buf, [s + 1], mask=tm)
            return c

        lax.fori_loop(0, nit, gather, 0)

        def scatter(u, c):
            o = pl.ds(u * 16, 16)
            tm = lane < (nmod - u * 16)
            d = dstb_v[o] + poff
            plsc.store_scatter(buf, [d], st_v[o], mask=tm)
            plsc.store_scatter(
                buf, [d + 1], st_v[pl.ds(_CB + u * 16, 16)], mask=tm)
            return c

        lax.fori_loop(0, nit, scatter, 0)

    outcopies = {}
    for i in range(_NCHUNK):
        if i + 2 < _NCHUNK:
            if i - 1 >= 0:
                outcopies[i - 1].wait()
            incopies[i + 2] = start_in(i + 2)
        incopies[i].wait()
        for p in range(_PPC):
            process(bufs[i % _NBUF], p * _PANEL)
        outcopies[i] = start_out(i)
    outcopies[_NCHUNK - 3].wait()
    outcopies[_NCHUNK - 2].wait()
    outcopies[_NCHUNK - 1].wait()


def kernel(input, perm):
    t1 = jnp.transpose(input, (0, 2, 3, 1))
    t2 = t1.reshape(_B, _N, _C, _TT, 128)
    t3 = jnp.transpose(t2, (0, 1, 3, 2, 4))
    x1 = t3.reshape(_TOT)
    p1 = perm.reshape(2, 8, 16, 128).transpose(0, 2, 1, 3).reshape(256, 128)
    o1 = _patch_perm(x1, p1)
    o3 = o1.reshape(_B, _N, _TT, _C, 128)
    o2 = jnp.transpose(o3, (0, 1, 3, 2, 4))
    ot = o2.reshape(_B, _N, _C, _T)
    return jnp.transpose(ot, (0, 3, 1, 2))

# --- scband reference (transcript-rebuilt; emitter-appended) ---
"""Pipeline reference for scband-patch-perm-augmentation-36618891166040 (READ-ONLY COPY).

The authoritative reference and input builder live on the scoring server;
editing this copy changes nothing except your own understanding.
"""

import jax, jax.numpy as jnp
import numpy as np

B, T, N, C = 16, 4096, 64, 4
PS = 2      # patch_size
SR = 0.25   # selection_rate
CB = T // PS  # count_blocks


def setup_inputs(seed: int = 0) -> dict:
    key = jax.random.key(seed)
    x = jax.random.normal(key, (B, T, N, C), dtype=jnp.float32)
    # Precompute the per-sample block permutation (the torch module draws this
    # randomness inside forward; it is data-independent, so we materialize it here).
    rng = np.random.default_rng(0)
    perm = np.tile(np.arange(CB), (B, 1))
    for i in range(B):
        sel = np.where(rng.random(CB) < SR)[0]
        shuf = rng.permutation(sel)
        perm[i, sel] = shuf
    return {"input": x, "perm": jnp.asarray(perm, dtype=jnp.int32)}


def reference(input, perm):
    # series channel 0 gets patch-permuted; remaining channels pass through
    series = input[:, :, :, 0]            # (B, T, N)
    remainder = input[:, :, :, 1:]        # (B, T, N, C-1)
    blocks = series.reshape(B, CB, PS, N)  # (B, CB, PS, N)
    # new_blocks[i][sel] = blocks[i][shuffled]  ==  gather blocks[i] by perm[i]
    new_blocks = jnp.take_along_axis(blocks, perm[:, :, None, None], axis=1)
    aug = new_blocks.reshape(B, T, N)
    return jnp.concatenate([aug[..., None], remainder], axis=-1)

if __name__ == "__main__":
    import jax
    _d = setup_inputs()
    print(jax.jit(kernel)(*tuple(_d.values())))

</pallas_src>

<mosaic_0001>
#map = affine_map<(d0, d1) -> (0)>
#map1 = affine_map<(d0, d1) -> (0, 0)>
module attributes {stable_mosaic.version = 14 : i64} {
  func.func @_patch_perm(%arg0: i32, %arg1: i32, %arg2: memref<16777216xf32, #tpu.memory_space<hbm>>, %arg3: memref<256x128xi32, #tpu.memory_space<hbm>>, %arg4: memref<16777216xf32, #tpu.memory_space<hbm>>, %arg5: memref<16xi32, #tpu.memory_space<vmem>>, %arg6: memref<16x128xi32, #tpu.memory_space<vmem>>, %arg7: memref<2064xi32, #tpu.memory_space<vmem>>, %arg8: memref<2064xi32, #tpu.memory_space<vmem>>, %arg9: memref<32768xf32, #tpu.memory_space<vmem>>, %arg10: memref<32768xf32, #tpu.memory_space<vmem>>, %arg11: memref<32768xf32, #tpu.memory_space<vmem>>, %arg12: memref<4096xf32, #tpu.memory_space<vmem>>, %arg13: memref<!tpu.dma_semaphore, #tpu.memory_space<semaphore_mem>>, %arg14: memref<!tpu.dma_semaphore, #tpu.memory_space<semaphore_mem>>, %arg15: memref<!tpu.dma_semaphore, #tpu.memory_space<semaphore_mem>>, %arg16: memref<!tpu.dma_semaphore, #tpu.memory_space<semaphore_mem>>, %arg17: memref<!tpu.dma_semaphore, #tpu.memory_space<semaphore_mem>>, %arg18: memref<!tpu.dma_semaphore, #tpu.memory_space<semaphore_mem>>) attributes {dimension_semantics = [#tpu.dimension_semantics<core_parallel>, #tpu.dimension_semantics<subcore_parallel>], iteration_bounds = array<i64: 2, 16>, scalar_prefetch = 0 : i64, scratch_operands = 14 : i64, tpu.core_type = #tpu.core_type<sc_vector_subcore>, window_params = [{transform_indices = #map}, {transform_indices = #map1}, {transform_indices = #map}]} {
    %mul3A = arith.constant 2 : i32
    %mul3A_0 = arith.muli %arg1, %mul3A : i32
    %add3A = arith.addi %mul3A_0, %arg0 : i32
    %jit3A = arith.constant 2 : i32
    %div3A = arith.divsi %add3A, %jit3A : i32
    %sign3A = arith.constant 0 : i32
    %sign3A_1 = arith.cmpi sgt, %add3A, %sign3A : i32
    %sign3A_2 = arith.extui %sign3A_1 : i1 to i32
    %sign3A_3 = arith.constant 0 : i32
    %sign3A_4 = arith.cmpi slt, %add3A, %sign3A_3 : i32
    %sign3A_5 = arith.extui %sign3A_4 : i1 to i32
    %sign3A_6 = arith.subi %sign3A_2, %sign3A_5 : i32
    %sign3A_7 = arith.constant 0 : i32
    %sign3A_8 = arith.cmpi sgt, %jit3A, %sign3A_7 : i32
    %sign3A_9 = arith.extui %sign3A_8 : i1 to i32
    %sign3A_10 = arith.constant 0 : i32
    %sign3A_11 = arith.cmpi slt, %jit3A, %sign3A_10 : i32
    %sign3A_12 = arith.extui %sign3A_11 : i1 to i32
    %sign3A_13 = arith.subi %sign3A_9, %sign3A_12 : i32
    %ne3A = arith.cmpi ne, %sign3A_6, %sign3A_13 : i32
    %rem3A = arith.remsi %add3A, %jit3A : i32
    %ne3A_14 = arith.constant 0 : i32
    %ne3A_15 = arith.cmpi ne, %rem3A, %ne3A_14 : i32
    %and3A = arith.andi %ne3A, %ne3A_15 : i1
    %sub3A = arith.constant 1 : i32
    %sub3A_16 = arith.subi %div3A, %sub3A : i32
    %select_n3A = arith.select %and3A, %sub3A_16, %div3A : i32
    %jit3A_17 = arith.constant 2 : i32
    %eq3A = arith.constant 0 : i32
    %eq3A_18 = arith.cmpi eq, %jit3A_17, %eq3A : i32
    %jit3A_19 = arith.constant 1 : i32
    %select_n3A_20 = arith.select %eq3A_18, %jit3A_19, %jit3A_17 : i32
    %rem3A_21 = arith.remsi %add3A, %select_n3A_20 : i32
    %ne3A_22 = arith.constant 0 : i32
    %ne3A_23 = arith.cmpi ne, %rem3A_21, %ne3A_22 : i32
    %lt3A = arith.constant 0 : i32
    %lt3A_24 = arith.cmpi slt, %rem3A_21, %lt3A : i32
    %lt3A_25 = arith.constant 0 : i32
    %lt3A_26 = arith.cmpi slt, %select_n3A_20, %lt3A_25 : i32
    %ne3A_27 = arith.xori %lt3A_24, %lt3A_26 : i1
    %and3A_28 = arith.andi %ne3A_27, %ne3A_23 : i1
    %add3A_29 = arith.addi %rem3A_21, %select_n3A_20 : i32
    %select_n3A_30 = arith.select %and3A_28, %add3A_29, %rem3A_21 : i32
    %mul3A_31 = arith.constant 32 : i32
    %mul3A_32 = arith.muli %select_n3A_30, %mul3A_31 : i32
    %iota3A = tpu.iota {dimensions = array<i32: 0>} : vector<16xi32>
    %mul3A_33 = arith.constant 64 : i32
    %mul3A_34 = arith.muli %select_n3A, %mul3A_33 : i32
    %add3A_35 = arith.addi %mul3A_34, %mul3A_32 : i32
    %mul3A_36 = arith.constant 16384 : i32
    %mul3A_37 = arith.muli %add3A_35, %mul3A_36 : i32
    %add3A_38 = arith.constant 0 : i32
    %add3A_39 = arith.addi %mul3A_37, %add3A_38 : i32
    %dma_start3A = tpu.memref_slice %arg2[%add3A_39] : memref<16777216xf32, #tpu.memory_space<hbm>> -> memref<32768xf32, #tpu.memory_space<hbm>>
    %dma_start3A_40 = tpu.memref_slice %arg2[%add3A_39] : memref<16777216xf32, #tpu.memory_space<hbm>> -> memref<32768xf32, #tpu.memory_space<hbm>>
    tpu.enqueue_dma source(%dma_start3A_40 : memref<32768xf32, #tpu.memory_space<hbm>>) target(%arg9 : memref<32768xf32, #tpu.memory_space<vmem>>) target_semaphore(%arg13 : memref<!tpu.dma_semaphore, #tpu.memory_space<semaphore_mem>>)
    %add3A_41 = arith.constant 32768 : i32
    %add3A_42 = arith.addi %mul3A_37, %add3A_41 : i32
    %dma_start3A_43 = tpu.memref_slice %arg2[%add3A_42] : memref<16777216xf32, #tpu.memory_space<hbm>> -> memref<32768xf32, #tpu.memory_space<hbm>>
    %dma_start3A_44 = tpu.memref_slice %arg2[%add3A_42] : memref<16777216xf32, #tpu.memory_space<hbm>> -> memref<32768xf32, #tpu.memory_space<hbm>>
    tpu.enqueue_dma source(%dma_start3A_44 : memref<32768xf32, #tpu.memory_space<hbm>>) target(%arg10 : memref<32768xf32, #tpu.memory_space<vmem>>) target_semaphore(%arg14 : memref<!tpu.dma_semaphore, #tpu.memory_space<semaphore_mem>>)
    %jit3A_45 = arith.constant 8 : i32
    %div3A_46 = arith.divsi %select_n3A, %jit3A_45 : i32
    %sign3A_47 = arith.constant 0 : i32
    %sign3A_48 = arith.cmpi sgt, %select_n3A, %sign3A_47 : i32
    %sign3A_49 = arith.extui %sign3A_48 : i1 to i32
    %sign3A_50 = arith.constant 0 : i32
    %sign3A_51 = arith.cmpi slt, %select_n3A, %sign3A_50 : i32
    %sign3A_52 = arith.extui %sign3A_51 : i1 to i32
    %sign3A_53 = arith.subi %sign3A_49, %sign3A_52 : i32
    %sign3A_54 = arith.constant 0 : i32
    %sign3A_55 = arith.cmpi sgt, %jit3A_45, %sign3A_54 : i32
    %sign3A_56 = arith.extui %sign3A_55 : i1 to i32
    %sign3A_57 = arith.constant 0 : i32
    %sign3A_58 = arith.cmpi slt, %jit3A_45, %sign3A_57 : i32
    %sign3A_59 = arith.extui %sign3A_58 : i1 to i32
    %sign3A_60 = arith.subi %sign3A_56, %sign3A_59 : i32
    %ne3A_61 = arith.cmpi ne, %sign3A_53, %sign3A_60 : i32
    %rem3A_62 = arith.remsi %select_n3A, %jit3A_45 : i32
    %ne3A_63 = arith.constant 0 : i32
    %ne3A_64 = arith.cmpi ne, %rem3A_62, %ne3A_63 : i32
    %and3A_65 = arith.andi %ne3A_61, %ne3A_64 : i1
    %sub3A_66 = arith.constant 1 : i32
    %sub3A_67 = arith.subi %div3A_46, %sub3A_66 : i32
    %select_n3A_68 = arith.select %and3A_65, %sub3A_67, %div3A_46 : i32
    %mul3A_69 = arith.constant 128 : i32
    %mul3A_70 = arith.muli %select_n3A_68, %mul3A_69 : i32
    %mul3A_71 = arith.constant 8 : i32
    %mul3A_72 = vector.broadcast %mul3A_71 : i32 to vector<16xi32>
    %mul3A_73 = arith.muli %iota3A, %mul3A_72 : vector<16xi32>
    %add3A_74 = vector.broadcast %mul3A_70 : i32 to vector<16xi32>
    %add3A_75 = arith.addi %add3A_74, %mul3A_73 : vector<16xi32>
    %jit3A_76 = arith.constant 8 : i32
    %eq3A_77 = arith.constant 0 : i32
    %eq3A_78 = arith.cmpi eq, %jit3A_76, %eq3A_77 : i32
    %jit3A_79 = arith.constant 1 : i32
    %select_n3A_80 = arith.select %eq3A_78, %jit3A_79, %jit3A_76 : i32
    %rem3A_81 = arith.remsi %select_n3A, %select_n3A_80 : i32
    %ne3A_82 = arith.constant 0 : i32
    %ne3A_83 = arith.cmpi ne, %rem3A_81, %ne3A_82 : i32
    %lt3A_84 = arith.constant 0 : i32
    %lt3A_85 = arith.cmpi slt, %rem3A_81, %lt3A_84 : i32
    %lt3A_86 = arith.constant 0 : i32
    %lt3A_87 = arith.cmpi slt, %select_n3A_80, %lt3A_86 : i32
    %ne3A_88 = arith.xori %lt3A_85, %lt3A_87 : i1
    %and3A_89 = arith.andi %ne3A_88, %ne3A_83 : i1
    %add3A_90 = arith.addi %rem3A_81, %select_n3A_80 : i32
    %select_n3A_91 = arith.select %and3A_89, %add3A_90, %rem3A_81 : i32
    %add3A_92 = vector.broadcast %select_n3A_91 : i32 to vector<16xi32>
    %add3A_93 = arith.addi %add3A_75, %add3A_92 : vector<16xi32>
    %swap3A = arith.constant 0 : index
    %swap3A_94 = tpu.vector_load %arg5[%swap3A] {strides = array<i32>} : memref<16xi32, #tpu.memory_space<vmem>>, vector<16xi32>,
    tpu.vector_store %arg5[%swap3A], %add3A_93 {strides = array<i32>} : memref<16xi32, #tpu.memory_space<vmem>>, vector<16xi32>,
    %dma_start3A_95 = arith.constant 0 : i32
    %dma_start3A_96 = arith.constant 0 : i32
    %dma_start3A_97 = tpu.memref_slice %arg3[%dma_start3A_95, %dma_start3A_96] : memref<256x128xi32, #tpu.memory_space<hbm>> -> memref<256x128xi32, #tpu.memory_space<hbm>>
    tpu.enqueue_indirect_dma source(%dma_start3A_97 : memref<256x128xi32, #tpu.memory_space<hbm>>) target(%arg6 : memref<16x128xi32, #tpu.memory_space<vmem>>) offsets(%arg5 : memref<16xi32, #tpu.memory_space<vmem>>) semaphore(%arg16 : memref<!tpu.dma_semaphore, #tpu.memory_space<semaphore_mem>>)
    %dma_wait3A = arith.constant 0 : i32
    %dma_wait3A_98 = arith.constant 0 : i32
    %dma_wait3A_99 = tpu.memref_slice %arg3[%dma_wait3A, %dma_wait3A_98] : memref<256x128xi32, #tpu.memory_space<hbm>> -> memref<256x128xi32, #tpu.memory_space<hbm>>
    tpu.wait_indirect_dma semaphore(%arg16 : memref<!tpu.dma_semaphore, #tpu.memory_space<semaphore_mem>>) src(%dma_wait3A_99 : memref<256x128xi32, #tpu.memory_space<hbm>>) dst(%arg6 : memref<16x128xi32, #tpu.memory_space<vmem>>)
    %scan3A = arith.constant 0 : i32
    %scan3A_100 = arith.constant 0 : i32
    %scan3A_101 = arith.constant 128 : i32
    %scan3A_102 = arith.addi %scan3A_100, %scan3A_101 : i32
    %scan3A_103 = arith.constant 1 : i32
    %scan3A_104 = scf.for %scan3A_955 = %scan3A_100 to %scan3A_102 step %scan3A_103 iter_args(%scan3A_956 = %scan3A) -> (i32)  : i32 {
      %jit3A_957 = arith.constant 8 : i32
      %div3A_958 = arith.divsi %scan3A_955, %jit3A_957 : i32
      %sign3A_959 = arith.constant 0 : i32
      %sign3A_960 = arith.cmpi sgt, %scan3A_955, %sign3A_959 : i32
      %sign3A_961 = arith.extui %sign3A_960 : i1 to i32
      %sign3A_962 = arith.constant 0 : i32
      %sign3A_963 = arith.cmpi slt, %scan3A_955, %sign3A_962 : i32
      %sign3A_964 = arith.extui %sign3A_963 : i1 to i32
      %sign3A_965 = arith.subi %sign3A_961, %sign3A_964 : i32
      %sign3A_966 = arith.constant 0 : i32
      %sign3A_967 = arith.cmpi sgt, %jit3A_957, %sign3A_966 : i32
      %sign3A_968 = arith.extui %sign3A_967 : i1 to i32
      %sign3A_969 = arith.constant 0 : i32
      %sign3A_970 = arith.cmpi slt, %jit3A_957, %sign3A_969 : i32
      %sign3A_971 = arith.extui %sign3A_970 : i1 to i32
      %sign3A_972 = arith.subi %sign3A_968, %sign3A_971 : i32
      %ne3A_973 = arith.cmpi ne, %sign3A_965, %sign3A_972 : i32
      %rem3A_974 = arith.remsi %scan3A_955, %jit3A_957 : i32
      %ne3A_975 = arith.constant 0 : i32
      %ne3A_976 = arith.cmpi ne, %rem3A_974, %ne3A_975 : i32
      %and3A_977 = arith.andi %ne3A_973, %ne3A_976 : i1
      %sub3A_978 = arith.constant 1 : i32
      %sub3A_979 = arith.subi %div3A_958, %sub3A_978 : i32
      %select_n3A_980 = arith.select %and3A_977, %sub3A_979, %div3A_958 : i32
      %jit3A_981 = arith.constant 8 : i32
      %eq3A_982 = arith.constant 0 : i32
      %eq3A_983 = arith.cmpi eq, %jit3A_981, %eq3A_982 : i32
      %jit3A_984 = arith.constant 1 : i32
      %select_n3A_985 = arith.select %eq3A_983, %jit3A_984, %jit3A_981 : i32
      %rem3A_986 = arith.remsi %scan3A_955, %select_n3A_985 : i32
      %ne3A_987 = arith.constant 0 : i32
      %ne3A_988 = arith.cmpi ne, %rem3A_986, %ne3A_987 : i32
      %lt3A_989 = arith.constant 0 : i32
      %lt3A_990 = arith.cmpi slt, %rem3A_986, %lt3A_989 : i32
      %lt3A_991 = arith.constant 0 : i32
      %lt3A_992 = arith.cmpi slt, %select_n3A_985, %lt3A_991 : i32
      %ne3A_993 = arith.xori %lt3A_990, %lt3A_992 : i1
      %and3A_994 = arith.andi %ne3A_993, %ne3A_988 : i1
      %add3A_995 = arith.addi %rem3A_986, %select_n3A_985 : i32
      %select_n3A_996 = arith.select %and3A_994, %add3A_995, %rem3A_986 : i32
      %mul3A_997 = arith.constant 16 : i32
      %mul3A_998 = arith.muli %select_n3A_996, %mul3A_997 : i32
      %get3A = arith.index_cast %select_n3A_980 : i32 to index
      %get3A_999 = arith.index_cast %mul3A_998 : i32 to index
      %get3A_1000 = tpu.vector_load %arg6[%get3A, %get3A_999] {strides = array<i32>} : memref<16x128xi32, #tpu.memory_space<vmem>>, vector<16xi32>,
      %mul3A_1001 = arith.constant 16 : i32
      %mul3A_1002 = arith.muli %scan3A_955, %mul3A_1001 : i32
      %add3A_1003 = vector.broadcast %mul3A_1002 : i32 to vector<16xi32>
      %add3A_1004 = arith.addi %add3A_1003, %iota3A : vector<16xi32>
      %ne3A_1005 = arith.cmpi ne, %get3A_1000, %add3A_1004 : vector<16xi32>
      %jit3A_1006 = arith.constant 1 : i32
      %jit3A_1007 = arith.constant 0 : i32
      %broadcast_in_dim3A = vector.broadcast %jit3A_1006 : i32 to vector<16xi32>
      %broadcast_in_dim3A_1008 = vector.broadcast %jit3A_1007 : i32 to vector<16xi32>
      %select_n3A_1009 = arith.select %ne3A_1005, %broadcast_in_dim3A, %broadcast_in_dim3A_1008 : vector<16xi1>, vector<16xi32>
      %broadcast_in_dim3A_1010 = arith.constant true
      %broadcast_in_dim3A_1011 = vector.broadcast %broadcast_in_dim3A_1010 : i1 to vector<16xi1>
      %masked_cumsum3A = tpu.scan <sum>, %select_n3A_1009 masked %broadcast_in_dim3A_1011 : vector<16xi32>, vector<16xi1> -> vector<16xi32>
      %add3A_1012 = vector.broadcast %scan3A_956 : i32 to vector<16xi32>
      %add3A_1013 = arith.addi %add3A_1012, %masked_cumsum3A : vector<16xi32>
      %sub3A_1014 = arith.subi %add3A_1013, %select_n3A_1009 : vector<16xi32>
      %jit3A_1015 = arith.constant 64 : i32
      %div3A_1016 = vector.broadcast %jit3A_1015 : i32 to vector<16xi32>
      %div3A_1017 = arith.divsi %get3A_1000, %div3A_1016 : vector<16xi32>
      %sign3A_1018 = arith.constant 0 : i32
      %sign3A_1019 = vector.broadcast %sign3A_1018 : i32 to vector<16xi32>
      %sign3A_1020 = arith.cmpi sgt, %get3A_1000, %sign3A_1019 : vector<16xi32>
      %sign3A_1021 = arith.extui %sign3A_1020 : vector<16xi1> to vector<16xi32>
      %sign3A_1022 = arith.constant 0 : i32
      %sign3A_1023 = vector.broadcast %sign3A_1022 : i32 to vector<16xi32>
      %sign3A_1024 = arith.cmpi slt, %get3A_1000, %sign3A_1023 : vector<16xi32>
      %sign3A_1025 = arith.extui %sign3A_1024 : vector<16xi1> to vector<16xi32>
      %sign3A_1026 = arith.subi %sign3A_1021, %sign3A_1025 : vector<16xi32>
      %sign3A_1027 = arith.constant 0 : i32
      %sign3A_1028 = arith.cmpi sgt, %jit3A_1015, %sign3A_1027 : i32
      %sign3A_1029 = arith.extui %sign3A_1028 : i1 to i32
      %sign3A_1030 = arith.constant 0 : i32
      %sign3A_1031 = arith.cmpi slt, %jit3A_1015, %sign3A_1030 : i32
      %sign3A_1032 = arith.extui %sign3A_1031 : i1 to i32
      %sign3A_1033 = arith.subi %sign3A_1029, %sign3A_1032 : i32
      %ne3A_1034 = vector.broadcast %sign3A_1033 : i32 to vector<16xi32>
      %ne3A_1035 = arith.cmpi ne, %sign3A_1026, %ne3A_1034 : vector<16xi32>
      %rem3A_1036 = vector.broadcast %jit3A_1015 : i32 to vector<16xi32>
      %rem3A_1037 = arith.remsi %get3A_1000, %rem3A_1036 : vector<16xi32>
      %ne3A_1038 = arith.constant 0 : i32
      %ne3A_1039 = vector.broadcast %ne3A_1038 : i32 to vector<16xi32>
      %ne3A_1040 = arith.cmpi ne, %rem3A_1037, %ne3A_1039 : vector<16xi32>
      %and3A_1041 = arith.andi %ne3A_1035, %ne3A_1040 : vector<16xi1>
      %sub3A_1042 = arith.constant 1 : i32
      %sub3A_1043 = vector.broadcast %sub3A_1042 : i32 to vector<16xi32>
      %sub3A_1044 = arith.subi %div3A_1017, %sub3A_1043 : vector<16xi32>
      %select_n3A_1045 = arith.select %and3A_1041, %sub3A_1044, %div3A_1017 : vector<16xi1>, vector<16xi32>
      %mul3A_1046 = arith.constant 512 : i32
      %mul3A_1047 = vector.broadcast %mul3A_1046 : i32 to vector<16xi32>
      %mul3A_1048 = arith.muli %select_n3A_1045, %mul3A_1047 : vector<16xi32>
      %mul3A_1049 = arith.constant 2 : i32
      %mul3A_1050 = vector.broadcast %mul3A_1049 : i32 to vector<16xi32>
      %mul3A_1051 = arith.muli %get3A_1000, %mul3A_1050 : vector<16xi32>
      %jit3A_1052 = arith.constant 128 : i32
      %eq3A_1053 = arith.constant 0 : i32
      %eq3A_1054 = arith.cmpi eq, %jit3A_1052, %eq3A_1053 : i32
      %jit3A_1055 = arith.constant 1 : i32
      %select_n3A_1056 = arith.select %eq3A_1054, %jit3A_1055, %jit3A_1052 : i32
      %rem3A_1057 = vector.broadcast %select_n3A_1056 : i32 to vector<16xi32>
      %rem3A_1058 = arith.remsi %mul3A_1051, %rem3A_1057 : vector<16xi32>
      %ne3A_1059 = arith.constant 0 : i32
      %ne3A_1060 = vector.broadcast %ne3A_1059 : i32 to vector<16xi32>
      %ne3A_1061 = arith.cmpi ne, %rem3A_1058, %ne3A_1060 : vector<16xi32>
      %lt3A_1062 = arith.constant 0 : i32
      %lt3A_1063 = vector.broadcast %lt3A_1062 : i32 to vector<16xi32>
      %lt3A_1064 = arith.cmpi slt, %rem3A_1058, %lt3A_1063 : vector<16xi32>
      %lt3A_1065 = arith.constant 0 : i32
      %lt3A_1066 = arith.cmpi slt, %select_n3A_1056, %lt3A_1065 : i32
      %ne3A_1067 = vector.broadcast %lt3A_1066 : i1 to vector<16xi1>
      %ne3A_1068 = vector.broadcast %ne3A_1067 : vector<16xi1> to vector<16xi1>
      %ne3A_1069 = arith.xori %lt3A_1064, %ne3A_1068 : vector<16xi1>
      %and3A_1070 = arith.andi %ne3A_1069, %ne3A_1061 : vector<16xi1>
      %add3A_1071 = vector.broadcast %select_n3A_1056 : i32 to vector<16xi32>
      %add3A_1072 = arith.addi %rem3A_1058, %add3A_1071 : vector<16xi32>
      %select_n3A_1073 = arith.select %and3A_1070, %add3A_1072, %rem3A_1058 : vector<16xi1>, vector<16xi32>
      %add3A_1074 = arith.addi %mul3A_1048, %select_n3A_1073 : vector<16xi32>
      %jit3A_1075 = arith.constant 64 : i32
      %div3A_1076 = vector.broadcast %jit3A_1075 : i32 to vector<16xi32>
      %div3A_1077 = arith.divsi %add3A_1004, %div3A_1076 : vector<16xi32>
      %sign3A_1078 = arith.constant 0 : i32
      %sign3A_1079 = vector.broadcast %sign3A_1078 : i32 to vector<16xi32>
      %sign3A_1080 = arith.cmpi sgt, %add3A_1004, %sign3A_1079 : vector<16xi32>
      %sign3A_1081 = arith.extui %sign3A_1080 : vector<16xi1> to vector<16xi32>
      %sign3A_1082 = arith.constant 0 : i32
      %sign3A_1083 = vector.broadcast %sign3A_1082 : i32 to vector<16xi32>
      %sign3A_1084 = arith.cmpi slt, %add3A_1004, %sign3A_1083 : vector<16xi32>
      %sign3A_1085 = arith.extui %sign3A_1084 : vector<16xi1> to vector<16xi32>
      %sign3A_1086 = arith.subi %sign3A_1081, %sign3A_1085 : vector<16xi32>
      %sign3A_1087 = arith.constant 0 : i32
      %sign3A_1088 = arith.cmpi sgt, %jit3A_1075, %sign3A_1087 : i32
      %sign3A_1089 = arith.extui %sign3A_1088 : i1 to i32
      %sign3A_1090 = arith.constant 0 : i32
      %sign3A_1091 = arith.cmpi slt, %jit3A_1075, %sign3A_1090 : i32
      %sign3A_1092 = arith.extui %sign3A_1091 : i1 to i32
      %sign3A_1093 = arith.subi %sign3A_1089, %sign3A_1092 : i32
      %ne3A_1094 = vector.broadcast %sign3A_1093 : i32 to vector<16xi32>
      %ne3A_1095 = arith.cmpi ne, %sign3A_1086, %ne3A_1094 : vector<16xi32>
      %rem3A_1096 = vector.broadcast %jit3A_1075 : i32 to vector<16xi32>
      %rem3A_1097 = arith.remsi %add3A_1004, %rem3A_1096 : vector<16xi32>
      %ne3A_1098 = arith.constant 0 : i32
      %ne3A_1099 = vector.broadcast %ne3A_1098 : i32 to vector<16xi32>
      %ne3A_1100 = arith.cmpi ne, %rem3A_1097, %ne3A_1099 : vector<16xi32>
      %and3A_1101 = arith.andi %ne3A_1095, %ne3A_1100 : vector<16xi1>
      %sub3A_1102 = arith.constant 1 : i32
      %sub3A_1103 = vector.broadcast %sub3A_1102 : i32 to vector<16xi32>
      %sub3A_1104 = arith.subi %div3A_1077, %sub3A_1103 : vector<16xi32>
      %select_n3A_1105 = arith.select %and3A_1101, %sub3A_1104, %div3A_1077 : vector<16xi1>, vector<16xi32>
      %mul3A_1106 = arith.constant 512 : i32
      %mul3A_1107 = vector.broadcast %mul3A_1106 : i32 to vector<16xi32>
      %mul3A_1108 = arith.muli %select_n3A_1105, %mul3A_1107 : vector<16xi32>
      %mul3A_1109 = arith.constant 2 : i32
      %mul3A_1110 = vector.broadcast %mul3A_1109 : i32 to vector<16xi32>
      %mul3A_1111 = arith.muli %add3A_1004, %mul3A_1110 : vector<16xi32>
      %jit3A_1112 = arith.constant 128 : i32
      %eq3A_1113 = arith.constant 0 : i32
      %eq3A_1114 = arith.cmpi eq, %jit3A_1112, %eq3A_1113 : i32
      %jit3A_1115 = arith.constant 1 : i32
      %select_n3A_1116 = arith.select %eq3A_1114, %jit3A_1115, %jit3A_1112 : i32
      %rem3A_1117 = vector.broadcast %select_n3A_1116 : i32 to vector<16xi32>
      %rem3A_1118 = arith.remsi %mul3A_1111, %rem3A_1117 : vector<16xi32>
      %ne3A_1119 = arith.constant 0 : i32
      %ne3A_1120 = vector.broadcast %ne3A_1119 : i32 to vector<16xi32>
      %ne3A_1121 = arith.cmpi ne, %rem3A_1118, %ne3A_1120 : vector<16xi32>
      %lt3A_1122 = arith.constant 0 : i32
      %lt3A_1123 = vector.broadcast %lt3A_1122 : i32 to vector<16xi32>
      %lt3A_1124 = arith.cmpi slt, %rem3A_1118, %lt3A_1123 : vector<16xi32>
      %lt3A_1125 = arith.constant 0 : i32
      %lt3A_1126 = arith.cmpi slt, %select_n3A_1116, %lt3A_1125 : i32
      %ne3A_1127 = vector.broadcast %lt3A_1126 : i1 to vector<16xi1>
      %ne3A_1128 = vector.broadcast %ne3A_1127 : vector<16xi1> to vector<16xi1>
      %ne3A_1129 = arith.xori %lt3A_1124, %ne3A_1128 : vector<16xi1>
      %and3A_1130 = arith.andi %ne3A_1129, %ne3A_1121 : vector<16xi1>
      %add3A_1131 = vector.broadcast %select_n3A_1116 : i32 to vector<16xi32>
      %add3A_1132 = arith.addi %rem3A_1118, %add3A_1131 : vector<16xi32>
      %select_n3A_1133 = arith.select %and3A_1130, %add3A_1132, %rem3A_1118 : vector<16xi1>, vector<16xi32>
      %add3A_1134 = arith.addi %mul3A_1108, %select_n3A_1133 : vector<16xi32>
      tpu.vector_store_idx %arg7[%sub3A_1014], %add3A_1074 masked %ne3A_1005 : memref<2064xi32, #tpu.memory_space<vmem>>[vector<16xi32>], vector<16xi32>, vector<16xi1>
      tpu.vector_store_idx %arg8[%sub3A_1014], %add3A_1134 masked %ne3A_1005 : memref<2064xi32, #tpu.memory_space<vmem>>[vector<16xi32>], vector<16xi32>, vector<16xi1>
      %reduce_sum3A = arith.constant true
      %reduce_sum3A_1135 = vector.broadcast %reduce_sum3A : i1 to vector<16xi1>
      %reduce_sum3A_1136 = tpu.scan <sum>, %select_n3A_1009 masked %reduce_sum3A_1135 : vector<16xi32>, vector<16xi1> -> vector<16xi32>
      %reduce_sum3A_1137 = vector.extract %reduce_sum3A_1136[15] : i32 from vector<16xi32>
      %add3A_1138 = arith.addi %scan3A_956, %reduce_sum3A_1137 : i32
      scf.yield %add3A_1138 : i32
    }
    %scan3A_105 = arith.constant 128 : i32
    %add3A_106 = arith.constant 15 : i32
    %add3A_107 = arith.addi %scan3A_104, %add3A_106 : i32
    %jit3A_108 = arith.constant 16 : i32
    %div3A_109 = arith.divsi %add3A_107, %jit3A_108 : i32
    %sign3A_110 = arith.constant 0 : i32
    %sign3A_111 = arith.cmpi sgt, %add3A_107, %sign3A_110 : i32
    %sign3A_112 = arith.extui %sign3A_111 : i1 to i32
    %sign3A_113 = arith.constant 0 : i32
    %sign3A_114 = arith.cmpi slt, %add3A_107, %sign3A_113 : i32
    %sign3A_115 = arith.extui %sign3A_114 : i1 to i32
    %sign3A_116 = arith.subi %sign3A_112, %sign3A_115 : i32
    %sign3A_117 = arith.constant 0 : i32
    %sign3A_118 = arith.cmpi sgt, %jit3A_108, %sign3A_117 : i32
    %sign3A_119 = arith.extui %sign3A_118 : i1 to i32
    %sign3A_120 = arith.constant 0 : i32
    %sign3A_121 = arith.cmpi slt, %jit3A_108, %sign3A_120 : i32
    %sign3A_122 = arith.extui %sign3A_121 : i1 to i32
    %sign3A_123 = arith.subi %sign3A_119, %sign3A_122 : i32
    %ne3A_124 = arith.cmpi ne, %sign3A_116, %sign3A_123 : i32
    %rem3A_125 = arith.remsi %add3A_107, %jit3A_108 : i32
    %ne3A_126 = arith.constant 0 : i32
    %ne3A_127 = arith.cmpi ne, %rem3A_125, %ne3A_126 : i32
    %and3A_128 = arith.andi %ne3A_124, %ne3A_127 : i1
    %sub3A_129 = arith.constant 1 : i32
    %sub3A_130 = arith.subi %div3A_109, %sub3A_129 : i32
    %select_n3A_131 = arith.select %and3A_128, %sub3A_130, %div3A_109 : i32
    %add3A_132 = arith.constant 65536 : i32
    %add3A_133 = arith.addi %mul3A_37, %add3A_132 : i32
    %dma_start3A_134 = tpu.memref_slice %arg2[%add3A_133] : memref<16777216xf32, #tpu.memory_space<hbm>> -> memref<32768xf32, #tpu.memory_space<hbm>>
    %dma_start3A_135 = tpu.memref_slice %arg2[%add3A_133] : memref<16777216xf32, #tpu.memory_space<hbm>> -> memref<32768xf32, #tpu.memory_space<hbm>>
    tpu.enqueue_dma source(%dma_start3A_135 : memref<32768xf32, #tpu.memory_space<hbm>>) target(%arg11 : memref<32768xf32, #tpu.memory_space<vmem>>) target_semaphore(%arg15 : memref<!tpu.dma_semaphore, #tpu.memory_space<semaphore_mem>>)
    %dma_wait3A_136 = tpu.memref_slice %arg2[%add3A_39] : memref<16777216xf32, #tpu.memory_space<hbm>> -> memref<32768xf32, #tpu.memory_space<hbm>>
    %dma_wait3A_137 = tpu.memref_slice %arg2[%add3A_39] : memref<16777216xf32, #tpu.memory_space<hbm>> -> memref<32768xf32, #tpu.memory_space<hbm>>
    tpu.wait_dma2 semaphore(%arg13 : memref<!tpu.dma_semaphore, #tpu.memory_space<semaphore_mem>>) src(%dma_wait3A_137 : memref<32768xf32, #tpu.memory_space<hbm>>) dst(%arg9 : memref<32768xf32, #tpu.memory_space<vmem>>)
    %while3A = arith.constant 0 : i32
    %while3A_138 = arith.constant 0 : i32
    %while3A_139 = arith.subi %select_n3A_131, %while3A_138 : i32
    %while3A_140 = arith.addi %while3A_138, %while3A_139 : i32
    %while3A_141 = arith.constant 1 : i32
    %while3A_142 = arith.divsi %while3A_139, %while3A_141 : i32
    %while3A_143 = arith.muli %while3A_142, %while3A_141 : i32
    %while3A_144 = arith.addi %while3A_138, %while3A_143 : i32
    %while3A_145 = arith.constant 1 : i32
    scf.for %while3A_955 = %while3A_138 to %while3A_144 step %while3A_145  : i32 {
      %mul3A_956 = arith.constant 16 : i32
      %mul3A_957 = arith.muli %while3A_955, %mul3A_956 : i32
      %mul3A_958 = arith.constant 16 : i32
      %mul3A_959 = arith.muli %while3A_955, %mul3A_958 : i32
      %sub3A_960 = arith.subi %scan3A_104, %mul3A_959 : i32
      %lt3A_961 = vector.broadcast %sub3A_960 : i32 to vector<16xi32>
      %lt3A_962 = arith.cmpi slt, %iota3A, %lt3A_961 : vector<16xi32>
      %get3A = arith.index_cast %mul3A_957 : i32 to index
      %get3A_963 = tpu.vector_load %arg7[%get3A] {strides = array<i32>} : memref<2064xi32, #tpu.memory_space<vmem>>, vector<16xi32>,
      %add3A_964 = arith.constant 0 : i32
      %add3A_965 = vector.broadcast %add3A_964 : i32 to vector<16xi32>
      %add3A_966 = arith.addi %get3A_963, %add3A_965 : vector<16xi32>
      %gather3A = tpu.vector_load_idx %arg9[%add3A_966] masked %lt3A_962 : memref<32768xf32, #tpu.memory_space<vmem>>[vector<16xi32>], vector<16xf32>, vector<16xi1>
      %swap3A_967 = arith.index_cast %mul3A_957 : i32 to index
      %swap3A_968 = tpu.vector_load %arg12[%swap3A_967] {strides = array<i32>} : memref<4096xf32, #tpu.memory_space<vmem>>, vector<16xf32>,
      tpu.vector_store %arg12[%swap3A_967], %gather3A {strides = array<i32>} : memref<4096xf32, #tpu.memory_space<vmem>>, vector<16xf32>,
      %add3A_969 = arith.constant 1 : i32
      %add3A_970 = vector.broadcast %add3A_969 : i32 to vector<16xi32>
      %add3A_971 = arith.addi %add3A_966, %add3A_970 : vector<16xi32>
      %gather3A_972 = tpu.vector_load_idx %arg9[%add3A_971] masked %lt3A_962 : memref<32768xf32, #tpu.memory_space<vmem>>[vector<16xi32>], vector<16xf32>, vector<16xi1>
      %mul3A_973 = arith.constant 16 : i32
      %mul3A_974 = arith.muli %while3A_955, %mul3A_973 : i32
      %add3A_975 = arith.constant 2048 : i32
      %add3A_976 = arith.addi %add3A_975, %mul3A_974 : i32
      %swap3A_977 = arith.index_cast %add3A_976 : i32 to index
      %swap3A_978 = tpu.vector_load %arg12[%swap3A_977] {strides = array<i32>} : memref<4096xf32, #tpu.memory_space<vmem>>, vector<16xf32>,
      tpu.vector_store %arg12[%swap3A_977], %gather3A_972 {strides = array<i32>} : memref<4096xf32, #tpu.memory_space<vmem>>, vector<16xf32>,
    }
    %while3A_146 = arith.constant 1 : i32
    scf.for %while3A_955 = %while3A_144 to %while3A_140 step %while3A_146  : i32 {
      %mul3A_956 = arith.constant 16 : i32
      %mul3A_957 = arith.muli %while3A_955, %mul3A_956 : i32
      %mul3A_958 = arith.constant 16 : i32
      %mul3A_959 = arith.muli %while3A_955, %mul3A_958 : i32
      %sub3A_960 = arith.subi %scan3A_104, %mul3A_959 : i32
      %lt3A_961 = vector.broadcast %sub3A_960 : i32 to vector<16xi32>
      %lt3A_962 = arith.cmpi slt, %iota3A, %lt3A_961 : vector<16xi32>
      %get3A = arith.index_cast %mul3A_957 : i32 to index
      %get3A_963 = tpu.vector_load %arg7[%get3A] {strides = array<i32>} : memref<2064xi32, #tpu.memory_space<vmem>>, vector<16xi32>,
      %add3A_964 = arith.constant 0 : i32
      %add3A_965 = vector.broadcast %add3A_964 : i32 to vector<16xi32>
      %add3A_966 = arith.addi %get3A_963, %add3A_965 : vector<16xi32>
      %gather3A = tpu.vector_load_idx %arg9[%add3A_966] masked %lt3A_962 : memref<32768xf32, #tpu.memory_space<vmem>>[vector<16xi32>], vector<16xf32>, vector<16xi1>
      %swap3A_967 = arith.index_cast %mul3A_957 : i32 to index
      %swap3A_968 = tpu.vector_load %arg12[%swap3A_967] {strides = array<i32>} : memref<4096xf32, #tpu.memory_space<vmem>>, vector<16xf32>,
      tpu.vector_store %arg12[%swap3A_967], %gather3A {strides = array<i32>} : memref<4096xf32, #tpu.memory_space<vmem>>, vector<16xf32>,
      %add3A_969 = arith.constant 1 : i32
      %add3A_970 = vector.broadcast %add3A_969 : i32 to vector<16xi32>
      %add3A_971 = arith.addi %add3A_966, %add3A_970 : vector<16xi32>
      %gather3A_972 = tpu.vector_load_idx %arg9[%add3A_971] masked %lt3A_962 : memref<32768xf32, #tpu.memory_space<vmem>>[vector<16xi32>], vector<16xf32>, vector<16xi1>
      %mul3A_973 = arith.constant 16 : i32
      %mul3A_974 = arith.muli %while3A_955, %mul3A_973 : i32
      %add3A_975 = arith.constant 2048 : i32
      %add3A_976 = arith.addi %add3A_975, %mul3A_974 : i32
      %swap3A_977 = arith.index_cast %add3A_976 : i32 to index
      %swap3A_978 = tpu.vector_load %arg12[%swap3A_977] {strides = array<i32>} : memref<4096xf32, #tpu.memory_space<vmem>>, vector<16xf32>,
      tpu.vector_store %arg12[%swap3A_977], %gather3A_972 {strides = array<i32>} : memref<4096xf32, #tpu.memory_space<vmem>>, vector<16xf32>,
    }
    %while3A_147 = arith.constant 0 : i32
    %while3A_148 = arith.constant 0 : i32
    %while3A_149 = arith.subi %select_n3A_131, %while3A_148 : i32
    %while3A_150 = arith.addi %while3A_148, %while3A_149 : i32
    %while3A_151 = arith.constant 1 : i32
    %while3A_152 = arith.divsi %while3A_149, %while3A_151 : i32
    %while3A_153 = arith.muli %while3A_152, %while3A_151 : i32
    %while3A_154 = arith.addi %while3A_148, %while3A_153 : i32
    %while3A_155 = arith.constant 1 : i32
    scf.for %while3A_955 = %while3A_148 to %while3A_154 step %while3A_155  : i32 {
      %mul3A_956 = arith.constant 16 : i32
      %mul3A_957 = arith.muli %while3A_955, %mul3A_956 : i32
      %mul3A_958 = arith.constant 16 : i32
      %mul3A_959 = arith.muli %while3A_955, %mul3A_958 : i32
      %sub3A_960 = arith.subi %scan3A_104, %mul3A_959 : i32
      %lt3A_961 = vector.broadcast %sub3A_960 : i32 to vector<16xi32>
      %lt3A_962 = arith.cmpi slt, %iota3A, %lt3A_961 : vector<16xi32>
      %get3A = arith.index_cast %mul3A_957 : i32 to index
      %get3A_963 = tpu.vector_load %arg8[%get3A] {strides = array<i32>} : memref<2064xi32, #tpu.memory_space<vmem>>, vector<16xi32>,
      %add3A_964 = arith.constant 0 : i32
      %add3A_965 = vector.broadcast %add3A_964 : i32 to vector<16xi32>
      %add3A_966 = arith.addi %get3A_963, %add3A_965 : vector<16xi32>
      %get3A_967 = arith.index_cast %mul3A_957 : i32 to index
      %get3A_968 = tpu.vector_load %arg12[%get3A_967] {strides = array<i32>} : memref<4096xf32, #tpu.memory_space<vmem>>, vector<16xf32>,
      tpu.vector_store_idx %arg9[%add3A_966], %get3A_968 masked %lt3A_962 : memref<32768xf32, #tpu.memory_space<vmem>>[vector<16xi32>], vector<16xf32>, vector<16xi1>
      %add3A_969 = arith.constant 1 : i32
      %add3A_970 = vector.broadcast %add3A_969 : i32 to vector<16xi32>
      %add3A_971 = arith.addi %add3A_966, %add3A_970 : vector<16xi32>
      %mul3A_972 = arith.constant 16 : i32
      %mul3A_973 = arith.muli %while3A_955, %mul3A_972 : i32
      %add3A_974 = arith.constant 2048 : i32
      %add3A_975 = arith.addi %add3A_974, %mul3A_973 : i32
      %get3A_976 = arith.index_cast %add3A_975 : i32 to index
      %get3A_977 = tpu.vector_load %arg12[%get3A_976] {strides = array<i32>} : memref<4096xf32, #tpu.memory_space<vmem>>, vector<16xf32>,
      tpu.vector_store_idx %arg9[%add3A_971], %get3A_977 masked %lt3A_962 : memref<32768xf32, #tpu.memory_space<vmem>>[vector<16xi32>], vector<16xf32>, vector<16xi1>
    }
    %while3A_156 = arith.constant 1 : i32
    scf.for %while3A_955 = %while3A_154 to %while3A_150 step %while3A_156  : i32 {
      %mul3A_956 = arith.constant 16 : i32
      %mul3A_957 = arith.muli %while3A_955, %mul3A_956 : i32
      %mul3A_958 = arith.constant 16 : i32
      %mul3A_959 = arith.muli %while3A_955, %mul3A_958 : i32
      %sub3A_960 = arith.subi %scan3A_104, %mul3A_959 : i32
      %lt3A_961 = vector.broadcast %sub3A_960 : i32 to vector<16xi32>
      %lt3A_962 = arith.cmpi slt, %iota3A, %lt3A_961 : vector<16xi32>
      %get3A = arith.index_cast %mul3A_957 : i32 to index
      %get3A_963 = tpu.vector_load %arg8[%get3A] {strides = array<i32>} : memref<2064xi32, #tpu.memory_space<vmem>>, vector<16xi32>,
      %add3A_964 = arith.constant 0 : i32
      %add3A_965 = vector.broadcast %add3A_964 : i32 to vector<16xi32>
      %add3A_966 = arith.addi %get3A_963, %add3A_965 : vector<16xi32>
      %get3A_967 = arith.index_cast %mul3A_957 : i32 to index
      %get3A_968 = tpu.vector_load %arg12[%get3A_967] {strides = array<i32>} : memref<4096xf32, #tpu.memory_space<vmem>>, vector<16xf32>,
      tpu.vector_store_idx %arg9[%add3A_966], %get3A_968 masked %lt3A_962 : memref<32768xf32, #tpu.memory_space<vmem>>[vector<16xi32>], vector<16xf32>, vector<16xi1>
      %add3A_969 = arith.constant 1 : i32
      %add3A_970 = vector.broadcast %add3A_969 : i32 to vector<16xi32>
      %add3A_971 = arith.addi %add3A_966, %add3A_970 : vector<16xi32>
      %mul3A_972 = arith.constant 16 : i32
      %mul3A_973 = arith.muli %while3A_955, %mul3A_972 : i32
      %add3A_974 = arith.constant 2048 : i32
      %add3A_975 = arith.addi %add3A_974, %mul3A_973 : i32
      %get3A_976 = arith.index_cast %add3A_975 : i32 to index
      %get3A_977 = tpu.vector_load %arg12[%get3A_976] {strides = array<i32>} : memref<4096xf32, #tpu.memory_space<vmem>>, vector<16xf32>,
      tpu.vector_store_idx %arg9[%add3A_971], %get3A_977 masked %lt3A_962 : memref<32768xf32, #tpu.memory_space<vmem>>[vector<16xi32>], vector<16xf32>, vector<16xi1>
    }
    %while3A_157 = arith.constant 0 : i32
    %while3A_158 = arith.constant 0 : i32
    %while3A_159 = arith.subi %select_n3A_131, %while3A_158 : i32
    %while3A_160 = arith.addi %while3A_158, %while3A_159 : i32
    %while3A_161 = arith.constant 1 : i32
    %while3A_162 = arith.divsi %while3A_159, %while3A_161 : i32
    %while3A_163 = arith.muli %while3A_162, %while3A_161 : i32
    %while3A_164 = arith.addi %while3A_158, %while3A_163 : i32
    %while3A_165 = arith.constant 1 : i32
    scf.for %while3A_955 = %while3A_158 to %while3A_164 step %while3A_165  : i32 {
      %mul3A_956 = arith.constant 16 : i32
      %mul3A_957 = arith.muli %while3A_955, %mul3A_956 : i32
      %mul3A_958 = arith.constant 16 : i32
      %mul3A_959 = arith.muli %while3A_955, %mul3A_958 : i32
      %sub3A_960 = arith.subi %scan3A_104, %mul3A_959 : i32
      %lt3A_961 = vector.broadcast %sub3A_960 : i32 to vector<16xi32>
      %lt3A_962 = arith.cmpi slt, %iota3A, %lt3A_961 : vector<16xi32>
      %get3A = arith.index_cast %mul3A_957 : i32 to index
      %get3A_963 = tpu.vector_load %arg7[%get3A] {strides = array<i32>} : memref<2064xi32, #tpu.memory_space<vmem>>, vector<16xi32>,
      %add3A_964 = arith.constant 16384 : i32
      %add3A_965 = vector.broadcast %add3A_964 : i32 to vector<16xi32>
      %add3A_966 = arith.addi %get3A_963, %add3A_965 : vector<16xi32>
      %gather3A = tpu.vector_load_idx %arg9[%add3A_966] masked %lt3A_962 : memref<32768xf32, #tpu.memory_space<vmem>>[vector<16xi32>], vector<16xf32>, vector<16xi1>
      %swap3A_967 = arith.index_cast %mul3A_957 : i32 to index
      %swap3A_968 = tpu.vector_load %arg12[%swap3A_967] {strides = array<i32>} : memref<4096xf32, #tpu.memory_space<vmem>>, vector<16xf32>,
      tpu.vector_store %arg12[%swap3A_967], %gather3A {strides = array<i32>} : memref<4096xf32, #tpu.memory_space<vmem>>, vector<16xf32>,
      %add3A_969 = arith.constant 1 : i32
      %add3A_970 = vector.broadcast %add3A_969 : i32 to vector<16xi32>
      %add3A_971 = arith.addi %add3A_966, %add3A_970 : vector<16xi32>
      %gather3A_972 = tpu.vector_load_idx %arg9[%add3A_971] masked %lt3A_962 : memref<32768xf32, #tpu.memory_space<vmem>>[vector<16xi32>], vector<16xf32>, vector<16xi1>
      %mul3A_973 = arith.constant 16 : i32
      %mul3A_974 = arith.muli %while3A_955, %mul3A_973 : i32
      %add3A_975 = arith.constant 2048 : i32
      %add3A_976 = arith.addi %add3A_975, %mul3A_974 : i32
      %swap3A_977 = arith.index_cast %add3A_976 : i32 to index
      %swap3A_978 = tpu.vector_load %arg12[%swap3A_977] {strides = array<i32>} : memref<4096xf32, #tpu.memory_space<vmem>>, vector<16xf32>,
      tpu.vector_store %arg12[%swap3A_977], %gather3A_972 {strides = array<i32>} : memref<4096xf32, #tpu.memory_space<vmem>>, vector<16xf32>,
    }
    %while3A_166 = arith.constant 1 : i32
    scf.for %while3A_955 = %while3A_164 to %while3A_160 step %while3A_166  : i32 {
      %mul3A_956 = arith.constant 16 : i32
      %mul3A_957 = arith.muli %while3A_955, %mul3A_956 : i32
      %mul3A_958 = arith.constant 16 : i32
      %mul3A_959 = arith.muli %while3A_955, %mul3A_958 : i32
      %sub3A_960 = arith.subi %scan3A_104, %mul3A_959 : i32
      %lt3A_961 = vector.broadcast %sub3A_960 : i32 to vector<16xi32>
      %lt3A_962 = arith.cmpi slt, %iota3A, %lt3A_961 : vector<16xi32>
      %get3A = arith.index_cast %mul3A_957 : i32 to index
      %get3A_963 = tpu.vector_load %arg7[%get3A] {strides = array<i32>} : memref<2064xi32, #tpu.memory_space<vmem>>, vector<16xi32>,
      %add3A_964 = arith.constant 16384 : i32
      %add3A_965 = vector.broadcast %add3A_964 : i32 to vector<16xi32>
      %add3A_966 = arith.addi %get3A_963, %add3A_965 : vector<16xi32>
      %gather3A = tpu.vector_load_idx %arg9[%add3A_966] masked %lt3A_962 : memref<32768xf32, #tpu.memory_space<vmem>>[vector<16xi32>], vector<16xf32>, vector<16xi1>
      %swap3A_967 = arith.index_cast %mul3A_957 : i32 to index
      %swap3A_968 = tpu.vector_load %arg12[%swap3A_967] {strides = array<i32>} : memref<4096xf32, #tpu.memory_space<vmem>>, vector<16xf32>,
      tpu.vector_store %arg12[%swap3A_967], %gather3A {strides = array<i32>} : memref<4096xf32, #tpu.memory_space<vmem>>, vector<16xf32>,
      %add3A_969 = arith.constant 1 : i32
      %add3A_970 = vector.broadcast %add3A_969 : i32 to vector<16xi32>
      %add3A_971 = arith.addi %add3A_966, %add3A_970 : vector<16xi32>
      %gather3A_972 = tpu.vector_load_idx %arg9[%add3A_971] masked %lt3A_962 : memref<32768xf32, #tpu.memory_space<vmem>>[vector<16xi32>], vector<16xf32>, vector<16xi1>
      %mul3A_973 = arith.constant 16 : i32
      %mul3A_974 = arith.muli %while3A_955, %mul3A_973 : i32
      %add3A_975 = arith.constant 2048 : i32
      %add3A_976 = arith.addi %add3A_975, %mul3A_974 : i32
      %swap3A_977 = arith.index_cast %add3A_976 : i32 to index
      %swap3A_978 = tpu.vector_load %arg12[%swap3A_977] {strides = array<i32>} : memref<4096xf32, #tpu.memory_space<vmem>>, vector<16xf32>,
      tpu.vector_store %arg12[%swap3A_977], %gather3A_972 {strides = array<i32>} : memref<4096xf32, #tpu.memory_space<vmem>>, vector<16xf32>,
    }
    %while3A_167 = arith.constant 0 : i32
    %while3A_168 = arith.constant 0 : i32
    %while3A_169 = arith.subi %select_n3A_131, %while3A_168 : i32
    %while3A_170 = arith.addi %while3A_168, %while3A_169 : i32
    %while3A_171 = arith.constant 1 : i32
    %while3A_172 = arith.divsi %while3A_169, %while3A_171 : i32
    %while3A_173 = arith.muli %while3A_172, %while3A_171 : i32
    %while3A_174 = arith.addi %while3A_168, %while3A_173 : i32
    %while3A_175 = arith.constant 1 : i32
    scf.for %while3A_955 = %while3A_168 to %while3A_174 step %while3A_175  : i32 {
      %mul3A_956 = arith.constant 16 : i32
      %mul3A_957 = arith.muli %while3A_955, %mul3A_956 : i32
      %mul3A_958 = arith.constant 16 : i32
      %mul3A_959 = arith.muli %while3A_955, %mul3A_958 : i32
      %sub3A_960 = arith.subi %scan3A_104, %mul3A_959 : i32
      %lt3A_961 = vector.broadcast %sub3A_960 : i32 to vector<16xi32>
      %lt3A_962 = arith.cmpi slt, %iota3A, %lt3A_961 : vector<16xi32>
      %get3A = arith.index_cast %mul3A_957 : i32 to index
      %get3A_963 = tpu.vector_load %arg8[%get3A] {strides = array<i32>} : memref<2064xi32, #tpu.memory_space<vmem>>, vector<16xi32>,
      %add3A_964 = arith.constant 16384 : i32
      %add3A_965 = vector.broadcast %add3A_964 : i32 to vector<16xi32>
      %add3A_966 = arith.addi %get3A_963, %add3A_965 : vector<16xi32>
      %get3A_967 = arith.index_cast %mul3A_957 : i32 to index
      %get3A_968 = tpu.vector_load %arg12[%get3A_967] {strides = array<i32>} : memref<4096xf32, #tpu.memory_space<vmem>>, vector<16xf32>,
      tpu.vector_store_idx %arg9[%add3A_966], %get3A_968 masked %lt3A_962 : memref<32768xf32, #tpu.memory_space<vmem>>[vector<16xi32>], vector<16xf32>, vector<16xi1>
      %add3A_969 = arith.constant 1 : i32
      %add3A_970 = vector.broadcast %add3A_969 : i32 to vector<16xi32>
      %add3A_971 = arith.addi %add3A_966, %add3A_970 : vector<16xi32>
      %mul3A_972 = arith.constant 16 : i32
      %mul3A_973 = arith.muli %while3A_955, %mul3A_972 : i32
      %add3A_974 = arith.constant 2048 : i32
      %add3A_975 = arith.addi %add3A_974, %mul3A_973 : i32
      %get3A_976 = arith.index_cast %add3A_975 : i32 to index
      %get3A_977 = tpu.vector_load %arg12[%get3A_976] {strides = array<i32>} : memref<4096xf32, #tpu.memory_space<vmem>>, vector<16xf32>,
      tpu.vector_store_idx %arg9[%add3A_971], %get3A_977 masked %lt3A_962 : memref<32768xf32, #tpu.memory_space<vmem>>[vector<16xi32>], vector<16xf32>, vector<16xi1>
    }
    %while3A_176 = arith.constant 1 : i32
    scf.for %while3A_955 = %while3A_174 to %while3A_170 step %while3A_176  : i32 {
      %mul3A_956 = arith.constant 16 : i32
      %mul3A_957 = arith.muli %while3A_955, %mul3A_956 : i32
      %mul3A_958 = arith.constant 16 : i32
      %mul3A_959 = arith.muli %while3A_955, %mul3A_958 : i32
      %sub3A_960 = arith.subi %scan3A_104, %mul3A_959 : i32
      %lt3A_961 = vector.broadcast %sub3A_960 : i32 to vector<16xi32>
      %lt3A_962 = arith.cmpi slt, %iota3A, %lt3A_961 : vector<16xi32>
      %get3A = arith.index_cast %mul3A_957 : i32 to index
      %get3A_963 = tpu.vector_load %arg8[%get3A] {strides = array<i32>} : memref<2064xi32, #tpu.memory_space<vmem>>, vector<16xi32>,
      %add3A_964 = arith.constant 16384 : i32
      %add3A_965 = vector.broadcast %add3A_964 : i32 to vector<16xi32>
      %add3A_966 = arith.addi %get3A_963, %add3A_965 : vector<16xi32>
      %get3A_967 = arith.index_cast %mul3A_957 : i32 to index
      %get3A_968 = tpu.vector_load %arg12[%get3A_967] {strides = array<i32>} : memref<4096xf32, #tpu.memory_space<vmem>>, vector<16xf32>,
      tpu.vector_store_idx %arg9[%add3A_966], %get3A_968 masked %lt3A_962 : memref<32768xf32, #tpu.memory_space<vmem>>[vector<16xi32>], vector<16xf32>, vector<16xi1>
      %add3A_969 = arith.constant 1 : i32
      %add3A_970 = vector.broadcast %add3A_969 : i32 to vector<16xi32>
      %add3A_971 = arith.addi %add3A_966, %add3A_970 : vector<16xi32>
      %mul3A_972 = arith.constant 16 : i32
      %mul3A_973 = arith.muli %while3A_955, %mul3A_972 : i32
      %add3A_974 = arith.constant 2048 : i32
      %add3A_975 = arith.addi %add3A_974, %mul3A_973 : i32
      %get3A_976 = arith.index_cast %add3A_975 : i32 to index
      %get3A_977 = tpu.vector_load %arg12[%get3A_976] {strides = array<i32>} : memref<4096xf32, #tpu.memory_space<vmem>>, vector<16xf32>,
      tpu.vector_store_idx %arg9[%add3A_971], %get3A_977 masked %lt3A_962 : memref<32768xf32, #tpu.memory_space<vmem>>[vector<16xi32>], vector<16xf32>, vector<16xi1>
    }
    %add3A_177 = arith.constant 0 : i32
    %add3A_178 = arith.addi %mul3A_37, %add3A_177 : i32
    %dma_start3A_179 = tpu.memref_slice %arg4[%add3A_178] : memref<16777216xf32, #tpu.memory_space<hbm>> -> memref<32768xf32, #tpu.memory_space<hbm>>
    %dma_start3A_180 = tpu.memref_slice %arg4[%add3A_178] : memref<16777216xf32, #tpu.memory_space<hbm>> -> memref<32768xf32, #tpu.memory_space<hbm>>
    tpu.enqueue_dma source(%arg9 : memref<32768xf32, #tpu.memory_space<vmem>>) target(%dma_start3A_180 : memref<32768xf32, #tpu.memory_space<hbm>>) target_semaphore(%arg16 : memref<!tpu.dma_semaphore, #tpu.memory_space<semaphore_mem>>)
    %dma_wait3A_181 = tpu.memref_slice %arg4[%add3A_178] : memref<16777216xf32, #tpu.memory_space<hbm>> -> memref<32768xf32, #tpu.memory_space<hbm>>
    %dma_wait3A_182 = tpu.memref_slice %arg4[%add3A_178] : memref<16777216xf32, #tpu.memory_space<hbm>> -> memref<32768xf32, #tpu.memory_space<hbm>>
    tpu.wait_dma2 semaphore(%arg16 : memref<!tpu.dma_semaphore, #tpu.memory_space<semaphore_mem>>) src(%arg9 : memref<32768xf32, #tpu.memory_space<vmem>>) dst(%dma_wait3A_182 : memref<32768xf32, #tpu.memory_space<hbm>>)
    %add3A_183 = arith.constant 98304 : i32
    %add3A_184 = arith.addi %mul3A_37, %add3A_183 : i32
    %dma_start3A_185 = tpu.memref_slice %arg2[%add3A_184] : memref<16777216xf32, #tpu.memory_space<hbm>> -> memref<32768xf32, #tpu.memory_space<hbm>>
    %dma_start3A_186 = tpu.memref_slice %arg2[%add3A_184] : memref<16777216xf32, #tpu.memory_space<hbm>> -> memref<32768xf32, #tpu.memory_space<hbm>>
    tpu.enqueue_dma source(%dma_start3A_186 : memref<32768xf32, #tpu.memory_space<hbm>>) target(%arg9 : memref<32768xf32, #tpu.memory_space<vmem>>) target_semaphore(%arg13 : memref<!tpu.dma_semaphore, #tpu.memory_space<semaphore_mem>>)
    %dma_wait3A_187 = tpu.memref_slice %arg2[%add3A_42] : memref<16777216xf32, #tpu.memory_space<hbm>> -> memref<32768xf32, #tpu.memory_space<hbm>>
    %dma_wait3A_188 = tpu.memref_slice %arg2[%add3A_42] : memref<16777216xf32, #tpu.memory_space<hbm>> -> memref<32768xf32, #tpu.memory_space<hbm>>
    tpu.wait_dma2 semaphore(%arg14 : memref<!tpu.dma_semaphore, #tpu.memory_space<semaphore_mem>>) src(%dma_wait3A_188 : memref<32768xf32, #tpu.memory_space<hbm>>) dst(%arg10 : memref<32768xf32, #tpu.memory_space<vmem>>)
    %while3A_189 = arith.constant 0 : i32
    %while3A_190 = arith.constant 0 : i32
    %while3A_191 = arith.subi %select_n3A_131, %while3A_190 : i32
    %while3A_192 = arith.addi %while3A_190, %while3A_191 : i32
    %while3A_193 = arith.constant 1 : i32
    %while3A_194 = arith.divsi %while3A_191, %while3A_193 : i32
    %while3A_195 = arith.muli %while3A_194, %while3A_193 : i32
    %while3A_196 = arith.addi %while3A_190, %while3A_195 : i32
    %while3A_197 = arith.constant 1 : i32
    scf.for %while3A_955 = %while3A_190 to %while3A_196 step %while3A_197  : i32 {
      %mul3A_956 = arith.constant 16 : i32
      %mul3A_957 = arith.muli %while3A_955, %mul3A_956 : i32
      %mul3A_958 = arith.constant 16 : i32
      %mul3A_959 = arith.muli %while3A_955, %mul3A_958 : i32
      %sub3A_960 = arith.subi %scan3A_104, %mul3A_959 : i32
      %lt3A_961 = vector.broadcast %sub3A_960 : i32 to vector<16xi32>
      %lt3A_962 = arith.cmpi slt, %iota3A, %lt3A_961 : vector<16xi32>
      %get3A = arith.index_cast %mul3A_957 : i32 to index
      %get3A_963 = tpu.vector_load %arg7[%get3A] {strides = array<i32>} : memref<2064xi32, #tpu.memory_space<vmem>>, vector<16xi32>,
      %add3A_964 = arith.constant 0 : i32
      %add3A_965 = vector.broadcast %add3A_964 : i32 to vector<16xi32>
      %add3A_966 = arith.addi %get3A_963, %add3A_965 : vector<16xi32>
      %gather3A = tpu.vector_load_idx %arg10[%add3A_966] masked %lt3A_962 : memref<32768xf32, #tpu.memory_space<vmem>>[vector<16xi32>], vector<16xf32>, vector<16xi1>
      %swap3A_967 = arith.index_cast %mul3A_957 : i32 to index
      %swap3A_968 = tpu.vector_load %arg12[%swap3A_967] {strides = array<i32>} : memref<4096xf32, #tpu.memory_space<vmem>>, vector<16xf32>,
      tpu.vector_store %arg12[%swap3A_967], %gather3A {strides = array<i32>} : memref<4096xf32, #tpu.memory_space<vmem>>, vector<16xf32>,
      %add3A_969 = arith.constant 1 : i32
      %add3A_970 = vector.broadcast %add3A_969 : i32 to vector<16xi32>
      %add3A_971 = arith.addi %add3A_966, %add3A_970 : vector<16xi32>
      %gather3A_972 = tpu.vector_load_idx %arg10[%add3A_971] masked %lt3A_962 : memref<32768xf32, #tpu.memory_space<vmem>>[vector<16xi32>], vector<16xf32>, vector<16xi1>
      %mul3A_973 = arith.constant 16 : i32
      %mul3A_974 = arith.muli %while3A_955, %mul3A_973 : i32
      %add3A_975 = arith.constant 2048 : i32
      %add3A_976 = arith.addi %add3A_975, %mul3A_974 : i32
      %swap3A_977 = arith.index_cast %add3A_976 : i32 to index
      %swap3A_978 = tpu.vector_load %arg12[%swap3A_977] {strides = array<i32>} : memref<4096xf32, #tpu.memory_space<vmem>>, vector<16xf32>,
      tpu.vector_store %arg12[%swap3A_977], %gather3A_972 {strides = array<i32>} : memref<4096xf32, #tpu.memory_space<vmem>>, vector<16xf32>,
    }
    %while3A_198 = arith.constant 1 : i32
    scf.for %while3A_955 = %while3A_196 to %while3A_192 step %while3A_198  : i32 {
      %mul3A_956 = arith.constant 16 : i32
      %mul3A_957 = arith.muli %while3A_955, %mul3A_956 : i32
      %mul3A_958 = arith.constant 16 : i32
      %mul3A_959 = arith.muli %while3A_955, %mul3A_958 : i32
      %sub3A_960 = arith.subi %scan3A_104, %mul3A_959 : i32
      %lt3A_961 = vector.broadcast %sub3A_960 : i32 to vector<16xi32>
      %lt3A_962 = arith.cmpi slt, %iota3A, %lt3A_961 : vector<16xi32>
      %get3A = arith.index_cast %mul3A_957 : i32 to index
      %get3A_963 = tpu.vector_load %arg7[%get3A] {strides = array<i32>} : memref<2064xi32, #tpu.memory_space<vmem>>, vector<16xi32>,
      %add3A_964 = arith.constant 0 : i32
      %add3A_965 = vector.broadcast %add3A_964 : i32 to vector<16xi32>
      %add3A_966 = arith.addi %get3A_963, %add3A_965 : vector<16xi32>
      %gather3A = tpu.vector_load_idx %arg10[%add3A_966] masked %lt3A_962 : memref<32768xf32, #tpu.memory_space<vmem>>[vector<16xi32>], vector<16xf32>, vector<16xi1>
      %swap3A_967 = arith.index_cast %mul3A_957 : i32 to index
      %swap3A_968 = tpu.vector_load %arg12[%swap3A_967] {strides = array<i32>} : memref<4096xf32, #tpu.memory_space<vmem>>, vector<16xf32>,
      tpu.vector_store %arg12[%swap3A_967], %gather3A {strides = array<i32>} : memref<4096xf32, #tpu.memory_space<vmem>>, vector<16xf32>,
      %add3A_969 = arith.constant 1 : i32
      %add3A_970 = vector.broadcast %add3A_969 : i32 to vector<16xi32>
      %add3A_971 = arith.addi %add3A_966, %add3A_970 : vector<16xi32>
      %gather3A_972 = tpu.vector_load_idx %arg10[%add3A_971] masked %lt3A_962 : memref<32768xf32, #tpu.memory_space<vmem>>[vector<16xi32>], vector<16xf32>, vector<16xi1>
      %mul3A_973 = arith.constant 16 : i32
      %mul3A_974 = arith.muli %while3A_955, %mul3A_973 : i32
      %add3A_975 = arith.constant 2048 : i32
      %add3A_976 = arith.addi %add3A_975, %mul3A_974 : i32
      %swap3A_977 = arith.index_cast %add3A_976 : i32 to index
      %swap3A_978 = tpu.vector_load %arg12[%swap3A_977] {strides = array<i32>} : memref<4096xf32, #tpu.memory_space<vmem>>, vector<16xf32>,
      tpu.vector_store %arg12[%swap3A_977], %gather3A_972 {strides = array<i32>} : memref<4096xf32, #tpu.memory_space<vmem>>, vector<16xf32>,
    }
    %while3A_199 = arith.constant 0 : i32
    %while3A_200 = arith.constant 0 : i32
    %while3A_201 = arith.subi %select_n3A_131, %while3A_200 : i32
    %while3A_202 = arith.addi %while3A_200, %while3A_201 : i32
    %while3A_203 = arith.constant 1 : i32
    %while3A_204 = arith.divsi %while3A_201, %while3A_203 : i32
    %while3A_205 = arith.muli %while3A_204, %while3A_203 : i32
    %while3A_206 = arith.addi %while3A_200, %while3A_205 : i32
    %while3A_207 = arith.constant 1 : i32
    scf.for %while3A_955 = %while3A_200 to %while3A_206 step %while3A_207  : i32 {
      %mul3A_956 = arith.constant 16 : i32
      %mul3A_957 = arith.muli %while3A_955, %mul3A_956 : i32
      %mul3A_958 = arith.constant 16 : i32
      %mul3A_959 = arith.muli %while3A_955, %mul3A_958 : i32
      %sub3A_960 = arith.subi %scan3A_104, %mul3A_959 : i32
      %lt3A_961 = vector.broadcast %sub3A_960 : i32 to vector<16xi32>
      %lt3A_962 = arith.cmpi slt, %iota3A, %lt3A_961 : vector<16xi32>
      %get3A = arith.index_cast %mul3A_957 : i32 to index
      %get3A_963 = tpu.vector_load %arg8[%get3A] {strides = array<i32>} : memref<2064xi32, #tpu.memory_space<vmem>>, vector<16xi32>,
      %add3A_964 = arith.constant 0 : i32
      %add3A_965 = vector.broadcast %add3A_964 : i32 to vector<16xi32>
      %add3A_966 = arith.addi %get3A_963, %add3A_965 : vector<16xi32>
      %get3A_967 = arith.index_cast %mul3A_957 : i32 to index
      %get3A_968 = tpu.vector_load %arg12[%get3A_967] {strides = array<i32>} : memref<4096xf32, #tpu.memory_space<vmem>>, vector<16xf32>,
      tpu.vector_store_idx %arg10[%add3A_966], %get3A_968 masked %lt3A_962 : memref<32768xf32, #tpu.memory_space<vmem>>[vector<16xi32>], vector<16xf32>, vector<16xi1>
      %add3A_969 = arith.constant 1 : i32
      %add3A_970 = vector.broadcast %add3A_969 : i32 to vector<16xi32>
      %add3A_971 = arith.addi %add3A_966, %add3A_970 : vector<16xi32>
      %mul3A_972 = arith.constant 16 : i32
      %mul3A_973 = arith.muli %while3A_955, %mul3A_972 : i32
      %add3A_974 = arith.constant 2048 : i32
      %add3A_975 = arith.addi %add3A_974, %mul3A_973 : i32
      %get3A_976 = arith.index_cast %add3A_975 : i32 to index
      %get3A_977 = tpu.vector_load %arg12[%get3A_976] {strides = array<i32>} : memref<4096xf32, #tpu.memory_space<vmem>>, vector<16xf32>,
      tpu.vector_store_idx %arg10[%add3A_971], %get3A_977 masked %lt3A_962 : memref<32768xf32, #tpu.memory_space<vmem>>[vector<16xi32>], vector<16xf32>, vector<16xi1>
    }
    %while3A_208 = arith.constant 1 : i32
    scf.for %while3A_955 = %while3A_206 to %while3A_202 step %while3A_208  : i32 {
      %mul3A_956 = arith.constant 16 : i32
      %mul3A_957 = arith.muli %while3A_955, %mul3A_956 : i32
      %mul3A_958 = arith.constant 16 : i32
      %mul3A_959 = arith.muli %while3A_955, %mul3A_958 : i32
      %sub3A_960 = arith.subi %scan3A_104, %mul3A_959 : i32
      %lt3A_961 = vector.broadcast %sub3A_960 : i32 to vector<16xi32>
      %lt3A_962 = arith.cmpi slt, %iota3A, %lt3A_961 : vector<16xi32>
      %get3A = arith.index_cast %mul3A_957 : i32 to index
      %get3A_963 = tpu.vector_load %arg8[%get3A] {strides = array<i32>} : memref<2064xi32, #tpu.memory_space<vmem>>, vector<16xi32>,
      %add3A_964 = arith.constant 0 : i32
      %add3A_965 = vector.broadcast %add3A_964 : i32 to vector<16xi32>
      %add3A_966 = arith.addi %get3A_963, %add3A_965 : vector<16xi32>
      %get3A_967 = arith.index_cast %mul3A_957 : i32 to index
      %get3A_968 = tpu.vector_load %arg12[%get3A_967] {strides = array<i32>} : memref<4096xf32, #tpu.memory_space<vmem>>, vector<16xf32>,
      tpu.vector_store_idx %arg10[%add3A_966], %get3A_968 masked %lt3A_962 : memref<32768xf32, #tpu.memory_space<vmem>>[vector<16xi32>], vector<16xf32>, vector<16xi1>
      %add3A_969 = arith.constant 1 : i32
      %add3A_970 = vector.broadcast %add3A_969 : i32 to vector<16xi32>
      %add3A_971 = arith.addi %add3A_966, %add3A_970 : vector<16xi32>
      %mul3A_972 = arith.constant 16 : i32
      %mul3A_973 = arith.muli %while3A_955, %mul3A_972 : i32
      %add3A_974 = arith.constant 2048 : i32
      %add3A_975 = arith.addi %add3A_974, %mul3A_973 : i32
      %get3A_976 = arith.index_cast %add3A_975 : i32 to index
      %get3A_977 = tpu.vector_load %arg12[%get3A_976] {strides = array<i32>} : memref<4096xf32, #tpu.memory_space<vmem>>, vector<16xf32>,
      tpu.vector_store_idx %arg10[%add3A_971], %get3A_977 masked %lt3A_962 : memref<32768xf32, #tpu.memory_space<vmem>>[vector<16xi32>], vector<16xf32>, vector<16xi1>
    }
    %while3A_209 = arith.constant 0 : i32
    %while3A_210 = arith.constant 0 : i32
    %while3A_211 = arith.subi %select_n3A_131, %while3A_210 : i32
    %while3A_212 = arith.addi %while3A_210, %while3A_211 : i32
    %while3A_213 = arith.constant 1 : i32
    %while3A_214 = arith.divsi %while3A_211, %while3A_213 : i32
    %while3A_215 = arith.muli %while3A_214, %while3A_213 : i32
    %while3A_216 = arith.addi %while3A_210, %while3A_215 : i32
    %while3A_217 = arith.constant 1 : i32
    scf.for %while3A_955 = %while3A_210 to %while3A_216 step %while3A_217  : i32 {
      %mul3A_956 = arith.constant 16 : i32
      %mul3A_957 = arith.muli %while3A_955, %mul3A_956 : i32
      %mul3A_958 = arith.constant 16 : i32
      %mul3A_959 = arith.muli %while3A_955, %mul3A_958 : i32
      %sub3A_960 = arith.subi %scan3A_104, %mul3A_959 : i32
      %lt3A_961 = vector.broadcast %sub3A_960 : i32 to vector<16xi32>
      %lt3A_962 = arith.cmpi slt, %iota3A, %lt3A_961 : vector<16xi32>
      %get3A = arith.index_cast %mul3A_957 : i32 to index
      %get3A_963 = tpu.vector_load %arg7[%get3A] {strides = array<i32>} : memref<2064xi32, #tpu.memory_space<vmem>>, vector<16xi32>,
      %add3A_964 = arith.constant 16384 : i32
      %add3A_965 = vector.broadcast %add3A_964 : i32 to vector<16xi32>
      %add3A_966 = arith.addi %get3A_963, %add3A_965 : vector<16xi32>
      %gather3A = tpu.vector_load_idx %arg10[%add3A_966] masked %lt3A_962 : memref<32768xf32, #tpu.memory_space<vmem>>[vector<16xi32>], vector<16xf32>, vector<16xi1>
      %swap3A_967 = arith.index_cast %mul3A_957 : i32 to index
      %swap3A_968 = tpu.vector_load %arg12[%swap3A_967] {strides = array<i32>} : memref<4096xf32, #tpu.memory_space<vmem>>, vector<16xf32>,
      tpu.vector_store %arg12[%swap3A_967], %gather3A {strides = array<i32>} : memref<4096xf32, #tpu.memory_space<vmem>>, vector<16xf32>,
      %add3A_969 = arith.constant 1 : i32
      %add3A_970 = vector.broadcast %add3A_969 : i32 to vector<16xi32>
      %add3A_971 = arith.addi %add3A_966, %add3A_970 : vector<16xi32>
      %gather3A_972 = tpu.vector_load_idx %arg10[%add3A_971] masked %lt3A_962 : memref<32768xf32, #tpu.memory_space<vmem>>[vector<16xi32>], vector<16xf32>, vector<16xi1>
      %mul3A_973 = arith.constant 16 : i32
      %mul3A_974 = arith.muli %while3A_955, %mul3A_973 : i32
      %add3A_975 = arith.constant 2048 : i32
      %add3A_976 = arith.addi %add3A_975, %mul3A_974 : i32
      %swap3A_977 = arith.index_cast %add3A_976 : i32 to index
      %swap3A_978 = tpu.vector_load %arg12[%swap3A_977] {strides = array<i32>} : memref<4096xf32, #tpu.memory_space<vmem>>, vector<16xf32>,
      tpu.vector_store %arg12[%swap3A_977], %gather3A_972 {strides = array<i32>} : memref<4096xf32, #tpu.memory_space<vmem>>, vector<16xf32>,
    }
    %while3A_218 = arith.constant 1 : i32
    scf.for %while3A_955 = %while3A_216 to %while3A_212 step %while3A_218  : i32 {
      %mul3A_956 = arith.constant 16 : i32
      %mul3A_957 = arith.muli %while3A_955, %mul3A_956 : i32
      %mul3A_958 = arith.constant 16 : i32
      %mul3A_959 = arith.muli %while3A_955, %mul3A_958 : i32
      %sub3A_960 = arith.subi %scan3A_104, %mul3A_959 : i32
      %lt3A_961 = vector.broadcast %sub3A_960 : i32 to vector<16xi32>
      %lt3A_962 = arith.cmpi slt, %iota3A, %lt3A_961 : vector<16xi32>
      %get3A = arith.index_cast %mul3A_957 : i32 to index
      %get3A_963 = tpu.vector_load %arg7[%get3A] {strides = array<i32>} : memref<2064xi32, #tpu.memory_space<vmem>>, vector<16xi32>,
      %add3A_964 = arith.constant 16384 : i32
      %add3A_965 = vector.broadcast %add3A_964 : i32 to vector<16xi32>
      %add3A_966 = arith.addi %get3A_963, %add3A_965 : vector<16xi32>
      %gather3A = tpu.vector_load_idx %arg10[%add3A_966] masked %lt3A_962 : memref<32768xf32, #tpu.memory_space<vmem>>[vector<16xi32>], vector<16xf32>, vector<16xi1>
      %swap3A_967 = arith.index_cast %mul3A_957 : i32 to index
      %swap3A_968 = tpu.vector_load %arg12[%swap3A_967] {strides = array<i32>} : memref<4096xf32, #tpu.memory_space<vmem>>, vector<16xf32>,
      tpu.vector_store %arg12[%swap3A_967], %gather3A {strides = array<i32>} : memref<4096xf32, #tpu.memory_space<vmem>>, vector<16xf32>,
      %add3A_969 = arith.constant 1 : i32
      %add3A_970 = vector.broadcast %add3A_969 : i32 to vector<16xi32>
      %add3A_971 = arith.addi %add3A_966, %add3A_970 : vector<16xi32>
      %gather3A_972 = tpu.vector_load_idx %arg10[%add3A_971] masked %lt3A_962 : memref<32768xf32, #tpu.memory_space<vmem>>[vector<16xi32>], vector<16xf32>, vector<16xi1>
      %mul3A_973 = arith.constant 16 : i32
      %mul3A_974 = arith.muli %while3A_955, %mul3A_973 : i32
      %add3A_975 = arith.constant 2048 : i32
      %add3A_976 = arith.addi %add3A_975, %mul3A_974 : i32
      %swap3A_977 = arith.index_cast %add3A_976 : i32 to index
      %swap3A_978 = tpu.vector_load %arg12[%swap3A_977] {strides = array<i32>} : memref<4096xf32, #tpu.memory_space<vmem>>, vector<16xf32>,
      tpu.vector_store %arg12[%swap3A_977], %gather3A_972 {strides = array<i32>} : memref<4096xf32, #tpu.memory_space<vmem>>, vector<16xf32>,
    }
    %while3A_219 = arith.constant 0 : i32
    %while3A_220 = arith.constant 0 : i32
    %while3A_221 = arith.subi %select_n3A_131, %while3A_220 : i32
    %while3A_222 = arith.addi %while3A_220, %while3A_221 : i32
    %while3A_223 = arith.constant 1 : i32
    %while3A_224 = arith.divsi %while3A_221, %while3A_223 : i32
    %while3A_225 = arith.muli %while3A_224, %while3A_223 : i32
    %while3A_226 = arith.addi %while3A_220, %while3A_225 : i32
    %while3A_227 = arith.constant 1 : i32
    scf.for %while3A_955 = %while3A_220 to %while3A_226 step %while3A_227  : i32 {
      %mul3A_956 = arith.constant 16 : i32
      %mul3A_957 = arith.muli %while3A_955, %mul3A_956 : i32
      %mul3A_958 = arith.constant 16 : i32
      %mul3A_959 = arith.muli %while3A_955, %mul3A_958 : i32
      %sub3A_960 = arith.subi %scan3A_104, %mul3A_959 : i32
      %lt3A_961 = vector.broadcast %sub3A_960 : i32 to vector<16xi32>
      %lt3A_962 = arith.cmpi slt, %iota3A, %lt3A_961 : vector<16xi32>
      %get3A = arith.index_cast %mul3A_957 : i32 to index
      %get3A_963 = tpu.vector_load %arg8[%get3A] {strides = array<i32>} : memref<2064xi32, #tpu.memory_space<vmem>>, vector<16xi32>,
      %add3A_964 = arith.constant 16384 : i32
      %add3A_965 = vector.broadcast %add3A_964 : i32 to vector<16xi32>
      %add3A_966 = arith.addi %get3A_963, %add3A_965 : vector<16xi32>
      %get3A_967 = arith.index_cast %mul3A_957 : i32 to index
      %get3A_968 = tpu.vector_load %arg12[%get3A_967] {strides = array<i32>} : memref<4096xf32, #tpu.memory_space<vmem>>, vector<16xf32>,
      tpu.vector_store_idx %arg10[%add3A_966], %get3A_968 masked %lt3A_962 : memref<32768xf32, #tpu.memory_space<vmem>>[vector<16xi32>], vector<16xf32>, vector<16xi1>
      %add3A_969 = arith.constant 1 : i32
      %add3A_970 = vector.broadcast %add3A_969 : i32 to vector<16xi32>
      %add3A_971 = arith.addi %add3A_966, %add3A_970 : vector<16xi32>
      %mul3A_972 = arith.constant 16 : i32
      %mul3A_973 = arith.muli %while3A_955, %mul3A_972 : i32
      %add3A_974 = arith.constant 2048 : i32
      %add3A_975 = arith.addi %add3A_974, %mul3A_973 : i32
      %get3A_976 = arith.index_cast %add3A_975 : i32 to index
      %get3A_977 = tpu.vector_load %arg12[%get3A_976] {strides = array<i32>} : memref<4096xf32, #tpu.memory_space<vmem>>, vector<16xf32>,
      tpu.vector_store_idx %arg10[%add3A_971], %get3A_977 masked %lt3A_962 : memref<32768xf32, #tpu.memory_space<vmem>>[vector<16xi32>], vector<16xf32>, vector<16xi1>
    }
    %while3A_228 = arith.constant 1 : i32
    scf.for %while3A_955 = %while3A_226 to %while3A_222 step %while3A_228  : i32 {
      %mul3A_956 = arith.constant 16 : i32
      %mul3A_957 = arith.muli %while3A_955, %mul3A_956 : i32
      %mul3A_958 = arith.constant 16 : i32
      %mul3A_959 = arith.muli %while3A_955, %mul3A_958 : i32
      %sub3A_960 = arith.subi %scan3A_104, %mul3A_959 : i32
      %lt3A_961 = vector.broadcast %sub3A_960 : i32 to vector<16xi32>
      %lt3A_962 = arith.cmpi slt, %iota3A, %lt3A_961 : vector<16xi32>
      %get3A = arith.index_cast %mul3A_957 : i32 to index
      %get3A_963 = tpu.vector_load %arg8[%get3A] {strides = array<i32>} : memref<2064xi32, #tpu.memory_space<vmem>>, vector<16xi32>,
      %add3A_964 = arith.constant 16384 : i32
      %add3A_965 = vector.broadcast %add3A_964 : i32 to vector<16xi32>
      %add3A_966 = arith.addi %get3A_963, %add3A_965 : vector<16xi32>
      %get3A_967 = arith.index_cast %mul3A_957 : i32 to index
      %get3A_968 = tpu.vector_load %arg12[%get3A_967] {strides = array<i32>} : memref<4096xf32, #tpu.memory_space<vmem>>, vector<16xf32>,
      tpu.vector_store_idx %arg10[%add3A_966], %get3A_968 masked %lt3A_962 : memref<32768xf32, #tpu.memory_space<vmem>>[vector<16xi32>], vector<16xf32>, vector<16xi1>
      %add3A_969 = arith.constant 1 : i32
      %add3A_970 = vector.broadcast %add3A_969 : i32 to vector<16xi32>
      %add3A_971 = arith.addi %add3A_966, %add3A_970 : vector<16xi32>
      %mul3A_972 = arith.constant 16 : i32
      %mul3A_973 = arith.muli %while3A_955, %mul3A_972 : i32
      %add3A_974 = arith.constant 2048 : i32
      %add3A_975 = arith.addi %add3A_974, %mul3A_973 : i32
      %get3A_976 = arith.index_cast %add3A_975 : i32 to index
      %get3A_977 = tpu.vector_load %arg12[%get3A_976] {strides = array<i32>} : memref<4096xf32, #tpu.memory_space<vmem>>, vector<16xf32>,
      tpu.vector_store_idx %arg10[%add3A_971], %get3A_977 masked %lt3A_962 : memref<32768xf32, #tpu.memory_space<vmem>>[vector<16xi32>], vector<16xf32>, vector<16xi1>
    }
    %add3A_229 = arith.constant 32768 : i32
    %add3A_230 = arith.addi %mul3A_37, %add3A_229 : i32
    %dma_start3A_231 = tpu.memref_slice %arg4[%add3A_230] : memref<16777216xf32, #tpu.memory_space<hbm>> -> memref<32768xf32, #tpu.memory_space<hbm>>
    %dma_start3A_232 = tpu.memref_slice %arg4[%add3A_230] : memref<16777216xf32, #tpu.memory_space<hbm>> -> memref<32768xf32, #tpu.memory_space<hbm>>
    tpu.enqueue_dma source(%arg10 : memref<32768xf32, #tpu.memory_space<vmem>>) target(%dma_start3A_232 : memref<32768xf32, #tpu.memory_space<hbm>>) target_semaphore(%arg17 : memref<!tpu.dma_semaphore, #tpu.memory_space<semaphore_mem>>)
    %dma_wait3A_233 = tpu.memref_slice %arg4[%add3A_230] : memref<16777216xf32, #tpu.memory_space<hbm>> -> memref<32768xf32, #tpu.memory_space<hbm>>
    %dma_wait3A_234 = tpu.memref_slice %arg4[%add3A_230] : memref<16777216xf32, #tpu.memory_space<hbm>> -> memref<32768xf32, #tpu.memory_space<hbm>>
    tpu.wait_dma2 semaphore(%arg17 : memref<!tpu.dma_semaphore, #tpu.memory_space<semaphore_mem>>) src(%arg10 : memref<32768xf32, #tpu.memory_space<vmem>>) dst(%dma_wait3A_234 : memref<32768xf32, #tpu.memory_space<hbm>>)
    %add3A_235 = arith.constant 131072 : i32
    %add3A_236 = arith.addi %mul3A_37, %add3A_235 : i32
    %dma_start3A_237 = tpu.memref_slice %arg2[%add3A_236] : memref<16777216xf32, #tpu.memory_space<hbm>> -> memref<32768xf32, #tpu.memory_space<hbm>>
    %dma_start3A_238 = tpu.memref_slice %arg2[%add3A_236] : memref<16777216xf32, #tpu.memory_space<hbm>> -> memref<32768xf32, #tpu.memory_space<hbm>>
    tpu.enqueue_dma source(%dma_start3A_238 : memref<32768xf32, #tpu.memory_space<hbm>>) target(%arg10 : memref<32768xf32, #tpu.memory_space<vmem>>) target_semaphore(%arg14 : memref<!tpu.dma_semaphore, #tpu.memory_space<semaphore_mem>>)
    %dma_wait3A_239 = tpu.memref_slice %arg2[%add3A_133] : memref<16777216xf32, #tpu.memory_space<hbm>> -> memref<32768xf32, #tpu.memory_space<hbm>>
    %dma_wait3A_240 = tpu.memref_slice %arg2[%add3A_133] : memref<16777216xf32, #tpu.memory_space<hbm>> -> memref<32768xf32, #tpu.memory_space<hbm>>
    tpu.wait_dma2 semaphore(%arg15 : memref<!tpu.dma_semaphore, #tpu.memory_space<semaphore_mem>>) src(%dma_wait3A_240 : memref<32768xf32, #tpu.memory_space<hbm>>) dst(%arg11 : memref<32768xf32, #tpu.memory_space<vmem>>)
    %while3A_241 = arith.constant 0 : i32
    %while3A_242 = arith.constant 0 : i32
    %while3A_243 = arith.subi %select_n3A_131, %while3A_242 : i32
    %while3A_244 = arith.addi %while3A_242, %while3A_243 : i32
    %while3A_245 = arith.constant 1 : i32
    %while3A_246 = arith.divsi %while3A_243, %while3A_245 : i32
    %while3A_247 = arith.muli %while3A_246, %while3A_245 : i32
    %while3A_248 = arith.addi %while3A_242, %while3A_247 : i32
    %while3A_249 = arith.constant 1 : i32
    scf.for %while3A_955 = %while3A_242 to %while3A_248 step %while3A_249  : i32 {
      %mul3A_956 = arith.constant 16 : i32
      %mul3A_957 = arith.muli %while3A_955, %mul3A_956 : i32
      %mul3A_958 = arith.constant 16 : i32
      %mul3A_959 = arith.muli %while3A_955, %mul3A_958 : i32
      %sub3A_960 = arith.subi %scan3A_104, %mul3A_959 : i32
      %lt3A_961 = vector.broadcast %sub3A_960 : i32 to vector<16xi32>
      %lt3A_962 = arith.cmpi slt, %iota3A, %lt3A_961 : vector<16xi32>
      %get3A = arith.index_cast %mul3A_957 : i32 to index
      %get3A_963 = tpu.vector_load %arg7[%get3A] {strides = array<i32>} : memref<2064xi32, #tpu.memory_space<vmem>>, vector<16xi32>,
      %add3A_964 = arith.constant 0 : i32
      %add3A_965 = vector.broadcast %add3A_964 : i32 to vector<16xi32>
      %add3A_966 = arith.addi %get3A_963, %add3A_965 : vector<16xi32>
      %gather3A = tpu.vector_load_idx %arg11[%add3A_966] masked %lt3A_962 : memref<32768xf32, #tpu.memory_space<vmem>>[vector<16xi32>], vector<16xf32>, vector<16xi1>
      %swap3A_967 = arith.index_cast %mul3A_957 : i32 to index
      %swap3A_968 = tpu.vector_load %arg12[%swap3A_967] {strides = array<i32>} : memref<4096xf32, #tpu.memory_space<vmem>>, vector<16xf32>,
      tpu.vector_store %arg12[%swap3A_967], %gather3A {strides = array<i32>} : memref<4096xf32, #tpu.memory_space<vmem>>, vector<16xf32>,
      %add3A_969 = arith.constant 1 : i32
      %add3A_970 = vector.broadcast %add3A_969 : i32 to vector<16xi32>
      %add3A_971 = arith.addi %add3A_966, %add3A_970 : vector<16xi32>
      %gather3A_972 = tpu.vector_load_idx %arg11[%add3A_971] masked %lt3A_962 : memref<32768xf32, #tpu.memory_space<vmem>>[vector<16xi32>], vector<16xf32>, vector<16xi1>
      %mul3A_973 = arith.constant 16 : i32
      %mul3A_974 = arith.muli %while3A_955, %mul3A_973 : i32
      %add3A_975 = arith.constant 2048 : i32
      %add3A_976 = arith.addi %add3A_975, %mul3A_974 : i32
      %swap3A_977 = arith.index_cast %add3A_976 : i32 to index
      %swap3A_978 = tpu.vector_load %arg12[%swap3A_977] {strides = array<i32>} : memref<4096xf32, #tpu.memory_space<vmem>>, vector<16xf32>,
      tpu.vector_store %arg12[%swap3A_977], %gather3A_972 {strides = array<i32>} : memref<4096xf32, #tpu.memory_space<vmem>>, vector<16xf32>,
    }
    %while3A_250 = arith.constant 1 : i32
    scf.for %while3A_955 = %while3A_248 to %while3A_244 step %while3A_250  : i32 {
      %mul3A_956 = arith.constant 16 : i32
      %mul3A_957 = arith.muli %while3A_955, %mul3A_956 : i32
      %mul3A_958 = arith.constant 16 : i32
      %mul3A_959 = arith.muli %while3A_955, %mul3A_958 : i32
      %sub3A_960 = arith.subi %scan3A_104, %mul3A_959 : i32
      %lt3A_961 = vector.broadcast %sub3A_960 : i32 to vector<16xi32>
      %lt3A_962 = arith.cmpi slt, %iota3A, %lt3A_961 : vector<16xi32>
      %get3A = arith.index_cast %mul3A_957 : i32 to index
      %get3A_963 = tpu.vector_load %arg7[%get3A] {strides = array<i32>} : memref<2064xi32, #tpu.memory_space<vmem>>, vector<16xi32>,
      %add3A_964 = arith.constant 0 : i32
      %add3A_965 = vector.broadcast %add3A_964 : i32 to vector<16xi32>
      %add3A_966 = arith.addi %get3A_963, %add3A_965 : vector<16xi32>
      %gather3A = tpu.vector_load_idx %arg11[%add3A_966] masked %lt3A_962 : memref<32768xf32, #tpu.memory_space<vmem>>[vector<16xi32>], vector<16xf32>, vector<16xi1>
      %swap3A_967 = arith.index_cast %mul3A_957 : i32 to index
      %swap3A_968 = tpu.vector_load %arg12[%swap3A_967] {strides = array<i32>} : memref<4096xf32, #tpu.memory_space<vmem>>, vector<16xf32>,
      tpu.vector_store %arg12[%swap3A_967], %gather3A {strides = array<i32>} : memref<4096xf32, #tpu.memory_space<vmem>>, vector<16xf32>,
      %add3A_969 = arith.constant 1 : i32
      %add3A_970 = vector.broadcast %add3A_969 : i32 to vector<16xi32>
      %add3A_971 = arith.addi %add3A_966, %add3A_970 : vector<16xi32>
      %gather3A_972 = tpu.vector_load_idx %arg11[%add3A_971] masked %lt3A_962 : memref<32768xf32, #tpu.memory_space<vmem>>[vector<16xi32>], vector<16xf32>, vector<16xi1>
      %mul3A_973 = arith.constant 16 : i32
      %mul3A_974 = arith.muli %while3A_955, %mul3A_973 : i32
      %add3A_975 = arith.constant 2048 : i32
      %add3A_976 = arith.addi %add3A_975, %mul3A_974 : i32
      %swap3A_977 = arith.index_cast %add3A_976 : i32 to index
      %swap3A_978 = tpu.vector_load %arg12[%swap3A_977] {strides = array<i32>} : memref<4096xf32, #tpu.memory_space<vmem>>, vector<16xf32>,
      tpu.vector_store %arg12[%swap3A_977], %gather3A_972 {strides = array<i32>} : memref<4096xf32, #tpu.memory_space<vmem>>, vector<16xf32>,
    }
    %while3A_251 = arith.constant 0 : i32
    %while3A_252 = arith.constant 0 : i32
    %while3A_253 = arith.subi %select_n3A_131, %while3A_252 : i32
    %while3A_254 = arith.addi %while3A_252, %while3A_253 : i32
    %while3A_255 = arith.constant 1 : i32
    %while3A_256 = arith.divsi %while3A_253, %while3A_255 : i32
    %while3A_257 = arith.muli %while3A_256, %while3A_255 : i32
    %while3A_258 = arith.addi %while3A_252, %while3A_257 : i32
    %while3A_259 = arith.constant 1 : i32
    scf.for %while3A_955 = %while3A_252 to %while3A_258 step %while3A_259  : i32 {
      %mul3A_956 = arith.constant 16 : i32
      %mul3A_957 = arith.muli %while3A_955, %mul3A_956 : i32
      %mul3A_958 = arith.constant 16 : i32
      %mul3A_959 = arith.muli %while3A_955, %mul3A_958 : i32
      %sub3A_960 = arith.subi %scan3A_104, %mul3A_959 : i32
      %lt3A_961 = vector.broadcast %sub3A_960 : i32 to vector<16xi32>
      %lt3A_962 = arith.cmpi slt, %iota3A, %lt3A_961 : vector<16xi32>
      %get3A = arith.index_cast %mul3A_957 : i32 to index
      %get3A_963 = tpu.vector_load %arg8[%get3A] {strides = array<i32>} : memref<2064xi32, #tpu.memory_space<vmem>>, vector<16xi32>,
      %add3A_964 = arith.constant 0 : i32
      %add3A_965 = vector.broadcast %add3A_964 : i32 to vector<16xi32>
      %add3A_966 = arith.addi %get3A_963, %add3A_965 : vector<16xi32>
      %get3A_967 = arith.index_cast %mul3A_957 : i32 to index
      %get3A_968 = tpu.vector_load %arg12[%get3A_967] {strides = array<i32>} : memref<4096xf32, #tpu.memory_space<vmem>>, vector<16xf32>,
      tpu.vector_store_idx %arg11[%add3A_966], %get3A_968 masked %lt3A_962 : memref<32768xf32, #tpu.memory_space<vmem>>[vector<16xi32>], vector<16xf32>, vector<16xi1>
      %add3A_969 = arith.constant 1 : i32
      %add3A_970 = vector.broadcast %add3A_969 : i32 to vector<16xi32>
      %add3A_971 = arith.addi %add3A_966, %add3A_970 : vector<16xi32>
      %mul3A_972 = arith.constant 16 : i32
      %mul3A_973 = arith.muli %while3A_955, %mul3A_972 : i32
      %add3A_974 = arith.constant 2048 : i32
      %add3A_975 = arith.addi %add3A_974, %mul3A_973 : i32
      %get3A_976 = arith.index_cast %add3A_975 : i32 to index
      %get3A_977 = tpu.vector_load %arg12[%get3A_976] {strides = array<i32>} : memref<4096xf32, #tpu.memory_space<vmem>>, vector<16xf32>,
      tpu.vector_store_idx %arg11[%add3A_971], %get3A_977 masked %lt3A_962 : memref<32768xf32, #tpu.memory_space<vmem>>[vector<16xi32>], vector<16xf32>, vector<16xi1>
    }
    %while3A_260 = arith.constant 1 : i32
    scf.for %while3A_955 = %while3A_258 to %while3A_254 step %while3A_260  : i32 {
      %mul3A_956 = arith.constant 16 : i32
      %mul3A_957 = arith.muli %while3A_955, %mul3A_956 : i32
      %mul3A_958 = arith.constant 16 : i32
      %mul3A_959 = arith.muli %while3A_955, %mul3A_958 : i32
      %sub3A_960 = arith.subi %scan3A_104, %mul3A_959 : i32
      %lt3A_961 = vector.broadcast %sub3A_960 : i32 to vector<16xi32>
      %lt3A_962 = arith.cmpi slt, %iota3A, %lt3A_961 : vector<16xi32>
      %get3A = arith.index_cast %mul3A_957 : i32 to index
      %get3A_963 = tpu.vector_load %arg8[%get3A] {strides = array<i32>} : memref<2064xi32, #tpu.memory_space<vmem>>, vector<16xi32>,
      %add3A_964 = arith.constant 0 : i32
      %add3A_965 = vector.broadcast %add3A_964 : i32 to vector<16xi32>
      %add3A_966 = arith.addi %get3A_963, %add3A_965 : vector<16xi32>
      %get3A_967 = arith.index_cast %mul3A_957 : i32 to index
      %get3A_968 = tpu.vector_load %arg12[%get3A_967] {strides = array<i32>} : memref<4096xf32, #tpu.memory_space<vmem>>, vector<16xf32>,
      tpu.vector_store_idx %arg11[%add3A_966], %get3A_968 masked %lt3A_962 : memref<32768xf32, #tpu.memory_space<vmem>>[vector<16xi32>], vector<16xf32>, vector<16xi1>
      %add3A_969 = arith.constant 1 : i32
      %add3A_970 = vector.broadcast %add3A_969 : i32 to vector<16xi32>
      %add3A_971 = arith.addi %add3A_966, %add3A_970 : vector<16xi32>
      %mul3A_972 = arith.constant 16 : i32
      %mul3A_973 = arith.muli %while3A_955, %mul3A_972 : i32
      %add3A_974 = arith.constant 2048 : i32
      %add3A_975 = arith.addi %add3A_974, %mul3A_973 : i32
      %get3A_976 = arith.index_cast %add3A_975 : i32 to index
      %get3A_977 = tpu.vector_load %arg12[%get3A_976] {strides = array<i32>} : memref<4096xf32, #tpu.memory_space<vmem>>, vector<16xf32>,
      tpu.vector_store_idx %arg11[%add3A_971], %get3A_977 masked %lt3A_962 : memref<32768xf32, #tpu.memory_space<vmem>>[vector<16xi32>], vector<16xf32>, vector<16xi1>
    }
    %while3A_261 = arith.constant 0 : i32
    %while3A_262 = arith.constant 0 : i32
    %while3A_263 = arith.subi %select_n3A_131, %while3A_262 : i32
    %while3A_264 = arith.addi %while3A_262, %while3A_263 : i32
    %while3A_265 = arith.constant 1 : i32
    %while3A_266 = arith.divsi %while3A_263, %while3A_265 : i32
    %while3A_267 = arith.muli %while3A_266, %while3A_265 : i32
    %while3A_268 = arith.addi %while3A_262, %while3A_267 : i32
    %while3A_269 = arith.constant 1 : i32
    scf.for %while3A_955 = %while3A_262 to %while3A_268 step %while3A_269  : i32 {
      %mul3A_956 = arith.constant 16 : i32
      %mul3A_957 = arith.muli %while3A_955, %mul3A_956 : i32
      %mul3A_958 = arith.constant 16 : i32
      %mul3A_959 = arith.muli %while3A_955, %mul3A_958 : i32
      %sub3A_960 = arith.subi %scan3A_104, %mul3A_959 : i32
      %lt3A_961 = vector.broadcast %sub3A_960 : i32 to vector<16xi32>
      %lt3A_962 = arith.cmpi slt, %iota3A, %lt3A_961 : vector<16xi32>
      %get3A = arith.index_cast %mul3A_957 : i32 to index
      %get3A_963 = tpu.vector_load %arg7[%get3A] {strides = array<i32>} : memref<2064xi32, #tpu.memory_space<vmem>>, vector<16xi32>,
      %add3A_964 = arith.constant 16384 : i32
      %add3A_965 = vector.broadcast %add3A_964 : i32 to vector<16xi32>
      %add3A_966 = arith.addi %get3A_963, %add3A_965 : vector<16xi32>
      %gather3A = tpu.vector_load_idx %arg11[%add3A_966] masked %lt3A_962 : memref<32768xf32, #tpu.memory_space<vmem>>[vector<16xi32>], vector<16xf32>, vector<16xi1>
      %swap3A_967 = arith.index_cast %mul3A_957 : i32 to index
      %swap3A_968 = tpu.vector_load %arg12[%swap3A_967] {strides = array<i32>} : memref<4096xf32, #tpu.memory_space<vmem>>, vector<16xf32>,
      tpu.vector_store %arg12[%swap3A_967], %gather3A {strides = array<i32>} : memref<4096xf32, #tpu.memory_space<vmem>>, vector<16xf32>,
      %add3A_969 = arith.constant 1 : i32
      %add3A_970 = vector.broadcast %add3A_969 : i32 to vector<16xi32>
      %add3A_971 = arith.addi %add3A_966, %add3A_970 : vector<16xi32>
      %gather3A_972 = tpu.vector_load_idx %arg11[%add3A_971] masked %lt3A_962 : memref<32768xf32, #tpu.memory_space<vmem>>[vector<16xi32>], vector<16xf32>, vector<16xi1>
      %mul3A_973 = arith.constant 16 : i32
      %mul3A_974 = arith.muli %while3A_955, %mul3A_973 : i32
      %add3A_975 = arith.constant 2048 : i32
      %add3A_976 = arith.addi %add3A_975, %mul3A_974 : i32
      %swap3A_977 = arith.index_cast %add3A_976 : i32 to index
      %swap3A_978 = tpu.vector_load %arg12[%swap3A_977] {strides = array<i32>} : memref<4096xf32, #tpu.memory_space<vmem>>, vector<16xf32>,
      tpu.vector_store %arg12[%swap3A_977], %gather3A_972 {strides = array<i32>} : memref<4096xf32, #tpu.memory_space<vmem>>, vector<16xf32>,
    }
    %while3A_270 = arith.constant 1 : i32
    scf.for %while3A_955 = %while3A_268 to %while3A_264 step %while3A_270  : i32 {
      %mul3A_956 = arith.constant 16 : i32
      %mul3A_957 = arith.muli %while3A_955, %mul3A_956 : i32
      %mul3A_958 = arith.constant 16 : i32
      %mul3A_959 = arith.muli %while3A_955, %mul3A_958 : i32
      %sub3A_960 = arith.subi %scan3A_104, %mul3A_959 : i32
      %lt3A_961 = vector.broadcast %sub3A_960 : i32 to vector<16xi32>
      %lt3A_962 = arith.cmpi slt, %iota3A, %lt3A_961 : vector<16xi32>
      %get3A = arith.index_cast %mul3A_957 : i32 to index
      %get3A_963 = tpu.vector_load %arg7[%get3A] {strides = array<i32>} : memref<2064xi32, #tpu.memory_space<vmem>>, vector<16xi32>,
      %add3A_964 = arith.constant 16384 : i32
      %add3A_965 = vector.broadcast %add3A_964 : i32 to vector<16xi32>
      %add3A_966 = arith.addi %get3A_963, %add3A_965 : vector<16xi32>
      %gather3A = tpu.vector_load_idx %arg11[%add3A_966] masked %lt3A_962 : memref<32768xf32, #tpu.memory_space<vmem>>[vector<16xi32>], vector<16xf32>, vector<16xi1>
      %swap3A_967 = arith.index_cast %mul3A_957 : i32 to index
      %swap3A_968 = tpu.vector_load %arg12[%swap3A_967] {strides = array<i32>} : memref<4096xf32, #tpu.memory_space<vmem>>, vector<16xf32>,
      tpu.vector_store %arg12[%swap3A_967], %gather3A {strides = array<i32>} : memref<4096xf32, #tpu.memory_space<vmem>>, vector<16xf32>,
      %add3A_969 = arith.constant 1 : i32
      %add3A_970 = vector.broadcast %add3A_969 : i32 to vector<16xi32>
      %add3A_971 = arith.addi %add3A_966, %add3A_970 : vector<16xi32>
      %gather3A_972 = tpu.vector_load_idx %arg11[%add3A_971] masked %lt3A_962 : memref<32768xf32, #tpu.memory_space<vmem>>[vector<16xi32>], vector<16xf32>, vector<16xi1>
      %mul3A_973 = arith.constant 16 : i32
      %mul3A_974 = arith.muli %while3A_955, %mul3A_973 : i32
      %add3A_975 = arith.constant 2048 : i32
      %add3A_976 = arith.addi %add3A_975, %mul3A_974 : i32
      %swap3A_977 = arith.index_cast %add3A_976 : i32 to index
      %swap3A_978 = tpu.vector_load %arg12[%swap3A_977] {strides = array<i32>} : memref<4096xf32, #tpu.memory_space<vmem>>, vector<16xf32>,
      tpu.vector_store %arg12[%swap3A_977], %gather3A_972 {strides = array<i32>} : memref<4096xf32, #tpu.memory_space<vmem>>, vector<16xf32>,
    }
    %while3A_271 = arith.constant 0 : i32
    %while3A_272 = arith.constant 0 : i32
    %while3A_273 = arith.subi %select_n3A_131, %while3A_272 : i32
    %while3A_274 = arith.addi %while3A_272, %while3A_273 : i32
    %while3A_275 = arith.constant 1 : i32
    %while3A_276 = arith.divsi %while3A_273, %while3A_275 : i32
    %while3A_277 = arith.muli %while3A_276, %while3A_275 : i32
    %while3A_278 = arith.addi %while3A_272, %while3A_277 : i32
    %while3A_279 = arith.constant 1 : i32
    scf.for %while3A_955 = %while3A_272 to %while3A_278 step %while3A_279  : i32 {
      %mul3A_956 = arith.constant 16 : i32
      %mul3A_957 = arith.muli %while3A_955, %mul3A_956 : i32
      %mul3A_958 = arith.constant 16 : i32
      %mul3A_959 = arith.muli %while3A_955, %mul3A_958 : i32
      %sub3A_960 = arith.subi %scan3A_104, %mul3A_959 : i32
      %lt3A_961 = vector.broadcast %sub3A_960 : i32 to vector<16xi32>
      %lt3A_962 = arith.cmpi slt, %iota3A, %lt3A_961 : vector<16xi32>
      %get3A = arith.index_cast %mul3A_957 : i32 to index
      %get3A_963 = tpu.vector_load %arg8[%get3A] {strides = array<i32>} : memref<2064xi32, #tpu.memory_space<vmem>>, vector<16xi32>,
      %add3A_964 = arith.constant 16384 : i32
      %add3A_965 = vector.broadcast %add3A_964 : i32 to vector<16xi32>
      %add3A_966 = arith.addi %get3A_963, %add3A_965 : vector<16xi32>
      %get3A_967 = arith.index_cast %mul3A_957 : i32 to index
      %get3A_968 = tpu.vector_load %arg12[%get3A_967] {strides = array<i32>} : memref<4096xf32, #tpu.memory_space<vmem>>, vector<16xf32>,
      tpu.vector_store_idx %arg11[%add3A_966], %get3A_968 masked %lt3A_962 : memref<32768xf32, #tpu.memory_space<vmem>>[vector<16xi32>], vector<16xf32>, vector<16xi1>
      %add3A_969 = arith.constant 1 : i32
      %add3A_970 = vector.broadcast %add3A_969 : i32 to vector<16xi32>
      %add3A_971 = arith.addi %add3A_966, %add3A_970 : vector<16xi32>
      %mul3A_972 = arith.constant 16 : i32
      %mul3A_973 = arith.muli %while3A_955, %mul3A_972 : i32
      %add3A_974 = arith.constant 2048 : i32
      %add3A_975 = arith.addi %add3A_974, %mul3A_973 : i32
      %get3A_976 = arith.index_cast %add3A_975 : i32 to index
      %get3A_977 = tpu.vector_load %arg12[%get3A_976] {strides = array<i32>} : memref<4096xf32, #tpu.memory_space<vmem>>, vector<16xf32>,
      tpu.vector_store_idx %arg11[%add3A_971], %get3A_977 masked %lt3A_962 : memref<32768xf32, #tpu.memory_space<vmem>>[vector<16xi32>], vector<16xf32>, vector<16xi1>
    }
    %while3A_280 = arith.constant 1 : i32
    scf.for %while3A_955 = %while3A_278 to %while3A_274 step %while3A_280  : i32 {
      %mul3A_956 = arith.constant 16 : i32
      %mul3A_957 = arith.muli %while3A_955, %mul3A_956 : i32
      %mul3A_958 = arith.constant 16 : i32
      %mul3A_959 = arith.muli %while3A_955, %mul3A_958 : i32
      %sub3A_960 = arith.subi %scan3A_104, %mul3A_959 : i32
      %lt3A_961 = vector.broadcast %sub3A_960 : i32 to vector<16xi32>
      %lt3A_962 = arith.cmpi slt, %iota3A, %lt3A_961 : vector<16xi32>
      %get3A = arith.index_cast %mul3A_957 : i32 to index
      %get3A_963 = tpu.vector_load %arg8[%get3A] {strides = array<i32>} : memref<2064xi32, #tpu.memory_space<vmem>>, vector<16xi32>,
      %add3A_964 = arith.constant 16384 : i32
      %add3A_965 = vector.broadcast %add3A_964 : i32 to vector<16xi32>
      %add3A_966 = arith.addi %get3A_963, %add3A_965 : vector<16xi32>
      %get3A_967 = arith.index_cast %mul3A_957 : i32 to index
      %get3A_968 = tpu.vector_load %arg12[%get3A_967] {strides = array<i32>} : memref<4096xf32, #tpu.memory_space<vmem>>, vector<16xf32>,
      tpu.vector_store_idx %arg11[%add3A_966], %get3A_968 masked %lt3A_962 : memref<32768xf32, #tpu.memory_space<vmem>>[vector<16xi32>], vector<16xf32>, vector<16xi1>
      %add3A_969 = arith.constant 1 : i32
      %add3A_970 = vector.broadcast %add3A_969 : i32 to vector<16xi32>
      %add3A_971 = arith.addi %add3A_966, %add3A_970 : vector<16xi32>
      %mul3A_972 = arith.constant 16 : i32
      %mul3A_973 = arith.muli %while3A_955, %mul3A_972 : i32
      %add3A_974 = arith.constant 2048 : i32
      %add3A_975 = arith.addi %add3A_974, %mul3A_973 : i32
      %get3A_976 = arith.index_cast %add3A_975 : i32 to index
      %get3A_977 = tpu.vector_load %arg12[%get3A_976] {strides = array<i32>} : memref<4096xf32, #tpu.memory_space<vmem>>, vector<16xf32>,
      tpu.vector_store_idx %arg11[%add3A_971], %get3A_977 masked %lt3A_962 : memref<32768xf32, #tpu.memory_space<vmem>>[vector<16xi32>], vector<16xf32>, vector<16xi1>
    }
    %add3A_281 = arith.constant 65536 : i32
    %add3A_282 = arith.addi %mul3A_37, %add3A_281 : i32
    %dma_start3A_283 = tpu.memref_slice %arg4[%add3A_282] : memref<16777216xf32, #tpu.memory_space<hbm>> -> memref<32768xf32, #tpu.memory_space<hbm>>
    %dma_start3A_284 = tpu.memref_slice %arg4[%add3A_282] : memref<16777216xf32, #tpu.memory_space<hbm>> -> memref<32768xf32, #tpu.memory_space<hbm>>
    tpu.enqueue_dma source(%arg11 : memref<32768xf32, #tpu.memory_space<vmem>>) target(%dma_start3A_284 : memref<32768xf32, #tpu.memory_space<hbm>>) target_semaphore(%arg18 : memref<!tpu.dma_semaphore, #tpu.memory_space<semaphore_mem>>)
    %dma_wait3A_285 = tpu.memref_slice %arg4[%add3A_282] : memref<16777216xf32, #tpu.memory_space<hbm>> -> memref<32768xf32, #tpu.memory_space<hbm>>
    %dma_wait3A_286 = tpu.memref_slice %arg4[%add3A_282] : memref<16777216xf32, #tpu.memory_space<hbm>> -> memref<32768xf32, #tpu.memory_space<hbm>>
    tpu.wait_dma2 semaphore(%arg18 : memref<!tpu.dma_semaphore, #tpu.memory_space<semaphore_mem>>) src(%arg11 : memref<32768xf32, #tpu.memory_space<vmem>>) dst(%dma_wait3A_286 : memref<32768xf32, #tpu.memory_space<hbm>>)
    %add3A_287 = arith.constant 163840 : i32
    %add3A_288 = arith.addi %mul3A_37, %add3A_287 : i32
    %dma_start3A_289 = tpu.memref_slice %arg2[%add3A_288] : memref<16777216xf32, #tpu.memory_space<hbm>> -> memref<32768xf32, #tpu.memory_space<hbm>>
    %dma_start3A_290 = tpu.memref_slice %arg2[%add3A_288] : memref<16777216xf32, #tpu.memory_space<hbm>> -> memref<32768xf32, #tpu.memory_space<hbm>>
    tpu.enqueue_dma source(%dma_start3A_290 : memref<32768xf32, #tpu.memory_space<hbm>>) target(%arg11 : memref<32768xf32, #tpu.memory_space<vmem>>) target_semaphore(%arg15 : memref<!tpu.dma_semaphore, #tpu.memory_space<semaphore_mem>>)
    %dma_wait3A_291 = tpu.memref_slice %arg2[%add3A_184] : memref<16777216xf32, #tpu.memory_space<hbm>> -> memref<32768xf32, #tpu.memory_space<hbm>>
    %dma_wait3A_292 = tpu.memref_slice %arg2[%add3A_184] : memref<16777216xf32, #tpu.memory_space<hbm>> -> memref<32768xf32, #tpu.memory_space<hbm>>
    tpu.wait_dma2 semaphore(%arg13 : memref<!tpu.dma_semaphore, #tpu.memory_space<semaphore_mem>>) src(%dma_wait3A_292 : memref<32768xf32, #tpu.memory_space<hbm>>) dst(%arg9 : memref<32768xf32, #tpu.memory_space<vmem>>)
    %while3A_293 = arith.constant 0 : i32
    %while3A_294 = arith.constant 0 : i32
    %while3A_295 = arith.subi %select_n3A_131, %while3A_294 : i32
    %while3A_296 = arith.addi %while3A_294, %while3A_295 : i32
    %while3A_297 = arith.constant 1 : i32
    %while3A_298 = arith.divsi %while3A_295, %while3A_297 : i32
    %while3A_299 = arith.muli %while3A_298, %while3A_297 : i32
    %while3A_300 = arith.addi %while3A_294, %while3A_299 : i32
    %while3A_301 = arith.constant 1 : i32
    scf.for %while3A_955 = %while3A_294 to %while3A_300 step %while3A_301  : i32 {
      %mul3A_956 = arith.constant 16 : i32
      %mul3A_957 = arith.muli %while3A_955, %mul3A_956 : i32
      %mul3A_958 = arith.constant 16 : i32
      %mul3A_959 = arith.muli %while3A_955, %mul3A_958 : i32
      %sub3A_960 = arith.subi %scan3A_104, %mul3A_959 : i32
      %lt3A_961 = vector.broadcast %sub3A_960 : i32 to vector<16xi32>
      %lt3A_962 = arith.cmpi slt, %iota3A, %lt3A_961 : vector<16xi32>
      %get3A = arith.index_cast %mul3A_957 : i32 to index
      %get3A_963 = tpu.vector_load %arg7[%get3A] {strides = array<i32>} : memref<2064xi32, #tpu.memory_space<vmem>>, vector<16xi32>,
      %add3A_964 = arith.constant 0 : i32
      %add3A_965 = vector.broadcast %add3A_964 : i32 to vector<16xi32>
      %add3A_966 = arith.addi %get3A_963, %add3A_965 : vector<16xi32>
      %gather3A = tpu.vector_load_idx %arg9[%add3A_966] masked %lt3A_962 : memref<32768xf32, #tpu.memory_space<vmem>>[vector<16xi32>], vector<16xf32>, vector<16xi1>
      %swap3A_967 = arith.index_cast %mul3A_957 : i32 to index
      %swap3A_968 = tpu.vector_load %arg12[%swap3A_967] {strides = array<i32>} : memref<4096xf32, #tpu.memory_space<vmem>>, vector<16xf32>,
      tpu.vector_store %arg12[%swap3A_967], %gather3A {strides = array<i32>} : memref<4096xf32, #tpu.memory_space<vmem>>, vector<16xf32>,
      %add3A_969 = arith.constant 1 : i32
      %add3A_970 = vector.broadcast %add3A_969 : i32 to vector<16xi32>
      %add3A_971 = arith.addi %add3A_966, %add3A_970 : vector<16xi32>
      %gather3A_972 = tpu.vector_load_idx %arg9[%add3A_971] masked %lt3A_962 : memref<32768xf32, #tpu.memory_space<vmem>>[vector<16xi32>], vector<16xf32>, vector<16xi1>
      %mul3A_973 = arith.constant 16 : i32
      %mul3A_974 = arith.muli %while3A_955, %mul3A_973 : i32
      %add3A_975 = arith.constant 2048 : i32
      %add3A_976 = arith.addi %add3A_975, %mul3A_974 : i32
      %swap3A_977 = arith.index_cast %add3A_976 : i32 to index
      %swap3A_978 = tpu.vector_load %arg12[%swap3A_977] {strides = array<i32>} : memref<4096xf32, #tpu.memory_space<vmem>>, vector<16xf32>,
      tpu.vector_store %arg12[%swap3A_977], %gather3A_972 {strides = array<i32>} : memref<4096xf32, #tpu.memory_space<vmem>>, vector<16xf32>,
    }
    %while3A_302 = arith.constant 1 : i32
    scf.for %while3A_955 = %while3A_300 to %while3A_296 step %while3A_302  : i32 {
      %mul3A_956 = arith.constant 16 : i32
      %mul3A_957 = arith.muli %while3A_955, %mul3A_956 : i32
      %mul3A_958 = arith.constant 16 : i32
      %mul3A_959 = arith.muli %while3A_955, %mul3A_958 : i32
      %sub3A_960 = arith.subi %scan3A_104, %mul3A_959 : i32
      %lt3A_961 = vector.broadcast %sub3A_960 : i32 to vector<16xi32>
      %lt3A_962 = arith.cmpi slt, %iota3A, %lt3A_961 : vector<16xi32>
      %get3A = arith.index_cast %mul3A_957 : i32 to index
      %get3A_963 = tpu.vector_load %arg7[%get3A] {strides = array<i32>} : memref<2064xi32, #tpu.memory_space<vmem>>, vector<16xi32>,
      %add3A_964 = arith.constant 0 : i32
      %add3A_965 = vector.broadcast %add3A_964 : i32 to vector<16xi32>
      %add3A_966 = arith.addi %get3A_963, %add3A_965 : vector<16xi32>
      %gather3A = tpu.vector_load_idx %arg9[%add3A_966] masked %lt3A_962 : memref<32768xf32, #tpu.memory_space<vmem>>[vector<16xi32>], vector<16xf32>, vector<16xi1>
      %swap3A_967 = arith.index_cast %mul3A_957 : i32 to index
      %swap3A_968 = tpu.vector_load %arg12[%swap3A_967] {strides = array<i32>} : memref<4096xf32, #tpu.memory_space<vmem>>, vector<16xf32>,
      tpu.vector_store %arg12[%swap3A_967], %gather3A {strides = array<i32>} : memref<4096xf32, #tpu.memory_space<vmem>>, vector<16xf32>,
      %add3A_969 = arith.constant 1 : i32
      %add3A_970 = vector.broadcast %add3A_969 : i32 to vector<16xi32>
      %add3A_971 = arith.addi %add3A_966, %add3A_970 : vector<16xi32>
      %gather3A_972 = tpu.vector_load_idx %arg9[%add3A_971] masked %lt3A_962 : memref<32768xf32, #tpu.memory_space<vmem>>[vector<16xi32>], vector<16xf32>, vector<16xi1>
      %mul3A_973 = arith.constant 16 : i32
      %mul3A_974 = arith.muli %while3A_955, %mul3A_973 : i32
      %add3A_975 = arith.constant 2048 : i32
      %add3A_976 = arith.addi %add3A_975, %mul3A_974 : i32
      %swap3A_977 = arith.index_cast %add3A_976 : i32 to index
      %swap3A_978 = tpu.vector_load %arg12[%swap3A_977] {strides = array<i32>} : memref<4096xf32, #tpu.memory_space<vmem>>, vector<16xf32>,
      tpu.vector_store %arg12[%swap3A_977], %gather3A_972 {strides = array<i32>} : memref<4096xf32, #tpu.memory_space<vmem>>, vector<16xf32>,
    }
    %while3A_303 = arith.constant 0 : i32
    %while3A_304 = arith.constant 0 : i32
    %while3A_305 = arith.subi %select_n3A_131, %while3A_304 : i32
    %while3A_306 = arith.addi %while3A_304, %while3A_305 : i32
    %while3A_307 = arith.constant 1 : i32
    %while3A_308 = arith.divsi %while3A_305, %while3A_307 : i32
    %while3A_309 = arith.muli %while3A_308, %while3A_307 : i32
    %while3A_310 = arith.addi %while3A_304, %while3A_309 : i32
    %while3A_311 = arith.constant 1 : i32
    scf.for %while3A_955 = %while3A_304 to %while3A_310 step %while3A_311  : i32 {
      %mul3A_956 = arith.constant 16 : i32
      %mul3A_957 = arith.muli %while3A_955, %mul3A_956 : i32
      %mul3A_958 = arith.constant 16 : i32
      %mul3A_959 = arith.muli %while3A_955, %mul3A_958 : i32
      %sub3A_960 = arith.subi %scan3A_104, %mul3A_959 : i32
      %lt3A_961 = vector.broadcast %sub3A_960 : i32 to vector<16xi32>
      %lt3A_962 = arith.cmpi slt, %iota3A, %lt3A_961 : vector<16xi32>
      %get3A = arith.index_cast %mul3A_957 : i32 to index
      %get3A_963 = tpu.vector_load %arg8[%get3A] {strides = array<i32>} : memref<2064xi32, #tpu.memory_space<vmem>>, vector<16xi32>,
      %add3A_964 = arith.constant 0 : i32
      %add3A_965 = vector.broadcast %add3A_964 : i32 to vector<16xi32>
      %add3A_966 = arith.addi %get3A_963, %add3A_965 : vector<16xi32>
      %get3A_967 = arith.index_cast %mul3A_957 : i32 to index
      %get3A_968 = tpu.vector_load %arg12[%get3A_967] {strides = array<i32>} : memref<4096xf32, #tpu.memory_space<vmem>>, vector<16xf32>,
      tpu.vector_store_idx %arg9[%add3A_966], %get3A_968 masked %lt3A_962 : memref<32768xf32, #tpu.memory_space<vmem>>[vector<16xi32>], vector<16xf32>, vector<16xi1>
      %add3A_969 = arith.constant 1 : i32
      %add3A_970 = vector.broadcast %add3A_969 : i32 to vector<16xi32>
      %add3A_971 = arith.addi %add3A_966, %add3A_970 : vector<16xi32>
      %mul3A_972 = arith.constant 16 : i32
      %mul3A_973 = arith.muli %while3A_955, %mul3A_972 : i32
      %add3A_974 = arith.constant 2048 : i32
      %add3A_975 = arith.addi %add3A_974, %mul3A_973 : i32
      %get3A_976 = arith.index_cast %add3A_975 : i32 to index
      %get3A_977 = tpu.vector_load %arg12[%get3A_976] {strides = array<i32>} : memref<4096xf32, #tpu.memory_space<vmem>>, vector<16xf32>,
      tpu.vector_store_idx %arg9[%add3A_971], %get3A_977 masked %lt3A_962 : memref<32768xf32, #tpu.memory_space<vmem>>[vector<16xi32>], vector<16xf32>, vector<16xi1>
    }
    %while3A_312 = arith.constant 1 : i32
    scf.for %while3A_955 = %while3A_310 to %while3A_306 step %while3A_312  : i32 {
      %mul3A_956 = arith.constant 16 : i32
      %mul3A_957 = arith.muli %while3A_955, %mul3A_956 : i32
      %mul3A_958 = arith.constant 16 : i32
      %mul3A_959 = arith.muli %while3A_955, %mul3A_958 : i32
      %sub3A_960 = arith.subi %scan3A_104, %mul3A_959 : i32
      %lt3A_961 = vector.broadcast %sub3A_960 : i32 to vector<16xi32>
      %lt3A_962 = arith.cmpi slt, %iota3A, %lt3A_961 : vector<16xi32>
      %get3A = arith.index_cast %mul3A_957 : i32 to index
      %get3A_963 = tpu.vector_load %arg8[%get3A] {strides = array<i32>} : memref<2064xi32, #tpu.memory_space<vmem>>, vector<16xi32>,
      %add3A_964 = arith.constant 0 : i32
      %add3A_965 = vector.broadcast %add3A_964 : i32 to vector<16xi32>
      %add3A_966 = arith.addi %get3A_963, %add3A_965 : vector<16xi32>
      %get3A_967 = arith.index_cast %mul3A_957 : i32 to index
      %get3A_968 = tpu.vector_load %arg12[%get3A_967] {strides = array<i32>} : memref<4096xf32, #tpu.memory_space<vmem>>, vector<16xf32>,
      tpu.vector_store_idx %arg9[%add3A_966], %get3A_968 masked %lt3A_962 : memref<32768xf32, #tpu.memory_space<vmem>>[vector<16xi32>], vector<16xf32>, vector<16xi1>
      %add3A_969 = arith.constant 1 : i32
      %add3A_970 = vector.broadcast %add3A_969 : i32 to vector<16xi32>
      %add3A_971 = arith.addi %add3A_966, %add3A_970 : vector<16xi32>
      %mul3A_972 = arith.constant 16 : i32
      %mul3A_973 = arith.muli %while3A_955, %mul3A_972 : i32
      %add3A_974 = arith.constant 2048 : i32
      %add3A_975 = arith.addi %add3A_974, %mul3A_973 : i32
      %get3A_976 = arith.index_cast %add3A_975 : i32 to index
      %get3A_977 = tpu.vector_load %arg12[%get3A_976] {strides = array<i32>} : memref<4096xf32, #tpu.memory_space<vmem>>, vector<16xf32>,
      tpu.vector_store_idx %arg9[%add3A_971], %get3A_977 masked %lt3A_962 : memref<32768xf32, #tpu.memory_space<vmem>>[vector<16xi32>], vector<16xf32>, vector<16xi1>
    }
    %while3A_313 = arith.constant 0 : i32
    %while3A_314 = arith.constant 0 : i32
    %while3A_315 = arith.subi %select_n3A_131, %while3A_314 : i32
    %while3A_316 = arith.addi %while3A_314, %while3A_315 : i32
    %while3A_317 = arith.constant 1 : i32
    %while3A_318 = arith.divsi %while3A_315, %while3A_317 : i32
    %while3A_319 = arith.muli %while3A_318, %while3A_317 : i32
    %while3A_320 = arith.addi %while3A_314, %while3A_319 : i32
    %while3A_321 = arith.constant 1 : i32
    scf.for %while3A_955 = %while3A_314 to %while3A_320 step %while3A_321  : i32 {
      %mul3A_956 = arith.constant 16 : i32
      %mul3A_957 = arith.muli %while3A_955, %mul3A_956 : i32
      %mul3A_958 = arith.constant 16 : i32
      %mul3A_959 = arith.muli %while3A_955, %mul3A_958 : i32
      %sub3A_960 = arith.subi %scan3A_104, %mul3A_959 : i32
      %lt3A_961 = vector.broadcast %sub3A_960 : i32 to vector<16xi32>
      %lt3A_962 = arith.cmpi slt, %iota3A, %lt3A_961 : vector<16xi32>
      %get3A = arith.index_cast %mul3A_957 : i32 to index
      %get3A_963 = tpu.vector_load %arg7[%get3A] {strides = array<i32>} : memref<2064xi32, #tpu.memory_space<vmem>>, vector<16xi32>,
      %add3A_964 = arith.constant 16384 : i32
      %add3A_965 = vector.broadcast %add3A_964 : i32 to vector<16xi32>
      %add3A_966 = arith.addi %get3A_963, %add3A_965 : vector<16xi32>
      %gather3A = tpu.vector_load_idx %arg9[%add3A_966] masked %lt3A_962 : memref<32768xf32, #tpu.memory_space<vmem>>[vector<16xi32>], vector<16xf32>, vector<16xi1>
      %swap3A_967 = arith.index_cast %mul3A_957 : i32 to index
      %swap3A_968 = tpu.vector_load %arg12[%swap3A_967] {strides = array<i32>} : memref<4096xf32, #tpu.memory_space<vmem>>, vector<16xf32>,
      tpu.vector_store %arg12[%swap3A_967], %gather3A {strides = array<i32>} : memref<4096xf32, #tpu.memory_space<vmem>>, vector<16xf32>,
      %add3A_969 = arith.constant 1 : i32
      %add3A_970 = vector.broadcast %add3A_969 : i32 to vector<16xi32>
      %add3A_971 = arith.addi %add3A_966, %add3A_970 : vector<16xi32>
      %gather3A_972 = tpu.vector_load_idx %arg9[%add3A_971] masked %lt3A_962 : memref<32768xf32, #tpu.memory_space<vmem>>[vector<16xi32>], vector<16xf32>, vector<16xi1>
      %mul3A_973 = arith.constant 16 : i32
      %mul3A_974 = arith.muli %while3A_955, %mul3A_973 : i32
      %add3A_975 = arith.constant 2048 : i32
      %add3A_976 = arith.addi %add3A_975, %mul3A_974 : i32
      %swap3A_977 = arith.index_cast %add3A_976 : i32 to index
      %swap3A_978 = tpu.vector_load %arg12[%swap3A_977] {strides = array<i32>} : memref<4096xf32, #tpu.memory_space<vmem>>, vector<16xf32>,
      tpu.vector_store %arg12[%swap3A_977], %gather3A_972 {strides = array<i32>} : memref<4096xf32, #tpu.memory_space<vmem>>, vector<16xf32>,
    }
    %while3A_322 = arith.constant 1 : i32
    scf.for %while3A_955 = %while3A_320 to %while3A_316 step %while3A_322  : i32 {
      %mul3A_956 = arith.constant 16 : i32
      %mul3A_957 = arith.muli %while3A_955, %mul3A_956 : i32
      %mul3A_958 = arith.constant 16 : i32
      %mul3A_959 = arith.muli %while3A_955, %mul3A_958 : i32
      %sub3A_960 = arith.subi %scan3A_104, %mul3A_959 : i32
      %lt3A_961 = vector.broadcast %sub3A_960 : i32 to vector<16xi32>
      %lt3A_962 = arith.cmpi slt, %iota3A, %lt3A_961 : vector<16xi32>
      %get3A = arith.index_cast %mul3A_957 : i32 to index
      %get3A_963 = tpu.vector_load %arg7[%get3A] {strides = array<i32>} : memref<2064xi32, #tpu.memory_space<vmem>>, vector<16xi32>,
      %add3A_964 = arith.constant 16384 : i32
      %add3A_965 = vector.broadcast %add3A_964 : i32 to vector<16xi32>
      %add3A_966 = arith.addi %get3A_963, %add3A_965 : vector<16xi32>
      %gather3A = tpu.vector_load_idx %arg9[%add3A_966] masked %lt3A_962 : memref<32768xf32, #tpu.memory_space<vmem>>[vector<16xi32>], vector<16xf32>, vector<16xi1>
      %swap3A_967 = arith.index_cast %mul3A_957 : i32 to index
      %swap3A_968 = tpu.vector_load %arg12[%swap3A_967] {strides = array<i32>} : memref<4096xf32, #tpu.memory_space<vmem>>, vector<16xf32>,
      tpu.vector_store %arg12[%swap3A_967], %gather3A {strides = array<i32>} : memref<4096xf32, #tpu.memory_space<vmem>>, vector<16xf32>,
      %add3A_969 = arith.constant 1 : i32
      %add3A_970 = vector.broadcast %add3A_969 : i32 to vector<16xi32>
      %add3A_971 = arith.addi %add3A_966, %add3A_970 : vector<16xi32>
      %gather3A_972 = tpu.vector_load_idx %arg9[%add3A_971] masked %lt3A_962 : memref<32768xf32, #tpu.memory_space<vmem>>[vector<16xi32>], vector<16xf32>, vector<16xi1>
      %mul3A_973 = arith.constant 16 : i32
      %mul3A_974 = arith.muli %while3A_955, %mul3A_973 : i32
      %add3A_975 = arith.constant 2048 : i32
      %add3A_976 = arith.addi %add3A_975, %mul3A_974 : i32
      %swap3A_977 = arith.index_cast %add3A_976 : i32 to index
      %swap3A_978 = tpu.vector_load %arg12[%swap3A_977] {strides = array<i32>} : memref<4096xf32, #tpu.memory_space<vmem>>, vector<16xf32>,
      tpu.vector_store %arg12[%swap3A_977], %gather3A_972 {strides = array<i32>} : memref<4096xf32, #tpu.memory_space<vmem>>, vector<16xf32>,
    }
    %while3A_323 = arith.constant 0 : i32
    %while3A_324 = arith.constant 0 : i32
    %while3A_325 = arith.subi %select_n3A_131, %while3A_324 : i32
    %while3A_326 = arith.addi %while3A_324, %while3A_325 : i32
    %while3A_327 = arith.constant 1 : i32
    %while3A_328 = arith.divsi %while3A_325, %while3A_327 : i32
    %while3A_329 = arith.muli %while3A_328, %while3A_327 : i32
    %while3A_330 = arith.addi %while3A_324, %while3A_329 : i32
    %while3A_331 = arith.constant 1 : i32
    scf.for %while3A_955 = %while3A_324 to %while3A_330 step %while3A_331  : i32 {
      %mul3A_956 = arith.constant 16 : i32
      %mul3A_957 = arith.muli %while3A_955, %mul3A_956 : i32
      %mul3A_958 = arith.constant 16 : i32
      %mul3A_959 = arith.muli %while3A_955, %mul3A_958 : i32
      %sub3A_960 = arith.subi %scan3A_104, %mul3A_959 : i32
      %lt3A_961 = vector.broadcast %sub3A_960 : i32 to vector<16xi32>
      %lt3A_962 = arith.cmpi slt, %iota3A, %lt3A_961 : vector<16xi32>
      %get3A = arith.index_cast %mul3A_957 : i32 to index
      %get3A_963 = tpu.vector_load %arg8[%get3A] {strides = array<i32>} : memref<2064xi32, #tpu.memory_space<vmem>>, vector<16xi32>,
      %add3A_964 = arith.constant 16384 : i32
      %add3A_965 = vector.broadcast %add3A_964 : i32 to vector<16xi32>
      %add3A_966 = arith.addi %get3A_963, %add3A_965 : vector<16xi32>
      %get3A_967 = arith.index_cast %mul3A_957 : i32 to index
      %get3A_968 = tpu.vector_load %arg12[%get3A_967] {strides = array<i32>} : memref<4096xf32, #tpu.memory_space<vmem>>, vector<16xf32>,
      tpu.vector_store_idx %arg9[%add3A_966], %get3A_968 masked %lt3A_962 : memref<32768xf32, #tpu.memory_space<vmem>>[vector<16xi32>], vector<16xf32>, vector<16xi1>
      %add3A_969 = arith.constant 1 : i32
      %add3A_970 = vector.broadcast %add3A_969 : i32 to vector<16xi32>
      %add3A_971 = arith.addi %add3A_966, %add3A_970 : vector<16xi32>
      %mul3A_972 = arith.constant 16 : i32
      %mul3A_973 = arith.muli %while3A_955, %mul3A_972 : i32
      %add3A_974 = arith.constant 2048 : i32
      %add3A_975 = arith.addi %add3A_974, %mul3A_973 : i32
      %get3A_976 = arith.index_cast %add3A_975 : i32 to index
      %get3A_977 = tpu.vector_load %arg12[%get3A_976] {strides = array<i32>} : memref<4096xf32, #tpu.memory_space<vmem>>, vector<16xf32>,
      tpu.vector_store_idx %arg9[%add3A_971], %get3A_977 masked %lt3A_962 : memref<32768xf32, #tpu.memory_space<vmem>>[vector<16xi32>], vector<16xf32>, vector<16xi1>
    }
    %while3A_332 = arith.constant 1 : i32
    scf.for %while3A_955 = %while3A_330 to %while3A_326 step %while3A_332  : i32 {
      %mul3A_956 = arith.constant 16 : i32
      %mul3A_957 = arith.muli %while3A_955, %mul3A_956 : i32
      %mul3A_958 = arith.constant 16 : i32
      %mul3A_959 = arith.muli %while3A_955, %mul3A_958 : i32
      %sub3A_960 = arith.subi %scan3A_104, %mul3A_959 : i32
      %lt3A_961 = vector.broadcast %sub3A_960 : i32 to vector<16xi32>
      %lt3A_962 = arith.cmpi slt, %iota3A, %lt3A_961 : vector<16xi32>
      %get3A = arith.index_cast %mul3A_957 : i32 to index
      %get3A_963 = tpu.vector_load %arg8[%get3A] {strides = array<i32>} : memref<2064xi32, #tpu.memory_space<vmem>>, vector<16xi32>,
      %add3A_964 = arith.constant 16384 : i32
      %add3A_965 = vector.broadcast %add3A_964 : i32 to vector<16xi32>
      %add3A_966 = arith.addi %get3A_963, %add3A_965 : vector<16xi32>
      %get3A_967 = arith.index_cast %mul3A_957 : i32 to index
      %get3A_968 = tpu.vector_load %arg12[%get3A_967] {strides = array<i32>} : memref<4096xf32, #tpu.memory_space<vmem>>, vector<16xf32>,
      tpu.vector_store_idx %arg9[%add3A_966], %get3A_968 masked %lt3A_962 : memref<32768xf32, #tpu.memory_space<vmem>>[vector<16xi32>], vector<16xf32>, vector<16xi1>
      %add3A_969 = arith.constant 1 : i32
      %add3A_970 = vector.broadcast %add3A_969 : i32 to vector<16xi32>
      %add3A_971 = arith.addi %add3A_966, %add3A_970 : vector<16xi32>
      %mul3A_972 = arith.constant 16 : i32
      %mul3A_973 = arith.muli %while3A_955, %mul3A_972 : i32
      %add3A_974 = arith.constant 2048 : i32
      %add3A_975 = arith.addi %add3A_974, %mul3A_973 : i32
      %get3A_976 = arith.index_cast %add3A_975 : i32 to index
      %get3A_977 = tpu.vector_load %arg12[%get3A_976] {strides = array<i32>} : memref<4096xf32, #tpu.memory_space<vmem>>, vector<16xf32>,
      tpu.vector_store_idx %arg9[%add3A_971], %get3A_977 masked %lt3A_962 : memref<32768xf32, #tpu.memory_space<vmem>>[vector<16xi32>], vector<16xf32>, vector<16xi1>
    }
    %add3A_333 = arith.constant 98304 : i32
    %add3A_334 = arith.addi %mul3A_37, %add3A_333 : i32
    %dma_start3A_335 = tpu.memref_slice %arg4[%add3A_334] : memref<16777216xf32, #tpu.memory_space<hbm>> -> memref<32768xf32, #tpu.memory_space<hbm>>
    %dma_start3A_336 = tpu.memref_slice %arg4[%add3A_334] : memref<16777216xf32, #tpu.memory_space<hbm>> -> memref<32768xf32, #tpu.memory_space<hbm>>
    tpu.enqueue_dma source(%arg9 : memref<32768xf32, #tpu.memory_space<vmem>>) target(%dma_start3A_336 : memref<32768xf32, #tpu.memory_space<hbm>>) target_semaphore(%arg16 : memref<!tpu.dma_semaphore, #tpu.memory_space<semaphore_mem>>)
    %dma_wait3A_337 = tpu.memref_slice %arg4[%add3A_334] : memref<16777216xf32, #tpu.memory_space<hbm>> -> memref<32768xf32, #tpu.memory_space<hbm>>
    %dma_wait3A_338 = tpu.memref_slice %arg4[%add3A_334] : memref<16777216xf32, #tpu.memory_space<hbm>> -> memref<32768xf32, #tpu.memory_space<hbm>>
    tpu.wait_dma2 semaphore(%arg16 : memref<!tpu.dma_semaphore, #tpu.memory_space<semaphore_mem>>) src(%arg9 : memref<32768xf32, #tpu.memory_space<vmem>>) dst(%dma_wait3A_338 : memref<32768xf32, #tpu.memory_space<hbm>>)
    %add3A_339 = arith.constant 196608 : i32
    %add3A_340 = arith.addi %mul3A_37, %add3A_339 : i32
    %dma_start3A_341 = tpu.memref_slice %arg2[%add3A_340] : memref<16777216xf32, #tpu.memory_space<hbm>> -> memref<32768xf32, #tpu.memory_space<hbm>>
    %dma_start3A_342 = tpu.memref_slice %arg2[%add3A_340] : memref<16777216xf32, #tpu.memory_space<hbm>> -> memref<32768xf32, #tpu.memory_space<hbm>>
    tpu.enqueue_dma source(%dma_start3A_342 : memref<32768xf32, #tpu.memory_space<hbm>>) target(%arg9 : memref<32768xf32, #tpu.memory_space<vmem>>) target_semaphore(%arg13 : memref<!tpu.dma_semaphore, #tpu.memory_space<semaphore_mem>>)
    %dma_wait3A_343 = tpu.memref_slice %arg2[%add3A_236] : memref<16777216xf32, #tpu.memory_space<hbm>> -> memref<32768xf32, #tpu.memory_space<hbm>>
    %dma_wait3A_344 = tpu.memref_slice %arg2[%add3A_236] : memref<16777216xf32, #tpu.memory_space<hbm>> -> memref<32768xf32, #tpu.memory_space<hbm>>
    tpu.wait_dma2 semaphore(%arg14 : memref<!tpu.dma_semaphore, #tpu.memory_space<semaphore_mem>>) src(%dma_wait3A_344 : memref<32768xf32, #tpu.memory_space<hbm>>) dst(%arg10 : memref<32768xf32, #tpu.memory_space<vmem>>)
    %while3A_345 = arith.constant 0 : i32
    %while3A_346 = arith.constant 0 : i32
    %while3A_347 = arith.subi %select_n3A_131, %while3A_346 : i32
    %while3A_348 = arith.addi %while3A_346, %while3A_347 : i32
    %while3A_349 = arith.constant 1 : i32
    %while3A_350 = arith.divsi %while3A_347, %while3A_349 : i32
    %while3A_351 = arith.muli %while3A_350, %while3A_349 : i32
    %while3A_352 = arith.addi %while3A_346, %while3A_351 : i32
    %while3A_353 = arith.constant 1 : i32
    scf.for %while3A_955 = %while3A_346 to %while3A_352 step %while3A_353  : i32 {
      %mul3A_956 = arith.constant 16 : i32
      %mul3A_957 = arith.muli %while3A_955, %mul3A_956 : i32
      %mul3A_958 = arith.constant 16 : i32
      %mul3A_959 = arith.muli %while3A_955, %mul3A_958 : i32
      %sub3A_960 = arith.subi %scan3A_104, %mul3A_959 : i32
      %lt3A_961 = vector.broadcast %sub3A_960 : i32 to vector<16xi32>
      %lt3A_962 = arith.cmpi slt, %iota3A, %lt3A_961 : vector<16xi32>
      %get3A = arith.index_cast %mul3A_957 : i32 to index
      %get3A_963 = tpu.vector_load %arg7[%get3A] {strides = array<i32>} : memref<2064xi32, #tpu.memory_space<vmem>>, vector<16xi32>,
      %add3A_964 = arith.constant 0 : i32
      %add3A_965 = vector.broadcast %add3A_964 : i32 to vector<16xi32>
      %add3A_966 = arith.addi %get3A_963, %add3A_965 : vector<16xi32>
      %gather3A = tpu.vector_load_idx %arg10[%add3A_966] masked %lt3A_962 : memref<32768xf32, #tpu.memory_space<vmem>>[vector<16xi32>], vector<16xf32>, vector<16xi1>
      %swap3A_967 = arith.index_cast %mul3A_957 : i32 to index
      %swap3A_968 = tpu.vector_load %arg12[%swap3A_967] {strides = array<i32>} : memref<4096xf32, #tpu.memory_space<vmem>>, vector<16xf32>,
      tpu.vector_store %arg12[%swap3A_967], %gather3A {strides = array<i32>} : memref<4096xf32, #tpu.memory_space<vmem>>, vector<16xf32>,
      %add3A_969 = arith.constant 1 : i32
      %add3A_970 = vector.broadcast %add3A_969 : i32 to vector<16xi32>
      %add3A_971 = arith.addi %add3A_966, %add3A_970 : vector<16xi32>
      %gather3A_972 = tpu.vector_load_idx %arg10[%add3A_971] masked %lt3A_962 : memref<32768xf32, #tpu.memory_space<vmem>>[vector<16xi32>], vector<16xf32>, vector<16xi1>
      %mul3A_973 = arith.constant 16 : i32
      %mul3A_974 = arith.muli %while3A_955, %mul3A_973 : i32
      %add3A_975 = arith.constant 2048 : i32
      %add3A_976 = arith.addi %add3A_975, %mul3A_974 : i32
      %swap3A_977 = arith.index_cast %add3A_976 : i32 to index
      %swap3A_978 = tpu.vector_load %arg12[%swap3A_977] {strides = array<i32>} : memref<4096xf32, #tpu.memory_space<vmem>>, vector<16xf32>,
      tpu.vector_store %arg12[%swap3A_977], %gather3A_972 {strides = array<i32>} : memref<4096xf32, #tpu.memory_space<vmem>>, vector<16xf32>,
    }
    %while3A_354 = arith.constant 1 : i32
    scf.for %while3A_955 = %while3A_352 to %while3A_348 step %while3A_354  : i32 {
      %mul3A_956 = arith.constant 16 : i32
      %mul3A_957 = arith.muli %while3A_955, %mul3A_956 : i32
      %mul3A_958 = arith.constant 16 : i32
      %mul3A_959 = arith.muli %while3A_955, %mul3A_958 : i32
      %sub3A_960 = arith.subi %scan3A_104, %mul3A_959 : i32
      %lt3A_961 = vector.broadcast %sub3A_960 : i32 to vector<16xi32>
      %lt3A_962 = arith.cmpi slt, %iota3A, %lt3A_961 : vector<16xi32>
      %get3A = arith.index_cast %mul3A_957 : i32 to index
      %get3A_963 = tpu.vector_load %arg7[%get3A] {strides = array<i32>} : memref<2064xi32, #tpu.memory_space<vmem>>, vector<16xi32>,
      %add3A_964 = arith.constant 0 : i32
      %add3A_965 = vector.broadcast %add3A_964 : i32 to vector<16xi32>
      %add3A_966 = arith.addi %get3A_963, %add3A_965 : vector<16xi32>
      %gather3A = tpu.vector_load_idx %arg10[%add3A_966] masked %lt3A_962 : memref<32768xf32, #tpu.memory_space<vmem>>[vector<16xi32>], vector<16xf32>, vector<16xi1>
      %swap3A_967 = arith.index_cast %mul3A_957 : i32 to index
      %swap3A_968 = tpu.vector_load %arg12[%swap3A_967] {strides = array<i32>} : memref<4096xf32, #tpu.memory_space<vmem>>, vector<16xf32>,
      tpu.vector_store %arg12[%swap3A_967], %gather3A {strides = array<i32>} : memref<4096xf32, #tpu.memory_space<vmem>>, vector<16xf32>,
      %add3A_969 = arith.constant 1 : i32
      %add3A_970 = vector.broadcast %add3A_969 : i32 to vector<16xi32>
      %add3A_971 = arith.addi %add3A_966, %add3A_970 : vector<16xi32>
      %gather3A_972 = tpu.vector_load_idx %arg10[%add3A_971] masked %lt3A_962 : memref<32768xf32, #tpu.memory_space<vmem>>[vector<16xi32>], vector<16xf32>, vector<16xi1>
      %mul3A_973 = arith.constant 16 : i32
      %mul3A_974 = arith.muli %while3A_955, %mul3A_973 : i32
      %add3A_975 = arith.constant 2048 : i32
      %add3A_976 = arith.addi %add3A_975, %mul3A_974 : i32
      %swap3A_977 = arith.index_cast %add3A_976 : i32 to index
      %swap3A_978 = tpu.vector_load %arg12[%swap3A_977] {strides = array<i32>} : memref<4096xf32, #tpu.memory_space<vmem>>, vector<16xf32>,
      tpu.vector_store %arg12[%swap3A_977], %gather3A_972 {strides = array<i32>} : memref<4096xf32, #tpu.memory_space<vmem>>, vector<16xf32>,
    }
    %while3A_355 = arith.constant 0 : i32
    %while3A_356 = arith.constant 0 : i32
    %while3A_357 = arith.subi %select_n3A_131, %while3A_356 : i32
    %while3A_358 = arith.addi %while3A_356, %while3A_357 : i32
    %while3A_359 = arith.constant 1 : i32
    %while3A_360 = arith.divsi %while3A_357, %while3A_359 : i32
    %while3A_361 = arith.muli %while3A_360, %while3A_359 : i32
    %while3A_362 = arith.addi %while3A_356, %while3A_361 : i32
    %while3A_363 = arith.constant 1 : i32
    scf.for %while3A_955 = %while3A_356 to %while3A_362 step %while3A_363  : i32 {
      %mul3A_956 = arith.constant 16 : i32
      %mul3A_957 = arith.muli %while3A_955, %mul3A_956 : i32
      %mul3A_958 = arith.constant 16 : i32
      %mul3A_959 = arith.muli %while3A_955, %mul3A_958 : i32
      %sub3A_960 = arith.subi %scan3A_104, %mul3A_959 : i32
      %lt3A_961 = vector.broadcast %sub3A_960 : i32 to vector<16xi32>
      %lt3A_962 = arith.cmpi slt, %iota3A, %lt3A_961 : vector<16xi32>
      %get3A = arith.index_cast %mul3A_957 : i32 to index
      %get3A_963 = tpu.vector_load %arg8[%get3A] {strides = array<i32>} : memref<2064xi32, #tpu.memory_space<vmem>>, vector<16xi32>,
      %add3A_964 = arith.constant 0 : i32
      %add3A_965 = vector.broadcast %add3A_964 : i32 to vector<16xi32>
      %add3A_966 = arith.addi %get3A_963, %add3A_965 : vector<16xi32>
      %get3A_967 = arith.index_cast %mul3A_957 : i32 to index
      %get3A_968 = tpu.vector_load %arg12[%get3A_967] {strides = array<i32>} : memref<4096xf32, #tpu.memory_space<vmem>>, vector<16xf32>,
      tpu.vector_store_idx %arg10[%add3A_966], %get3A_968 masked %lt3A_962 : memref<32768xf32, #tpu.memory_space<vmem>>[vector<16xi32>], vector<16xf32>, vector<16xi1>
      %add3A_969 = arith.constant 1 : i32
      %add3A_970 = vector.broadcast %add3A_969 : i32 to vector<16xi32>
      %add3A_971 = arith.addi %add3A_966, %add3A_970 : vector<16xi32>
      %mul3A_972 = arith.constant 16 : i32
      %mul3A_973 = arith.muli %while3A_955, %mul3A_972 : i32
      %add3A_974 = arith.constant 2048 : i32
      %add3A_975 = arith.addi %add3A_974, %mul3A_973 : i32
      %get3A_976 = arith.index_cast %add3A_975 : i32 to index
      %get3A_977 = tpu.vector_load %arg12[%get3A_976] {strides = array<i32>} : memref<4096xf32, #tpu.memory_space<vmem>>, vector<16xf32>,
      tpu.vector_store_idx %arg10[%add3A_971], %get3A_977 masked %lt3A_962 : memref<32768xf32, #tpu.memory_space<vmem>>[vector<16xi32>], vector<16xf32>, vector<16xi1>
    }
    %while3A_364 = arith.constant 1 : i32
    scf.for %while3A_955 = %while3A_362 to %while3A_358 step %while3A_364  : i32 {
      %mul3A_956 = arith.constant 16 : i32
      %mul3A_957 = arith.muli %while3A_955, %mul3A_956 : i32
      %mul3A_958 = arith.constant 16 : i32
      %mul3A_959 = arith.muli %while3A_955, %mul3A_958 : i32
      %sub3A_960 = arith.subi %scan3A_104, %mul3A_959 : i32
      %lt3A_961 = vector.broadcast %sub3A_960 : i32 to vector<16xi32>
      %lt3A_962 = arith.cmpi slt, %iota3A, %lt3A_961 : vector<16xi32>
      %get3A = arith.index_cast %mul3A_957 : i32 to index
      %get3A_963 = tpu.vector_load %arg8[%get3A] {strides = array<i32>} : memref<2064xi32, #tpu.memory_space<vmem>>, vector<16xi32>,
      %add3A_964 = arith.constant 0 : i32
      %add3A_965 = vector.broadcast %add3A_964 : i32 to vector<16xi32>
      %add3A_966 = arith.addi %get3A_963, %add3A_965 : vector<16xi32>
      %get3A_967 = arith.index_cast %mul3A_957 : i32 to index
      %get3A_968 = tpu.vector_load %arg12[%get3A_967] {strides = array<i32>} : memref<4096xf32, #tpu.memory_space<vmem>>, vector<16xf32>,
      tpu.vector_store_idx %arg10[%add3A_966], %get3A_968 masked %lt3A_962 : memref<32768xf32, #tpu.memory_space<vmem>>[vector<16xi32>], vector<16xf32>, vector<16xi1>
      %add3A_969 = arith.constant 1 : i32
      %add3A_970 = vector.broadcast %add3A_969 : i32 to vector<16xi32>
      %add3A_971 = arith.addi %add3A_966, %add3A_970 : vector<16xi32>
      %mul3A_972 = arith.constant 16 : i32
      %mul3A_973 = arith.muli %while3A_955, %mul3A_972 : i32
      %add3A_974 = arith.constant 2048 : i32
      %add3A_975 = arith.addi %add3A_974, %mul3A_973 : i32
      %get3A_976 = arith.index_cast %add3A_975 : i32 to index
      %get3A_977 = tpu.vector_load %arg12[%get3A_976] {strides = array<i32>} : memref<4096xf32, #tpu.memory_space<vmem>>, vector<16xf32>,
      tpu.vector_store_idx %arg10[%add3A_971], %get3A_977 masked %lt3A_962 : memref<32768xf32, #tpu.memory_space<vmem>>[vector<16xi32>], vector<16xf32>, vector<16xi1>
    }
    %while3A_365 = arith.constant 0 : i32
    %while3A_366 = arith.constant 0 : i32
    %while3A_367 = arith.subi %select_n3A_131, %while3A_366 : i32
    %while3A_368 = arith.addi %while3A_366, %while3A_367 : i32
    %while3A_369 = arith.constant 1 : i32
    %while3A_370 = arith.divsi %while3A_367, %while3A_369 : i32
    %while3A_371 = arith.muli %while3A_370, %while3A_369 : i32
    %while3A_372 = arith.addi %while3A_366, %while3A_371 : i32
    %while3A_373 = arith.constant 1 : i32
    scf.for %while3A_955 = %while3A_366 to %while3A_372 step %while3A_373  : i32 {
      %mul3A_956 = arith.constant 16 : i32
      %mul3A_957 = arith.muli %while3A_955, %mul3A_956 : i32
      %mul3A_958 = arith.constant 16 : i32
      %mul3A_959 = arith.muli %while3A_955, %mul3A_958 : i32
      %sub3A_960 = arith.subi %scan3A_104, %mul3A_959 : i32
      %lt3A_961 = vector.broadcast %sub3A_960 : i32 to vector<16xi32>
      %lt3A_962 = arith.cmpi slt, %iota3A, %lt3A_961 : vector<16xi32>
      %get3A = arith.index_cast %mul3A_957 : i32 to index
      %get3A_963 = tpu.vector_load %arg7[%get3A] {strides = array<i32>} : memref<2064xi32, #tpu.memory_space<vmem>>, vector<16xi32>,
      %add3A_964 = arith.constant 16384 : i32
      %add3A_965 = vector.broadcast %add3A_964 : i32 to vector<16xi32>
      %add3A_966 = arith.addi %get3A_963, %add3A_965 : vector<16xi32>
      %gather3A = tpu.vector_load_idx %arg10[%add3A_966] masked %lt3A_962 : memref<32768xf32, #tpu.memory_space<vmem>>[vector<16xi32>], vector<16xf32>, vector<16xi1>
      %swap3A_967 = arith.index_cast %mul3A_957 : i32 to index
      %swap3A_968 = tpu.vector_load %arg12[%swap3A_967] {strides = array<i32>} : memref<4096xf32, #tpu.memory_space<vmem>>, vector<16xf32>,
      tpu.vector_store %arg12[%swap3A_967], %gather3A {strides = array<i32>} : memref<4096xf32, #tpu.memory_space<vmem>>, vector<16xf32>,
      %add3A_969 = arith.constant 1 : i32
      %add3A_970 = vector.broadcast %add3A_969 : i32 to vector<16xi32>
      %add3A_971 = arith.addi %add3A_966, %add3A_970 : vector<16xi32>
      %gather3A_972 = tpu.vector_load_idx %arg10[%add3A_971] masked %lt3A_962 : memref<32768xf32, #tpu.memory_space<vmem>>[vector<16xi32>], vector<16xf32>, vector<16xi1>
      %mul3A_973 = arith.constant 16 : i32
      %mul3A_974 = arith.muli %while3A_955, %mul3A_973 : i32
      %add3A_975 = arith.constant 2048 : i32
      %add3A_976 = arith.addi %add3A_975, %mul3A_974 : i32
      %swap3A_977 = arith.index_cast %add3A_976 : i32 to index
      %swap3A_978 = tpu.vector_load %arg12[%swap3A_977] {strides = array<i32>} : memref<4096xf32, #tpu.memory_space<vmem>>, vector<16xf32>,
      tpu.vector_store %arg12[%swap3A_977], %gather3A_972 {strides = array<i32>} : memref<4096xf32, #tpu.memory_space<vmem>>, vector<16xf32>,
    }
    %while3A_374 = arith.constant 1 : i32
    scf.for %while3A_955 = %while3A_372 to %while3A_368 step %while3A_374  : i32 {
      %mul3A_956 = arith.constant 16 : i32
      %mul3A_957 = arith.muli %while3A_955, %mul3A_956 : i32
      %mul3A_958 = arith.constant 16 : i32
      %mul3A_959 = arith.muli %while3A_955, %mul3A_958 : i32
      %sub3A_960 = arith.subi %scan3A_104, %mul3A_959 : i32
      %lt3A_961 = vector.broadcast %sub3A_960 : i32 to vector<16xi32>
      %lt3A_962 = arith.cmpi slt, %iota3A, %lt3A_961 : vector<16xi32>
      %get3A = arith.index_cast %mul3A_957 : i32 to index
      %get3A_963 = tpu.vector_load %arg7[%get3A] {strides = array<i32>} : memref<2064xi32, #tpu.memory_space<vmem>>, vector<16xi32>,
      %add3A_964 = arith.constant 16384 : i32
      %add3A_965 = vector.broadcast %add3A_964 : i32 to vector<16xi32>
      %add3A_966 = arith.addi %get3A_963, %add3A_965 : vector<16xi32>
      %gather3A = tpu.vector_load_idx %arg10[%add3A_966] masked %lt3A_962 : memref<32768xf32, #tpu.memory_space<vmem>>[vector<16xi32>], vector<16xf32>, vector<16xi1>
      %swap3A_967 = arith.index_cast %mul3A_957 : i32 to index
      %swap3A_968 = tpu.vector_load %arg12[%swap3A_967] {strides = array<i32>} : memref<4096xf32, #tpu.memory_space<vmem>>, vector<16xf32>,
      tpu.vector_store %arg12[%swap3A_967], %gather3A {strides = array<i32>} : memref<4096xf32, #tpu.memory_space<vmem>>, vector<16xf32>,
      %add3A_969 = arith.constant 1 : i32
      %add3A_970 = vector.broadcast %add3A_969 : i32 to vector<16xi32>
      %add3A_971 = arith.addi %add3A_966, %add3A_970 : vector<16xi32>
      %gather3A_972 = tpu.vector_load_idx %arg10[%add3A_971] masked %lt3A_962 : memref<32768xf32, #tpu.memory_space<vmem>>[vector<16xi32>], vector<16xf32>, vector<16xi1>
      %mul3A_973 = arith.constant 16 : i32
      %mul3A_974 = arith.muli %while3A_955, %mul3A_973 : i32
      %add3A_975 = arith.constant 2048 : i32
      %add3A_976 = arith.addi %add3A_975, %mul3A_974 : i32
      %swap3A_977 = arith.index_cast %add3A_976 : i32 to index
      %swap3A_978 = tpu.vector_load %arg12[%swap3A_977] {strides = array<i32>} : memref<4096xf32, #tpu.memory_space<vmem>>, vector<16xf32>,
      tpu.vector_store %arg12[%swap3A_977], %gather3A_972 {strides = array<i32>} : memref<4096xf32, #tpu.memory_space<vmem>>, vector<16xf32>,
    }
    %while3A_375 = arith.constant 0 : i32
    %while3A_376 = arith.constant 0 : i32
    %while3A_377 = arith.subi %select_n3A_131, %while3A_376 : i32
    %while3A_378 = arith.addi %while3A_376, %while3A_377 : i32
    %while3A_379 = arith.constant 1 : i32
    %while3A_380 = arith.divsi %while3A_377, %while3A_379 : i32
    %while3A_381 = arith.muli %while3A_380, %while3A_379 : i32
    %while3A_382 = arith.addi %while3A_376, %while3A_381 : i32
    %while3A_383 = arith.constant 1 : i32
    scf.for %while3A_955 = %while3A_376 to %while3A_382 step %while3A_383  : i32 {
      %mul3A_956 = arith.constant 16 : i32
      %mul3A_957 = arith.muli %while3A_955, %mul3A_956 : i32
      %mul3A_958 = arith.constant 16 : i32
      %mul3A_959 = arith.muli %while3A_955, %mul3A_958 : i32
      %sub3A_960 = arith.subi %scan3A_104, %mul3A_959 : i32
      %lt3A_961 = vector.broadcast %sub3A_960 : i32 to vector<16xi32>
      %lt3A_962 = arith.cmpi slt, %iota3A, %lt3A_961 : vector<16xi32>
      %get3A = arith.index_cast %mul3A_957 : i32 to index
      %get3A_963 = tpu.vector_load %arg8[%get3A] {strides = array<i32>} : memref<2064xi32, #tpu.memory_space<vmem>>, vector<16xi32>,
      %add3A_964 = arith.constant 16384 : i32
      %add3A_965 = vector.broadcast %add3A_964 : i32 to vector<16xi32>
      %add3A_966 = arith.addi %get3A_963, %add3A_965 : vector<16xi32>
      %get3A_967 = arith.index_cast %mul3A_957 : i32 to index
      %get3A_968 = tpu.vector_load %arg12[%get3A_967] {strides = array<i32>} : memref<4096xf32, #tpu.memory_space<vmem>>, vector<16xf32>,
      tpu.vector_store_idx %arg10[%add3A_966], %get3A_968 masked %lt3A_962 : memref<32768xf32, #tpu.memory_space<vmem>>[vector<16xi32>], vector<16xf32>, vector<16xi1>
      %add3A_969 = arith.constant 1 : i32
      %add3A_970 = vector.broadcast %add3A_969 : i32 to vector<16xi32>
      %add3A_971 = arith.addi %add3A_966, %add3A_970 : vector<16xi32>
      %mul3A_972 = arith.constant 16 : i32
      %mul3A_973 = arith.muli %while3A_955, %mul3A_972 : i32
      %add3A_974 = arith.constant 2048 : i32
      %add3A_975 = arith.addi %add3A_974, %mul3A_973 : i32
      %get3A_976 = arith.index_cast %add3A_975 : i32 to index
      %get3A_977 = tpu.vector_load %arg12[%get3A_976] {strides = array<i32>} : memref<4096xf32, #tpu.memory_space<vmem>>, vector<16xf32>,
      tpu.vector_store_idx %arg10[%add3A_971], %get3A_977 masked %lt3A_962 : memref<32768xf32, #tpu.memory_space<vmem>>[vector<16xi32>], vector<16xf32>, vector<16xi1>
    }
    %while3A_384 = arith.constant 1 : i32
    scf.for %while3A_955 = %while3A_382 to %while3A_378 step %while3A_384  : i32 {
      %mul3A_956 = arith.constant 16 : i32
      %mul3A_957 = arith.muli %while3A_955, %mul3A_956 : i32
      %mul3A_958 = arith.constant 16 : i32
      %mul3A_959 = arith.muli %while3A_955, %mul3A_958 : i32
      %sub3A_960 = arith.subi %scan3A_104, %mul3A_959 : i32
      %lt3A_961 = vector.broadcast %sub3A_960 : i32 to vector<16xi32>
      %lt3A_962 = arith.cmpi slt, %iota3A, %lt3A_961 : vector<16xi32>
      %get3A = arith.index_cast %mul3A_957 : i32 to index
      %get3A_963 = tpu.vector_load %arg8[%get3A] {strides = array<i32>} : memref<2064xi32, #tpu.memory_space<vmem>>, vector<16xi32>,
      %add3A_964 = arith.constant 16384 : i32
      %add3A_965 = vector.broadcast %add3A_964 : i32 to vector<16xi32>
      %add3A_966 = arith.addi %get3A_963, %add3A_965 : vector<16xi32>
      %get3A_967 = arith.index_cast %mul3A_957 : i32 to index
      %get3A_968 = tpu.vector_load %arg12[%get3A_967] {strides = array<i32>} : memref<4096xf32, #tpu.memory_space<vmem>>, vector<16xf32>,
      tpu.vector_store_idx %arg10[%add3A_966], %get3A_968 masked %lt3A_962 : memref<32768xf32, #tpu.memory_space<vmem>>[vector<16xi32>], vector<16xf32>, vector<16xi1>
      %add3A_969 = arith.constant 1 : i32
      %add3A_970 = vector.broadcast %add3A_969 : i32 to vector<16xi32>
      %add3A_971 = arith.addi %add3A_966, %add3A_970 : vector<16xi32>
      %mul3A_972 = arith.constant 16 : i32
      %mul3A_973 = arith.muli %while3A_955, %mul3A_972 : i32
      %add3A_974 = arith.constant 2048 : i32
      %add3A_975 = arith.addi %add3A_974, %mul3A_973 : i32
      %get3A_976 = arith.index_cast %add3A_975 : i32 to index
      %get3A_977 = tpu.vector_load %arg12[%get3A_976] {strides = array<i32>} : memref<4096xf32, #tpu.memory_space<vmem>>, vector<16xf32>,
      tpu.vector_store_idx %arg10[%add3A_971], %get3A_977 masked %lt3A_962 : memref<32768xf32, #tpu.memory_space<vmem>>[vector<16xi32>], vector<16xf32>, vector<16xi1>
    }
    %add3A_385 = arith.constant 131072 : i32
    %add3A_386 = arith.addi %mul3A_37, %add3A_385 : i32
    %dma_start3A_387 = tpu.memref_slice %arg4[%add3A_386] : memref<16777216xf32, #tpu.memory_space<hbm>> -> memref<32768xf32, #tpu.memory_space<hbm>>
    %dma_start3A_388 = tpu.memref_slice %arg4[%add3A_386] : memref<16777216xf32, #tpu.memory_space<hbm>> -> memref<32768xf32, #tpu.memory_space<hbm>>
    tpu.enqueue_dma source(%arg10 : memref<32768xf32, #tpu.memory_space<vmem>>) target(%dma_start3A_388 : memref<32768xf32, #tpu.memory_space<hbm>>) target_semaphore(%arg17 : memref<!tpu.dma_semaphore, #tpu.memory_space<semaphore_mem>>)
    %dma_wait3A_389 = tpu.memref_slice %arg4[%add3A_386] : memref<16777216xf32, #tpu.memory_space<hbm>> -> memref<32768xf32, #tpu.memory_space<hbm>>
    %dma_wait3A_390 = tpu.memref_slice %arg4[%add3A_386] : memref<16777216xf32, #tpu.memory_space<hbm>> -> memref<32768xf32, #tpu.memory_space<hbm>>
    tpu.wait_dma2 semaphore(%arg17 : memref<!tpu.dma_semaphore, #tpu.memory_space<semaphore_mem>>) src(%arg10 : memref<32768xf32, #tpu.memory_space<vmem>>) dst(%dma_wait3A_390 : memref<32768xf32, #tpu.memory_space<hbm>>)
    %add3A_391 = arith.constant 229376 : i32
    %add3A_392 = arith.addi %mul3A_37, %add3A_391 : i32
    %dma_start3A_393 = tpu.memref_slice %arg2[%add3A_392] : memref<16777216xf32, #tpu.memory_space<hbm>> -> memref<32768xf32, #tpu.memory_space<hbm>>
    %dma_start3A_394 = tpu.memref_slice %arg2[%add3A_392] : memref<16777216xf32, #tpu.memory_space<hbm>> -> memref<32768xf32, #tpu.memory_space<hbm>>
    tpu.enqueue_dma source(%dma_start3A_394 : memref<32768xf32, #tpu.memory_space<hbm>>) target(%arg10 : memref<32768xf32, #tpu.memory_space<vmem>>) target_semaphore(%arg14 : memref<!tpu.dma_semaphore, #tpu.memory_space<semaphore_mem>>)
    %dma_wait3A_395 = tpu.memref_slice %arg2[%add3A_288] : memref<16777216xf32, #tpu.memory_space<hbm>> -> memref<32768xf32, #tpu.memory_space<hbm>>
    %dma_wait3A_396 = tpu.memref_slice %arg2[%add3A_288] : memref<16777216xf32, #tpu.memory_space<hbm>> -> memref<32768xf32, #tpu.memory_space<hbm>>
    tpu.wait_dma2 semaphore(%arg15 : memref<!tpu.dma_semaphore, #tpu.memory_space<semaphore_mem>>) src(%dma_wait3A_396 : memref<32768xf32, #tpu.memory_space<hbm>>) dst(%arg11 : memref<32768xf32, #tpu.memory_space<vmem>>)
    %while3A_397 = arith.constant 0 : i32
    %while3A_398 = arith.constant 0 : i32
    %while3A_399 = arith.subi %select_n3A_131, %while3A_398 : i32
    %while3A_400 = arith.addi %while3A_398, %while3A_399 : i32
    %while3A_401 = arith.constant 1 : i32
    %while3A_402 = arith.divsi %while3A_399, %while3A_401 : i32
    %while3A_403 = arith.muli %while3A_402, %while3A_401 : i32
    %while3A_404 = arith.addi %while3A_398, %while3A_403 : i32
    %while3A_405 = arith.constant 1 : i32
    scf.for %while3A_955 = %while3A_398 to %while3A_404 step %while3A_405  : i32 {
      %mul3A_956 = arith.constant 16 : i32
      %mul3A_957 = arith.muli %while3A_955, %mul3A_956 : i32
      %mul3A_958 = arith.constant 16 : i32
      %mul3A_959 = arith.muli %while3A_955, %mul3A_958 : i32
      %sub3A_960 = arith.subi %scan3A_104, %mul3A_959 : i32
      %lt3A_961 = vector.broadcast %sub3A_960 : i32 to vector<16xi32>
      %lt3A_962 = arith.cmpi slt, %iota3A, %lt3A_961 : vector<16xi32>
      %get3A = arith.index_cast %mul3A_957 : i32 to index
      %get3A_963 = tpu.vector_load %arg7[%get3A] {strides = array<i32>} : memref<2064xi32, #tpu.memory_space<vmem>>, vector<16xi32>,
      %add3A_964 = arith.constant 0 : i32
      %add3A_965 = vector.broadcast %add3A_964 : i32 to vector<16xi32>
      %add3A_966 = arith.addi %get3A_963, %add3A_965 : vector<16xi32>
      %gather3A = tpu.vector_load_idx %arg11[%add3A_966] masked %lt3A_962 : memref<32768xf32, #tpu.memory_space<vmem>>[vector<16xi32>], vector<16xf32>, vector<16xi1>
      %swap3A_967 = arith.index_cast %mul3A_957 : i32 to index
      %swap3A_968 = tpu.vector_load %arg12[%swap3A_967] {strides = array<i32>} : memref<4096xf32, #tpu.memory_space<vmem>>, vector<16xf32>,
      tpu.vector_store %arg12[%swap3A_967], %gather3A {strides = array<i32>} : memref<4096xf32, #tpu.memory_space<vmem>>, vector<16xf32>,
      %add3A_969 = arith.constant 1 : i32
      %add3A_970 = vector.broadcast %add3A_969 : i32 to vector<16xi32>
      %add3A_971 = arith.addi %add3A_966, %add3A_970 : vector<16xi32>
      %gather3A_972 = tpu.vector_load_idx %arg11[%add3A_971] masked %lt3A_962 : memref<32768xf32, #tpu.memory_space<vmem>>[vector<16xi32>], vector<16xf32>, vector<16xi1>
      %mul3A_973 = arith.constant 16 : i32
      %mul3A_974 = arith.muli %while3A_955, %mul3A_973 : i32
      %add3A_975 = arith.constant 2048 : i32
      %add3A_976 = arith.addi %add3A_975, %mul3A_974 : i32
      %swap3A_977 = arith.index_cast %add3A_976 : i32 to index
      %swap3A_978 = tpu.vector_load %arg12[%swap3A_977] {strides = array<i32>} : memref<4096xf32, #tpu.memory_space<vmem>>, vector<16xf32>,
      tpu.vector_store %arg12[%swap3A_977], %gather3A_972 {strides = array<i32>} : memref<4096xf32, #tpu.memory_space<vmem>>, vector<16xf32>,
    }
    %while3A_406 = arith.constant 1 : i32
    scf.for %while3A_955 = %while3A_404 to %while3A_400 step %while3A_406  : i32 {
      %mul3A_956 = arith.constant 16 : i32
      %mul3A_957 = arith.muli %while3A_955, %mul3A_956 : i32
      %mul3A_958 = arith.constant 16 : i32
      %mul3A_959 = arith.muli %while3A_955, %mul3A_958 : i32
      %sub3A_960 = arith.subi %scan3A_104, %mul3A_959 : i32
      %lt3A_961 = vector.broadcast %sub3A_960 : i32 to vector<16xi32>
      %lt3A_962 = arith.cmpi slt, %iota3A, %lt3A_961 : vector<16xi32>
      %get3A = arith.index_cast %mul3A_957 : i32 to index
      %get3A_963 = tpu.vector_load %arg7[%get3A] {strides = array<i32>} : memref<2064xi32, #tpu.memory_space<vmem>>, vector<16xi32>,
      %add3A_964 = arith.constant 0 : i32
      %add3A_965 = vector.broadcast %add3A_964 : i32 to vector<16xi32>
      %add3A_966 = arith.addi %get3A_963, %add3A_965 : vector<16xi32>
      %gather3A = tpu.vector_load_idx %arg11[%add3A_966] masked %lt3A_962 : memref<32768xf32, #tpu.memory_space<vmem>>[vector<16xi32>], vector<16xf32>, vector<16xi1>
      %swap3A_967 = arith.index_cast %mul3A_957 : i32 to index
      %swap3A_968 = tpu.vector_load %arg12[%swap3A_967] {strides = array<i32>} : memref<4096xf32, #tpu.memory_space<vmem>>, vector<16xf32>,
      tpu.vector_store %arg12[%swap3A_967], %gather3A {strides = array<i32>} : memref<4096xf32, #tpu.memory_space<vmem>>, vector<16xf32>,
      %add3A_969 = arith.constant 1 : i32
      %add3A_970 = vector.broadcast %add3A_969 : i32 to vector<16xi32>
      %add3A_971 = arith.addi %add3A_966, %add3A_970 : vector<16xi32>
      %gather3A_972 = tpu.vector_load_idx %arg11[%add3A_971] masked %lt3A_962 : memref<32768xf32, #tpu.memory_space<vmem>>[vector<16xi32>], vector<16xf32>, vector<16xi1>
      %mul3A_973 = arith.constant 16 : i32
      %mul3A_974 = arith.muli %while3A_955, %mul3A_973 : i32
      %add3A_975 = arith.constant 2048 : i32
      %add3A_976 = arith.addi %add3A_975, %mul3A_974 : i32
      %swap3A_977 = arith.index_cast %add3A_976 : i32 to index
      %swap3A_978 = tpu.vector_load %arg12[%swap3A_977] {strides = array<i32>} : memref<4096xf32, #tpu.memory_space<vmem>>, vector<16xf32>,
      tpu.vector_store %arg12[%swap3A_977], %gather3A_972 {strides = array<i32>} : memref<4096xf32, #tpu.memory_space<vmem>>, vector<16xf32>,
    }
    %while3A_407 = arith.constant 0 : i32
    %while3A_408 = arith.constant 0 : i32
    %while3A_409 = arith.subi %select_n3A_131, %while3A_408 : i32
    %while3A_410 = arith.addi %while3A_408, %while3A_409 : i32
    %while3A_411 = arith.constant 1 : i32
    %while3A_412 = arith.divsi %while3A_409, %while3A_411 : i32
    %while3A_413 = arith.muli %while3A_412, %while3A_411 : i32
    %while3A_414 = arith.addi %while3A_408, %while3A_413 : i32
    %while3A_415 = arith.constant 1 : i32
    scf.for %while3A_955 = %while3A_408 to %while3A_414 step %while3A_415  : i32 {
      %mul3A_956 = arith.constant 16 : i32
      %mul3A_957 = arith.muli %while3A_955, %mul3A_956 : i32
      %mul3A_958 = arith.constant 16 : i32
      %mul3A_959 = arith.muli %while3A_955, %mul3A_958 : i32
      %sub3A_960 = arith.subi %scan3A_104, %mul3A_959 : i32
      %lt3A_961 = vector.broadcast %sub3A_960 : i32 to vector<16xi32>
      %lt3A_962 = arith.cmpi slt, %iota3A, %lt3A_961 : vector<16xi32>
      %get3A = arith.index_cast %mul3A_957 : i32 to index
      %get3A_963 = tpu.vector_load %arg8[%get3A] {strides = array<i32>} : memref<2064xi32, #tpu.memory_space<vmem>>, vector<16xi32>,
      %add3A_964 = arith.constant 0 : i32
      %add3A_965 = vector.broadcast %add3A_964 : i32 to vector<16xi32>
      %add3A_966 = arith.addi %get3A_963, %add3A_965 : vector<16xi32>
      %get3A_967 = arith.index_cast %mul3A_957 : i32 to index
      %get3A_968 = tpu.vector_load %arg12[%get3A_967] {strides = array<i32>} : memref<4096xf32, #tpu.memory_space<vmem>>, vector<16xf32>,
      tpu.vector_store_idx %arg11[%add3A_966], %get3A_968 masked %lt3A_962 : memref<32768xf32, #tpu.memory_space<vmem>>[vector<16xi32>], vector<16xf32>, vector<16xi1>
      %add3A_969 = arith.constant 1 : i32
      %add3A_970 = vector.broadcast %add3A_969 : i32 to vector<16xi32>
      %add3A_971 = arith.addi %add3A_966, %add3A_970 : vector<16xi32>
      %mul3A_972 = arith.constant 16 : i32
      %mul3A_973 = arith.muli %while3A_955, %mul3A_972 : i32
      %add3A_974 = arith.constant 2048 : i32
      %add3A_975 = arith.addi %add3A_974, %mul3A_973 : i32
      %get3A_976 = arith.index_cast %add3A_975 : i32 to index
      %get3A_977 = tpu.vector_load %arg12[%get3A_976] {strides = array<i32>} : memref<4096xf32, #tpu.memory_space<vmem>>, vector<16xf32>,
      tpu.vector_store_idx %arg11[%add3A_971], %get3A_977 masked %lt3A_962 : memref<32768xf32, #tpu.memory_space<vmem>>[vector<16xi32>], vector<16xf32>, vector<16xi1>
    }
    %while3A_416 = arith.constant 1 : i32
    scf.for %while3A_955 = %while3A_414 to %while3A_410 step %while3A_416  : i32 {
      %mul3A_956 = arith.constant 16 : i32
      %mul3A_957 = arith.muli %while3A_955, %mul3A_956 : i32
      %mul3A_958 = arith.constant 16 : i32
      %mul3A_959 = arith.muli %while3A_955, %mul3A_958 : i32
      %sub3A_960 = arith.subi %scan3A_104, %mul3A_959 : i32
      %lt3A_961 = vector.broadcast %sub3A_960 : i32 to vector<16xi32>
      %lt3A_962 = arith.cmpi slt, %iota3A, %lt3A_961 : vector<16xi32>
      %get3A = arith.index_cast %mul3A_957 : i32 to index
      %get3A_963 = tpu.vector_load %arg8[%get3A] {strides = array<i32>} : memref<2064xi32, #tpu.memory_space<vmem>>, vector<16xi32>,
      %add3A_964 = arith.constant 0 : i32
      %add3A_965 = vector.broadcast %add3A_964 : i32 to vector<16xi32>
      %add3A_966 = arith.addi %get3A_963, %add3A_965 : vector<16xi32>
      %get3A_967 = arith.index_cast %mul3A_957 : i32 to index
      %get3A_968 = tpu.vector_load %arg12[%get3A_967] {strides = array<i32>} : memref<4096xf32, #tpu.memory_space<vmem>>, vector<16xf32>,
      tpu.vector_store_idx %arg11[%add3A_966], %get3A_968 masked %lt3A_962 : memref<32768xf32, #tpu.memory_space<vmem>>[vector<16xi32>], vector<16xf32>, vector<16xi1>
      %add3A_969 = arith.constant 1 : i32
      %add3A_970 = vector.broadcast %add3A_969 : i32 to vector<16xi32>
      %add3A_971 = arith.addi %add3A_966, %add3A_970 : vector<16xi32>
      %mul3A_972 = arith.constant 16 : i32
      %mul3A_973 = arith.muli %while3A_955, %mul3A_972 : i32
      %add3A_974 = arith.constant 2048 : i32
      %add3A_975 = arith.addi %add3A_974, %mul3A_973 : i32
      %get3A_976 = arith.index_cast %add3A_975 : i32 to index
      %get3A_977 = tpu.vector_load %arg12[%get3A_976] {strides = array<i32>} : memref<4096xf32, #tpu.memory_space<vmem>>, vector<16xf32>,
      tpu.vector_store_idx %arg11[%add3A_971], %get3A_977 masked %lt3A_962 : memref<32768xf32, #tpu.memory_space<vmem>>[vector<16xi32>], vector<16xf32>, vector<16xi1>
    }
    %while3A_417 = arith.constant 0 : i32
    %while3A_418 = arith.constant 0 : i32
    %while3A_419 = arith.subi %select_n3A_131, %while3A_418 : i32
    %while3A_420 = arith.addi %while3A_418, %while3A_419 : i32
    %while3A_421 = arith.constant 1 : i32
    %while3A_422 = arith.divsi %while3A_419, %while3A_421 : i32
    %while3A_423 = arith.muli %while3A_422, %while3A_421 : i32
    %while3A_424 = arith.addi %while3A_418, %while3A_423 : i32
    %while3A_425 = arith.constant 1 : i32
    scf.for %while3A_955 = %while3A_418 to %while3A_424 step %while3A_425  : i32 {
      %mul3A_956 = arith.constant 16 : i32
      %mul3A_957 = arith.muli %while3A_955, %mul3A_956 : i32
      %mul3A_958 = arith.constant 16 : i32
      %mul3A_959 = arith.muli %while3A_955, %mul3A_958 : i32
      %sub3A_960 = arith.subi %scan3A_104, %mul3A_959 : i32
      %lt3A_961 = vector.broadcast %sub3A_960 : i32 to vector<16xi32>
      %lt3A_962 = arith.cmpi slt, %iota3A, %lt3A_961 : vector<16xi32>
      %get3A = arith.index_cast %mul3A_957 : i32 to index
      %get3A_963 = tpu.vector_load %arg7[%get3A] {strides = array<i32>} : memref<2064xi32, #tpu.memory_space<vmem>>, vector<16xi32>,
      %add3A_964 = arith.constant 16384 : i32
      %add3A_965 = vector.broadcast %add3A_964 : i32 to vector<16xi32>
      %add3A_966 = arith.addi %get3A_963, %add3A_965 : vector<16xi32>
      %gather3A = tpu.vector_load_idx %arg11[%add3A_966] masked %lt3A_962 : memref<32768xf32, #tpu.memory_space<vmem>>[vector<16xi32>], vector<16xf32>, vector<16xi1>
      %swap3A_967 = arith.index_cast %mul3A_957 : i32 to index
      %swap3A_968 = tpu.vector_load %arg12[%swap3A_967] {strides = array<i32>} : memref<4096xf32, #tpu.memory_space<vmem>>, vector<16xf32>,
      tpu.vector_store %arg12[%swap3A_967], %gather3A {strides = array<i32>} : memref<4096xf32, #tpu.memory_space<vmem>>, vector<16xf32>,
      %add3A_969 = arith.constant 1 : i32
      %add3A_970 = vector.broadcast %add3A_969 : i32 to vector<16xi32>
      %add3A_971 = arith.addi %add3A_966, %add3A_970 : vector<16xi32>
      %gather3A_972 = tpu.vector_load_idx %arg11[%add3A_971] masked %lt3A_962 : memref<32768xf32, #tpu.memory_space<vmem>>[vector<16xi32>], vector<16xf32>, vector<16xi1>
      %mul3A_973 = arith.constant 16 : i32
      %mul3A_974 = arith.muli %while3A_955, %mul3A_973 : i32
      %add3A_975 = arith.constant 2048 : i32
      %add3A_976 = arith.addi %add3A_975, %mul3A_974 : i32
      %swap3A_977 = arith.index_cast %add3A_976 : i32 to index
      %swap3A_978 = tpu.vector_load %arg12[%swap3A_977] {strides = array<i32>} : memref<4096xf32, #tpu.memory_space<vmem>>, vector<16xf32>,
      tpu.vector_store %arg12[%swap3A_977], %gather3A_972 {strides = array<i32>} : memref<4096xf32, #tpu.memory_space<vmem>>, vector<16xf32>,
    }
    %while3A_426 = arith.constant 1 : i32
    scf.for %while3A_955 = %while3A_424 to %while3A_420 step %while3A_426  : i32 {
      %mul3A_956 = arith.constant 16 : i32
      %mul3A_957 = arith.muli %while3A_955, %mul3A_956 : i32
      %mul3A_958 = arith.constant 16 : i32
      %mul3A_959 = arith.muli %while3A_955, %mul3A_958 : i32
      %sub3A_960 = arith.subi %scan3A_104, %mul3A_959 : i32
      %lt3A_961 = vector.broadcast %sub3A_960 : i32 to vector<16xi32>
      %lt3A_962 = arith.cmpi slt, %iota3A, %lt3A_961 : vector<16xi32>
      %get3A = arith.index_cast %mul3A_957 : i32 to index
      %get3A_963 = tpu.vector_load %arg7[%get3A] {strides = array<i32>} : memref<2064xi32, #tpu.memory_space<vmem>>, vector<16xi32>,
      %add3A_964 = arith.constant 16384 : i32
      %add3A_965 = vector.broadcast %add3A_964 : i32 to vector<16xi32>
      %add3A_966 = arith.addi %get3A_963, %add3A_965 : vector<16xi32>
      %gather3A = tpu.vector_load_idx %arg11[%add3A_966] masked %lt3A_962 : memref<32768xf32, #tpu.memory_space<vmem>>[vector<16xi32>], vector<16xf32>, vector<16xi1>
      %swap3A_967 = arith.index_cast %mul3A_957 : i32 to index
      %swap3A_968 = tpu.vector_load %arg12[%swap3A_967] {strides = array<i32>} : memref<4096xf32, #tpu.memory_space<vmem>>, vector<16xf32>,
      tpu.vector_store %arg12[%swap3A_967], %gather3A {strides = array<i32>} : memref<4096xf32, #tpu.memory_space<vmem>>, vector<16xf32>,
      %add3A_969 = arith.constant 1 : i32
      %add3A_970 = vector.broadcast %add3A_969 : i32 to vector<16xi32>
      %add3A_971 = arith.addi %add3A_966, %add3A_970 : vector<16xi32>
      %gather3A_972 = tpu.vector_load_idx %arg11[%add3A_971] masked %lt3A_962 : memref<32768xf32, #tpu.memory_space<vmem>>[vector<16xi32>], vector<16xf32>, vector<16xi1>
      %mul3A_973 = arith.constant 16 : i32
      %mul3A_974 = arith.muli %while3A_955, %mul3A_973 : i32
      %add3A_975 = arith.constant 2048 : i32
      %add3A_976 = arith.addi %add3A_975, %mul3A_974 : i32
      %swap3A_977 = arith.index_cast %add3A_976 : i32 to index
      %swap3A_978 = tpu.vector_load %arg12[%swap3A_977] {strides = array<i32>} : memref<4096xf32, #tpu.memory_space<vmem>>, vector<16xf32>,
      tpu.vector_store %arg12[%swap3A_977], %gather3A_972 {strides = array<i32>} : memref<4096xf32, #tpu.memory_space<vmem>>, vector<16xf32>,
    }
    %while3A_427 = arith.constant 0 : i32
    %while3A_428 = arith.constant 0 : i32
    %while3A_429 = arith.subi %select_n3A_131, %while3A_428 : i32
    %while3A_430 = arith.addi %while3A_428, %while3A_429 : i32
    %while3A_431 = arith.constant 1 : i32
    %while3A_432 = arith.divsi %while3A_429, %while3A_431 : i32
    %while3A_433 = arith.muli %while3A_432, %while3A_431 : i32
    %while3A_434 = arith.addi %while3A_428, %while3A_433 : i32
    %while3A_435 = arith.constant 1 : i32
    scf.for %while3A_955 = %while3A_428 to %while3A_434 step %while3A_435  : i32 {
      %mul3A_956 = arith.constant 16 : i32
      %mul3A_957 = arith.muli %while3A_955, %mul3A_956 : i32
      %mul3A_958 = arith.constant 16 : i32
      %mul3A_959 = arith.muli %while3A_955, %mul3A_958 : i32
      %sub3A_960 = arith.subi %scan3A_104, %mul3A_959 : i32
      %lt3A_961 = vector.broadcast %sub3A_960 : i32 to vector<16xi32>
      %lt3A_962 = arith.cmpi slt, %iota3A, %lt3A_961 : vector<16xi32>
      %get3A = arith.index_cast %mul3A_957 : i32 to index
      %get3A_963 = tpu.vector_load %arg8[%get3A] {strides = array<i32>} : memref<2064xi32, #tpu.memory_space<vmem>>, vector<16xi32>,
      %add3A_964 = arith.constant 16384 : i32
      %add3A_965 = vector.broadcast %add3A_964 : i32 to vector<16xi32>
      %add3A_966 = arith.addi %get3A_963, %add3A_965 : vector<16xi32>
      %get3A_967 = arith.index_cast %mul3A_957 : i32 to index
      %get3A_968 = tpu.vector_load %arg12[%get3A_967] {strides = array<i32>} : memref<4096xf32, #tpu.memory_space<vmem>>, vector<16xf32>,
      tpu.vector_store_idx %arg11[%add3A_966], %get3A_968 masked %lt3A_962 : memref<32768xf32, #tpu.memory_space<vmem>>[vector<16xi32>], vector<16xf32>, vector<16xi1>
      %add3A_969 = arith.constant 1 : i32
      %add3A_970 = vector.broadcast %add3A_969 : i32 to vector<16xi32>
      %add3A_971 = arith.addi %add3A_966, %add3A_970 : vector<16xi32>
      %mul3A_972 = arith.constant 16 : i32
      %mul3A_973 = arith.muli %while3A_955, %mul3A_972 : i32
      %add3A_974 = arith.constant 2048 : i32
      %add3A_975 = arith.addi %add3A_974, %mul3A_973 : i32
      %get3A_976 = arith.index_cast %add3A_975 : i32 to index
      %get3A_977 = tpu.vector_load %arg12[%get3A_976] {strides = array<i32>} : memref<4096xf32, #tpu.memory_space<vmem>>, vector<16xf32>,
      tpu.vector_store_idx %arg11[%add3A_971], %get3A_977 masked %lt3A_962 : memref<32768xf32, #tpu.memory_space<vmem>>[vector<16xi32>], vector<16xf32>, vector<16xi1>
    }
    %while3A_436 = arith.constant 1 : i32
    scf.for %while3A_955 = %while3A_434 to %while3A_430 step %while3A_436  : i32 {
      %mul3A_956 = arith.constant 16 : i32
      %mul3A_957 = arith.muli %while3A_955, %mul3A_956 : i32
      %mul3A_958 = arith.constant 16 : i32
      %mul3A_959 = arith.muli %while3A_955, %mul3A_958 : i32
      %sub3A_960 = arith.subi %scan3A_104, %mul3A_959 : i32
      %lt3A_961 = vector.broadcast %sub3A_960 : i32 to vector<16xi32>
      %lt3A_962 = arith.cmpi slt, %iota3A, %lt3A_961 : vector<16xi32>
      %get3A = arith.index_cast %mul3A_957 : i32 to index
      %get3A_963 = tpu.vector_load %arg8[%get3A] {strides = array<i32>} : memref<2064xi32, #tpu.memory_space<vmem>>, vector<16xi32>,
      %add3A_964 = arith.constant 16384 : i32
      %add3A_965 = vector.broadcast %add3A_964 : i32 to vector<16xi32>
      %add3A_966 = arith.addi %get3A_963, %add3A_965 : vector<16xi32>
      %get3A_967 = arith.index_cast %mul3A_957 : i32 to index
      %get3A_968 = tpu.vector_load %arg12[%get3A_967] {strides = array<i32>} : memref<4096xf32, #tpu.memory_space<vmem>>, vector<16xf32>,
      tpu.vector_store_idx %arg11[%add3A_966], %get3A_968 masked %lt3A_962 : memref<32768xf32, #tpu.memory_space<vmem>>[vector<16xi32>], vector<16xf32>, vector<16xi1>
      %add3A_969 = arith.constant 1 : i32
      %add3A_970 = vector.broadcast %add3A_969 : i32 to vector<16xi32>
      %add3A_971 = arith.addi %add3A_966, %add3A_970 : vector<16xi32>
      %mul3A_972 = arith.constant 16 : i32
      %mul3A_973 = arith.muli %while3A_955, %mul3A_972 : i32
      %add3A_974 = arith.constant 2048 : i32
      %add3A_975 = arith.addi %add3A_974, %mul3A_973 : i32
      %get3A_976 = arith.index_cast %add3A_975 : i32 to index
      %get3A_977 = tpu.vector_load %arg12[%get3A_976] {strides = array<i32>} : memref<4096xf32, #tpu.memory_space<vmem>>, vector<16xf32>,
      tpu.vector_store_idx %arg11[%add3A_971], %get3A_977 masked %lt3A_962 : memref<32768xf32, #tpu.memory_space<vmem>>[vector<16xi32>], vector<16xf32>, vector<16xi1>
    }
    %add3A_437 = arith.constant 163840 : i32
    %add3A_438 = arith.addi %mul3A_37, %add3A_437 : i32
    %dma_start3A_439 = tpu.memref_slice %arg4[%add3A_438] : memref<16777216xf32, #tpu.memory_space<hbm>> -> memref<32768xf32, #tpu.memory_space<hbm>>
    %dma_start3A_440 = tpu.memref_slice %arg4[%add3A_438] : memref<16777216xf32, #tpu.memory_space<hbm>> -> memref<32768xf32, #tpu.memory_space<hbm>>
    tpu.enqueue_dma source(%arg11 : memref<32768xf32, #tpu.memory_space<vmem>>) target(%dma_start3A_440 : memref<32768xf32, #tpu.memory_space<hbm>>) target_semaphore(%arg18 : memref<!tpu.dma_semaphore, #tpu.memory_space<semaphore_mem>>)
    %dma_wait3A_441 = tpu.memref_slice %arg4[%add3A_438] : memref<16777216xf32, #tpu.memory_space<hbm>> -> memref<32768xf32, #tpu.memory_space<hbm>>
    %dma_wait3A_442 = tpu.memref_slice %arg4[%add3A_438] : memref<16777216xf32, #tpu.memory_space<hbm>> -> memref<32768xf32, #tpu.memory_space<hbm>>
    tpu.wait_dma2 semaphore(%arg18 : memref<!tpu.dma_semaphore, #tpu.memory_space<semaphore_mem>>) src(%arg11 : memref<32768xf32, #tpu.memory_space<vmem>>) dst(%dma_wait3A_442 : memref<32768xf32, #tpu.memory_space<hbm>>)
    %add3A_443 = arith.constant 262144 : i32
    %add3A_444 = arith.addi %mul3A_37, %add3A_443 : i32
    %dma_start3A_445 = tpu.memref_slice %arg2[%add3A_444] : memref<16777216xf32, #tpu.memory_space<hbm>> -> memref<32768xf32, #tpu.memory_space<hbm>>
    %dma_start3A_446 = tpu.memref_slice %arg2[%add3A_444] : memref<16777216xf32, #tpu.memory_space<hbm>> -> memref<32768xf32, #tpu.memory_space<hbm>>
    tpu.enqueue_dma source(%dma_start3A_446 : memref<32768xf32, #tpu.memory_space<hbm>>) target(%arg11 : memref<32768xf32, #tpu.memory_space<vmem>>) target_semaphore(%arg15 : memref<!tpu.dma_semaphore, #tpu.memory_space<semaphore_mem>>)
    %dma_wait3A_447 = tpu.memref_slice %arg2[%add3A_340] : memref<16777216xf32, #tpu.memory_space<hbm>> -> memref<32768xf32, #tpu.memory_space<hbm>>
    %dma_wait3A_448 = tpu.memref_slice %arg2[%add3A_340] : memref<16777216xf32, #tpu.memory_space<hbm>> -> memref<32768xf32, #tpu.memory_space<hbm>>
    tpu.wait_dma2 semaphore(%arg13 : memref<!tpu.dma_semaphore, #tpu.memory_space<semaphore_mem>>) src(%dma_wait3A_448 : memref<32768xf32, #tpu.memory_space<hbm>>) dst(%arg9 : memref<32768xf32, #tpu.memory_space<vmem>>)
    %while3A_449 = arith.constant 0 : i32
    %while3A_450 = arith.constant 0 : i32
    %while3A_451 = arith.subi %select_n3A_131, %while3A_450 : i32
    %while3A_452 = arith.addi %while3A_450, %while3A_451 : i32
    %while3A_453 = arith.constant 1 : i32
    %while3A_454 = arith.divsi %while3A_451, %while3A_453 : i32
    %while3A_455 = arith.muli %while3A_454, %while3A_453 : i32
    %while3A_456 = arith.addi %while3A_450, %while3A_455 : i32
    %while3A_457 = arith.constant 1 : i32
    scf.for %while3A_955 = %while3A_450 to %while3A_456 step %while3A_457  : i32 {
      %mul3A_956 = arith.constant 16 : i32
      %mul3A_957 = arith.muli %while3A_955, %mul3A_956 : i32
      %mul3A_958 = arith.constant 16 : i32
      %mul3A_959 = arith.muli %while3A_955, %mul3A_958 : i32
      %sub3A_960 = arith.subi %scan3A_104, %mul3A_959 : i32
      %lt3A_961 = vector.broadcast %sub3A_960 : i32 to vector<16xi32>
      %lt3A_962 = arith.cmpi slt, %iota3A, %lt3A_961 : vector<16xi32>
      %get3A = arith.index_cast %mul3A_957 : i32 to index
      %get3A_963 = tpu.vector_load %arg7[%get3A] {strides = array<i32>} : memref<2064xi32, #tpu.memory_space<vmem>>, vector<16xi32>,
      %add3A_964 = arith.constant 0 : i32
      %add3A_965 = vector.broadcast %add3A_964 : i32 to vector<16xi32>
      %add3A_966 = arith.addi %get3A_963, %add3A_965 : vector<16xi32>
      %gather3A = tpu.vector_load_idx %arg9[%add3A_966] masked %lt3A_962 : memref<32768xf32, #tpu.memory_space<vmem>>[vector<16xi32>], vector<16xf32>, vector<16xi1>
      %swap3A_967 = arith.index_cast %mul3A_957 : i32 to index
      %swap3A_968 = tpu.vector_load %arg12[%swap3A_967] {strides = array<i32>} : memref<4096xf32, #tpu.memory_space<vmem>>, vector<16xf32>,
      tpu.vector_store %arg12[%swap3A_967], %gather3A {strides = array<i32>} : memref<4096xf32, #tpu.memory_space<vmem>>, vector<16xf32>,
      %add3A_969 = arith.constant 1 : i32
      %add3A_970 = vector.broadcast %add3A_969 : i32 to vector<16xi32>
      %add3A_971 = arith.addi %add3A_966, %add3A_970 : vector<16xi32>
      %gather3A_972 = tpu.vector_load_idx %arg9[%add3A_971] masked %lt3A_962 : memref<32768xf32, #tpu.memory_space<vmem>>[vector<16xi32>], vector<16xf32>, vector<16xi1>
      %mul3A_973 = arith.constant 16 : i32
      %mul3A_974 = arith.muli %while3A_955, %mul3A_973 : i32
      %add3A_975 = arith.constant 2048 : i32
      %add3A_976 = arith.addi %add3A_975, %mul3A_974 : i32
      %swap3A_977 = arith.index_cast %add3A_976 : i32 to index
      %swap3A_978 = tpu.vector_load %arg12[%swap3A_977] {strides = array<i32>} : memref<4096xf32, #tpu.memory_space<vmem>>, vector<16xf32>,
      tpu.vector_store %arg12[%swap3A_977], %gather3A_972 {strides = array<i32>} : memref<4096xf32, #tpu.memory_space<vmem>>, vector<16xf32>,
    }
    %while3A_458 = arith.constant 1 : i32
    scf.for %while3A_955 = %while3A_456 to %while3A_452 step %while3A_458  : i32 {
      %mul3A_956 = arith.constant 16 : i32
      %mul3A_957 = arith.muli %while3A_955, %mul3A_956 : i32
      %mul3A_958 = arith.constant 16 : i32
      %mul3A_959 = arith.muli %while3A_955, %mul3A_958 : i32
      %sub3A_960 = arith.subi %scan3A_104, %mul3A_959 : i32
      %lt3A_961 = vector.broadcast %sub3A_960 : i32 to vector<16xi32>
      %lt3A_962 = arith.cmpi slt, %iota3A, %lt3A_961 : vector<16xi32>
      %get3A = arith.index_cast %mul3A_957 : i32 to index
      %get3A_963 = tpu.vector_load %arg7[%get3A] {strides = array<i32>} : memref<2064xi32, #tpu.memory_space<vmem>>, vector<16xi32>,
      %add3A_964 = arith.constant 0 : i32
      %add3A_965 = vector.broadcast %add3A_964 : i32 to vector<16xi32>
      %add3A_966 = arith.addi %get3A_963, %add3A_965 : vector<16xi32>
      %gather3A = tpu.vector_load_idx %arg9[%add3A_966] masked %lt3A_962 : memref<32768xf32, #tpu.memory_space<vmem>>[vector<16xi32>], vector<16xf32>, vector<16xi1>
      %swap3A_967 = arith.index_cast %mul3A_957 : i32 to index
      %swap3A_968 = tpu.vector_load %arg12[%swap3A_967] {strides = array<i32>} : memref<4096xf32, #tpu.memory_space<vmem>>, vector<16xf32>,
      tpu.vector_store %arg12[%swap3A_967], %gather3A {strides = array<i32>} : memref<4096xf32, #tpu.memory_space<vmem>>, vector<16xf32>,
      %add3A_969 = arith.constant 1 : i32
      %add3A_970 = vector.broadcast %add3A_969 : i32 to vector<16xi32>
      %add3A_971 = arith.addi %add3A_966, %add3A_970 : vector<16xi32>
      %gather3A_972 = tpu.vector_load_idx %arg9[%add3A_971] masked %lt3A_962 : memref<32768xf32, #tpu.memory_space<vmem>>[vector<16xi32>], vector<16xf32>, vector<16xi1>
      %mul3A_973 = arith.constant 16 : i32
      %mul3A_974 = arith.muli %while3A_955, %mul3A_973 : i32
      %add3A_975 = arith.constant 2048 : i32
      %add3A_976 = arith.addi %add3A_975, %mul3A_974 : i32
      %swap3A_977 = arith.index_cast %add3A_976 : i32 to index
      %swap3A_978 = tpu.vector_load %arg12[%swap3A_977] {strides = array<i32>} : memref<4096xf32, #tpu.memory_space<vmem>>, vector<16xf32>,
      tpu.vector_store %arg12[%swap3A_977], %gather3A_972 {strides = array<i32>} : memref<4096xf32, #tpu.memory_space<vmem>>, vector<16xf32>,
    }
    %while3A_459 = arith.constant 0 : i32
    %while3A_460 = arith.constant 0 : i32
    %while3A_461 = arith.subi %select_n3A_131, %while3A_460 : i32
    %while3A_462 = arith.addi %while3A_460, %while3A_461 : i32
    %while3A_463 = arith.constant 1 : i32
    %while3A_464 = arith.divsi %while3A_461, %while3A_463 : i32
    %while3A_465 = arith.muli %while3A_464, %while3A_463 : i32
    %while3A_466 = arith.addi %while3A_460, %while3A_465 : i32
    %while3A_467 = arith.constant 1 : i32
    scf.for %while3A_955 = %while3A_460 to %while3A_466 step %while3A_467  : i32 {
      %mul3A_956 = arith.constant 16 : i32
      %mul3A_957 = arith.muli %while3A_955, %mul3A_956 : i32
      %mul3A_958 = arith.constant 16 : i32
      %mul3A_959 = arith.muli %while3A_955, %mul3A_958 : i32
      %sub3A_960 = arith.subi %scan3A_104, %mul3A_959 : i32
      %lt3A_961 = vector.broadcast %sub3A_960 : i32 to vector<16xi32>
      %lt3A_962 = arith.cmpi slt, %iota3A, %lt3A_961 : vector<16xi32>
      %get3A = arith.index_cast %mul3A_957 : i32 to index
      %get3A_963 = tpu.vector_load %arg8[%get3A] {strides = array<i32>} : memref<2064xi32, #tpu.memory_space<vmem>>, vector<16xi32>,
      %add3A_964 = arith.constant 0 : i32
      %add3A_965 = vector.broadcast %add3A_964 : i32 to vector<16xi32>
      %add3A_966 = arith.addi %get3A_963, %add3A_965 : vector<16xi32>
      %get3A_967 = arith.index_cast %mul3A_957 : i32 to index
      %get3A_968 = tpu.vector_load %arg12[%get3A_967] {strides = array<i32>} : memref<4096xf32, #tpu.memory_space<vmem>>, vector<16xf32>,
      tpu.vector_store_idx %arg9[%add3A_966], %get3A_968 masked %lt3A_962 : memref<32768xf32, #tpu.memory_space<vmem>>[vector<16xi32>], vector<16xf32>, vector<16xi1>
      %add3A_969 = arith.constant 1 : i32
      %add3A_970 = vector.broadcast %add3A_969 : i32 to vector<16xi32>
      %add3A_971 = arith.addi %add3A_966, %add3A_970 : vector<16xi32>
      %mul3A_972 = arith.constant 16 : i32
      %mul3A_973 = arith.muli %while3A_955, %mul3A_972 : i32
      %add3A_974 = arith.constant 2048 : i32
      %add3A_975 = arith.addi %add3A_974, %mul3A_973 : i32
      %get3A_976 = arith.index_cast %add3A_975 : i32 to index
      %get3A_977 = tpu.vector_load %arg12[%get3A_976] {strides = array<i32>} : memref<4096xf32, #tpu.memory_space<vmem>>, vector<16xf32>,
      tpu.vector_store_idx %arg9[%add3A_971], %get3A_977 masked %lt3A_962 : memref<32768xf32, #tpu.memory_space<vmem>>[vector<16xi32>], vector<16xf32>, vector<16xi1>
    }
    %while3A_468 = arith.constant 1 : i32
    scf.for %while3A_955 = %while3A_466 to %while3A_462 step %while3A_468  : i32 {
      %mul3A_956 = arith.constant 16 : i32
      %mul3A_957 = arith.muli %while3A_955, %mul3A_956 : i32
      %mul3A_958 = arith.constant 16 : i32
      %mul3A_959 = arith.muli %while3A_955, %mul3A_958 : i32
      %sub3A_960 = arith.subi %scan3A_104, %mul3A_959 : i32
      %lt3A_961 = vector.broadcast %sub3A_960 : i32 to vector<16xi32>
      %lt3A_962 = arith.cmpi slt, %iota3A, %lt3A_961 : vector<16xi32>
      %get3A = arith.index_cast %mul3A_957 : i32 to index
      %get3A_963 = tpu.vector_load %arg8[%get3A] {strides = array<i32>} : memref<2064xi32, #tpu.memory_space<vmem>>, vector<16xi32>,
      %add3A_964 = arith.constant 0 : i32
      %add3A_965 = vector.broadcast %add3A_964 : i32 to vector<16xi32>
      %add3A_966 = arith.addi %get3A_963, %add3A_965 : vector<16xi32>
      %get3A_967 = arith.index_cast %mul3A_957 : i32 to index
      %get3A_968 = tpu.vector_load %arg12[%get3A_967] {strides = array<i32>} : memref<4096xf32, #tpu.memory_space<vmem>>, vector<16xf32>,
      tpu.vector_store_idx %arg9[%add3A_966], %get3A_968 masked %lt3A_962 : memref<32768xf32, #tpu.memory_space<vmem>>[vector<16xi32>], vector<16xf32>, vector<16xi1>
      %add3A_969 = arith.constant 1 : i32
      %add3A_970 = vector.broadcast %add3A_969 : i32 to vector<16xi32>
      %add3A_971 = arith.addi %add3A_966, %add3A_970 : vector<16xi32>
      %mul3A_972 = arith.constant 16 : i32
      %mul3A_973 = arith.muli %while3A_955, %mul3A_972 : i32
      %add3A_974 = arith.constant 2048 : i32
      %add3A_975 = arith.addi %add3A_974, %mul3A_973 : i32
      %get3A_976 = arith.index_cast %add3A_975 : i32 to index
      %get3A_977 = tpu.vector_load %arg12[%get3A_976] {strides = array<i32>} : memref<4096xf32, #tpu.memory_space<vmem>>, vector<16xf32>,
      tpu.vector_store_idx %arg9[%add3A_971], %get3A_977 masked %lt3A_962 : memref<32768xf32, #tpu.memory_space<vmem>>[vector<16xi32>], vector<16xf32>, vector<16xi1>
    }
    %while3A_469 = arith.constant 0 : i32
    %while3A_470 = arith.constant 0 : i32
    %while3A_471 = arith.subi %select_n3A_131, %while3A_470 : i32
    %while3A_472 = arith.addi %while3A_470, %while3A_471 : i32
    %while3A_473 = arith.constant 1 : i32
    %while3A_474 = arith.divsi %while3A_471, %while3A_473 : i32
    %while3A_475 = arith.muli %while3A_474, %while3A_473 : i32
    %while3A_476 = arith.addi %while3A_470, %while3A_475 : i32
    %while3A_477 = arith.constant 1 : i32
    scf.for %while3A_955 = %while3A_470 to %while3A_476 step %while3A_477  : i32 {
      %mul3A_956 = arith.constant 16 : i32
      %mul3A_957 = arith.muli %while3A_955, %mul3A_956 : i32
      %mul3A_958 = arith.constant 16 : i32
      %mul3A_959 = arith.muli %while3A_955, %mul3A_958 : i32
      %sub3A_960 = arith.subi %scan3A_104, %mul3A_959 : i32
      %lt3A_961 = vector.broadcast %sub3A_960 : i32 to vector<16xi32>
      %lt3A_962 = arith.cmpi slt, %iota3A, %lt3A_961 : vector<16xi32>
      %get3A = arith.index_cast %mul3A_957 : i32 to index
      %get3A_963 = tpu.vector_load %arg7[%get3A] {strides = array<i32>} : memref<2064xi32, #tpu.memory_space<vmem>>, vector<16xi32>,
      %add3A_964 = arith.constant 16384 : i32
      %add3A_965 = vector.broadcast %add3A_964 : i32 to vector<16xi32>
      %add3A_966 = arith.addi %get3A_963, %add3A_965 : vector<16xi32>
      %gather3A = tpu.vector_load_idx %arg9[%add3A_966] masked %lt3A_962 : memref<32768xf32, #tpu.memory_space<vmem>>[vector<16xi32>], vector<16xf32>, vector<16xi1>
      %swap3A_967 = arith.index_cast %mul3A_957 : i32 to index
      %swap3A_968 = tpu.vector_load %arg12[%swap3A_967] {strides = array<i32>} : memref<4096xf32, #tpu.memory_space<vmem>>, vector<16xf32>,
      tpu.vector_store %arg12[%swap3A_967], %gather3A {strides = array<i32>} : memref<4096xf32, #tpu.memory_space<vmem>>, vector<16xf32>,
      %add3A_969 = arith.constant 1 : i32
      %add3A_970 = vector.broadcast %add3A_969 : i32 to vector<16xi32>
      %add3A_971 = arith.addi %add3A_966, %add3A_970 : vector<16xi32>
      %gather3A_972 = tpu.vector_load_idx %arg9[%add3A_971] masked %lt3A_962 : memref<32768xf32, #tpu.memory_space<vmem>>[vector<16xi32>], vector<16xf32>, vector<16xi1>
      %mul3A_973 = arith.constant 16 : i32
      %mul3A_974 = arith.muli %while3A_955, %mul3A_973 : i32
      %add3A_975 = arith.constant 2048 : i32
      %add3A_976 = arith.addi %add3A_975, %mul3A_974 : i32
      %swap3A_977 = arith.index_cast %add3A_976 : i32 to index
      %swap3A_978 = tpu.vector_load %arg12[%swap3A_977] {strides = array<i32>} : memref<4096xf32, #tpu.memory_space<vmem>>, vector<16xf32>,
      tpu.vector_store %arg12[%swap3A_977], %gather3A_972 {strides = array<i32>} : memref<4096xf32, #tpu.memory_space<vmem>>, vector<16xf32>,
    }
    %while3A_478 = arith.constant 1 : i32
    scf.for %while3A_955 = %while3A_476 to %while3A_472 step %while3A_478  : i32 {
      %mul3A_956 = arith.constant 16 : i32
      %mul3A_957 = arith.muli %while3A_955, %mul3A_956 : i32
      %mul3A_958 = arith.constant 16 : i32
      %mul3A_959 = arith.muli %while3A_955, %mul3A_958 : i32
      %sub3A_960 = arith.subi %scan3A_104, %mul3A_959 : i32
      %lt3A_961 = vector.broadcast %sub3A_960 : i32 to vector<16xi32>
      %lt3A_962 = arith.cmpi slt, %iota3A, %lt3A_961 : vector<16xi32>
      %get3A = arith.index_cast %mul3A_957 : i32 to index
      %get3A_963 = tpu.vector_load %arg7[%get3A] {strides = array<i32>} : memref<2064xi32, #tpu.memory_space<vmem>>, vector<16xi32>,
      %add3A_964 = arith.constant 16384 : i32
      %add3A_965 = vector.broadcast %add3A_964 : i32 to vector<16xi32>
      %add3A_966 = arith.addi %get3A_963, %add3A_965 : vector<16xi32>
      %gather3A = tpu.vector_load_idx %arg9[%add3A_966] masked %lt3A_962 : memref<32768xf32, #tpu.memory_space<vmem>>[vector<16xi32>], vector<16xf32>, vector<16xi1>
      %swap3A_967 = arith.index_cast %mul3A_957 : i32 to index
      %swap3A_968 = tpu.vector_load %arg12[%swap3A_967] {strides = array<i32>} : memref<4096xf32, #tpu.memory_space<vmem>>, vector<16xf32>,
      tpu.vector_store %arg12[%swap3A_967], %gather3A {strides = array<i32>} : memref<4096xf32, #tpu.memory_space<vmem>>, vector<16xf32>,
      %add3A_969 = arith.constant 1 : i32
      %add3A_970 = vector.broadcast %add3A_969 : i32 to vector<16xi32>
      %add3A_971 = arith.addi %add3A_966, %add3A_970 : vector<16xi32>
      %gather3A_972 = tpu.vector_load_idx %arg9[%add3A_971] masked %lt3A_962 : memref<32768xf32, #tpu.memory_space<vmem>>[vector<16xi32>], vector<16xf32>, vector<16xi1>
      %mul3A_973 = arith.constant 16 : i32
      %mul3A_974 = arith.muli %while3A_955, %mul3A_973 : i32
      %add3A_975 = arith.constant 2048 : i32
      %add3A_976 = arith.addi %add3A_975, %mul3A_974 : i32
      %swap3A_977 = arith.index_cast %add3A_976 : i32 to index
      %swap3A_978 = tpu.vector_load %arg12[%swap3A_977] {strides = array<i32>} : memref<4096xf32, #tpu.memory_space<vmem>>, vector<16xf32>,
      tpu.vector_store %arg12[%swap3A_977], %gather3A_972 {strides = array<i32>} : memref<4096xf32, #tpu.memory_space<vmem>>, vector<16xf32>,
    }
    %while3A_479 = arith.constant 0 : i32
    %while3A_480 = arith.constant 0 : i32
    %while3A_481 = arith.subi %select_n3A_131, %while3A_480 : i32
    %while3A_482 = arith.addi %while3A_480, %while3A_481 : i32
    %while3A_483 = arith.constant 1 : i32
    %while3A_484 = arith.divsi %while3A_481, %while3A_483 : i32
    %while3A_485 = arith.muli %while3A_484, %while3A_483 : i32
    %while3A_486 = arith.addi %while3A_480, %while3A_485 : i32
    %while3A_487 = arith.constant 1 : i32
    scf.for %while3A_955 = %while3A_480 to %while3A_486 step %while3A_487  : i32 {
      %mul3A_956 = arith.constant 16 : i32
      %mul3A_957 = arith.muli %while3A_955, %mul3A_956 : i32
      %mul3A_958 = arith.constant 16 : i32
      %mul3A_959 = arith.muli %while3A_955, %mul3A_958 : i32
      %sub3A_960 = arith.subi %scan3A_104, %mul3A_959 : i32
      %lt3A_961 = vector.broadcast %sub3A_960 : i32 to vector<16xi32>
      %lt3A_962 = arith.cmpi slt, %iota3A, %lt3A_961 : vector<16xi32>
      %get3A = arith.index_cast %mul3A_957 : i32 to index
      %get3A_963 = tpu.vector_load %arg8[%get3A] {strides = array<i32>} : memref<2064xi32, #tpu.memory_space<vmem>>, vector<16xi32>,
      %add3A_964 = arith.constant 16384 : i32
      %add3A_965 = vector.broadcast %add3A_964 : i32 to vector<16xi32>
      %add3A_966 = arith.addi %get3A_963, %add3A_965 : vector<16xi32>
      %get3A_967 = arith.index_cast %mul3A_957 : i32 to index
      %get3A_968 = tpu.vector_load %arg12[%get3A_967] {strides = array<i32>} : memref<4096xf32, #tpu.memory_space<vmem>>, vector<16xf32>,
      tpu.vector_store_idx %arg9[%add3A_966], %get3A_968 masked %lt3A_962 : memref<32768xf32, #tpu.memory_space<vmem>>[vector<16xi32>], vector<16xf32>, vector<16xi1>
      %add3A_969 = arith.constant 1 : i32
      %add3A_970 = vector.broadcast %add3A_969 : i32 to vector<16xi32>
      %add3A_971 = arith.addi %add3A_966, %add3A_970 : vector<16xi32>
      %mul3A_972 = arith.constant 16 : i32
      %mul3A_973 = arith.muli %while3A_955, %mul3A_972 : i32
      %add3A_974 = arith.constant 2048 : i32
      %add3A_975 = arith.addi %add3A_974, %mul3A_973 : i32
      %get3A_976 = arith.index_cast %add3A_975 : i32 to index
      %get3A_977 = tpu.vector_load %arg12[%get3A_976] {strides = array<i32>} : memref<4096xf32, #tpu.memory_space<vmem>>, vector<16xf32>,
      tpu.vector_store_idx %arg9[%add3A_971], %get3A_977 masked %lt3A_962 : memref<32768xf32, #tpu.memory_space<vmem>>[vector<16xi32>], vector<16xf32>, vector<16xi1>
    }
    %while3A_488 = arith.constant 1 : i32
    scf.for %while3A_955 = %while3A_486 to %while3A_482 step %while3A_488  : i32 {
      %mul3A_956 = arith.constant 16 : i32
      %mul3A_957 = arith.muli %while3A_955, %mul3A_956 : i32
      %mul3A_958 = arith.constant 16 : i32
      %mul3A_959 = arith.muli %while3A_955, %mul3A_958 : i32
      %sub3A_960 = arith.subi %scan3A_104, %mul3A_959 : i32
      %lt3A_961 = vector.broadcast %sub3A_960 : i32 to vector<16xi32>
      %lt3A_962 = arith.cmpi slt, %iota3A, %lt3A_961 : vector<16xi32>
      %get3A = arith.index_cast %mul3A_957 : i32 to index
      %get3A_963 = tpu.vector_load %arg8[%get3A] {strides = array<i32>} : memref<2064xi32, #tpu.memory_space<vmem>>, vector<16xi32>,
      %add3A_964 = arith.constant 16384 : i32
      %add3A_965 = vector.broadcast %add3A_964 : i32 to vector<16xi32>
      %add3A_966 = arith.addi %get3A_963, %add3A_965 : vector<16xi32>
      %get3A_967 = arith.index_cast %mul3A_957 : i32 to index
      %get3A_968 = tpu.vector_load %arg12[%get3A_967] {strides = array<i32>} : memref<4096xf32, #tpu.memory_space<vmem>>, vector<16xf32>,
      tpu.vector_store_idx %arg9[%add3A_966], %get3A_968 masked %lt3A_962 : memref<32768xf32, #tpu.memory_space<vmem>>[vector<16xi32>], vector<16xf32>, vector<16xi1>
      %add3A_969 = arith.constant 1 : i32
      %add3A_970 = vector.broadcast %add3A_969 : i32 to vector<16xi32>
      %add3A_971 = arith.addi %add3A_966, %add3A_970 : vector<16xi32>
      %mul3A_972 = arith.constant 16 : i32
      %mul3A_973 = arith.muli %while3A_955, %mul3A_972 : i32
      %add3A_974 = arith.constant 2048 : i32
      %add3A_975 = arith.addi %add3A_974, %mul3A_973 : i32
      %get3A_976 = arith.index_cast %add3A_975 : i32 to index
      %get3A_977 = tpu.vector_load %arg12[%get3A_976] {strides = array<i32>} : memref<4096xf32, #tpu.memory_space<vmem>>, vector<16xf32>,
      tpu.vector_store_idx %arg9[%add3A_971], %get3A_977 masked %lt3A_962 : memref<32768xf32, #tpu.memory_space<vmem>>[vector<16xi32>], vector<16xf32>, vector<16xi1>
    }
    %add3A_489 = arith.constant 196608 : i32
    %add3A_490 = arith.addi %mul3A_37, %add3A_489 : i32
    %dma_start3A_491 = tpu.memref_slice %arg4[%add3A_490] : memref<16777216xf32, #tpu.memory_space<hbm>> -> memref<32768xf32, #tpu.memory_space<hbm>>
    %dma_start3A_492 = tpu.memref_slice %arg4[%add3A_490] : memref<16777216xf32, #tpu.memory_space<hbm>> -> memref<32768xf32, #tpu.memory_space<hbm>>
    tpu.enqueue_dma source(%arg9 : memref<32768xf32, #tpu.memory_space<vmem>>) target(%dma_start3A_492 : memref<32768xf32, #tpu.memory_space<hbm>>) target_semaphore(%arg16 : memref<!tpu.dma_semaphore, #tpu.memory_space<semaphore_mem>>)
    %dma_wait3A_493 = tpu.memref_slice %arg4[%add3A_490] : memref<16777216xf32, #tpu.memory_space<hbm>> -> memref<32768xf32, #tpu.memory_space<hbm>>
    %dma_wait3A_494 = tpu.memref_slice %arg4[%add3A_490] : memref<16777216xf32, #tpu.memory_space<hbm>> -> memref<32768xf32, #tpu.memory_space<hbm>>
    tpu.wait_dma2 semaphore(%arg16 : memref<!tpu.dma_semaphore, #tpu.memory_space<semaphore_mem>>) src(%arg9 : memref<32768xf32, #tpu.memory_space<vmem>>) dst(%dma_wait3A_494 : memref<32768xf32, #tpu.memory_space<hbm>>)
    %add3A_495 = arith.constant 294912 : i32
    %add3A_496 = arith.addi %mul3A_37, %add3A_495 : i32
    %dma_start3A_497 = tpu.memref_slice %arg2[%add3A_496] : memref<16777216xf32, #tpu.memory_space<hbm>> -> memref<32768xf32, #tpu.memory_space<hbm>>
    %dma_start3A_498 = tpu.memref_slice %arg2[%add3A_496] : memref<16777216xf32, #tpu.memory_space<hbm>> -> memref<32768xf32, #tpu.memory_space<hbm>>
    tpu.enqueue_dma source(%dma_start3A_498 : memref<32768xf32, #tpu.memory_space<hbm>>) target(%arg9 : memref<32768xf32, #tpu.memory_space<vmem>>) target_semaphore(%arg13 : memref<!tpu.dma_semaphore, #tpu.memory_space<semaphore_mem>>)
    %dma_wait3A_499 = tpu.memref_slice %arg2[%add3A_392] : memref<16777216xf32, #tpu.memory_space<hbm>> -> memref<32768xf32, #tpu.memory_space<hbm>>
    %dma_wait3A_500 = tpu.memref_slice %arg2[%add3A_392] : memref<16777216xf32, #tpu.memory_space<hbm>> -> memref<32768xf32, #tpu.memory_space<hbm>>
    tpu.wait_dma2 semaphore(%arg14 : memref<!tpu.dma_semaphore, #tpu.memory_space<semaphore_mem>>) src(%dma_wait3A_500 : memref<32768xf32, #tpu.memory_space<hbm>>) dst(%arg10 : memref<32768xf32, #tpu.memory_space<vmem>>)
    %while3A_501 = arith.constant 0 : i32
    %while3A_502 = arith.constant 0 : i32
    %while3A_503 = arith.subi %select_n3A_131, %while3A_502 : i32
    %while3A_504 = arith.addi %while3A_502, %while3A_503 : i32
    %while3A_505 = arith.constant 1 : i32
    %while3A_506 = arith.divsi %while3A_503, %while3A_505 : i32
    %while3A_507 = arith.muli %while3A_506, %while3A_505 : i32
    %while3A_508 = arith.addi %while3A_502, %while3A_507 : i32
    %while3A_509 = arith.constant 1 : i32
    scf.for %while3A_955 = %while3A_502 to %while3A_508 step %while3A_509  : i32 {
      %mul3A_956 = arith.constant 16 : i32
      %mul3A_957 = arith.muli %while3A_955, %mul3A_956 : i32
      %mul3A_958 = arith.constant 16 : i32
      %mul3A_959 = arith.muli %while3A_955, %mul3A_958 : i32
      %sub3A_960 = arith.subi %scan3A_104, %mul3A_959 : i32
      %lt3A_961 = vector.broadcast %sub3A_960 : i32 to vector<16xi32>
      %lt3A_962 = arith.cmpi slt, %iota3A, %lt3A_961 : vector<16xi32>
      %get3A = arith.index_cast %mul3A_957 : i32 to index
      %get3A_963 = tpu.vector_load %arg7[%get3A] {strides = array<i32>} : memref<2064xi32, #tpu.memory_space<vmem>>, vector<16xi32>,
      %add3A_964 = arith.constant 0 : i32
      %add3A_965 = vector.broadcast %add3A_964 : i32 to vector<16xi32>
      %add3A_966 = arith.addi %get3A_963, %add3A_965 : vector<16xi32>
      %gather3A = tpu.vector_load_idx %arg10[%add3A_966] masked %lt3A_962 : memref<32768xf32, #tpu.memory_space<vmem>>[vector<16xi32>], vector<16xf32>, vector<16xi1>
      %swap3A_967 = arith.index_cast %mul3A_957 : i32 to index
      %swap3A_968 = tpu.vector_load %arg12[%swap3A_967] {strides = array<i32>} : memref<4096xf32, #tpu.memory_space<vmem>>, vector<16xf32>,
      tpu.vector_store %arg12[%swap3A_967], %gather3A {strides = array<i32>} : memref<4096xf32, #tpu.memory_space<vmem>>, vector<16xf32>,
      %add3A_969 = arith.constant 1 : i32
      %add3A_970 = vector.broadcast %add3A_969 : i32 to vector<16xi32>
      %add3A_971 = arith.addi %add3A_966, %add3A_970 : vector<16xi32>
      %gather3A_972 = tpu.vector_load_idx %arg10[%add3A_971] masked %lt3A_962 : memref<32768xf32, #tpu.memory_space<vmem>>[vector<16xi32>], vector<16xf32>, vector<16xi1>
      %mul3A_973 = arith.constant 16 : i32
      %mul3A_974 = arith.muli %while3A_955, %mul3A_973 : i32
      %add3A_975 = arith.constant 2048 : i32
      %add3A_976 = arith.addi %add3A_975, %mul3A_974 : i32
      %swap3A_977 = arith.index_cast %add3A_976 : i32 to index
      %swap3A_978 = tpu.vector_load %arg12[%swap3A_977] {strides = array<i32>} : memref<4096xf32, #tpu.memory_space<vmem>>, vector<16xf32>,
      tpu.vector_store %arg12[%swap3A_977], %gather3A_972 {strides = array<i32>} : memref<4096xf32, #tpu.memory_space<vmem>>, vector<16xf32>,
    }
    %while3A_510 = arith.constant 1 : i32
    scf.for %while3A_955 = %while3A_508 to %while3A_504 step %while3A_510  : i32 {
      %mul3A_956 = arith.constant 16 : i32
      %mul3A_957 = arith.muli %while3A_955, %mul3A_956 : i32
      %mul3A_958 = arith.constant 16 : i32
      %mul3A_959 = arith.muli %while3A_955, %mul3A_958 : i32
      %sub3A_960 = arith.subi %scan3A_104, %mul3A_959 : i32
      %lt3A_961 = vector.broadcast %sub3A_960 : i32 to vector<16xi32>
      %lt3A_962 = arith.cmpi slt, %iota3A, %lt3A_961 : vector<16xi32>
      %get3A = arith.index_cast %mul3A_957 : i32 to index
      %get3A_963 = tpu.vector_load %arg7[%get3A] {strides = array<i32>} : memref<2064xi32, #tpu.memory_space<vmem>>, vector<16xi32>,
      %add3A_964 = arith.constant 0 : i32
      %add3A_965 = vector.broadcast %add3A_964 : i32 to vector<16xi32>
      %add3A_966 = arith.addi %get3A_963, %add3A_965 : vector<16xi32>
      %gather3A = tpu.vector_load_idx %arg10[%add3A_966] masked %lt3A_962 : memref<32768xf32, #tpu.memory_space<vmem>>[vector<16xi32>], vector<16xf32>, vector<16xi1>
      %swap3A_967 = arith.index_cast %mul3A_957 : i32 to index
      %swap3A_968 = tpu.vector_load %arg12[%swap3A_967] {strides = array<i32>} : memref<4096xf32, #tpu.memory_space<vmem>>, vector<16xf32>,
      tpu.vector_store %arg12[%swap3A_967], %gather3A {strides = array<i32>} : memref<4096xf32, #tpu.memory_space<vmem>>, vector<16xf32>,
      %add3A_969 = arith.constant 1 : i32
      %add3A_970 = vector.broadcast %add3A_969 : i32 to vector<16xi32>
      %add3A_971 = arith.addi %add3A_966, %add3A_970 : vector<16xi32>
      %gather3A_972 = tpu.vector_load_idx %arg10[%add3A_971] masked %lt3A_962 : memref<32768xf32, #tpu.memory_space<vmem>>[vector<16xi32>], vector<16xf32>, vector<16xi1>
      %mul3A_973 = arith.constant 16 : i32
      %mul3A_974 = arith.muli %while3A_955, %mul3A_973 : i32
      %add3A_975 = arith.constant 2048 : i32
      %add3A_976 = arith.addi %add3A_975, %mul3A_974 : i32
      %swap3A_977 = arith.index_cast %add3A_976 : i32 to index
      %swap3A_978 = tpu.vector_load %arg12[%swap3A_977] {strides = array<i32>} : memref<4096xf32, #tpu.memory_space<vmem>>, vector<16xf32>,
      tpu.vector_store %arg12[%swap3A_977], %gather3A_972 {strides = array<i32>} : memref<4096xf32, #tpu.memory_space<vmem>>, vector<16xf32>,
    }
    %while3A_511 = arith.constant 0 : i32
    %while3A_512 = arith.constant 0 : i32
    %while3A_513 = arith.subi %select_n3A_131, %while3A_512 : i32
    %while3A_514 = arith.addi %while3A_512, %while3A_513 : i32
    %while3A_515 = arith.constant 1 : i32
    %while3A_516 = arith.divsi %while3A_513, %while3A_515 : i32
    %while3A_517 = arith.muli %while3A_516, %while3A_515 : i32
    %while3A_518 = arith.addi %while3A_512, %while3A_517 : i32
    %while3A_519 = arith.constant 1 : i32
    scf.for %while3A_955 = %while3A_512 to %while3A_518 step %while3A_519  : i32 {
      %mul3A_956 = arith.constant 16 : i32
      %mul3A_957 = arith.muli %while3A_955, %mul3A_956 : i32
      %mul3A_958 = arith.constant 16 : i32
      %mul3A_959 = arith.muli %while3A_955, %mul3A_958 : i32
      %sub3A_960 = arith.subi %scan3A_104, %mul3A_959 : i32
      %lt3A_961 = vector.broadcast %sub3A_960 : i32 to vector<16xi32>
      %lt3A_962 = arith.cmpi slt, %iota3A, %lt3A_961 : vector<16xi32>
      %get3A = arith.index_cast %mul3A_957 : i32 to index
      %get3A_963 = tpu.vector_load %arg8[%get3A] {strides = array<i32>} : memref<2064xi32, #tpu.memory_space<vmem>>, vector<16xi32>,
      %add3A_964 = arith.constant 0 : i32
      %add3A_965 = vector.broadcast %add3A_964 : i32 to vector<16xi32>
      %add3A_966 = arith.addi %get3A_963, %add3A_965 : vector<16xi32>
      %get3A_967 = arith.index_cast %mul3A_957 : i32 to index
      %get3A_968 = tpu.vector_load %arg12[%get3A_967] {strides = array<i32>} : memref<4096xf32, #tpu.memory_space<vmem>>, vector<16xf32>,
      tpu.vector_store_idx %arg10[%add3A_966], %get3A_968 masked %lt3A_962 : memref<32768xf32, #tpu.memory_space<vmem>>[vector<16xi32>], vector<16xf32>, vector<16xi1>
      %add3A_969 = arith.constant 1 : i32
      %add3A_970 = vector.broadcast %add3A_969 : i32 to vector<16xi32>
      %add3A_971 = arith.addi %add3A_966, %add3A_970 : vector<16xi32>
      %mul3A_972 = arith.constant 16 : i32
      %mul3A_973 = arith.muli %while3A_955, %mul3A_972 : i32
      %add3A_974 = arith.constant 2048 : i32
      %add3A_975 = arith.addi %add3A_974, %mul3A_973 : i32
      %get3A_976 = arith.index_cast %add3A_975 : i32 to index
      %get3A_977 = tpu.vector_load %arg12[%get3A_976] {strides = array<i32>} : memref<4096xf32, #tpu.memory_space<vmem>>, vector<16xf32>,
      tpu.vector_store_idx %arg10[%add3A_971], %get3A_977 masked %lt3A_962 : memref<32768xf32, #tpu.memory_space<vmem>>[vector<16xi32>], vector<16xf32>, vector<16xi1>
    }
    %while3A_520 = arith.constant 1 : i32
    scf.for %while3A_955 = %while3A_518 to %while3A_514 step %while3A_520  : i32 {
      %mul3A_956 = arith.constant 16 : i32
      %mul3A_957 = arith.muli %while3A_955, %mul3A_956 : i32
      %mul3A_958 = arith.constant 16 : i32
      %mul3A_959 = arith.muli %while3A_955, %mul3A_958 : i32
      %sub3A_960 = arith.subi %scan3A_104, %mul3A_959 : i32
      %lt3A_961 = vector.broadcast %sub3A_960 : i32 to vector<16xi32>
      %lt3A_962 = arith.cmpi slt, %iota3A, %lt3A_961 : vector<16xi32>
      %get3A = arith.index_cast %mul3A_957 : i32 to index
      %get3A_963 = tpu.vector_load %arg8[%get3A] {strides = array<i32>} : memref<2064xi32, #tpu.memory_space<vmem>>, vector<16xi32>,
      %add3A_964 = arith.constant 0 : i32
      %add3A_965 = vector.broadcast %add3A_964 : i32 to vector<16xi32>
      %add3A_966 = arith.addi %get3A_963, %add3A_965 : vector<16xi32>
      %get3A_967 = arith.index_cast %mul3A_957 : i32 to index
      %get3A_968 = tpu.vector_load %arg12[%get3A_967] {strides = array<i32>} : memref<4096xf32, #tpu.memory_space<vmem>>, vector<16xf32>,
      tpu.vector_store_idx %arg10[%add3A_966], %get3A_968 masked %lt3A_962 : memref<32768xf32, #tpu.memory_space<vmem>>[vector<16xi32>], vector<16xf32>, vector<16xi1>
      %add3A_969 = arith.constant 1 : i32
      %add3A_970 = vector.broadcast %add3A_969 : i32 to vector<16xi32>
      %add3A_971 = arith.addi %add3A_966, %add3A_970 : vector<16xi32>
      %mul3A_972 = arith.constant 16 : i32
      %mul3A_973 = arith.muli %while3A_955, %mul3A_972 : i32
      %add3A_974 = arith.constant 2048 : i32
      %add3A_975 = arith.addi %add3A_974, %mul3A_973 : i32
      %get3A_976 = arith.index_cast %add3A_975 : i32 to index
      %get3A_977 = tpu.vector_load %arg12[%get3A_976] {strides = array<i32>} : memref<4096xf32, #tpu.memory_space<vmem>>, vector<16xf32>,
      tpu.vector_store_idx %arg10[%add3A_971], %get3A_977 masked %lt3A_962 : memref<32768xf32, #tpu.memory_space<vmem>>[vector<16xi32>], vector<16xf32>, vector<16xi1>
    }
    %while3A_521 = arith.constant 0 : i32
    %while3A_522 = arith.constant 0 : i32
    %while3A_523 = arith.subi %select_n3A_131, %while3A_522 : i32
    %while3A_524 = arith.addi %while3A_522, %while3A_523 : i32
    %while3A_525 = arith.constant 1 : i32
    %while3A_526 = arith.divsi %while3A_523, %while3A_525 : i32
    %while3A_527 = arith.muli %while3A_526, %while3A_525 : i32
    %while3A_528 = arith.addi %while3A_522, %while3A_527 : i32
    %while3A_529 = arith.constant 1 : i32
    scf.for %while3A_955 = %while3A_522 to %while3A_528 step %while3A_529  : i32 {
      %mul3A_956 = arith.constant 16 : i32
      %mul3A_957 = arith.muli %while3A_955, %mul3A_956 : i32
      %mul3A_958 = arith.constant 16 : i32
      %mul3A_959 = arith.muli %while3A_955, %mul3A_958 : i32
      %sub3A_960 = arith.subi %scan3A_104, %mul3A_959 : i32
      %lt3A_961 = vector.broadcast %sub3A_960 : i32 to vector<16xi32>
      %lt3A_962 = arith.cmpi slt, %iota3A, %lt3A_961 : vector<16xi32>
      %get3A = arith.index_cast %mul3A_957 : i32 to index
      %get3A_963 = tpu.vector_load %arg7[%get3A] {strides = array<i32>} : memref<2064xi32, #tpu.memory_space<vmem>>, vector<16xi32>,
      %add3A_964 = arith.constant 16384 : i32
      %add3A_965 = vector.broadcast %add3A_964 : i32 to vector<16xi32>
      %add3A_966 = arith.addi %get3A_963, %add3A_965 : vector<16xi32>
      %gather3A = tpu.vector_load_idx %arg10[%add3A_966] masked %lt3A_962 : memref<32768xf32, #tpu.memory_space<vmem>>[vector<16xi32>], vector<16xf32>, vector<16xi1>
      %swap3A_967 = arith.index_cast %mul3A_957 : i32 to index
      %swap3A_968 = tpu.vector_load %arg12[%swap3A_967] {strides = array<i32>} : memref<4096xf32, #tpu.memory_space<vmem>>, vector<16xf32>,
      tpu.vector_store %arg12[%swap3A_967], %gather3A {strides = array<i32>} : memref<4096xf32, #tpu.memory_space<vmem>>, vector<16xf32>,
      %add3A_969 = arith.constant 1 : i32
      %add3A_970 = vector.broadcast %add3A_969 : i32 to vector<16xi32>
      %add3A_971 = arith.addi %add3A_966, %add3A_970 : vector<16xi32>
      %gather3A_972 = tpu.vector_load_idx %arg10[%add3A_971] masked %lt3A_962 : memref<32768xf32, #tpu.memory_space<vmem>>[vector<16xi32>], vector<16xf32>, vector<16xi1>
      %mul3A_973 = arith.constant 16 : i32
      %mul3A_974 = arith.muli %while3A_955, %mul3A_973 : i32
      %add3A_975 = arith.constant 2048 : i32
      %add3A_976 = arith.addi %add3A_975, %mul3A_974 : i32
      %swap3A_977 = arith.index_cast %add3A_976 : i32 to index
      %swap3A_978 = tpu.vector_load %arg12[%swap3A_977] {strides = array<i32>} : memref<4096xf32, #tpu.memory_space<vmem>>, vector<16xf32>,
      tpu.vector_store %arg12[%swap3A_977], %gather3A_972 {strides = array<i32>} : memref<4096xf32, #tpu.memory_space<vmem>>, vector<16xf32>,
    }
    %while3A_530 = arith.constant 1 : i32
    scf.for %while3A_955 = %while3A_528 to %while3A_524 step %while3A_530  : i32 {
      %mul3A_956 = arith.constant 16 : i32
      %mul3A_957 = arith.muli %while3A_955, %mul3A_956 : i32
      %mul3A_958 = arith.constant 16 : i32
      %mul3A_959 = arith.muli %while3A_955, %mul3A_958 : i32
      %sub3A_960 = arith.subi %scan3A_104, %mul3A_959 : i32
      %lt3A_961 = vector.broadcast %sub3A_960 : i32 to vector<16xi32>
      %lt3A_962 = arith.cmpi slt, %iota3A, %lt3A_961 : vector<16xi32>
      %get3A = arith.index_cast %mul3A_957 : i32 to index
      %get3A_963 = tpu.vector_load %arg7[%get3A] {strides = array<i32>} : memref<2064xi32, #tpu.memory_space<vmem>>, vector<16xi32>,
      %add3A_964 = arith.constant 16384 : i32
      %add3A_965 = vector.broadcast %add3A_964 : i32 to vector<16xi32>
      %add3A_966 = arith.addi %get3A_963, %add3A_965 : vector<16xi32>
      %gather3A = tpu.vector_load_idx %arg10[%add3A_966] masked %lt3A_962 : memref<32768xf32, #tpu.memory_space<vmem>>[vector<16xi32>], vector<16xf32>, vector<16xi1>
      %swap3A_967 = arith.index_cast %mul3A_957 : i32 to index
      %swap3A_968 = tpu.vector_load %arg12[%swap3A_967] {strides = array<i32>} : memref<4096xf32, #tpu.memory_space<vmem>>, vector<16xf32>,
      tpu.vector_store %arg12[%swap3A_967], %gather3A {strides = array<i32>} : memref<4096xf32, #tpu.memory_space<vmem>>, vector<16xf32>,
      %add3A_969 = arith.constant 1 : i32
      %add3A_970 = vector.broadcast %add3A_969 : i32 to vector<16xi32>
      %add3A_971 = arith.addi %add3A_966, %add3A_970 : vector<16xi32>
      %gather3A_972 = tpu.vector_load_idx %arg10[%add3A_971] masked %lt3A_962 : memref<32768xf32, #tpu.memory_space<vmem>>[vector<16xi32>], vector<16xf32>, vector<16xi1>
      %mul3A_973 = arith.constant 16 : i32
      %mul3A_974 = arith.muli %while3A_955, %mul3A_973 : i32
      %add3A_975 = arith.constant 2048 : i32
      %add3A_976 = arith.addi %add3A_975, %mul3A_974 : i32
      %swap3A_977 = arith.index_cast %add3A_976 : i32 to index
      %swap3A_978 = tpu.vector_load %arg12[%swap3A_977] {strides = array<i32>} : memref<4096xf32, #tpu.memory_space<vmem>>, vector<16xf32>,
      tpu.vector_store %arg12[%swap3A_977], %gather3A_972 {strides = array<i32>} : memref<4096xf32, #tpu.memory_space<vmem>>, vector<16xf32>,
    }
    %while3A_531 = arith.constant 0 : i32
    %while3A_532 = arith.constant 0 : i32
    %while3A_533 = arith.subi %select_n3A_131, %while3A_532 : i32
    %while3A_534 = arith.addi %while3A_532, %while3A_533 : i32
    %while3A_535 = arith.constant 1 : i32
    %while3A_536 = arith.divsi %while3A_533, %while3A_535 : i32
    %while3A_537 = arith.muli %while3A_536, %while3A_535 : i32
    %while3A_538 = arith.addi %while3A_532, %while3A_537 : i32
    %while3A_539 = arith.constant 1 : i32
    scf.for %while3A_955 = %while3A_532 to %while3A_538 step %while3A_539  : i32 {
      %mul3A_956 = arith.constant 16 : i32
      %mul3A_957 = arith.muli %while3A_955, %mul3A_956 : i32
      %mul3A_958 = arith.constant 16 : i32
      %mul3A_959 = arith.muli %while3A_955, %mul3A_958 : i32
      %sub3A_960 = arith.subi %scan3A_104, %mul3A_959 : i32
      %lt3A_961 = vector.broadcast %sub3A_960 : i32 to vector<16xi32>
      %lt3A_962 = arith.cmpi slt, %iota3A, %lt3A_961 : vector<16xi32>
      %get3A = arith.index_cast %mul3A_957 : i32 to index
      %get3A_963 = tpu.vector_load %arg8[%get3A] {strides = array<i32>} : memref<2064xi32, #tpu.memory_space<vmem>>, vector<16xi32>,
      %add3A_964 = arith.constant 16384 : i32
      %add3A_965 = vector.broadcast %add3A_964 : i32 to vector<16xi32>
      %add3A_966 = arith.addi %get3A_963, %add3A_965 : vector<16xi32>
      %get3A_967 = arith.index_cast %mul3A_957 : i32 to index
      %get3A_968 = tpu.vector_load %arg12[%get3A_967] {strides = array<i32>} : memref<4096xf32, #tpu.memory_space<vmem>>, vector<16xf32>,
      tpu.vector_store_idx %arg10[%add3A_966], %get3A_968 masked %lt3A_962 : memref<32768xf32, #tpu.memory_space<vmem>>[vector<16xi32>], vector<16xf32>, vector<16xi1>
      %add3A_969 = arith.constant 1 : i32
      %add3A_970 = vector.broadcast %add3A_969 : i32 to vector<16xi32>
      %add3A_971 = arith.addi %add3A_966, %add3A_970 : vector<16xi32>
      %mul3A_972 = arith.constant 16 : i32
      %mul3A_973 = arith.muli %while3A_955, %mul3A_972 : i32
      %add3A_974 = arith.constant 2048 : i32
      %add3A_975 = arith.addi %add3A_974, %mul3A_973 : i32
      %get3A_976 = arith.index_cast %add3A_975 : i32 to index
      %get3A_977 = tpu.vector_load %arg12[%get3A_976] {strides = array<i32>} : memref<4096xf32, #tpu.memory_space<vmem>>, vector<16xf32>,
      tpu.vector_store_idx %arg10[%add3A_971], %get3A_977 masked %lt3A_962 : memref<32768xf32, #tpu.memory_space<vmem>>[vector<16xi32>], vector<16xf32>, vector<16xi1>
    }
    %while3A_540 = arith.constant 1 : i32
    scf.for %while3A_955 = %while3A_538 to %while3A_534 step %while3A_540  : i32 {
      %mul3A_956 = arith.constant 16 : i32
      %mul3A_957 = arith.muli %while3A_955, %mul3A_956 : i32
      %mul3A_958 = arith.constant 16 : i32
      %mul3A_959 = arith.muli %while3A_955, %mul3A_958 : i32
      %sub3A_960 = arith.subi %scan3A_104, %mul3A_959 : i32
      %lt3A_961 = vector.broadcast %sub3A_960 : i32 to vector<16xi32>
      %lt3A_962 = arith.cmpi slt, %iota3A, %lt3A_961 : vector<16xi32>
      %get3A = arith.index_cast %mul3A_957 : i32 to index
      %get3A_963 = tpu.vector_load %arg8[%get3A] {strides = array<i32>} : memref<2064xi32, #tpu.memory_space<vmem>>, vector<16xi32>,
      %add3A_964 = arith.constant 16384 : i32
      %add3A_965 = vector.broadcast %add3A_964 : i32 to vector<16xi32>
      %add3A_966 = arith.addi %get3A_963, %add3A_965 : vector<16xi32>
      %get3A_967 = arith.index_cast %mul3A_957 : i32 to index
      %get3A_968 = tpu.vector_load %arg12[%get3A_967] {strides = array<i32>} : memref<4096xf32, #tpu.memory_space<vmem>>, vector<16xf32>,
      tpu.vector_store_idx %arg10[%add3A_966], %get3A_968 masked %lt3A_962 : memref<32768xf32, #tpu.memory_space<vmem>>[vector<16xi32>], vector<16xf32>, vector<16xi1>
      %add3A_969 = arith.constant 1 : i32
      %add3A_970 = vector.broadcast %add3A_969 : i32 to vector<16xi32>
      %add3A_971 = arith.addi %add3A_966, %add3A_970 : vector<16xi32>
      %mul3A_972 = arith.constant 16 : i32
      %mul3A_973 = arith.muli %while3A_955, %mul3A_972 : i32
      %add3A_974 = arith.constant 2048 : i32
      %add3A_975 = arith.addi %add3A_974, %mul3A_973 : i32
      %get3A_976 = arith.index_cast %add3A_975 : i32 to index
      %get3A_977 = tpu.vector_load %arg12[%get3A_976] {strides = array<i32>} : memref<4096xf32, #tpu.memory_space<vmem>>, vector<16xf32>,
      tpu.vector_store_idx %arg10[%add3A_971], %get3A_977 masked %lt3A_962 : memref<32768xf32, #tpu.memory_space<vmem>>[vector<16xi32>], vector<16xf32>, vector<16xi1>
    }
    %add3A_541 = arith.constant 229376 : i32
    %add3A_542 = arith.addi %mul3A_37, %add3A_541 : i32
    %dma_start3A_543 = tpu.memref_slice %arg4[%add3A_542] : memref<16777216xf32, #tpu.memory_space<hbm>> -> memref<32768xf32, #tpu.memory_space<hbm>>
    %dma_start3A_544 = tpu.memref_slice %arg4[%add3A_542] : memref<16777216xf32, #tpu.memory_space<hbm>> -> memref<32768xf32, #tpu.memory_space<hbm>>
    tpu.enqueue_dma source(%arg10 : memref<32768xf32, #tpu.memory_space<vmem>>) target(%dma_start3A_544 : memref<32768xf32, #tpu.memory_space<hbm>>) target_semaphore(%arg17 : memref<!tpu.dma_semaphore, #tpu.memory_space<semaphore_mem>>)
    %dma_wait3A_545 = tpu.memref_slice %arg4[%add3A_542] : memref<16777216xf32, #tpu.memory_space<hbm>> -> memref<32768xf32, #tpu.memory_space<hbm>>
    %dma_wait3A_546 = tpu.memref_slice %arg4[%add3A_542] : memref<16777216xf32, #tpu.memory_space<hbm>> -> memref<32768xf32, #tpu.memory_space<hbm>>
    tpu.wait_dma2 semaphore(%arg17 : memref<!tpu.dma_semaphore, #tpu.memory_space<semaphore_mem>>) src(%arg10 : memref<32768xf32, #tpu.memory_space<vmem>>) dst(%dma_wait3A_546 : memref<32768xf32, #tpu.memory_space<hbm>>)
    %add3A_547 = arith.constant 327680 : i32
    %add3A_548 = arith.addi %mul3A_37, %add3A_547 : i32
    %dma_start3A_549 = tpu.memref_slice %arg2[%add3A_548] : memref<16777216xf32, #tpu.memory_space<hbm>> -> memref<32768xf32, #tpu.memory_space<hbm>>
    %dma_start3A_550 = tpu.memref_slice %arg2[%add3A_548] : memref<16777216xf32, #tpu.memory_space<hbm>> -> memref<32768xf32, #tpu.memory_space<hbm>>
    tpu.enqueue_dma source(%dma_start3A_550 : memref<32768xf32, #tpu.memory_space<hbm>>) target(%arg10 : memref<32768xf32, #tpu.memory_space<vmem>>) target_semaphore(%arg14 : memref<!tpu.dma_semaphore, #tpu.memory_space<semaphore_mem>>)
    %dma_wait3A_551 = tpu.memref_slice %arg2[%add3A_444] : memref<16777216xf32, #tpu.memory_space<hbm>> -> memref<32768xf32, #tpu.memory_space<hbm>>
    %dma_wait3A_552 = tpu.memref_slice %arg2[%add3A_444] : memref<16777216xf32, #tpu.memory_space<hbm>> -> memref<32768xf32, #tpu.memory_space<hbm>>
    tpu.wait_dma2 semaphore(%arg15 : memref<!tpu.dma_semaphore, #tpu.memory_space<semaphore_mem>>) src(%dma_wait3A_552 : memref<32768xf32, #tpu.memory_space<hbm>>) dst(%arg11 : memref<32768xf32, #tpu.memory_space<vmem>>)
    %while3A_553 = arith.constant 0 : i32
    %while3A_554 = arith.constant 0 : i32
    %while3A_555 = arith.subi %select_n3A_131, %while3A_554 : i32
    %while3A_556 = arith.addi %while3A_554, %while3A_555 : i32
    %while3A_557 = arith.constant 1 : i32
    %while3A_558 = arith.divsi %while3A_555, %while3A_557 : i32
    %while3A_559 = arith.muli %while3A_558, %while3A_557 : i32
    %while3A_560 = arith.addi %while3A_554, %while3A_559 : i32
    %while3A_561 = arith.constant 1 : i32
    scf.for %while3A_955 = %while3A_554 to %while3A_560 step %while3A_561  : i32 {
      %mul3A_956 = arith.constant 16 : i32
      %mul3A_957 = arith.muli %while3A_955, %mul3A_956 : i32
      %mul3A_958 = arith.constant 16 : i32
      %mul3A_959 = arith.muli %while3A_955, %mul3A_958 : i32
      %sub3A_960 = arith.subi %scan3A_104, %mul3A_959 : i32
      %lt3A_961 = vector.broadcast %sub3A_960 : i32 to vector<16xi32>
      %lt3A_962 = arith.cmpi slt, %iota3A, %lt3A_961 : vector<16xi32>
      %get3A = arith.index_cast %mul3A_957 : i32 to index
      %get3A_963 = tpu.vector_load %arg7[%get3A] {strides = array<i32>} : memref<2064xi32, #tpu.memory_space<vmem>>, vector<16xi32>,
      %add3A_964 = arith.constant 0 : i32
      %add3A_965 = vector.broadcast %add3A_964 : i32 to vector<16xi32>
      %add3A_966 = arith.addi %get3A_963, %add3A_965 : vector<16xi32>
      %gather3A = tpu.vector_load_idx %arg11[%add3A_966] masked %lt3A_962 : memref<32768xf32, #tpu.memory_space<vmem>>[vector<16xi32>], vector<16xf32>, vector<16xi1>
      %swap3A_967 = arith.index_cast %mul3A_957 : i32 to index
      %swap3A_968 = tpu.vector_load %arg12[%swap3A_967] {strides = array<i32>} : memref<4096xf32, #tpu.memory_space<vmem>>, vector<16xf32>,
      tpu.vector_store %arg12[%swap3A_967], %gather3A {strides = array<i32>} : memref<4096xf32, #tpu.memory_space<vmem>>, vector<16xf32>,
      %add3A_969 = arith.constant 1 : i32
      %add3A_970 = vector.broadcast %add3A_969 : i32 to vector<16xi32>
      %add3A_971 = arith.addi %add3A_966, %add3A_970 : vector<16xi32>
      %gather3A_972 = tpu.vector_load_idx %arg11[%add3A_971] masked %lt3A_962 : memref<32768xf32, #tpu.memory_space<vmem>>[vector<16xi32>], vector<16xf32>, vector<16xi1>
      %mul3A_973 = arith.constant 16 : i32
      %mul3A_974 = arith.muli %while3A_955, %mul3A_973 : i32
      %add3A_975 = arith.constant 2048 : i32
      %add3A_976 = arith.addi %add3A_975, %mul3A_974 : i32
      %swap3A_977 = arith.index_cast %add3A_976 : i32 to index
      %swap3A_978 = tpu.vector_load %arg12[%swap3A_977] {strides = array<i32>} : memref<4096xf32, #tpu.memory_space<vmem>>, vector<16xf32>,
      tpu.vector_store %arg12[%swap3A_977], %gather3A_972 {strides = array<i32>} : memref<4096xf32, #tpu.memory_space<vmem>>, vector<16xf32>,
    }
    %while3A_562 = arith.constant 1 : i32
    scf.for %while3A_955 = %while3A_560 to %while3A_556 step %while3A_562  : i32 {
      %mul3A_956 = arith.constant 16 : i32
      %mul3A_957 = arith.muli %while3A_955, %mul3A_956 : i32
      %mul3A_958 = arith.constant 16 : i32
      %mul3A_959 = arith.muli %while3A_955, %mul3A_958 : i32
      %sub3A_960 = arith.subi %scan3A_104, %mul3A_959 : i32
      %lt3A_961 = vector.broadcast %sub3A_960 : i32 to vector<16xi32>
      %lt3A_962 = arith.cmpi slt, %iota3A, %lt3A_961 : vector<16xi32>
      %get3A = arith.index_cast %mul3A_957 : i32 to index
      %get3A_963 = tpu.vector_load %arg7[%get3A] {strides = array<i32>} : memref<2064xi32, #tpu.memory_space<vmem>>, vector<16xi32>,
      %add3A_964 = arith.constant 0 : i32
      %add3A_965 = vector.broadcast %add3A_964 : i32 to vector<16xi32>
      %add3A_966 = arith.addi %get3A_963, %add3A_965 : vector<16xi32>
      %gather3A = tpu.vector_load_idx %arg11[%add3A_966] masked %lt3A_962 : memref<32768xf32, #tpu.memory_space<vmem>>[vector<16xi32>], vector<16xf32>, vector<16xi1>
      %swap3A_967 = arith.index_cast %mul3A_957 : i32 to index
      %swap3A_968 = tpu.vector_load %arg12[%swap3A_967] {strides = array<i32>} : memref<4096xf32, #tpu.memory_space<vmem>>, vector<16xf32>,
      tpu.vector_store %arg12[%swap3A_967], %gather3A {strides = array<i32>} : memref<4096xf32, #tpu.memory_space<vmem>>, vector<16xf32>,
      %add3A_969 = arith.constant 1 : i32
      %add3A_970 = vector.broadcast %add3A_969 : i32 to vector<16xi32>
      %add3A_971 = arith.addi %add3A_966, %add3A_970 : vector<16xi32>
      %gather3A_972 = tpu.vector_load_idx %arg11[%add3A_971] masked %lt3A_962 : memref<32768xf32, #tpu.memory_space<vmem>>[vector<16xi32>], vector<16xf32>, vector<16xi1>
      %mul3A_973 = arith.constant 16 : i32
      %mul3A_974 = arith.muli %while3A_955, %mul3A_973 : i32
      %add3A_975 = arith.constant 2048 : i32
      %add3A_976 = arith.addi %add3A_975, %mul3A_974 : i32
      %swap3A_977 = arith.index_cast %add3A_976 : i32 to index
      %swap3A_978 = tpu.vector_load %arg12[%swap3A_977] {strides = array<i32>} : memref<4096xf32, #tpu.memory_space<vmem>>, vector<16xf32>,
      tpu.vector_store %arg12[%swap3A_977], %gather3A_972 {strides = array<i32>} : memref<4096xf32, #tpu.memory_space<vmem>>, vector<16xf32>,
    }
    %while3A_563 = arith.constant 0 : i32
    %while3A_564 = arith.constant 0 : i32
    %while3A_565 = arith.subi %select_n3A_131, %while3A_564 : i32
    %while3A_566 = arith.addi %while3A_564, %while3A_565 : i32
    %while3A_567 = arith.constant 1 : i32
    %while3A_568 = arith.divsi %while3A_565, %while3A_567 : i32
    %while3A_569 = arith.muli %while3A_568, %while3A_567 : i32
    %while3A_570 = arith.addi %while3A_564, %while3A_569 : i32
    %while3A_571 = arith.constant 1 : i32
    scf.for %while3A_955 = %while3A_564 to %while3A_570 step %while3A_571  : i32 {
      %mul3A_956 = arith.constant 16 : i32
      %mul3A_957 = arith.muli %while3A_955, %mul3A_956 : i32
      %mul3A_958 = arith.constant 16 : i32
      %mul3A_959 = arith.muli %while3A_955, %mul3A_958 : i32
      %sub3A_960 = arith.subi %scan3A_104, %mul3A_959 : i32
      %lt3A_961 = vector.broadcast %sub3A_960 : i32 to vector<16xi32>
      %lt3A_962 = arith.cmpi slt, %iota3A, %lt3A_961 : vector<16xi32>
      %get3A = arith.index_cast %mul3A_957 : i32 to index
      %get3A_963 = tpu.vector_load %arg8[%get3A] {strides = array<i32>} : memref<2064xi32, #tpu.memory_space<vmem>>, vector<16xi32>,
      %add3A_964 = arith.constant 0 : i32
      %add3A_965 = vector.broadcast %add3A_964 : i32 to vector<16xi32>
      %add3A_966 = arith.addi %get3A_963, %add3A_965 : vector<16xi32>
      %get3A_967 = arith.index_cast %mul3A_957 : i32 to index
      %get3A_968 = tpu.vector_load %arg12[%get3A_967] {strides = array<i32>} : memref<4096xf32, #tpu.memory_space<vmem>>, vector<16xf32>,
      tpu.vector_store_idx %arg11[%add3A_966], %get3A_968 masked %lt3A_962 : memref<32768xf32, #tpu.memory_space<vmem>>[vector<16xi32>], vector<16xf32>, vector<16xi1>
      %add3A_969 = arith.constant 1 : i32
      %add3A_970 = vector.broadcast %add3A_969 : i32 to vector<16xi32>
      %add3A_971 = arith.addi %add3A_966, %add3A_970 : vector<16xi32>
      %mul3A_972 = arith.constant 16 : i32
      %mul3A_973 = arith.muli %while3A_955, %mul3A_972 : i32
      %add3A_974 = arith.constant 2048 : i32
      %add3A_975 = arith.addi %add3A_974, %mul3A_973 : i32
      %get3A_976 = arith.index_cast %add3A_975 : i32 to index
      %get3A_977 = tpu.vector_load %arg12[%get3A_976] {strides = array<i32>} : memref<4096xf32, #tpu.memory_space<vmem>>, vector<16xf32>,
      tpu.vector_store_idx %arg11[%add3A_971], %get3A_977 masked %lt3A_962 : memref<32768xf32, #tpu.memory_space<vmem>>[vector<16xi32>], vector<16xf32>, vector<16xi1>
    }
    %while3A_572 = arith.constant 1 : i32
    scf.for %while3A_955 = %while3A_570 to %while3A_566 step %while3A_572  : i32 {
      %mul3A_956 = arith.constant 16 : i32
      %mul3A_957 = arith.muli %while3A_955, %mul3A_956 : i32
      %mul3A_958 = arith.constant 16 : i32
      %mul3A_959 = arith.muli %while3A_955, %mul3A_958 : i32
      %sub3A_960 = arith.subi %scan3A_104, %mul3A_959 : i32
      %lt3A_961 = vector.broadcast %sub3A_960 : i32 to vector<16xi32>
      %lt3A_962 = arith.cmpi slt, %iota3A, %lt3A_961 : vector<16xi32>
      %get3A = arith.index_cast %mul3A_957 : i32 to index
      %get3A_963 = tpu.vector_load %arg8[%get3A] {strides = array<i32>} : memref<2064xi32, #tpu.memory_space<vmem>>, vector<16xi32>,
      %add3A_964 = arith.constant 0 : i32
      %add3A_965 = vector.broadcast %add3A_964 : i32 to vector<16xi32>
      %add3A_966 = arith.addi %get3A_963, %add3A_965 : vector<16xi32>
      %get3A_967 = arith.index_cast %mul3A_957 : i32 to index
      %get3A_968 = tpu.vector_load %arg12[%get3A_967] {strides = array<i32>} : memref<4096xf32, #tpu.memory_space<vmem>>, vector<16xf32>,
      tpu.vector_store_idx %arg11[%add3A_966], %get3A_968 masked %lt3A_962 : memref<32768xf32, #tpu.memory_space<vmem>>[vector<16xi32>], vector<16xf32>, vector<16xi1>
      %add3A_969 = arith.constant 1 : i32
      %add3A_970 = vector.broadcast %add3A_969 : i32 to vector<16xi32>
      %add3A_971 = arith.addi %add3A_966, %add3A_970 : vector<16xi32>
      %mul3A_972 = arith.constant 16 : i32
      %mul3A_973 = arith.muli %while3A_955, %mul3A_972 : i32
      %add3A_974 = arith.constant 2048 : i32
      %add3A_975 = arith.addi %add3A_974, %mul3A_973 : i32
      %get3A_976 = arith.index_cast %add3A_975 : i32 to index
      %get3A_977 = tpu.vector_load %arg12[%get3A_976] {strides = array<i32>} : memref<4096xf32, #tpu.memory_space<vmem>>, vector<16xf32>,
      tpu.vector_store_idx %arg11[%add3A_971], %get3A_977 masked %lt3A_962 : memref<32768xf32, #tpu.memory_space<vmem>>[vector<16xi32>], vector<16xf32>, vector<16xi1>
    }
    %while3A_573 = arith.constant 0 : i32
    %while3A_574 = arith.constant 0 : i32
    %while3A_575 = arith.subi %select_n3A_131, %while3A_574 : i32
    %while3A_576 = arith.addi %while3A_574, %while3A_575 : i32
    %while3A_577 = arith.constant 1 : i32
    %while3A_578 = arith.divsi %while3A_575, %while3A_577 : i32
    %while3A_579 = arith.muli %while3A_578, %while3A_577 : i32
    %while3A_580 = arith.addi %while3A_574, %while3A_579 : i32
    %while3A_581 = arith.constant 1 : i32
    scf.for %while3A_955 = %while3A_574 to %while3A_580 step %while3A_581  : i32 {
      %mul3A_956 = arith.constant 16 : i32
      %mul3A_957 = arith.muli %while3A_955, %mul3A_956 : i32
      %mul3A_958 = arith.constant 16 : i32
      %mul3A_959 = arith.muli %while3A_955, %mul3A_958 : i32
      %sub3A_960 = arith.subi %scan3A_104, %mul3A_959 : i32
      %lt3A_961 = vector.broadcast %sub3A_960 : i32 to vector<16xi32>
      %lt3A_962 = arith.cmpi slt, %iota3A, %lt3A_961 : vector<16xi32>
      %get3A = arith.index_cast %mul3A_957 : i32 to index
      %get3A_963 = tpu.vector_load %arg7[%get3A] {strides = array<i32>} : memref<2064xi32, #tpu.memory_space<vmem>>, vector<16xi32>,
      %add3A_964 = arith.constant 16384 : i32
      %add3A_965 = vector.broadcast %add3A_964 : i32 to vector<16xi32>
      %add3A_966 = arith.addi %get3A_963, %add3A_965 : vector<16xi32>
      %gather3A = tpu.vector_load_idx %arg11[%add3A_966] masked %lt3A_962 : memref<32768xf32, #tpu.memory_space<vmem>>[vector<16xi32>], vector<16xf32>, vector<16xi1>
      %swap3A_967 = arith.index_cast %mul3A_957 : i32 to index
      %swap3A_968 = tpu.vector_load %arg12[%swap3A_967] {strides = array<i32>} : memref<4096xf32, #tpu.memory_space<vmem>>, vector<16xf32>,
      tpu.vector_store %arg12[%swap3A_967], %gather3A {strides = array<i32>} : memref<4096xf32, #tpu.memory_space<vmem>>, vector<16xf32>,
      %add3A_969 = arith.constant 1 : i32
      %add3A_970 = vector.broadcast %add3A_969 : i32 to vector<16xi32>
      %add3A_971 = arith.addi %add3A_966, %add3A_970 : vector<16xi32>
      %gather3A_972 = tpu.vector_load_idx %arg11[%add3A_971] masked %lt3A_962 : memref<32768xf32, #tpu.memory_space<vmem>>[vector<16xi32>], vector<16xf32>, vector<16xi1>
      %mul3A_973 = arith.constant 16 : i32
      %mul3A_974 = arith.muli %while3A_955, %mul3A_973 : i32
      %add3A_975 = arith.constant 2048 : i32
      %add3A_976 = arith.addi %add3A_975, %mul3A_974 : i32
      %swap3A_977 = arith.index_cast %add3A_976 : i32 to index
      %swap3A_978 = tpu.vector_load %arg12[%swap3A_977] {strides = array<i32>} : memref<4096xf32, #tpu.memory_space<vmem>>, vector<16xf32>,
      tpu.vector_store %arg12[%swap3A_977], %gather3A_972 {strides = array<i32>} : memref<4096xf32, #tpu.memory_space<vmem>>, vector<16xf32>,
    }
    %while3A_582 = arith.constant 1 : i32
    scf.for %while3A_955 = %while3A_580 to %while3A_576 step %while3A_582  : i32 {
      %mul3A_956 = arith.constant 16 : i32
      %mul3A_957 = arith.muli %while3A_955, %mul3A_956 : i32
      %mul3A_958 = arith.constant 16 : i32
      %mul3A_959 = arith.muli %while3A_955, %mul3A_958 : i32
      %sub3A_960 = arith.subi %scan3A_104, %mul3A_959 : i32
      %lt3A_961 = vector.broadcast %sub3A_960 : i32 to vector<16xi32>
      %lt3A_962 = arith.cmpi slt, %iota3A, %lt3A_961 : vector<16xi32>
      %get3A = arith.index_cast %mul3A_957 : i32 to index
      %get3A_963 = tpu.vector_load %arg7[%get3A] {strides = array<i32>} : memref<2064xi32, #tpu.memory_space<vmem>>, vector<16xi32>,
      %add3A_964 = arith.constant 16384 : i32
      %add3A_965 = vector.broadcast %add3A_964 : i32 to vector<16xi32>
      %add3A_966 = arith.addi %get3A_963, %add3A_965 : vector<16xi32>
      %gather3A = tpu.vector_load_idx %arg11[%add3A_966] masked %lt3A_962 : memref<32768xf32, #tpu.memory_space<vmem>>[vector<16xi32>], vector<16xf32>, vector<16xi1>
      %swap3A_967 = arith.index_cast %mul3A_957 : i32 to index
      %swap3A_968 = tpu.vector_load %arg12[%swap3A_967] {strides = array<i32>} : memref<4096xf32, #tpu.memory_space<vmem>>, vector<16xf32>,
      tpu.vector_store %arg12[%swap3A_967], %gather3A {strides = array<i32>} : memref<4096xf32, #tpu.memory_space<vmem>>, vector<16xf32>,
      %add3A_969 = arith.constant 1 : i32
      %add3A_970 = vector.broadcast %add3A_969 : i32 to vector<16xi32>
      %add3A_971 = arith.addi %add3A_966, %add3A_970 : vector<16xi32>
      %gather3A_972 = tpu.vector_load_idx %arg11[%add3A_971] masked %lt3A_962 : memref<32768xf32, #tpu.memory_space<vmem>>[vector<16xi32>], vector<16xf32>, vector<16xi1>
      %mul3A_973 = arith.constant 16 : i32
      %mul3A_974 = arith.muli %while3A_955, %mul3A_973 : i32
      %add3A_975 = arith.constant 2048 : i32
      %add3A_976 = arith.addi %add3A_975, %mul3A_974 : i32
      %swap3A_977 = arith.index_cast %add3A_976 : i32 to index
      %swap3A_978 = tpu.vector_load %arg12[%swap3A_977] {strides = array<i32>} : memref<4096xf32, #tpu.memory_space<vmem>>, vector<16xf32>,
      tpu.vector_store %arg12[%swap3A_977], %gather3A_972 {strides = array<i32>} : memref<4096xf32, #tpu.memory_space<vmem>>, vector<16xf32>,
    }
    %while3A_583 = arith.constant 0 : i32
    %while3A_584 = arith.constant 0 : i32
    %while3A_585 = arith.subi %select_n3A_131, %while3A_584 : i32
    %while3A_586 = arith.addi %while3A_584, %while3A_585 : i32
    %while3A_587 = arith.constant 1 : i32
    %while3A_588 = arith.divsi %while3A_585, %while3A_587 : i32
    %while3A_589 = arith.muli %while3A_588, %while3A_587 : i32
    %while3A_590 = arith.addi %while3A_584, %while3A_589 : i32
    %while3A_591 = arith.constant 1 : i32
    scf.for %while3A_955 = %while3A_584 to %while3A_590 step %while3A_591  : i32 {
      %mul3A_956 = arith.constant 16 : i32
      %mul3A_957 = arith.muli %while3A_955, %mul3A_956 : i32
      %mul3A_958 = arith.constant 16 : i32
      %mul3A_959 = arith.muli %while3A_955, %mul3A_958 : i32
      %sub3A_960 = arith.subi %scan3A_104, %mul3A_959 : i32
      %lt3A_961 = vector.broadcast %sub3A_960 : i32 to vector<16xi32>
      %lt3A_962 = arith.cmpi slt, %iota3A, %lt3A_961 : vector<16xi32>
      %get3A = arith.index_cast %mul3A_957 : i32 to index
      %get3A_963 = tpu.vector_load %arg8[%get3A] {strides = array<i32>} : memref<2064xi32, #tpu.memory_space<vmem>>, vector<16xi32>,
      %add3A_964 = arith.constant 16384 : i32
      %add3A_965 = vector.broadcast %add3A_964 : i32 to vector<16xi32>
      %add3A_966 = arith.addi %get3A_963, %add3A_965 : vector<16xi32>
      %get3A_967 = arith.index_cast %mul3A_957 : i32 to index
      %get3A_968 = tpu.vector_load %arg12[%get3A_967] {strides = array<i32>} : memref<4096xf32, #tpu.memory_space<vmem>>, vector<16xf32>,
      tpu.vector_store_idx %arg11[%add3A_966], %get3A_968 masked %lt3A_962 : memref<32768xf32, #tpu.memory_space<vmem>>[vector<16xi32>], vector<16xf32>, vector<16xi1>
      %add3A_969 = arith.constant 1 : i32
      %add3A_970 = vector.broadcast %add3A_969 : i32 to vector<16xi32>
      %add3A_971 = arith.addi %add3A_966, %add3A_970 : vector<16xi32>
      %mul3A_972 = arith.constant 16 : i32
      %mul3A_973 = arith.muli %while3A_955, %mul3A_972 : i32
      %add3A_974 = arith.constant 2048 : i32
      %add3A_975 = arith.addi %add3A_974, %mul3A_973 : i32
      %get3A_976 = arith.index_cast %add3A_975 : i32 to index
      %get3A_977 = tpu.vector_load %arg12[%get3A_976] {strides = array<i32>} : memref<4096xf32, #tpu.memory_space<vmem>>, vector<16xf32>,
      tpu.vector_store_idx %arg11[%add3A_971], %get3A_977 masked %lt3A_962 : memref<32768xf32, #tpu.memory_space<vmem>>[vector<16xi32>], vector<16xf32>, vector<16xi1>
    }
    %while3A_592 = arith.constant 1 : i32
    scf.for %while3A_955 = %while3A_590 to %while3A_586 step %while3A_592  : i32 {
      %mul3A_956 = arith.constant 16 : i32
      %mul3A_957 = arith.muli %while3A_955, %mul3A_956 : i32
      %mul3A_958 = arith.constant 16 : i32
      %mul3A_959 = arith.muli %while3A_955, %mul3A_958 : i32
      %sub3A_960 = arith.subi %scan3A_104, %mul3A_959 : i32
      %lt3A_961 = vector.broadcast %sub3A_960 : i32 to vector<16xi32>
      %lt3A_962 = arith.cmpi slt, %iota3A, %lt3A_961 : vector<16xi32>
      %get3A = arith.index_cast %mul3A_957 : i32 to index
      %get3A_963 = tpu.vector_load %arg8[%get3A] {strides = array<i32>} : memref<2064xi32, #tpu.memory_space<vmem>>, vector<16xi32>,
      %add3A_964 = arith.constant 16384 : i32
      %add3A_965 = vector.broadcast %add3A_964 : i32 to vector<16xi32>
      %add3A_966 = arith.addi %get3A_963, %add3A_965 : vector<16xi32>
      %get3A_967 = arith.index_cast %mul3A_957 : i32 to index
      %get3A_968 = tpu.vector_load %arg12[%get3A_967] {strides = array<i32>} : memref<4096xf32, #tpu.memory_space<vmem>>, vector<16xf32>,
      tpu.vector_store_idx %arg11[%add3A_966], %get3A_968 masked %lt3A_962 : memref<32768xf32, #tpu.memory_space<vmem>>[vector<16xi32>], vector<16xf32>, vector<16xi1>
      %add3A_969 = arith.constant 1 : i32
      %add3A_970 = vector.broadcast %add3A_969 : i32 to vector<16xi32>
      %add3A_971 = arith.addi %add3A_966, %add3A_970 : vector<16xi32>
      %mul3A_972 = arith.constant 16 : i32
      %mul3A_973 = arith.muli %while3A_955, %mul3A_972 : i32
      %add3A_974 = arith.constant 2048 : i32
      %add3A_975 = arith.addi %add3A_974, %mul3A_973 : i32
      %get3A_976 = arith.index_cast %add3A_975 : i32 to index
      %get3A_977 = tpu.vector_load %arg12[%get3A_976] {strides = array<i32>} : memref<4096xf32, #tpu.memory_space<vmem>>, vector<16xf32>,
      tpu.vector_store_idx %arg11[%add3A_971], %get3A_977 masked %lt3A_962 : memref<32768xf32, #tpu.memory_space<vmem>>[vector<16xi32>], vector<16xf32>, vector<16xi1>
    }
    %add3A_593 = arith.constant 262144 : i32
    %add3A_594 = arith.addi %mul3A_37, %add3A_593 : i32
    %dma_start3A_595 = tpu.memref_slice %arg4[%add3A_594] : memref<16777216xf32, #tpu.memory_space<hbm>> -> memref<32768xf32, #tpu.memory_space<hbm>>
    %dma_start3A_596 = tpu.memref_slice %arg4[%add3A_594] : memref<16777216xf32, #tpu.memory_space<hbm>> -> memref<32768xf32, #tpu.memory_space<hbm>>
    tpu.enqueue_dma source(%arg11 : memref<32768xf32, #tpu.memory_space<vmem>>) target(%dma_start3A_596 : memref<32768xf32, #tpu.memory_space<hbm>>) target_semaphore(%arg18 : memref<!tpu.dma_semaphore, #tpu.memory_space<semaphore_mem>>)
    %dma_wait3A_597 = tpu.memref_slice %arg4[%add3A_594] : memref<16777216xf32, #tpu.memory_space<hbm>> -> memref<32768xf32, #tpu.memory_space<hbm>>
    %dma_wait3A_598 = tpu.memref_slice %arg4[%add3A_594] : memref<16777216xf32, #tpu.memory_space<hbm>> -> memref<32768xf32, #tpu.memory_space<hbm>>
    tpu.wait_dma2 semaphore(%arg18 : memref<!tpu.dma_semaphore, #tpu.memory_space<semaphore_mem>>) src(%arg11 : memref<32768xf32, #tpu.memory_space<vmem>>) dst(%dma_wait3A_598 : memref<32768xf32, #tpu.memory_space<hbm>>)
    %add3A_599 = arith.constant 360448 : i32
    %add3A_600 = arith.addi %mul3A_37, %add3A_599 : i32
    %dma_start3A_601 = tpu.memref_slice %arg2[%add3A_600] : memref<16777216xf32, #tpu.memory_space<hbm>> -> memref<32768xf32, #tpu.memory_space<hbm>>
    %dma_start3A_602 = tpu.memref_slice %arg2[%add3A_600] : memref<16777216xf32, #tpu.memory_space<hbm>> -> memref<32768xf32, #tpu.memory_space<hbm>>
    tpu.enqueue_dma source(%dma_start3A_602 : memref<32768xf32, #tpu.memory_space<hbm>>) target(%arg11 : memref<32768xf32, #tpu.memory_space<vmem>>) target_semaphore(%arg15 : memref<!tpu.dma_semaphore, #tpu.memory_space<semaphore_mem>>)
    %dma_wait3A_603 = tpu.memref_slice %arg2[%add3A_496] : memref<16777216xf32, #tpu.memory_space<hbm>> -> memref<32768xf32, #tpu.memory_space<hbm>>
    %dma_wait3A_604 = tpu.memref_slice %arg2[%add3A_496] : memref<16777216xf32, #tpu.memory_space<hbm>> -> memref<32768xf32, #tpu.memory_space<hbm>>
    tpu.wait_dma2 semaphore(%arg13 : memref<!tpu.dma_semaphore, #tpu.memory_space<semaphore_mem>>) src(%dma_wait3A_604 : memref<32768xf32, #tpu.memory_space<hbm>>) dst(%arg9 : memref<32768xf32, #tpu.memory_space<vmem>>)
    %while3A_605 = arith.constant 0 : i32
    %while3A_606 = arith.constant 0 : i32
    %while3A_607 = arith.subi %select_n3A_131, %while3A_606 : i32
    %while3A_608 = arith.addi %while3A_606, %while3A_607 : i32
    %while3A_609 = arith.constant 1 : i32
    %while3A_610 = arith.divsi %while3A_607, %while3A_609 : i32
    %while3A_611 = arith.muli %while3A_610, %while3A_609 : i32
    %while3A_612 = arith.addi %while3A_606, %while3A_611 : i32
    %while3A_613 = arith.constant 1 : i32
    scf.for %while3A_955 = %while3A_606 to %while3A_612 step %while3A_613  : i32 {
      %mul3A_956 = arith.constant 16 : i32
      %mul3A_957 = arith.muli %while3A_955, %mul3A_956 : i32
      %mul3A_958 = arith.constant 16 : i32
      %mul3A_959 = arith.muli %while3A_955, %mul3A_958 : i32
      %sub3A_960 = arith.subi %scan3A_104, %mul3A_959 : i32
      %lt3A_961 = vector.broadcast %sub3A_960 : i32 to vector<16xi32>
      %lt3A_962 = arith.cmpi slt, %iota3A, %lt3A_961 : vector<16xi32>
      %get3A = arith.index_cast %mul3A_957 : i32 to index
      %get3A_963 = tpu.vector_load %arg7[%get3A] {strides = array<i32>} : memref<2064xi32, #tpu.memory_space<vmem>>, vector<16xi32>,
      %add3A_964 = arith.constant 0 : i32
      %add3A_965 = vector.broadcast %add3A_964 : i32 to vector<16xi32>
      %add3A_966 = arith.addi %get3A_963, %add3A_965 : vector<16xi32>
      %gather3A = tpu.vector_load_idx %arg9[%add3A_966] masked %lt3A_962 : memref<32768xf32, #tpu.memory_space<vmem>>[vector<16xi32>], vector<16xf32>, vector<16xi1>
      %swap3A_967 = arith.index_cast %mul3A_957 : i32 to index
      %swap3A_968 = tpu.vector_load %arg12[%swap3A_967] {strides = array<i32>} : memref<4096xf32, #tpu.memory_space<vmem>>, vector<16xf32>,
      tpu.vector_store %arg12[%swap3A_967], %gather3A {strides = array<i32>} : memref<4096xf32, #tpu.memory_space<vmem>>, vector<16xf32>,
      %add3A_969 = arith.constant 1 : i32
      %add3A_970 = vector.broadcast %add3A_969 : i32 to vector<16xi32>
      %add3A_971 = arith.addi %add3A_966, %add3A_970 : vector<16xi32>
      %gather3A_972 = tpu.vector_load_idx %arg9[%add3A_971] masked %lt3A_962 : memref<32768xf32, #tpu.memory_space<vmem>>[vector<16xi32>], vector<16xf32>, vector<16xi1>
      %mul3A_973 = arith.constant 16 : i32
      %mul3A_974 = arith.muli %while3A_955, %mul3A_973 : i32
      %add3A_975 = arith.constant 2048 : i32
      %add3A_976 = arith.addi %add3A_975, %mul3A_974 : i32
      %swap3A_977 = arith.index_cast %add3A_976 : i32 to index
      %swap3A_978 = tpu.vector_load %arg12[%swap3A_977] {strides = array<i32>} : memref<4096xf32, #tpu.memory_space<vmem>>, vector<16xf32>,
      tpu.vector_store %arg12[%swap3A_977], %gather3A_972 {strides = array<i32>} : memref<4096xf32, #tpu.memory_space<vmem>>, vector<16xf32>,
    }
    %while3A_614 = arith.constant 1 : i32
    scf.for %while3A_955 = %while3A_612 to %while3A_608 step %while3A_614  : i32 {
      %mul3A_956 = arith.constant 16 : i32
      %mul3A_957 = arith.muli %while3A_955, %mul3A_956 : i32
      %mul3A_958 = arith.constant 16 : i32
      %mul3A_959 = arith.muli %while3A_955, %mul3A_958 : i32
      %sub3A_960 = arith.subi %scan3A_104, %mul3A_959 : i32
      %lt3A_961 = vector.broadcast %sub3A_960 : i32 to vector<16xi32>
      %lt3A_962 = arith.cmpi slt, %iota3A, %lt3A_961 : vector<16xi32>
      %get3A = arith.index_cast %mul3A_957 : i32 to index
      %get3A_963 = tpu.vector_load %arg7[%get3A] {strides = array<i32>} : memref<2064xi32, #tpu.memory_space<vmem>>, vector<16xi32>,
      %add3A_964 = arith.constant 0 : i32
      %add3A_965 = vector.broadcast %add3A_964 : i32 to vector<16xi32>
      %add3A_966 = arith.addi %get3A_963, %add3A_965 : vector<16xi32>
      %gather3A = tpu.vector_load_idx %arg9[%add3A_966] masked %lt3A_962 : memref<32768xf32, #tpu.memory_space<vmem>>[vector<16xi32>], vector<16xf32>, vector<16xi1>
      %swap3A_967 = arith.index_cast %mul3A_957 : i32 to index
      %swap3A_968 = tpu.vector_load %arg12[%swap3A_967] {strides = array<i32>} : memref<4096xf32, #tpu.memory_space<vmem>>, vector<16xf32>,
      tpu.vector_store %arg12[%swap3A_967], %gather3A {strides = array<i32>} : memref<4096xf32, #tpu.memory_space<vmem>>, vector<16xf32>,
      %add3A_969 = arith.constant 1 : i32
      %add3A_970 = vector.broadcast %add3A_969 : i32 to vector<16xi32>
      %add3A_971 = arith.addi %add3A_966, %add3A_970 : vector<16xi32>
      %gather3A_972 = tpu.vector_load_idx %arg9[%add3A_971] masked %lt3A_962 : memref<32768xf32, #tpu.memory_space<vmem>>[vector<16xi32>], vector<16xf32>, vector<16xi1>
      %mul3A_973 = arith.constant 16 : i32
      %mul3A_974 = arith.muli %while3A_955, %mul3A_973 : i32
      %add3A_975 = arith.constant 2048 : i32
      %add3A_976 = arith.addi %add3A_975, %mul3A_974 : i32
      %swap3A_977 = arith.index_cast %add3A_976 : i32 to index
      %swap3A_978 = tpu.vector_load %arg12[%swap3A_977] {strides = array<i32>} : memref<4096xf32, #tpu.memory_space<vmem>>, vector<16xf32>,
      tpu.vector_store %arg12[%swap3A_977], %gather3A_972 {strides = array<i32>} : memref<4096xf32, #tpu.memory_space<vmem>>, vector<16xf32>,
    }
    %while3A_615 = arith.constant 0 : i32
    %while3A_616 = arith.constant 0 : i32
    %while3A_617 = arith.subi %select_n3A_131, %while3A_616 : i32
    %while3A_618 = arith.addi %while3A_616, %while3A_617 : i32
    %while3A_619 = arith.constant 1 : i32
    %while3A_620 = arith.divsi %while3A_617, %while3A_619 : i32
    %while3A_621 = arith.muli %while3A_620, %while3A_619 : i32
    %while3A_622 = arith.addi %while3A_616, %while3A_621 : i32
    %while3A_623 = arith.constant 1 : i32
    scf.for %while3A_955 = %while3A_616 to %while3A_622 step %while3A_623  : i32 {
      %mul3A_956 = arith.constant 16 : i32
      %mul3A_957 = arith.muli %while3A_955, %mul3A_956 : i32
      %mul3A_958 = arith.constant 16 : i32
      %mul3A_959 = arith.muli %while3A_955, %mul3A_958 : i32
      %sub3A_960 = arith.subi %scan3A_104, %mul3A_959 : i32
      %lt3A_961 = vector.broadcast %sub3A_960 : i32 to vector<16xi32>
      %lt3A_962 = arith.cmpi slt, %iota3A, %lt3A_961 : vector<16xi32>
      %get3A = arith.index_cast %mul3A_957 : i32 to index
      %get3A_963 = tpu.vector_load %arg8[%get3A] {strides = array<i32>} : memref<2064xi32, #tpu.memory_space<vmem>>, vector<16xi32>,
      %add3A_964 = arith.constant 0 : i32
      %add3A_965 = vector.broadcast %add3A_964 : i32 to vector<16xi32>
      %add3A_966 = arith.addi %get3A_963, %add3A_965 : vector<16xi32>
      %get3A_967 = arith.index_cast %mul3A_957 : i32 to index
      %get3A_968 = tpu.vector_load %arg12[%get3A_967] {strides = array<i32>} : memref<4096xf32, #tpu.memory_space<vmem>>, vector<16xf32>,
      tpu.vector_store_idx %arg9[%add3A_966], %get3A_968 masked %lt3A_962 : memref<32768xf32, #tpu.memory_space<vmem>>[vector<16xi32>], vector<16xf32>, vector<16xi1>
      %add3A_969 = arith.constant 1 : i32
      %add3A_970 = vector.broadcast %add3A_969 : i32 to vector<16xi32>
      %add3A_971 = arith.addi %add3A_966, %add3A_970 : vector<16xi32>
      %mul3A_972 = arith.constant 16 : i32
      %mul3A_973 = arith.muli %while3A_955, %mul3A_972 : i32
      %add3A_974 = arith.constant 2048 : i32
      %add3A_975 = arith.addi %add3A_974, %mul3A_973 : i32
      %get3A_976 = arith.index_cast %add3A_975 : i32 to index
      %get3A_977 = tpu.vector_load %arg12[%get3A_976] {strides = array<i32>} : memref<4096xf32, #tpu.memory_space<vmem>>, vector<16xf32>,
      tpu.vector_store_idx %arg9[%add3A_971], %get3A_977 masked %lt3A_962 : memref<32768xf32, #tpu.memory_space<vmem>>[vector<16xi32>], vector<16xf32>, vector<16xi1>
    }
    %while3A_624 = arith.constant 1 : i32
    scf.for %while3A_955 = %while3A_622 to %while3A_618 step %while3A_624  : i32 {
      %mul3A_956 = arith.constant 16 : i32
      %mul3A_957 = arith.muli %while3A_955, %mul3A_956 : i32
      %mul3A_958 = arith.constant 16 : i32
      %mul3A_959 = arith.muli %while3A_955, %mul3A_958 : i32
      %sub3A_960 = arith.subi %scan3A_104, %mul3A_959 : i32
      %lt3A_961 = vector.broadcast %sub3A_960 : i32 to vector<16xi32>
      %lt3A_962 = arith.cmpi slt, %iota3A, %lt3A_961 : vector<16xi32>
      %get3A = arith.index_cast %mul3A_957 : i32 to index
      %get3A_963 = tpu.vector_load %arg8[%get3A] {strides = array<i32>} : memref<2064xi32, #tpu.memory_space<vmem>>, vector<16xi32>,
      %add3A_964 = arith.constant 0 : i32
      %add3A_965 = vector.broadcast %add3A_964 : i32 to vector<16xi32>
      %add3A_966 = arith.addi %get3A_963, %add3A_965 : vector<16xi32>
      %get3A_967 = arith.index_cast %mul3A_957 : i32 to index
      %get3A_968 = tpu.vector_load %arg12[%get3A_967] {strides = array<i32>} : memref<4096xf32, #tpu.memory_space<vmem>>, vector<16xf32>,
      tpu.vector_store_idx %arg9[%add3A_966], %get3A_968 masked %lt3A_962 : memref<32768xf32, #tpu.memory_space<vmem>>[vector<16xi32>], vector<16xf32>, vector<16xi1>
      %add3A_969 = arith.constant 1 : i32
      %add3A_970 = vector.broadcast %add3A_969 : i32 to vector<16xi32>
      %add3A_971 = arith.addi %add3A_966, %add3A_970 : vector<16xi32>
      %mul3A_972 = arith.constant 16 : i32
      %mul3A_973 = arith.muli %while3A_955, %mul3A_972 : i32
      %add3A_974 = arith.constant 2048 : i32
      %add3A_975 = arith.addi %add3A_974, %mul3A_973 : i32
      %get3A_976 = arith.index_cast %add3A_975 : i32 to index
      %get3A_977 = tpu.vector_load %arg12[%get3A_976] {strides = array<i32>} : memref<4096xf32, #tpu.memory_space<vmem>>, vector<16xf32>,
      tpu.vector_store_idx %arg9[%add3A_971], %get3A_977 masked %lt3A_962 : memref<32768xf32, #tpu.memory_space<vmem>>[vector<16xi32>], vector<16xf32>, vector<16xi1>
    }
    %while3A_625 = arith.constant 0 : i32
    %while3A_626 = arith.constant 0 : i32
    %while3A_627 = arith.subi %select_n3A_131, %while3A_626 : i32
    %while3A_628 = arith.addi %while3A_626, %while3A_627 : i32
    %while3A_629 = arith.constant 1 : i32
    %while3A_630 = arith.divsi %while3A_627, %while3A_629 : i32
    %while3A_631 = arith.muli %while3A_630, %while3A_629 : i32
    %while3A_632 = arith.addi %while3A_626, %while3A_631 : i32
    %while3A_633 = arith.constant 1 : i32
    scf.for %while3A_955 = %while3A_626 to %while3A_632 step %while3A_633  : i32 {
      %mul3A_956 = arith.constant 16 : i32
      %mul3A_957 = arith.muli %while3A_955, %mul3A_956 : i32
      %mul3A_958 = arith.constant 16 : i32
      %mul3A_959 = arith.muli %while3A_955, %mul3A_958 : i32
      %sub3A_960 = arith.subi %scan3A_104, %mul3A_959 : i32
      %lt3A_961 = vector.broadcast %sub3A_960 : i32 to vector<16xi32>
      %lt3A_962 = arith.cmpi slt, %iota3A, %lt3A_961 : vector<16xi32>
      %get3A = arith.index_cast %mul3A_957 : i32 to index
      %get3A_963 = tpu.vector_load %arg7[%get3A] {strides = array<i32>} : memref<2064xi32, #tpu.memory_space<vmem>>, vector<16xi32>,
      %add3A_964 = arith.constant 16384 : i32
      %add3A_965 = vector.broadcast %add3A_964 : i32 to vector<16xi32>
      %add3A_966 = arith.addi %get3A_963, %add3A_965 : vector<16xi32>
      %gather3A = tpu.vector_load_idx %arg9[%add3A_966] masked %lt3A_962 : memref<32768xf32, #tpu.memory_space<vmem>>[vector<16xi32>], vector<16xf32>, vector<16xi1>
      %swap3A_967 = arith.index_cast %mul3A_957 : i32 to index
      %swap3A_968 = tpu.vector_load %arg12[%swap3A_967] {strides = array<i32>} : memref<4096xf32, #tpu.memory_space<vmem>>, vector<16xf32>,
      tpu.vector_store %arg12[%swap3A_967], %gather3A {strides = array<i32>} : memref<4096xf32, #tpu.memory_space<vmem>>, vector<16xf32>,
      %add3A_969 = arith.constant 1 : i32
      %add3A_970 = vector.broadcast %add3A_969 : i32 to vector<16xi32>
      %add3A_971 = arith.addi %add3A_966, %add3A_970 : vector<16xi32>
      %gather3A_972 = tpu.vector_load_idx %arg9[%add3A_971] masked %lt3A_962 : memref<32768xf32, #tpu.memory_space<vmem>>[vector<16xi32>], vector<16xf32>, vector<16xi1>
      %mul3A_973 = arith.constant 16 : i32
      %mul3A_974 = arith.muli %while3A_955, %mul3A_973 : i32
      %add3A_975 = arith.constant 2048 : i32
      %add3A_976 = arith.addi %add3A_975, %mul3A_974 : i32
      %swap3A_977 = arith.index_cast %add3A_976 : i32 to index
      %swap3A_978 = tpu.vector_load %arg12[%swap3A_977] {strides = array<i32>} : memref<4096xf32, #tpu.memory_space<vmem>>, vector<16xf32>,
      tpu.vector_store %arg12[%swap3A_977], %gather3A_972 {strides = array<i32>} : memref<4096xf32, #tpu.memory_space<vmem>>, vector<16xf32>,
    }
    %while3A_634 = arith.constant 1 : i32
    scf.for %while3A_955 = %while3A_632 to %while3A_628 step %while3A_634  : i32 {
      %mul3A_956 = arith.constant 16 : i32
      %mul3A_957 = arith.muli %while3A_955, %mul3A_956 : i32
      %mul3A_958 = arith.constant 16 : i32
      %mul3A_959 = arith.muli %while3A_955, %mul3A_958 : i32
      %sub3A_960 = arith.subi %scan3A_104, %mul3A_959 : i32
      %lt3A_961 = vector.broadcast %sub3A_960 : i32 to vector<16xi32>
      %lt3A_962 = arith.cmpi slt, %iota3A, %lt3A_961 : vector<16xi32>
      %get3A = arith.index_cast %mul3A_957 : i32 to index
      %get3A_963 = tpu.vector_load %arg7[%get3A] {strides = array<i32>} : memref<2064xi32, #tpu.memory_space<vmem>>, vector<16xi32>,
      %add3A_964 = arith.constant 16384 : i32
      %add3A_965 = vector.broadcast %add3A_964 : i32 to vector<16xi32>
      %add3A_966 = arith.addi %get3A_963, %add3A_965 : vector<16xi32>
      %gather3A = tpu.vector_load_idx %arg9[%add3A_966] masked %lt3A_962 : memref<32768xf32, #tpu.memory_space<vmem>>[vector<16xi32>], vector<16xf32>, vector<16xi1>
      %swap3A_967 = arith.index_cast %mul3A_957 : i32 to index
      %swap3A_968 = tpu.vector_load %arg12[%swap3A_967] {strides = array<i32>} : memref<4096xf32, #tpu.memory_space<vmem>>, vector<16xf32>,
      tpu.vector_store %arg12[%swap3A_967], %gather3A {strides = array<i32>} : memref<4096xf32, #tpu.memory_space<vmem>>, vector<16xf32>,
      %add3A_969 = arith.constant 1 : i32
      %add3A_970 = vector.broadcast %add3A_969 : i32 to vector<16xi32>
      %add3A_971 = arith.addi %add3A_966, %add3A_970 : vector<16xi32>
      %gather3A_972 = tpu.vector_load_idx %arg9[%add3A_971] masked %lt3A_962 : memref<32768xf32, #tpu.memory_space<vmem>>[vector<16xi32>], vector<16xf32>, vector<16xi1>
      %mul3A_973 = arith.constant 16 : i32
      %mul3A_974 = arith.muli %while3A_955, %mul3A_973 : i32
      %add3A_975 = arith.constant 2048 : i32
      %add3A_976 = arith.addi %add3A_975, %mul3A_974 : i32
      %swap3A_977 = arith.index_cast %add3A_976 : i32 to index
      %swap3A_978 = tpu.vector_load %arg12[%swap3A_977] {strides = array<i32>} : memref<4096xf32, #tpu.memory_space<vmem>>, vector<16xf32>,
      tpu.vector_store %arg12[%swap3A_977], %gather3A_972 {strides = array<i32>} : memref<4096xf32, #tpu.memory_space<vmem>>, vector<16xf32>,
    }
    %while3A_635 = arith.constant 0 : i32
    %while3A_636 = arith.constant 0 : i32
    %while3A_637 = arith.subi %select_n3A_131, %while3A_636 : i32
    %while3A_638 = arith.addi %while3A_636, %while3A_637 : i32
    %while3A_639 = arith.constant 1 : i32
    %while3A_640 = arith.divsi %while3A_637, %while3A_639 : i32
    %while3A_641 = arith.muli %while3A_640, %while3A_639 : i32
    %while3A_642 = arith.addi %while3A_636, %while3A_641 : i32
    %while3A_643 = arith.constant 1 : i32
    scf.for %while3A_955 = %while3A_636 to %while3A_642 step %while3A_643  : i32 {
      %mul3A_956 = arith.constant 16 : i32
      %mul3A_957 = arith.muli %while3A_955, %mul3A_956 : i32
      %mul3A_958 = arith.constant 16 : i32
      %mul3A_959 = arith.muli %while3A_955, %mul3A_958 : i32
      %sub3A_960 = arith.subi %scan3A_104, %mul3A_959 : i32
      %lt3A_961 = vector.broadcast %sub3A_960 : i32 to vector<16xi32>
      %lt3A_962 = arith.cmpi slt, %iota3A, %lt3A_961 : vector<16xi32>
      %get3A = arith.index_cast %mul3A_957 : i32 to index
      %get3A_963 = tpu.vector_load %arg8[%get3A] {strides = array<i32>} : memref<2064xi32, #tpu.memory_space<vmem>>, vector<16xi32>,
      %add3A_964 = arith.constant 16384 : i32
      %add3A_965 = vector.broadcast %add3A_964 : i32 to vector<16xi32>
      %add3A_966 = arith.addi %get3A_963, %add3A_965 : vector<16xi32>
      %get3A_967 = arith.index_cast %mul3A_957 : i32 to index
      %get3A_968 = tpu.vector_load %arg12[%get3A_967] {strides = array<i32>} : memref<4096xf32, #tpu.memory_space<vmem>>, vector<16xf32>,
      tpu.vector_store_idx %arg9[%add3A_966], %get3A_968 masked %lt3A_962 : memref<32768xf32, #tpu.memory_space<vmem>>[vector<16xi32>], vector<16xf32>, vector<16xi1>
      %add3A_969 = arith.constant 1 : i32
      %add3A_970 = vector.broadcast %add3A_969 : i32 to vector<16xi32>
      %add3A_971 = arith.addi %add3A_966, %add3A_970 : vector<16xi32>
      %mul3A_972 = arith.constant 16 : i32
      %mul3A_973 = arith.muli %while3A_955, %mul3A_972 : i32
      %add3A_974 = arith.constant 2048 : i32
      %add3A_975 = arith.addi %add3A_974, %mul3A_973 : i32
      %get3A_976 = arith.index_cast %add3A_975 : i32 to index
      %get3A_977 = tpu.vector_load %arg12[%get3A_976] {strides = array<i32>} : memref<4096xf32, #tpu.memory_space<vmem>>, vector<16xf32>,
      tpu.vector_store_idx %arg9[%add3A_971], %get3A_977 masked %lt3A_962 : memref<32768xf32, #tpu.memory_space<vmem>>[vector<16xi32>], vector<16xf32>, vector<16xi1>
    }
    %while3A_644 = arith.constant 1 : i32
    scf.for %while3A_955 = %while3A_642 to %while3A_638 step %while3A_644  : i32 {
      %mul3A_956 = arith.constant 16 : i32
      %mul3A_957 = arith.muli %while3A_955, %mul3A_956 : i32
      %mul3A_958 = arith.constant 16 : i32
      %mul3A_959 = arith.muli %while3A_955, %mul3A_958 : i32
      %sub3A_960 = arith.subi %scan3A_104, %mul3A_959 : i32
      %lt3A_961 = vector.broadcast %sub3A_960 : i32 to vector<16xi32>
      %lt3A_962 = arith.cmpi slt, %iota3A, %lt3A_961 : vector<16xi32>
      %get3A = arith.index_cast %mul3A_957 : i32 to index
      %get3A_963 = tpu.vector_load %arg8[%get3A] {strides = array<i32>} : memref<2064xi32, #tpu.memory_space<vmem>>, vector<16xi32>,
      %add3A_964 = arith.constant 16384 : i32
      %add3A_965 = vector.broadcast %add3A_964 : i32 to vector<16xi32>
      %add3A_966 = arith.addi %get3A_963, %add3A_965 : vector<16xi32>
      %get3A_967 = arith.index_cast %mul3A_957 : i32 to index
      %get3A_968 = tpu.vector_load %arg12[%get3A_967] {strides = array<i32>} : memref<4096xf32, #tpu.memory_space<vmem>>, vector<16xf32>,
      tpu.vector_store_idx %arg9[%add3A_966], %get3A_968 masked %lt3A_962 : memref<32768xf32, #tpu.memory_space<vmem>>[vector<16xi32>], vector<16xf32>, vector<16xi1>
      %add3A_969 = arith.constant 1 : i32
      %add3A_970 = vector.broadcast %add3A_969 : i32 to vector<16xi32>
      %add3A_971 = arith.addi %add3A_966, %add3A_970 : vector<16xi32>
      %mul3A_972 = arith.constant 16 : i32
      %mul3A_973 = arith.muli %while3A_955, %mul3A_972 : i32
      %add3A_974 = arith.constant 2048 : i32
      %add3A_975 = arith.addi %add3A_974, %mul3A_973 : i32
      %get3A_976 = arith.index_cast %add3A_975 : i32 to index
      %get3A_977 = tpu.vector_load %arg12[%get3A_976] {strides = array<i32>} : memref<4096xf32, #tpu.memory_space<vmem>>, vector<16xf32>,
      tpu.vector_store_idx %arg9[%add3A_971], %get3A_977 masked %lt3A_962 : memref<32768xf32, #tpu.memory_space<vmem>>[vector<16xi32>], vector<16xf32>, vector<16xi1>
    }
    %add3A_645 = arith.constant 294912 : i32
    %add3A_646 = arith.addi %mul3A_37, %add3A_645 : i32
    %dma_start3A_647 = tpu.memref_slice %arg4[%add3A_646] : memref<16777216xf32, #tpu.memory_space<hbm>> -> memref<32768xf32, #tpu.memory_space<hbm>>
    %dma_start3A_648 = tpu.memref_slice %arg4[%add3A_646] : memref<16777216xf32, #tpu.memory_space<hbm>> -> memref<32768xf32, #tpu.memory_space<hbm>>
    tpu.enqueue_dma source(%arg9 : memref<32768xf32, #tpu.memory_space<vmem>>) target(%dma_start3A_648 : memref<32768xf32, #tpu.memory_space<hbm>>) target_semaphore(%arg16 : memref<!tpu.dma_semaphore, #tpu.memory_space<semaphore_mem>>)
    %dma_wait3A_649 = tpu.memref_slice %arg4[%add3A_646] : memref<16777216xf32, #tpu.memory_space<hbm>> -> memref<32768xf32, #tpu.memory_space<hbm>>
    %dma_wait3A_650 = tpu.memref_slice %arg4[%add3A_646] : memref<16777216xf32, #tpu.memory_space<hbm>> -> memref<32768xf32, #tpu.memory_space<hbm>>
    tpu.wait_dma2 semaphore(%arg16 : memref<!tpu.dma_semaphore, #tpu.memory_space<semaphore_mem>>) src(%arg9 : memref<32768xf32, #tpu.memory_space<vmem>>) dst(%dma_wait3A_650 : memref<32768xf32, #tpu.memory_space<hbm>>)
    %add3A_651 = arith.constant 393216 : i32
    %add3A_652 = arith.addi %mul3A_37, %add3A_651 : i32
    %dma_start3A_653 = tpu.memref_slice %arg2[%add3A_652] : memref<16777216xf32, #tpu.memory_space<hbm>> -> memref<32768xf32, #tpu.memory_space<hbm>>
    %dma_start3A_654 = tpu.memref_slice %arg2[%add3A_652] : memref<16777216xf32, #tpu.memory_space<hbm>> -> memref<32768xf32, #tpu.memory_space<hbm>>
    tpu.enqueue_dma source(%dma_start3A_654 : memref<32768xf32, #tpu.memory_space<hbm>>) target(%arg9 : memref<32768xf32, #tpu.memory_space<vmem>>) target_semaphore(%arg13 : memref<!tpu.dma_semaphore, #tpu.memory_space<semaphore_mem>>)
    %dma_wait3A_655 = tpu.memref_slice %arg2[%add3A_548] : memref<16777216xf32, #tpu.memory_space<hbm>> -> memref<32768xf32, #tpu.memory_space<hbm>>
    %dma_wait3A_656 = tpu.memref_slice %arg2[%add3A_548] : memref<16777216xf32, #tpu.memory_space<hbm>> -> memref<32768xf32, #tpu.memory_space<hbm>>
    tpu.wait_dma2 semaphore(%arg14 : memref<!tpu.dma_semaphore, #tpu.memory_space<semaphore_mem>>) src(%dma_wait3A_656 : memref<32768xf32, #tpu.memory_space<hbm>>) dst(%arg10 : memref<32768xf32, #tpu.memory_space<vmem>>)
    %while3A_657 = arith.constant 0 : i32
    %while3A_658 = arith.constant 0 : i32
    %while3A_659 = arith.subi %select_n3A_131, %while3A_658 : i32
    %while3A_660 = arith.addi %while3A_658, %while3A_659 : i32
    %while3A_661 = arith.constant 1 : i32
    %while3A_662 = arith.divsi %while3A_659, %while3A_661 : i32
    %while3A_663 = arith.muli %while3A_662, %while3A_661 : i32
    %while3A_664 = arith.addi %while3A_658, %while3A_663 : i32
    %while3A_665 = arith.constant 1 : i32
    scf.for %while3A_955 = %while3A_658 to %while3A_664 step %while3A_665  : i32 {
      %mul3A_956 = arith.constant 16 : i32
      %mul3A_957 = arith.muli %while3A_955, %mul3A_956 : i32
      %mul3A_958 = arith.constant 16 : i32
      %mul3A_959 = arith.muli %while3A_955, %mul3A_958 : i32
      %sub3A_960 = arith.subi %scan3A_104, %mul3A_959 : i32
      %lt3A_961 = vector.broadcast %sub3A_960 : i32 to vector<16xi32>
      %lt3A_962 = arith.cmpi slt, %iota3A, %lt3A_961 : vector<16xi32>
      %get3A = arith.index_cast %mul3A_957 : i32 to index
      %get3A_963 = tpu.vector_load %arg7[%get3A] {strides = array<i32>} : memref<2064xi32, #tpu.memory_space<vmem>>, vector<16xi32>,
      %add3A_964 = arith.constant 0 : i32
      %add3A_965 = vector.broadcast %add3A_964 : i32 to vector<16xi32>
      %add3A_966 = arith.addi %get3A_963, %add3A_965 : vector<16xi32>
      %gather3A = tpu.vector_load_idx %arg10[%add3A_966] masked %lt3A_962 : memref<32768xf32, #tpu.memory_space<vmem>>[vector<16xi32>], vector<16xf32>, vector<16xi1>
      %swap3A_967 = arith.index_cast %mul3A_957 : i32 to index
      %swap3A_968 = tpu.vector_load %arg12[%swap3A_967] {strides = array<i32>} : memref<4096xf32, #tpu.memory_space<vmem>>, vector<16xf32>,
      tpu.vector_store %arg12[%swap3A_967], %gather3A {strides = array<i32>} : memref<4096xf32, #tpu.memory_space<vmem>>, vector<16xf32>,
      %add3A_969 = arith.constant 1 : i32
      %add3A_970 = vector.broadcast %add3A_969 : i32 to vector<16xi32>
      %add3A_971 = arith.addi %add3A_966, %add3A_970 : vector<16xi32>
      %gather3A_972 = tpu.vector_load_idx %arg10[%add3A_971] masked %lt3A_962 : memref<32768xf32, #tpu.memory_space<vmem>>[vector<16xi32>], vector<16xf32>, vector<16xi1>
      %mul3A_973 = arith.constant 16 : i32
      %mul3A_974 = arith.muli %while3A_955, %mul3A_973 : i32
      %add3A_975 = arith.constant 2048 : i32
      %add3A_976 = arith.addi %add3A_975, %mul3A_974 : i32
      %swap3A_977 = arith.index_cast %add3A_976 : i32 to index
      %swap3A_978 = tpu.vector_load %arg12[%swap3A_977] {strides = array<i32>} : memref<4096xf32, #tpu.memory_space<vmem>>, vector<16xf32>,
      tpu.vector_store %arg12[%swap3A_977], %gather3A_972 {strides = array<i32>} : memref<4096xf32, #tpu.memory_space<vmem>>, vector<16xf32>,
    }
    %while3A_666 = arith.constant 1 : i32
    scf.for %while3A_955 = %while3A_664 to %while3A_660 step %while3A_666  : i32 {
      %mul3A_956 = arith.constant 16 : i32
      %mul3A_957 = arith.muli %while3A_955, %mul3A_956 : i32
      %mul3A_958 = arith.constant 16 : i32
      %mul3A_959 = arith.muli %while3A_955, %mul3A_958 : i32
      %sub3A_960 = arith.subi %scan3A_104, %mul3A_959 : i32
      %lt3A_961 = vector.broadcast %sub3A_960 : i32 to vector<16xi32>
      %lt3A_962 = arith.cmpi slt, %iota3A, %lt3A_961 : vector<16xi32>
      %get3A = arith.index_cast %mul3A_957 : i32 to index
      %get3A_963 = tpu.vector_load %arg7[%get3A] {strides = array<i32>} : memref<2064xi32, #tpu.memory_space<vmem>>, vector<16xi32>,
      %add3A_964 = arith.constant 0 : i32
      %add3A_965 = vector.broadcast %add3A_964 : i32 to vector<16xi32>
      %add3A_966 = arith.addi %get3A_963, %add3A_965 : vector<16xi32>
      %gather3A = tpu.vector_load_idx %arg10[%add3A_966] masked %lt3A_962 : memref<32768xf32, #tpu.memory_space<vmem>>[vector<16xi32>], vector<16xf32>, vector<16xi1>
      %swap3A_967 = arith.index_cast %mul3A_957 : i32 to index
      %swap3A_968 = tpu.vector_load %arg12[%swap3A_967] {strides = array<i32>} : memref<4096xf32, #tpu.memory_space<vmem>>, vector<16xf32>,
      tpu.vector_store %arg12[%swap3A_967], %gather3A {strides = array<i32>} : memref<4096xf32, #tpu.memory_space<vmem>>, vector<16xf32>,
      %add3A_969 = arith.constant 1 : i32
      %add3A_970 = vector.broadcast %add3A_969 : i32 to vector<16xi32>
      %add3A_971 = arith.addi %add3A_966, %add3A_970 : vector<16xi32>
      %gather3A_972 = tpu.vector_load_idx %arg10[%add3A_971] masked %lt3A_962 : memref<32768xf32, #tpu.memory_space<vmem>>[vector<16xi32>], vector<16xf32>, vector<16xi1>
      %mul3A_973 = arith.constant 16 : i32
      %mul3A_974 = arith.muli %while3A_955, %mul3A_973 : i32
      %add3A_975 = arith.constant 2048 : i32
      %add3A_976 = arith.addi %add3A_975, %mul3A_974 : i32
      %swap3A_977 = arith.index_cast %add3A_976 : i32 to index
      %swap3A_978 = tpu.vector_load %arg12[%swap3A_977] {strides = array<i32>} : memref<4096xf32, #tpu.memory_space<vmem>>, vector<16xf32>,
      tpu.vector_store %arg12[%swap3A_977], %gather3A_972 {strides = array<i32>} : memref<4096xf32, #tpu.memory_space<vmem>>, vector<16xf32>,
    }
    %while3A_667 = arith.constant 0 : i32
    %while3A_668 = arith.constant 0 : i32
    %while3A_669 = arith.subi %select_n3A_131, %while3A_668 : i32
    %while3A_670 = arith.addi %while3A_668, %while3A_669 : i32
    %while3A_671 = arith.constant 1 : i32
    %while3A_672 = arith.divsi %while3A_669, %while3A_671 : i32
    %while3A_673 = arith.muli %while3A_672, %while3A_671 : i32
    %while3A_674 = arith.addi %while3A_668, %while3A_673 : i32
    %while3A_675 = arith.constant 1 : i32
    scf.for %while3A_955 = %while3A_668 to %while3A_674 step %while3A_675  : i32 {
      %mul3A_956 = arith.constant 16 : i32
      %mul3A_957 = arith.muli %while3A_955, %mul3A_956 : i32
      %mul3A_958 = arith.constant 16 : i32
      %mul3A_959 = arith.muli %while3A_955, %mul3A_958 : i32
      %sub3A_960 = arith.subi %scan3A_104, %mul3A_959 : i32
      %lt3A_961 = vector.broadcast %sub3A_960 : i32 to vector<16xi32>
      %lt3A_962 = arith.cmpi slt, %iota3A, %lt3A_961 : vector<16xi32>
      %get3A = arith.index_cast %mul3A_957 : i32 to index
      %get3A_963 = tpu.vector_load %arg8[%get3A] {strides = array<i32>} : memref<2064xi32, #tpu.memory_space<vmem>>, vector<16xi32>,
      %add3A_964 = arith.constant 0 : i32
      %add3A_965 = vector.broadcast %add3A_964 : i32 to vector<16xi32>
      %add3A_966 = arith.addi %get3A_963, %add3A_965 : vector<16xi32>
      %get3A_967 = arith.index_cast %mul3A_957 : i32 to index
      %get3A_968 = tpu.vector_load %arg12[%get3A_967] {strides = array<i32>} : memref<4096xf32, #tpu.memory_space<vmem>>, vector<16xf32>,
      tpu.vector_store_idx %arg10[%add3A_966], %get3A_968 masked %lt3A_962 : memref<32768xf32, #tpu.memory_space<vmem>>[vector<16xi32>], vector<16xf32>, vector<16xi1>
      %add3A_969 = arith.constant 1 : i32
      %add3A_970 = vector.broadcast %add3A_969 : i32 to vector<16xi32>
      %add3A_971 = arith.addi %add3A_966, %add3A_970 : vector<16xi32>
      %mul3A_972 = arith.constant 16 : i32
      %mul3A_973 = arith.muli %while3A_955, %mul3A_972 : i32
      %add3A_974 = arith.constant 2048 : i32
      %add3A_975 = arith.addi %add3A_974, %mul3A_973 : i32
      %get3A_976 = arith.index_cast %add3A_975 : i32 to index
      %get3A_977 = tpu.vector_load %arg12[%get3A_976] {strides = array<i32>} : memref<4096xf32, #tpu.memory_space<vmem>>, vector<16xf32>,
      tpu.vector_store_idx %arg10[%add3A_971], %get3A_977 masked %lt3A_962 : memref<32768xf32, #tpu.memory_space<vmem>>[vector<16xi32>], vector<16xf32>, vector<16xi1>
    }
    %while3A_676 = arith.constant 1 : i32
    scf.for %while3A_955 = %while3A_674 to %while3A_670 step %while3A_676  : i32 {
      %mul3A_956 = arith.constant 16 : i32
      %mul3A_957 = arith.muli %while3A_955, %mul3A_956 : i32
      %mul3A_958 = arith.constant 16 : i32
      %mul3A_959 = arith.muli %while3A_955, %mul3A_958 : i32
      %sub3A_960 = arith.subi %scan3A_104, %mul3A_959 : i32
      %lt3A_961 = vector.broadcast %sub3A_960 : i32 to vector<16xi32>
      %lt3A_962 = arith.cmpi slt, %iota3A, %lt3A_961 : vector<16xi32>
      %get3A = arith.index_cast %mul3A_957 : i32 to index
      %get3A_963 = tpu.vector_load %arg8[%get3A] {strides = array<i32>} : memref<2064xi32, #tpu.memory_space<vmem>>, vector<16xi32>,
      %add3A_964 = arith.constant 0 : i32
      %add3A_965 = vector.broadcast %add3A_964 : i32 to vector<16xi32>
      %add3A_966 = arith.addi %get3A_963, %add3A_965 : vector<16xi32>
      %get3A_967 = arith.index_cast %mul3A_957 : i32 to index
      %get3A_968 = tpu.vector_load %arg12[%get3A_967] {strides = array<i32>} : memref<4096xf32, #tpu.memory_space<vmem>>, vector<16xf32>,
      tpu.vector_store_idx %arg10[%add3A_966], %get3A_968 masked %lt3A_962 : memref<32768xf32, #tpu.memory_space<vmem>>[vector<16xi32>], vector<16xf32>, vector<16xi1>
      %add3A_969 = arith.constant 1 : i32
      %add3A_970 = vector.broadcast %add3A_969 : i32 to vector<16xi32>
      %add3A_971 = arith.addi %add3A_966, %add3A_970 : vector<16xi32>
      %mul3A_972 = arith.constant 16 : i32
      %mul3A_973 = arith.muli %while3A_955, %mul3A_972 : i32
      %add3A_974 = arith.constant 2048 : i32
      %add3A_975 = arith.addi %add3A_974, %mul3A_973 : i32
      %get3A_976 = arith.index_cast %add3A_975 : i32 to index
      %get3A_977 = tpu.vector_load %arg12[%get3A_976] {strides = array<i32>} : memref<4096xf32, #tpu.memory_space<vmem>>, vector<16xf32>,
      tpu.vector_store_idx %arg10[%add3A_971], %get3A_977 masked %lt3A_962 : memref<32768xf32, #tpu.memory_space<vmem>>[vector<16xi32>], vector<16xf32>, vector<16xi1>
    }
    %while3A_677 = arith.constant 0 : i32
    %while3A_678 = arith.constant 0 : i32
    %while3A_679 = arith.subi %select_n3A_131, %while3A_678 : i32
    %while3A_680 = arith.addi %while3A_678, %while3A_679 : i32
    %while3A_681 = arith.constant 1 : i32
    %while3A_682 = arith.divsi %while3A_679, %while3A_681 : i32
    %while3A_683 = arith.muli %while3A_682, %while3A_681 : i32
    %while3A_684 = arith.addi %while3A_678, %while3A_683 : i32
    %while3A_685 = arith.constant 1 : i32
    scf.for %while3A_955 = %while3A_678 to %while3A_684 step %while3A_685  : i32 {
      %mul3A_956 = arith.constant 16 : i32
      %mul3A_957 = arith.muli %while3A_955, %mul3A_956 : i32
      %mul3A_958 = arith.constant 16 : i32
      %mul3A_959 = arith.muli %while3A_955, %mul3A_958 : i32
      %sub3A_960 = arith.subi %scan3A_104, %mul3A_959 : i32
      %lt3A_961 = vector.broadcast %sub3A_960 : i32 to vector<16xi32>
      %lt3A_962 = arith.cmpi slt, %iota3A, %lt3A_961 : vector<16xi32>
      %get3A = arith.index_cast %mul3A_957 : i32 to index
      %get3A_963 = tpu.vector_load %arg7[%get3A] {strides = array<i32>} : memref<2064xi32, #tpu.memory_space<vmem>>, vector<16xi32>,
      %add3A_964 = arith.constant 16384 : i32
      %add3A_965 = vector.broadcast %add3A_964 : i32 to vector<16xi32>
      %add3A_966 = arith.addi %get3A_963, %add3A_965 : vector<16xi32>
      %gather3A = tpu.vector_load_idx %arg10[%add3A_966] masked %lt3A_962 : memref<32768xf32, #tpu.memory_space<vmem>>[vector<16xi32>], vector<16xf32>, vector<16xi1>
      %swap3A_967 = arith.index_cast %mul3A_957 : i32 to index
      %swap3A_968 = tpu.vector_load %arg12[%swap3A_967] {strides = array<i32>} : memref<4096xf32, #tpu.memory_space<vmem>>, vector<16xf32>,
      tpu.vector_store %arg12[%swap3A_967], %gather3A {strides = array<i32>} : memref<4096xf32, #tpu.memory_space<vmem>>, vector<16xf32>,
      %add3A_969 = arith.constant 1 : i32
      %add3A_970 = vector.broadcast %add3A_969 : i32 to vector<16xi32>
      %add3A_971 = arith.addi %add3A_966, %add3A_970 : vector<16xi32>
      %gather3A_972 = tpu.vector_load_idx %arg10[%add3A_971] masked %lt3A_962 : memref<32768xf32, #tpu.memory_space<vmem>>[vector<16xi32>], vector<16xf32>, vector<16xi1>
      %mul3A_973 = arith.constant 16 : i32
      %mul3A_974 = arith.muli %while3A_955, %mul3A_973 : i32
      %add3A_975 = arith.constant 2048 : i32
      %add3A_976 = arith.addi %add3A_975, %mul3A_974 : i32
      %swap3A_977 = arith.index_cast %add3A_976 : i32 to index
      %swap3A_978 = tpu.vector_load %arg12[%swap3A_977] {strides = array<i32>} : memref<4096xf32, #tpu.memory_space<vmem>>, vector<16xf32>,
      tpu.vector_store %arg12[%swap3A_977], %gather3A_972 {strides = array<i32>} : memref<4096xf32, #tpu.memory_space<vmem>>, vector<16xf32>,
    }
    %while3A_686 = arith.constant 1 : i32
    scf.for %while3A_955 = %while3A_684 to %while3A_680 step %while3A_686  : i32 {
      %mul3A_956 = arith.constant 16 : i32
      %mul3A_957 = arith.muli %while3A_955, %mul3A_956 : i32
      %mul3A_958 = arith.constant 16 : i32
      %mul3A_959 = arith.muli %while3A_955, %mul3A_958 : i32
      %sub3A_960 = arith.subi %scan3A_104, %mul3A_959 : i32
      %lt3A_961 = vector.broadcast %sub3A_960 : i32 to vector<16xi32>
      %lt3A_962 = arith.cmpi slt, %iota3A, %lt3A_961 : vector<16xi32>
      %get3A = arith.index_cast %mul3A_957 : i32 to index
      %get3A_963 = tpu.vector_load %arg7[%get3A] {strides = array<i32>} : memref<2064xi32, #tpu.memory_space<vmem>>, vector<16xi32>,
      %add3A_964 = arith.constant 16384 : i32
      %add3A_965 = vector.broadcast %add3A_964 : i32 to vector<16xi32>
      %add3A_966 = arith.addi %get3A_963, %add3A_965 : vector<16xi32>
      %gather3A = tpu.vector_load_idx %arg10[%add3A_966] masked %lt3A_962 : memref<32768xf32, #tpu.memory_space<vmem>>[vector<16xi32>], vector<16xf32>, vector<16xi1>
      %swap3A_967 = arith.index_cast %mul3A_957 : i32 to index
      %swap3A_968 = tpu.vector_load %arg12[%swap3A_967] {strides = array<i32>} : memref<4096xf32, #tpu.memory_space<vmem>>, vector<16xf32>,
      tpu.vector_store %arg12[%swap3A_967], %gather3A {strides = array<i32>} : memref<4096xf32, #tpu.memory_space<vmem>>, vector<16xf32>,
      %add3A_969 = arith.constant 1 : i32
      %add3A_970 = vector.broadcast %add3A_969 : i32 to vector<16xi32>
      %add3A_971 = arith.addi %add3A_966, %add3A_970 : vector<16xi32>
      %gather3A_972 = tpu.vector_load_idx %arg10[%add3A_971] masked %lt3A_962 : memref<32768xf32, #tpu.memory_space<vmem>>[vector<16xi32>], vector<16xf32>, vector<16xi1>
      %mul3A_973 = arith.constant 16 : i32
      %mul3A_974 = arith.muli %while3A_955, %mul3A_973 : i32
      %add3A_975 = arith.constant 2048 : i32
      %add3A_976 = arith.addi %add3A_975, %mul3A_974 : i32
      %swap3A_977 = arith.index_cast %add3A_976 : i32 to index
      %swap3A_978 = tpu.vector_load %arg12[%swap3A_977] {strides = array<i32>} : memref<4096xf32, #tpu.memory_space<vmem>>, vector<16xf32>,
      tpu.vector_store %arg12[%swap3A_977], %gather3A_972 {strides = array<i32>} : memref<4096xf32, #tpu.memory_space<vmem>>, vector<16xf32>,
    }
    %while3A_687 = arith.constant 0 : i32
    %while3A_688 = arith.constant 0 : i32
    %while3A_689 = arith.subi %select_n3A_131, %while3A_688 : i32
    %while3A_690 = arith.addi %while3A_688, %while3A_689 : i32
    %while3A_691 = arith.constant 1 : i32
    %while3A_692 = arith.divsi %while3A_689, %while3A_691 : i32
    %while3A_693 = arith.muli %while3A_692, %while3A_691 : i32
    %while3A_694 = arith.addi %while3A_688, %while3A_693 : i32
    %while3A_695 = arith.constant 1 : i32
    scf.for %while3A_955 = %while3A_688 to %while3A_694 step %while3A_695  : i32 {
      %mul3A_956 = arith.constant 16 : i32
      %mul3A_957 = arith.muli %while3A_955, %mul3A_956 : i32
      %mul3A_958 = arith.constant 16 : i32
      %mul3A_959 = arith.muli %while3A_955, %mul3A_958 : i32
      %sub3A_960 = arith.subi %scan3A_104, %mul3A_959 : i32
      %lt3A_961 = vector.broadcast %sub3A_960 : i32 to vector<16xi32>
      %lt3A_962 = arith.cmpi slt, %iota3A, %lt3A_961 : vector<16xi32>
      %get3A = arith.index_cast %mul3A_957 : i32 to index
      %get3A_963 = tpu.vector_load %arg8[%get3A] {strides = array<i32>} : memref<2064xi32, #tpu.memory_space<vmem>>, vector<16xi32>,
      %add3A_964 = arith.constant 16384 : i32
      %add3A_965 = vector.broadcast %add3A_964 : i32 to vector<16xi32>
      %add3A_966 = arith.addi %get3A_963, %add3A_965 : vector<16xi32>
      %get3A_967 = arith.index_cast %mul3A_957 : i32 to index
      %get3A_968 = tpu.vector_load %arg12[%get3A_967] {strides = array<i32>} : memref<4096xf32, #tpu.memory_space<vmem>>, vector<16xf32>,
      tpu.vector_store_idx %arg10[%add3A_966], %get3A_968 masked %lt3A_962 : memref<32768xf32, #tpu.memory_space<vmem>>[vector<16xi32>], vector<16xf32>, vector<16xi1>
      %add3A_969 = arith.constant 1 : i32
      %add3A_970 = vector.broadcast %add3A_969 : i32 to vector<16xi32>
      %add3A_971 = arith.addi %add3A_966, %add3A_970 : vector<16xi32>
      %mul3A_972 = arith.constant 16 : i32
      %mul3A_973 = arith.muli %while3A_955, %mul3A_972 : i32
      %add3A_974 = arith.constant 2048 : i32
      %add3A_975 = arith.addi %add3A_974, %mul3A_973 : i32
      %get3A_976 = arith.index_cast %add3A_975 : i32 to index
      %get3A_977 = tpu.vector_load %arg12[%get3A_976] {strides = array<i32>} : memref<4096xf32, #tpu.memory_space<vmem>>, vector<16xf32>,
      tpu.vector_store_idx %arg10[%add3A_971], %get3A_977 masked %lt3A_962 : memref<32768xf32, #tpu.memory_space<vmem>>[vector<16xi32>], vector<16xf32>, vector<16xi1>
    }
    %while3A_696 = arith.constant 1 : i32
    scf.for %while3A_955 = %while3A_694 to %while3A_690 step %while3A_696  : i32 {
      %mul3A_956 = arith.constant 16 : i32
      %mul3A_957 = arith.muli %while3A_955, %mul3A_956 : i32
      %mul3A_958 = arith.constant 16 : i32
      %mul3A_959 = arith.muli %while3A_955, %mul3A_958 : i32
      %sub3A_960 = arith.subi %scan3A_104, %mul3A_959 : i32
      %lt3A_961 = vector.broadcast %sub3A_960 : i32 to vector<16xi32>
      %lt3A_962 = arith.cmpi slt, %iota3A, %lt3A_961 : vector<16xi32>
      %get3A = arith.index_cast %mul3A_957 : i32 to index
      %get3A_963 = tpu.vector_load %arg8[%get3A] {strides = array<i32>} : memref<2064xi32, #tpu.memory_space<vmem>>, vector<16xi32>,
      %add3A_964 = arith.constant 16384 : i32
      %add3A_965 = vector.broadcast %add3A_964 : i32 to vector<16xi32>
      %add3A_966 = arith.addi %get3A_963, %add3A_965 : vector<16xi32>
      %get3A_967 = arith.index_cast %mul3A_957 : i32 to index
      %get3A_968 = tpu.vector_load %arg12[%get3A_967] {strides = array<i32>} : memref<4096xf32, #tpu.memory_space<vmem>>, vector<16xf32>,
      tpu.vector_store_idx %arg10[%add3A_966], %get3A_968 masked %lt3A_962 : memref<32768xf32, #tpu.memory_space<vmem>>[vector<16xi32>], vector<16xf32>, vector<16xi1>
      %add3A_969 = arith.constant 1 : i32
      %add3A_970 = vector.broadcast %add3A_969 : i32 to vector<16xi32>
      %add3A_971 = arith.addi %add3A_966, %add3A_970 : vector<16xi32>
      %mul3A_972 = arith.constant 16 : i32
      %mul3A_973 = arith.muli %while3A_955, %mul3A_972 : i32
      %add3A_974 = arith.constant 2048 : i32
      %add3A_975 = arith.addi %add3A_974, %mul3A_973 : i32
      %get3A_976 = arith.index_cast %add3A_975 : i32 to index
      %get3A_977 = tpu.vector_load %arg12[%get3A_976] {strides = array<i32>} : memref<4096xf32, #tpu.memory_space<vmem>>, vector<16xf32>,
      tpu.vector_store_idx %arg10[%add3A_971], %get3A_977 masked %lt3A_962 : memref<32768xf32, #tpu.memory_space<vmem>>[vector<16xi32>], vector<16xf32>, vector<16xi1>
    }
    %add3A_697 = arith.constant 327680 : i32
    %add3A_698 = arith.addi %mul3A_37, %add3A_697 : i32
    %dma_start3A_699 = tpu.memref_slice %arg4[%add3A_698] : memref<16777216xf32, #tpu.memory_space<hbm>> -> memref<32768xf32, #tpu.memory_space<hbm>>
    %dma_start3A_700 = tpu.memref_slice %arg4[%add3A_698] : memref<16777216xf32, #tpu.memory_space<hbm>> -> memref<32768xf32, #tpu.memory_space<hbm>>
    tpu.enqueue_dma source(%arg10 : memref<32768xf32, #tpu.memory_space<vmem>>) target(%dma_start3A_700 : memref<32768xf32, #tpu.memory_space<hbm>>) target_semaphore(%arg17 : memref<!tpu.dma_semaphore, #tpu.memory_space<semaphore_mem>>)
    %dma_wait3A_701 = tpu.memref_slice %arg4[%add3A_698] : memref<16777216xf32, #tpu.memory_space<hbm>> -> memref<32768xf32, #tpu.memory_space<hbm>>
    %dma_wait3A_702 = tpu.memref_slice %arg4[%add3A_698] : memref<16777216xf32, #tpu.memory_space<hbm>> -> memref<32768xf32, #tpu.memory_space<hbm>>
    tpu.wait_dma2 semaphore(%arg17 : memref<!tpu.dma_semaphore, #tpu.memory_space<semaphore_mem>>) src(%arg10 : memref<32768xf32, #tpu.memory_space<vmem>>) dst(%dma_wait3A_702 : memref<32768xf32, #tpu.memory_space<hbm>>)
    %add3A_703 = arith.constant 425984 : i32
    %add3A_704 = arith.addi %mul3A_37, %add3A_703 : i32
    %dma_start3A_705 = tpu.memref_slice %arg2[%add3A_704] : memref<16777216xf32, #tpu.memory_space<hbm>> -> memref<32768xf32, #tpu.memory_space<hbm>>
    %dma_start3A_706 = tpu.memref_slice %arg2[%add3A_704] : memref<16777216xf32, #tpu.memory_space<hbm>> -> memref<32768xf32, #tpu.memory_space<hbm>>
    tpu.enqueue_dma source(%dma_start3A_706 : memref<32768xf32, #tpu.memory_space<hbm>>) target(%arg10 : memref<32768xf32, #tpu.memory_space<vmem>>) target_semaphore(%arg14 : memref<!tpu.dma_semaphore, #tpu.memory_space<semaphore_mem>>)
    %dma_wait3A_707 = tpu.memref_slice %arg2[%add3A_600] : memref<16777216xf32, #tpu.memory_space<hbm>> -> memref<32768xf32, #tpu.memory_space<hbm>>
    %dma_wait3A_708 = tpu.memref_slice %arg2[%add3A_600] : memref<16777216xf32, #tpu.memory_space<hbm>> -> memref<32768xf32, #tpu.memory_space<hbm>>
    tpu.wait_dma2 semaphore(%arg15 : memref<!tpu.dma_semaphore, #tpu.memory_space<semaphore_mem>>) src(%dma_wait3A_708 : memref<32768xf32, #tpu.memory_space<hbm>>) dst(%arg11 : memref<32768xf32, #tpu.memory_space<vmem>>)
    %while3A_709 = arith.constant 0 : i32
    %while3A_710 = arith.constant 0 : i32
    %while3A_711 = arith.subi %select_n3A_131, %while3A_710 : i32
    %while3A_712 = arith.addi %while3A_710, %while3A_711 : i32
    %while3A_713 = arith.constant 1 : i32
    %while3A_714 = arith.divsi %while3A_711, %while3A_713 : i32
    %while3A_715 = arith.muli %while3A_714, %while3A_713 : i32
    %while3A_716 = arith.addi %while3A_710, %while3A_715 : i32
    %while3A_717 = arith.constant 1 : i32
    scf.for %while3A_955 = %while3A_710 to %while3A_716 step %while3A_717  : i32 {
      %mul3A_956 = arith.constant 16 : i32
      %mul3A_957 = arith.muli %while3A_955, %mul3A_956 : i32
      %mul3A_958 = arith.constant 16 : i32
      %mul3A_959 = arith.muli %while3A_955, %mul3A_958 : i32
      %sub3A_960 = arith.subi %scan3A_104, %mul3A_959 : i32
      %lt3A_961 = vector.broadcast %sub3A_960 : i32 to vector<16xi32>
      %lt3A_962 = arith.cmpi slt, %iota3A, %lt3A_961 : vector<16xi32>
      %get3A = arith.index_cast %mul3A_957 : i32 to index
      %get3A_963 = tpu.vector_load %arg7[%get3A] {strides = array<i32>} : memref<2064xi32, #tpu.memory_space<vmem>>, vector<16xi32>,
      %add3A_964 = arith.constant 0 : i32
      %add3A_965 = vector.broadcast %add3A_964 : i32 to vector<16xi32>
      %add3A_966 = arith.addi %get3A_963, %add3A_965 : vector<16xi32>
      %gather3A = tpu.vector_load_idx %arg11[%add3A_966] masked %lt3A_962 : memref<32768xf32, #tpu.memory_space<vmem>>[vector<16xi32>], vector<16xf32>, vector<16xi1>
      %swap3A_967 = arith.index_cast %mul3A_957 : i32 to index
      %swap3A_968 = tpu.vector_load %arg12[%swap3A_967] {strides = array<i32>} : memref<4096xf32, #tpu.memory_space<vmem>>, vector<16xf32>,
      tpu.vector_store %arg12[%swap3A_967], %gather3A {strides = array<i32>} : memref<4096xf32, #tpu.memory_space<vmem>>, vector<16xf32>,
      %add3A_969 = arith.constant 1 : i32
      %add3A_970 = vector.broadcast %add3A_969 : i32 to vector<16xi32>
      %add3A_971 = arith.addi %add3A_966, %add3A_970 : vector<16xi32>
      %gather3A_972 = tpu.vector_load_idx %arg11[%add3A_971] masked %lt3A_962 : memref<32768xf32, #tpu.memory_space<vmem>>[vector<16xi32>], vector<16xf32>, vector<16xi1>
      %mul3A_973 = arith.constant 16 : i32
      %mul3A_974 = arith.muli %while3A_955, %mul3A_973 : i32
      %add3A_975 = arith.constant 2048 : i32
      %add3A_976 = arith.addi %add3A_975, %mul3A_974 : i32
      %swap3A_977 = arith.index_cast %add3A_976 : i32 to index
      %swap3A_978 = tpu.vector_load %arg12[%swap3A_977] {strides = array<i32>} : memref<4096xf32, #tpu.memory_space<vmem>>, vector<16xf32>,
      tpu.vector_store %arg12[%swap3A_977], %gather3A_972 {strides = array<i32>} : memref<4096xf32, #tpu.memory_space<vmem>>, vector<16xf32>,
    }
    %while3A_718 = arith.constant 1 : i32
    scf.for %while3A_955 = %while3A_716 to %while3A_712 step %while3A_718  : i32 {
      %mul3A_956 = arith.constant 16 : i32
      %mul3A_957 = arith.muli %while3A_955, %mul3A_956 : i32
      %mul3A_958 = arith.constant 16 : i32
      %mul3A_959 = arith.muli %while3A_955, %mul3A_958 : i32
      %sub3A_960 = arith.subi %scan3A_104, %mul3A_959 : i32
      %lt3A_961 = vector.broadcast %sub3A_960 : i32 to vector<16xi32>
      %lt3A_962 = arith.cmpi slt, %iota3A, %lt3A_961 : vector<16xi32>
      %get3A = arith.index_cast %mul3A_957 : i32 to index
      %get3A_963 = tpu.vector_load %arg7[%get3A] {strides = array<i32>} : memref<2064xi32, #tpu.memory_space<vmem>>, vector<16xi32>,
      %add3A_964 = arith.constant 0 : i32
      %add3A_965 = vector.broadcast %add3A_964 : i32 to vector<16xi32>
      %add3A_966 = arith.addi %get3A_963, %add3A_965 : vector<16xi32>
      %gather3A = tpu.vector_load_idx %arg11[%add3A_966] masked %lt3A_962 : memref<32768xf32, #tpu.memory_space<vmem>>[vector<16xi32>], vector<16xf32>, vector<16xi1>
      %swap3A_967 = arith.index_cast %mul3A_957 : i32 to index
      %swap3A_968 = tpu.vector_load %arg12[%swap3A_967] {strides = array<i32>} : memref<4096xf32, #tpu.memory_space<vmem>>, vector<16xf32>,
      tpu.vector_store %arg12[%swap3A_967], %gather3A {strides = array<i32>} : memref<4096xf32, #tpu.memory_space<vmem>>, vector<16xf32>,
      %add3A_969 = arith.constant 1 : i32
      %add3A_970 = vector.broadcast %add3A_969 : i32 to vector<16xi32>
      %add3A_971 = arith.addi %add3A_966, %add3A_970 : vector<16xi32>
      %gather3A_972 = tpu.vector_load_idx %arg11[%add3A_971] masked %lt3A_962 : memref<32768xf32, #tpu.memory_space<vmem>>[vector<16xi32>], vector<16xf32>, vector<16xi1>
      %mul3A_973 = arith.constant 16 : i32
      %mul3A_974 = arith.muli %while3A_955, %mul3A_973 : i32
      %add3A_975 = arith.constant 2048 : i32
      %add3A_976 = arith.addi %add3A_975, %mul3A_974 : i32
      %swap3A_977 = arith.index_cast %add3A_976 : i32 to index
      %swap3A_978 = tpu.vector_load %arg12[%swap3A_977] {strides = array<i32>} : memref<4096xf32, #tpu.memory_space<vmem>>, vector<16xf32>,
      tpu.vector_store %arg12[%swap3A_977], %gather3A_972 {strides = array<i32>} : memref<4096xf32, #tpu.memory_space<vmem>>, vector<16xf32>,
    }
    %while3A_719 = arith.constant 0 : i32
    %while3A_720 = arith.constant 0 : i32
    %while3A_721 = arith.subi %select_n3A_131, %while3A_720 : i32
    %while3A_722 = arith.addi %while3A_720, %while3A_721 : i32
    %while3A_723 = arith.constant 1 : i32
    %while3A_724 = arith.divsi %while3A_721, %while3A_723 : i32
    %while3A_725 = arith.muli %while3A_724, %while3A_723 : i32
    %while3A_726 = arith.addi %while3A_720, %while3A_725 : i32
    %while3A_727 = arith.constant 1 : i32
    scf.for %while3A_955 = %while3A_720 to %while3A_726 step %while3A_727  : i32 {
      %mul3A_956 = arith.constant 16 : i32
      %mul3A_957 = arith.muli %while3A_955, %mul3A_956 : i32
      %mul3A_958 = arith.constant 16 : i32
      %mul3A_959 = arith.muli %while3A_955, %mul3A_958 : i32
      %sub3A_960 = arith.subi %scan3A_104, %mul3A_959 : i32
      %lt3A_961 = vector.broadcast %sub3A_960 : i32 to vector<16xi32>
      %lt3A_962 = arith.cmpi slt, %iota3A, %lt3A_961 : vector<16xi32>
      %get3A = arith.index_cast %mul3A_957 : i32 to index
      %get3A_963 = tpu.vector_load %arg8[%get3A] {strides = array<i32>} : memref<2064xi32, #tpu.memory_space<vmem>>, vector<16xi32>,
      %add3A_964 = arith.constant 0 : i32
      %add3A_965 = vector.broadcast %add3A_964 : i32 to vector<16xi32>
      %add3A_966 = arith.addi %get3A_963, %add3A_965 : vector<16xi32>
      %get3A_967 = arith.index_cast %mul3A_957 : i32 to index
      %get3A_968 = tpu.vector_load %arg12[%get3A_967] {strides = array<i32>} : memref<4096xf32, #tpu.memory_space<vmem>>, vector<16xf32>,
      tpu.vector_store_idx %arg11[%add3A_966], %get3A_968 masked %lt3A_962 : memref<32768xf32, #tpu.memory_space<vmem>>[vector<16xi32>], vector<16xf32>, vector<16xi1>
      %add3A_969 = arith.constant 1 : i32
      %add3A_970 = vector.broadcast %add3A_969 : i32 to vector<16xi32>
      %add3A_971 = arith.addi %add3A_966, %add3A_970 : vector<16xi32>
      %mul3A_972 = arith.constant 16 : i32
      %mul3A_973 = arith.muli %while3A_955, %mul3A_972 : i32
      %add3A_974 = arith.constant 2048 : i32
      %add3A_975 = arith.addi %add3A_974, %mul3A_973 : i32
      %get3A_976 = arith.index_cast %add3A_975 : i32 to index
      %get3A_977 = tpu.vector_load %arg12[%get3A_976] {strides = array<i32>} : memref<4096xf32, #tpu.memory_space<vmem>>, vector<16xf32>,
      tpu.vector_store_idx %arg11[%add3A_971], %get3A_977 masked %lt3A_962 : memref<32768xf32, #tpu.memory_space<vmem>>[vector<16xi32>], vector<16xf32>, vector<16xi1>
    }
    %while3A_728 = arith.constant 1 : i32
    scf.for %while3A_955 = %while3A_726 to %while3A_722 step %while3A_728  : i32 {
      %mul3A_956 = arith.constant 16 : i32
      %mul3A_957 = arith.muli %while3A_955, %mul3A_956 : i32
      %mul3A_958 = arith.constant 16 : i32
      %mul3A_959 = arith.muli %while3A_955, %mul3A_958 : i32
      %sub3A_960 = arith.subi %scan3A_104, %mul3A_959 : i32
      %lt3A_961 = vector.broadcast %sub3A_960 : i32 to vector<16xi32>
      %lt3A_962 = arith.cmpi slt, %iota3A, %lt3A_961 : vector<16xi32>
      %get3A = arith.index_cast %mul3A_957 : i32 to index
      %get3A_963 = tpu.vector_load %arg8[%get3A] {strides = array<i32>} : memref<2064xi32, #tpu.memory_space<vmem>>, vector<16xi32>,
      %add3A_964 = arith.constant 0 : i32
      %add3A_965 = vector.broadcast %add3A_964 : i32 to vector<16xi32>
      %add3A_966 = arith.addi %get3A_963, %add3A_965 : vector<16xi32>
      %get3A_967 = arith.index_cast %mul3A_957 : i32 to index
      %get3A_968 = tpu.vector_load %arg12[%get3A_967] {strides = array<i32>} : memref<4096xf32, #tpu.memory_space<vmem>>, vector<16xf32>,
      tpu.vector_store_idx %arg11[%add3A_966], %get3A_968 masked %lt3A_962 : memref<32768xf32, #tpu.memory_space<vmem>>[vector<16xi32>], vector<16xf32>, vector<16xi1>
      %add3A_969 = arith.constant 1 : i32
      %add3A_970 = vector.broadcast %add3A_969 : i32 to vector<16xi32>
      %add3A_971 = arith.addi %add3A_966, %add3A_970 : vector<16xi32>
      %mul3A_972 = arith.constant 16 : i32
      %mul3A_973 = arith.muli %while3A_955, %mul3A_972 : i32
      %add3A_974 = arith.constant 2048 : i32
      %add3A_975 = arith.addi %add3A_974, %mul3A_973 : i32
      %get3A_976 = arith.index_cast %add3A_975 : i32 to index
      %get3A_977 = tpu.vector_load %arg12[%get3A_976] {strides = array<i32>} : memref<4096xf32, #tpu.memory_space<vmem>>, vector<16xf32>,
      tpu.vector_store_idx %arg11[%add3A_971], %get3A_977 masked %lt3A_962 : memref<32768xf32, #tpu.memory_space<vmem>>[vector<16xi32>], vector<16xf32>, vector<16xi1>
    }
    %while3A_729 = arith.constant 0 : i32
    %while3A_730 = arith.constant 0 : i32
    %while3A_731 = arith.subi %select_n3A_131, %while3A_730 : i32
    %while3A_732 = arith.addi %while3A_730, %while3A_731 : i32
    %while3A_733 = arith.constant 1 : i32
    %while3A_734 = arith.divsi %while3A_731, %while3A_733 : i32
    %while3A_735 = arith.muli %while3A_734, %while3A_733 : i32
    %while3A_736 = arith.addi %while3A_730, %while3A_735 : i32
    %while3A_737 = arith.constant 1 : i32
    scf.for %while3A_955 = %while3A_730 to %while3A_736 step %while3A_737  : i32 {
      %mul3A_956 = arith.constant 16 : i32
      %mul3A_957 = arith.muli %while3A_955, %mul3A_956 : i32
      %mul3A_958 = arith.constant 16 : i32
      %mul3A_959 = arith.muli %while3A_955, %mul3A_958 : i32
      %sub3A_960 = arith.subi %scan3A_104, %mul3A_959 : i32
      %lt3A_961 = vector.broadcast %sub3A_960 : i32 to vector<16xi32>
      %lt3A_962 = arith.cmpi slt, %iota3A, %lt3A_961 : vector<16xi32>
      %get3A = arith.index_cast %mul3A_957 : i32 to index
      %get3A_963 = tpu.vector_load %arg7[%get3A] {strides = array<i32>} : memref<2064xi32, #tpu.memory_space<vmem>>, vector<16xi32>,
      %add3A_964 = arith.constant 16384 : i32
      %add3A_965 = vector.broadcast %add3A_964 : i32 to vector<16xi32>
      %add3A_966 = arith.addi %get3A_963, %add3A_965 : vector<16xi32>
      %gather3A = tpu.vector_load_idx %arg11[%add3A_966] masked %lt3A_962 : memref<32768xf32, #tpu.memory_space<vmem>>[vector<16xi32>], vector<16xf32>, vector<16xi1>
      %swap3A_967 = arith.index_cast %mul3A_957 : i32 to index
      %swap3A_968 = tpu.vector_load %arg12[%swap3A_967] {strides = array<i32>} : memref<4096xf32, #tpu.memory_space<vmem>>, vector<16xf32>,
      tpu.vector_store %arg12[%swap3A_967], %gather3A {strides = array<i32>} : memref<4096xf32, #tpu.memory_space<vmem>>, vector<16xf32>,
      %add3A_969 = arith.constant 1 : i32
      %add3A_970 = vector.broadcast %add3A_969 : i32 to vector<16xi32>
      %add3A_971 = arith.addi %add3A_966, %add3A_970 : vector<16xi32>
      %gather3A_972 = tpu.vector_load_idx %arg11[%add3A_971] masked %lt3A_962 : memref<32768xf32, #tpu.memory_space<vmem>>[vector<16xi32>], vector<16xf32>, vector<16xi1>
      %mul3A_973 = arith.constant 16 : i32
      %mul3A_974 = arith.muli %while3A_955, %mul3A_973 : i32
      %add3A_975 = arith.constant 2048 : i32
      %add3A_976 = arith.addi %add3A_975, %mul3A_974 : i32
      %swap3A_977 = arith.index_cast %add3A_976 : i32 to index
      %swap3A_978 = tpu.vector_load %arg12[%swap3A_977] {strides = array<i32>} : memref<4096xf32, #tpu.memory_space<vmem>>, vector<16xf32>,
      tpu.vector_store %arg12[%swap3A_977], %gather3A_972 {strides = array<i32>} : memref<4096xf32, #tpu.memory_space<vmem>>, vector<16xf32>,
    }
    %while3A_738 = arith.constant 1 : i32
    scf.for %while3A_955 = %while3A_736 to %while3A_732 step %while3A_738  : i32 {
      %mul3A_956 = arith.constant 16 : i32
      %mul3A_957 = arith.muli %while3A_955, %mul3A_956 : i32
      %mul3A_958 = arith.constant 16 : i32
      %mul3A_959 = arith.muli %while3A_955, %mul3A_958 : i32
      %sub3A_960 = arith.subi %scan3A_104, %mul3A_959 : i32
      %lt3A_961 = vector.broadcast %sub3A_960 : i32 to vector<16xi32>
      %lt3A_962 = arith.cmpi slt, %iota3A, %lt3A_961 : vector<16xi32>
      %get3A = arith.index_cast %mul3A_957 : i32 to index
      %get3A_963 = tpu.vector_load %arg7[%get3A] {strides = array<i32>} : memref<2064xi32, #tpu.memory_space<vmem>>, vector<16xi32>,
      %add3A_964 = arith.constant 16384 : i32
      %add3A_965 = vector.broadcast %add3A_964 : i32 to vector<16xi32>
      %add3A_966 = arith.addi %get3A_963, %add3A_965 : vector<16xi32>
      %gather3A = tpu.vector_load_idx %arg11[%add3A_966] masked %lt3A_962 : memref<32768xf32, #tpu.memory_space<vmem>>[vector<16xi32>], vector<16xf32>, vector<16xi1>
      %swap3A_967 = arith.index_cast %mul3A_957 : i32 to index
      %swap3A_968 = tpu.vector_load %arg12[%swap3A_967] {strides = array<i32>} : memref<4096xf32, #tpu.memory_space<vmem>>, vector<16xf32>,
      tpu.vector_store %arg12[%swap3A_967], %gather3A {strides = array<i32>} : memref<4096xf32, #tpu.memory_space<vmem>>, vector<16xf32>,
      %add3A_969 = arith.constant 1 : i32
      %add3A_970 = vector.broadcast %add3A_969 : i32 to vector<16xi32>
      %add3A_971 = arith.addi %add3A_966, %add3A_970 : vector<16xi32>
      %gather3A_972 = tpu.vector_load_idx %arg11[%add3A_971] masked %lt3A_962 : memref<32768xf32, #tpu.memory_space<vmem>>[vector<16xi32>], vector<16xf32>, vector<16xi1>
      %mul3A_973 = arith.constant 16 : i32
      %mul3A_974 = arith.muli %while3A_955, %mul3A_973 : i32
      %add3A_975 = arith.constant 2048 : i32
      %add3A_976 = arith.addi %add3A_975, %mul3A_974 : i32
      %swap3A_977 = arith.index_cast %add3A_976 : i32 to index
      %swap3A_978 = tpu.vector_load %arg12[%swap3A_977] {strides = array<i32>} : memref<4096xf32, #tpu.memory_space<vmem>>, vector<16xf32>,
      tpu.vector_store %arg12[%swap3A_977], %gather3A_972 {strides = array<i32>} : memref<4096xf32, #tpu.memory_space<vmem>>, vector<16xf32>,
    }
    %while3A_739 = arith.constant 0 : i32
    %while3A_740 = arith.constant 0 : i32
    %while3A_741 = arith.subi %select_n3A_131, %while3A_740 : i32
    %while3A_742 = arith.addi %while3A_740, %while3A_741 : i32
    %while3A_743 = arith.constant 1 : i32
    %while3A_744 = arith.divsi %while3A_741, %while3A_743 : i32
    %while3A_745 = arith.muli %while3A_744, %while3A_743 : i32
    %while3A_746 = arith.addi %while3A_740, %while3A_745 : i32
    %while3A_747 = arith.constant 1 : i32
    scf.for %while3A_955 = %while3A_740 to %while3A_746 step %while3A_747  : i32 {
      %mul3A_956 = arith.constant 16 : i32
      %mul3A_957 = arith.muli %while3A_955, %mul3A_956 : i32
      %mul3A_958 = arith.constant 16 : i32
      %mul3A_959 = arith.muli %while3A_955, %mul3A_958 : i32
      %sub3A_960 = arith.subi %scan3A_104, %mul3A_959 : i32
      %lt3A_961 = vector.broadcast %sub3A_960 : i32 to vector<16xi32>
      %lt3A_962 = arith.cmpi slt, %iota3A, %lt3A_961 : vector<16xi32>
      %get3A = arith.index_cast %mul3A_957 : i32 to index
      %get3A_963 = tpu.vector_load %arg8[%get3A] {strides = array<i32>} : memref<2064xi32, #tpu.memory_space<vmem>>, vector<16xi32>,
      %add3A_964 = arith.constant 16384 : i32
      %add3A_965 = vector.broadcast %add3A_964 : i32 to vector<16xi32>
      %add3A_966 = arith.addi %get3A_963, %add3A_965 : vector<16xi32>
      %get3A_967 = arith.index_cast %mul3A_957 : i32 to index
      %get3A_968 = tpu.vector_load %arg12[%get3A_967] {strides = array<i32>} : memref<4096xf32, #tpu.memory_space<vmem>>, vector<16xf32>,
      tpu.vector_store_idx %arg11[%add3A_966], %get3A_968 masked %lt3A_962 : memref<32768xf32, #tpu.memory_space<vmem>>[vector<16xi32>], vector<16xf32>, vector<16xi1>
      %add3A_969 = arith.constant 1 : i32
      %add3A_970 = vector.broadcast %add3A_969 : i32 to vector<16xi32>
      %add3A_971 = arith.addi %add3A_966, %add3A_970 : vector<16xi32>
      %mul3A_972 = arith.constant 16 : i32
      %mul3A_973 = arith.muli %while3A_955, %mul3A_972 : i32
      %add3A_974 = arith.constant 2048 : i32
      %add3A_975 = arith.addi %add3A_974, %mul3A_973 : i32
      %get3A_976 = arith.index_cast %add3A_975 : i32 to index
      %get3A_977 = tpu.vector_load %arg12[%get3A_976] {strides = array<i32>} : memref<4096xf32, #tpu.memory_space<vmem>>, vector<16xf32>,
      tpu.vector_store_idx %arg11[%add3A_971], %get3A_977 masked %lt3A_962 : memref<32768xf32, #tpu.memory_space<vmem>>[vector<16xi32>], vector<16xf32>, vector<16xi1>
    }
    %while3A_748 = arith.constant 1 : i32
    scf.for %while3A_955 = %while3A_746 to %while3A_742 step %while3A_748  : i32 {
      %mul3A_956 = arith.constant 16 : i32
      %mul3A_957 = arith.muli %while3A_955, %mul3A_956 : i32
      %mul3A_958 = arith.constant 16 : i32
      %mul3A_959 = arith.muli %while3A_955, %mul3A_958 : i32
      %sub3A_960 = arith.subi %scan3A_104, %mul3A_959 : i32
      %lt3A_961 = vector.broadcast %sub3A_960 : i32 to vector<16xi32>
      %lt3A_962 = arith.cmpi slt, %iota3A, %lt3A_961 : vector<16xi32>
      %get3A = arith.index_cast %mul3A_957 : i32 to index
      %get3A_963 = tpu.vector_load %arg8[%get3A] {strides = array<i32>} : memref<2064xi32, #tpu.memory_space<vmem>>, vector<16xi32>,
      %add3A_964 = arith.constant 16384 : i32
      %add3A_965 = vector.broadcast %add3A_964 : i32 to vector<16xi32>
      %add3A_966 = arith.addi %get3A_963, %add3A_965 : vector<16xi32>
      %get3A_967 = arith.index_cast %mul3A_957 : i32 to index
      %get3A_968 = tpu.vector_load %arg12[%get3A_967] {strides = array<i32>} : memref<4096xf32, #tpu.memory_space<vmem>>, vector<16xf32>,
      tpu.vector_store_idx %arg11[%add3A_966], %get3A_968 masked %lt3A_962 : memref<32768xf32, #tpu.memory_space<vmem>>[vector<16xi32>], vector<16xf32>, vector<16xi1>
      %add3A_969 = arith.constant 1 : i32
      %add3A_970 = vector.broadcast %add3A_969 : i32 to vector<16xi32>
      %add3A_971 = arith.addi %add3A_966, %add3A_970 : vector<16xi32>
      %mul3A_972 = arith.constant 16 : i32
      %mul3A_973 = arith.muli %while3A_955, %mul3A_972 : i32
      %add3A_974 = arith.constant 2048 : i32
      %add3A_975 = arith.addi %add3A_974, %mul3A_973 : i32
      %get3A_976 = arith.index_cast %add3A_975 : i32 to index
      %get3A_977 = tpu.vector_load %arg12[%get3A_976] {strides = array<i32>} : memref<4096xf32, #tpu.memory_space<vmem>>, vector<16xf32>,
      tpu.vector_store_idx %arg11[%add3A_971], %get3A_977 masked %lt3A_962 : memref<32768xf32, #tpu.memory_space<vmem>>[vector<16xi32>], vector<16xf32>, vector<16xi1>
    }
    %add3A_749 = arith.constant 360448 : i32
    %add3A_750 = arith.addi %mul3A_37, %add3A_749 : i32
    %dma_start3A_751 = tpu.memref_slice %arg4[%add3A_750] : memref<16777216xf32, #tpu.memory_space<hbm>> -> memref<32768xf32, #tpu.memory_space<hbm>>
    %dma_start3A_752 = tpu.memref_slice %arg4[%add3A_750] : memref<16777216xf32, #tpu.memory_space<hbm>> -> memref<32768xf32, #tpu.memory_space<hbm>>
    tpu.enqueue_dma source(%arg11 : memref<32768xf32, #tpu.memory_space<vmem>>) target(%dma_start3A_752 : memref<32768xf32, #tpu.memory_space<hbm>>) target_semaphore(%arg18 : memref<!tpu.dma_semaphore, #tpu.memory_space<semaphore_mem>>)
    %dma_wait3A_753 = tpu.memref_slice %arg4[%add3A_750] : memref<16777216xf32, #tpu.memory_space<hbm>> -> memref<32768xf32, #tpu.memory_space<hbm>>
    %dma_wait3A_754 = tpu.memref_slice %arg4[%add3A_750] : memref<16777216xf32, #tpu.memory_space<hbm>> -> memref<32768xf32, #tpu.memory_space<hbm>>
    tpu.wait_dma2 semaphore(%arg18 : memref<!tpu.dma_semaphore, #tpu.memory_space<semaphore_mem>>) src(%arg11 : memref<32768xf32, #tpu.memory_space<vmem>>) dst(%dma_wait3A_754 : memref<32768xf32, #tpu.memory_space<hbm>>)
    %add3A_755 = arith.constant 458752 : i32
    %add3A_756 = arith.addi %mul3A_37, %add3A_755 : i32
    %dma_start3A_757 = tpu.memref_slice %arg2[%add3A_756] : memref<16777216xf32, #tpu.memory_space<hbm>> -> memref<32768xf32, #tpu.memory_space<hbm>>
    %dma_start3A_758 = tpu.memref_slice %arg2[%add3A_756] : memref<16777216xf32, #tpu.memory_space<hbm>> -> memref<32768xf32, #tpu.memory_space<hbm>>
    tpu.enqueue_dma source(%dma_start3A_758 : memref<32768xf32, #tpu.memory_space<hbm>>) target(%arg11 : memref<32768xf32, #tpu.memory_space<vmem>>) target_semaphore(%arg15 : memref<!tpu.dma_semaphore, #tpu.memory_space<semaphore_mem>>)
    %dma_wait3A_759 = tpu.memref_slice %arg2[%add3A_652] : memref<16777216xf32, #tpu.memory_space<hbm>> -> memref<32768xf32, #tpu.memory_space<hbm>>
    %dma_wait3A_760 = tpu.memref_slice %arg2[%add3A_652] : memref<16777216xf32, #tpu.memory_space<hbm>> -> memref<32768xf32, #tpu.memory_space<hbm>>
    tpu.wait_dma2 semaphore(%arg13 : memref<!tpu.dma_semaphore, #tpu.memory_space<semaphore_mem>>) src(%dma_wait3A_760 : memref<32768xf32, #tpu.memory_space<hbm>>) dst(%arg9 : memref<32768xf32, #tpu.memory_space<vmem>>)
    %while3A_761 = arith.constant 0 : i32
    %while3A_762 = arith.constant 0 : i32
    %while3A_763 = arith.subi %select_n3A_131, %while3A_762 : i32
    %while3A_764 = arith.addi %while3A_762, %while3A_763 : i32
    %while3A_765 = arith.constant 1 : i32
    %while3A_766 = arith.divsi %while3A_763, %while3A_765 : i32
    %while3A_767 = arith.muli %while3A_766, %while3A_765 : i32
    %while3A_768 = arith.addi %while3A_762, %while3A_767 : i32
    %while3A_769 = arith.constant 1 : i32
    scf.for %while3A_955 = %while3A_762 to %while3A_768 step %while3A_769  : i32 {
      %mul3A_956 = arith.constant 16 : i32
      %mul3A_957 = arith.muli %while3A_955, %mul3A_956 : i32
      %mul3A_958 = arith.constant 16 : i32
      %mul3A_959 = arith.muli %while3A_955, %mul3A_958 : i32
      %sub3A_960 = arith.subi %scan3A_104, %mul3A_959 : i32
      %lt3A_961 = vector.broadcast %sub3A_960 : i32 to vector<16xi32>
      %lt3A_962 = arith.cmpi slt, %iota3A, %lt3A_961 : vector<16xi32>
      %get3A = arith.index_cast %mul3A_957 : i32 to index
      %get3A_963 = tpu.vector_load %arg7[%get3A] {strides = array<i32>} : memref<2064xi32, #tpu.memory_space<vmem>>, vector<16xi32>,
      %add3A_964 = arith.constant 0 : i32
      %add3A_965 = vector.broadcast %add3A_964 : i32 to vector<16xi32>
      %add3A_966 = arith.addi %get3A_963, %add3A_965 : vector<16xi32>
      %gather3A = tpu.vector_load_idx %arg9[%add3A_966] masked %lt3A_962 : memref<32768xf32, #tpu.memory_space<vmem>>[vector<16xi32>], vector<16xf32>, vector<16xi1>
      %swap3A_967 = arith.index_cast %mul3A_957 : i32 to index
      %swap3A_968 = tpu.vector_load %arg12[%swap3A_967] {strides = array<i32>} : memref<4096xf32, #tpu.memory_space<vmem>>, vector<16xf32>,
      tpu.vector_store %arg12[%swap3A_967], %gather3A {strides = array<i32>} : memref<4096xf32, #tpu.memory_space<vmem>>, vector<16xf32>,
      %add3A_969 = arith.constant 1 : i32
      %add3A_970 = vector.broadcast %add3A_969 : i32 to vector<16xi32>
      %add3A_971 = arith.addi %add3A_966, %add3A_970 : vector<16xi32>
      %gather3A_972 = tpu.vector_load_idx %arg9[%add3A_971] masked %lt3A_962 : memref<32768xf32, #tpu.memory_space<vmem>>[vector<16xi32>], vector<16xf32>, vector<16xi1>
      %mul3A_973 = arith.constant 16 : i32
      %mul3A_974 = arith.muli %while3A_955, %mul3A_973 : i32
      %add3A_975 = arith.constant 2048 : i32
      %add3A_976 = arith.addi %add3A_975, %mul3A_974 : i32
      %swap3A_977 = arith.index_cast %add3A_976 : i32 to index
      %swap3A_978 = tpu.vector_load %arg12[%swap3A_977] {strides = array<i32>} : memref<4096xf32, #tpu.memory_space<vmem>>, vector<16xf32>,
      tpu.vector_store %arg12[%swap3A_977], %gather3A_972 {strides = array<i32>} : memref<4096xf32, #tpu.memory_space<vmem>>, vector<16xf32>,
    }
    %while3A_770 = arith.constant 1 : i32
    scf.for %while3A_955 = %while3A_768 to %while3A_764 step %while3A_770  : i32 {
      %mul3A_956 = arith.constant 16 : i32
      %mul3A_957 = arith.muli %while3A_955, %mul3A_956 : i32
      %mul3A_958 = arith.constant 16 : i32
      %mul3A_959 = arith.muli %while3A_955, %mul3A_958 : i32
      %sub3A_960 = arith.subi %scan3A_104, %mul3A_959 : i32
      %lt3A_961 = vector.broadcast %sub3A_960 : i32 to vector<16xi32>
      %lt3A_962 = arith.cmpi slt, %iota3A, %lt3A_961 : vector<16xi32>
      %get3A = arith.index_cast %mul3A_957 : i32 to index
      %get3A_963 = tpu.vector_load %arg7[%get3A] {strides = array<i32>} : memref<2064xi32, #tpu.memory_space<vmem>>, vector<16xi32>,
      %add3A_964 = arith.constant 0 : i32
      %add3A_965 = vector.broadcast %add3A_964 : i32 to vector<16xi32>
      %add3A_966 = arith.addi %get3A_963, %add3A_965 : vector<16xi32>
      %gather3A = tpu.vector_load_idx %arg9[%add3A_966] masked %lt3A_962 : memref<32768xf32, #tpu.memory_space<vmem>>[vector<16xi32>], vector<16xf32>, vector<16xi1>
      %swap3A_967 = arith.index_cast %mul3A_957 : i32 to index
      %swap3A_968 = tpu.vector_load %arg12[%swap3A_967] {strides = array<i32>} : memref<4096xf32, #tpu.memory_space<vmem>>, vector<16xf32>,
      tpu.vector_store %arg12[%swap3A_967], %gather3A {strides = array<i32>} : memref<4096xf32, #tpu.memory_space<vmem>>, vector<16xf32>,
      %add3A_969 = arith.constant 1 : i32
      %add3A_970 = vector.broadcast %add3A_969 : i32 to vector<16xi32>
      %add3A_971 = arith.addi %add3A_966, %add3A_970 : vector<16xi32>
      %gather3A_972 = tpu.vector_load_idx %arg9[%add3A_971] masked %lt3A_962 : memref<32768xf32, #tpu.memory_space<vmem>>[vector<16xi32>], vector<16xf32>, vector<16xi1>
      %mul3A_973 = arith.constant 16 : i32
      %mul3A_974 = arith.muli %while3A_955, %mul3A_973 : i32
      %add3A_975 = arith.constant 2048 : i32
      %add3A_976 = arith.addi %add3A_975, %mul3A_974 : i32
      %swap3A_977 = arith.index_cast %add3A_976 : i32 to index
      %swap3A_978 = tpu.vector_load %arg12[%swap3A_977] {strides = array<i32>} : memref<4096xf32, #tpu.memory_space<vmem>>, vector<16xf32>,
      tpu.vector_store %arg12[%swap3A_977], %gather3A_972 {strides = array<i32>} : memref<4096xf32, #tpu.memory_space<vmem>>, vector<16xf32>,
    }
    %while3A_771 = arith.constant 0 : i32
    %while3A_772 = arith.constant 0 : i32
    %while3A_773 = arith.subi %select_n3A_131, %while3A_772 : i32
    %while3A_774 = arith.addi %while3A_772, %while3A_773 : i32
    %while3A_775 = arith.constant 1 : i32
    %while3A_776 = arith.divsi %while3A_773, %while3A_775 : i32
    %while3A_777 = arith.muli %while3A_776, %while3A_775 : i32
    %while3A_778 = arith.addi %while3A_772, %while3A_777 : i32
    %while3A_779 = arith.constant 1 : i32
    scf.for %while3A_955 = %while3A_772 to %while3A_778 step %while3A_779  : i32 {
      %mul3A_956 = arith.constant 16 : i32
      %mul3A_957 = arith.muli %while3A_955, %mul3A_956 : i32
      %mul3A_958 = arith.constant 16 : i32
      %mul3A_959 = arith.muli %while3A_955, %mul3A_958 : i32
      %sub3A_960 = arith.subi %scan3A_104, %mul3A_959 : i32
      %lt3A_961 = vector.broadcast %sub3A_960 : i32 to vector<16xi32>
      %lt3A_962 = arith.cmpi slt, %iota3A, %lt3A_961 : vector<16xi32>
      %get3A = arith.index_cast %mul3A_957 : i32 to index
      %get3A_963 = tpu.vector_load %arg8[%get3A] {strides = array<i32>} : memref<2064xi32, #tpu.memory_space<vmem>>, vector<16xi32>,
      %add3A_964 = arith.constant 0 : i32
      %add3A_965 = vector.broadcast %add3A_964 : i32 to vector<16xi32>
      %add3A_966 = arith.addi %get3A_963, %add3A_965 : vector<16xi32>
      %get3A_967 = arith.index_cast %mul3A_957 : i32 to index
      %get3A_968 = tpu.vector_load %arg12[%get3A_967] {strides = array<i32>} : memref<4096xf32, #tpu.memory_space<vmem>>, vector<16xf32>,
      tpu.vector_store_idx %arg9[%add3A_966], %get3A_968 masked %lt3A_962 : memref<32768xf32, #tpu.memory_space<vmem>>[vector<16xi32>], vector<16xf32>, vector<16xi1>
      %add3A_969 = arith.constant 1 : i32
      %add3A_970 = vector.broadcast %add3A_969 : i32 to vector<16xi32>
      %add3A_971 = arith.addi %add3A_966, %add3A_970 : vector<16xi32>
      %mul3A_972 = arith.constant 16 : i32
      %mul3A_973 = arith.muli %while3A_955, %mul3A_972 : i32
      %add3A_974 = arith.constant 2048 : i32
      %add3A_975 = arith.addi %add3A_974, %mul3A_973 : i32
      %get3A_976 = arith.index_cast %add3A_975 : i32 to index
      %get3A_977 = tpu.vector_load %arg12[%get3A_976] {strides = array<i32>} : memref<4096xf32, #tpu.memory_space<vmem>>, vector<16xf32>,
      tpu.vector_store_idx %arg9[%add3A_971], %get3A_977 masked %lt3A_962 : memref<32768xf32, #tpu.memory_space<vmem>>[vector<16xi32>], vector<16xf32>, vector<16xi1>
    }
    %while3A_780 = arith.constant 1 : i32
    scf.for %while3A_955 = %while3A_778 to %while3A_774 step %while3A_780  : i32 {
      %mul3A_956 = arith.constant 16 : i32
      %mul3A_957 = arith.muli %while3A_955, %mul3A_956 : i32
      %mul3A_958 = arith.constant 16 : i32
      %mul3A_959 = arith.muli %while3A_955, %mul3A_958 : i32
      %sub3A_960 = arith.subi %scan3A_104, %mul3A_959 : i32
      %lt3A_961 = vector.broadcast %sub3A_960 : i32 to vector<16xi32>
      %lt3A_962 = arith.cmpi slt, %iota3A, %lt3A_961 : vector<16xi32>
      %get3A = arith.index_cast %mul3A_957 : i32 to index
      %get3A_963 = tpu.vector_load %arg8[%get3A] {strides = array<i32>} : memref<2064xi32, #tpu.memory_space<vmem>>, vector<16xi32>,
      %add3A_964 = arith.constant 0 : i32
      %add3A_965 = vector.broadcast %add3A_964 : i32 to vector<16xi32>
      %add3A_966 = arith.addi %get3A_963, %add3A_965 : vector<16xi32>
      %get3A_967 = arith.index_cast %mul3A_957 : i32 to index
      %get3A_968 = tpu.vector_load %arg12[%get3A_967] {strides = array<i32>} : memref<4096xf32, #tpu.memory_space<vmem>>, vector<16xf32>,
      tpu.vector_store_idx %arg9[%add3A_966], %get3A_968 masked %lt3A_962 : memref<32768xf32, #tpu.memory_space<vmem>>[vector<16xi32>], vector<16xf32>, vector<16xi1>
      %add3A_969 = arith.constant 1 : i32
      %add3A_970 = vector.broadcast %add3A_969 : i32 to vector<16xi32>
      %add3A_971 = arith.addi %add3A_966, %add3A_970 : vector<16xi32>
      %mul3A_972 = arith.constant 16 : i32
      %mul3A_973 = arith.muli %while3A_955, %mul3A_972 : i32
      %add3A_974 = arith.constant 2048 : i32
      %add3A_975 = arith.addi %add3A_974, %mul3A_973 : i32
      %get3A_976 = arith.index_cast %add3A_975 : i32 to index
      %get3A_977 = tpu.vector_load %arg12[%get3A_976] {strides = array<i32>} : memref<4096xf32, #tpu.memory_space<vmem>>, vector<16xf32>,
      tpu.vector_store_idx %arg9[%add3A_971], %get3A_977 masked %lt3A_962 : memref<32768xf32, #tpu.memory_space<vmem>>[vector<16xi32>], vector<16xf32>, vector<16xi1>
    }
    %while3A_781 = arith.constant 0 : i32
    %while3A_782 = arith.constant 0 : i32
    %while3A_783 = arith.subi %select_n3A_131, %while3A_782 : i32
    %while3A_784 = arith.addi %while3A_782, %while3A_783 : i32
    %while3A_785 = arith.constant 1 : i32
    %while3A_786 = arith.divsi %while3A_783, %while3A_785 : i32
    %while3A_787 = arith.muli %while3A_786, %while3A_785 : i32
    %while3A_788 = arith.addi %while3A_782, %while3A_787 : i32
    %while3A_789 = arith.constant 1 : i32
    scf.for %while3A_955 = %while3A_782 to %while3A_788 step %while3A_789  : i32 {
      %mul3A_956 = arith.constant 16 : i32
      %mul3A_957 = arith.muli %while3A_955, %mul3A_956 : i32
      %mul3A_958 = arith.constant 16 : i32
      %mul3A_959 = arith.muli %while3A_955, %mul3A_958 : i32
      %sub3A_960 = arith.subi %scan3A_104, %mul3A_959 : i32
      %lt3A_961 = vector.broadcast %sub3A_960 : i32 to vector<16xi32>
      %lt3A_962 = arith.cmpi slt, %iota3A, %lt3A_961 : vector<16xi32>
      %get3A = arith.index_cast %mul3A_957 : i32 to index
      %get3A_963 = tpu.vector_load %arg7[%get3A] {strides = array<i32>} : memref<2064xi32, #tpu.memory_space<vmem>>, vector<16xi32>,
      %add3A_964 = arith.constant 16384 : i32
      %add3A_965 = vector.broadcast %add3A_964 : i32 to vector<16xi32>
      %add3A_966 = arith.addi %get3A_963, %add3A_965 : vector<16xi32>
      %gather3A = tpu.vector_load_idx %arg9[%add3A_966] masked %lt3A_962 : memref<32768xf32, #tpu.memory_space<vmem>>[vector<16xi32>], vector<16xf32>, vector<16xi1>
      %swap3A_967 = arith.index_cast %mul3A_957 : i32 to index
      %swap3A_968 = tpu.vector_load %arg12[%swap3A_967] {strides = array<i32>} : memref<4096xf32, #tpu.memory_space<vmem>>, vector<16xf32>,
      tpu.vector_store %arg12[%swap3A_967], %gather3A {strides = array<i32>} : memref<4096xf32, #tpu.memory_space<vmem>>, vector<16xf32>,
      %add3A_969 = arith.constant 1 : i32
      %add3A_970 = vector.broadcast %add3A_969 : i32 to vector<16xi32>
      %add3A_971 = arith.addi %add3A_966, %add3A_970 : vector<16xi32>
      %gather3A_972 = tpu.vector_load_idx %arg9[%add3A_971] masked %lt3A_962 : memref<32768xf32, #tpu.memory_space<vmem>>[vector<16xi32>], vector<16xf32>, vector<16xi1>
      %mul3A_973 = arith.constant 16 : i32
      %mul3A_974 = arith.muli %while3A_955, %mul3A_973 : i32
      %add3A_975 = arith.constant 2048 : i32
      %add3A_976 = arith.addi %add3A_975, %mul3A_974 : i32
      %swap3A_977 = arith.index_cast %add3A_976 : i32 to index
      %swap3A_978 = tpu.vector_load %arg12[%swap3A_977] {strides = array<i32>} : memref<4096xf32, #tpu.memory_space<vmem>>, vector<16xf32>,
      tpu.vector_store %arg12[%swap3A_977], %gather3A_972 {strides = array<i32>} : memref<4096xf32, #tpu.memory_space<vmem>>, vector<16xf32>,
    }
    %while3A_790 = arith.constant 1 : i32
    scf.for %while3A_955 = %while3A_788 to %while3A_784 step %while3A_790  : i32 {
      %mul3A_956 = arith.constant 16 : i32
      %mul3A_957 = arith.muli %while3A_955, %mul3A_956 : i32
      %mul3A_958 = arith.constant 16 : i32
      %mul3A_959 = arith.muli %while3A_955, %mul3A_958 : i32
      %sub3A_960 = arith.subi %scan3A_104, %mul3A_959 : i32
      %lt3A_961 = vector.broadcast %sub3A_960 : i32 to vector<16xi32>
      %lt3A_962 = arith.cmpi slt, %iota3A, %lt3A_961 : vector<16xi32>
      %get3A = arith.index_cast %mul3A_957 : i32 to index
      %get3A_963 = tpu.vector_load %arg7[%get3A] {strides = array<i32>} : memref<2064xi32, #tpu.memory_space<vmem>>, vector<16xi32>,
      %add3A_964 = arith.constant 16384 : i32
      %add3A_965 = vector.broadcast %add3A_964 : i32 to vector<16xi32>
      %add3A_966 = arith.addi %get3A_963, %add3A_965 : vector<16xi32>
      %gather3A = tpu.vector_load_idx %arg9[%add3A_966] masked %lt3A_962 : memref<32768xf32, #tpu.memory_space<vmem>>[vector<16xi32>], vector<16xf32>, vector<16xi1>
      %swap3A_967 = arith.index_cast %mul3A_957 : i32 to index
      %swap3A_968 = tpu.vector_load %arg12[%swap3A_967] {strides = array<i32>} : memref<4096xf32, #tpu.memory_space<vmem>>, vector<16xf32>,
      tpu.vector_store %arg12[%swap3A_967], %gather3A {strides = array<i32>} : memref<4096xf32, #tpu.memory_space<vmem>>, vector<16xf32>,
      %add3A_969 = arith.constant 1 : i32
      %add3A_970 = vector.broadcast %add3A_969 : i32 to vector<16xi32>
      %add3A_971 = arith.addi %add3A_966, %add3A_970 : vector<16xi32>
      %gather3A_972 = tpu.vector_load_idx %arg9[%add3A_971] masked %lt3A_962 : memref<32768xf32, #tpu.memory_space<vmem>>[vector<16xi32>], vector<16xf32>, vector<16xi1>
      %mul3A_973 = arith.constant 16 : i32
      %mul3A_974 = arith.muli %while3A_955, %mul3A_973 : i32
      %add3A_975 = arith.constant 2048 : i32
      %add3A_976 = arith.addi %add3A_975, %mul3A_974 : i32
      %swap3A_977 = arith.index_cast %add3A_976 : i32 to index
      %swap3A_978 = tpu.vector_load %arg12[%swap3A_977] {strides = array<i32>} : memref<4096xf32, #tpu.memory_space<vmem>>, vector<16xf32>,
      tpu.vector_store %arg12[%swap3A_977], %gather3A_972 {strides = array<i32>} : memref<4096xf32, #tpu.memory_space<vmem>>, vector<16xf32>,
    }
    %while3A_791 = arith.constant 0 : i32
    %while3A_792 = arith.constant 0 : i32
    %while3A_793 = arith.subi %select_n3A_131, %while3A_792 : i32
    %while3A_794 = arith.addi %while3A_792, %while3A_793 : i32
    %while3A_795 = arith.constant 1 : i32
    %while3A_796 = arith.divsi %while3A_793, %while3A_795 : i32
    %while3A_797 = arith.muli %while3A_796, %while3A_795 : i32
    %while3A_798 = arith.addi %while3A_792, %while3A_797 : i32
    %while3A_799 = arith.constant 1 : i32
    scf.for %while3A_955 = %while3A_792 to %while3A_798 step %while3A_799  : i32 {
      %mul3A_956 = arith.constant 16 : i32
      %mul3A_957 = arith.muli %while3A_955, %mul3A_956 : i32
      %mul3A_958 = arith.constant 16 : i32
      %mul3A_959 = arith.muli %while3A_955, %mul3A_958 : i32
      %sub3A_960 = arith.subi %scan3A_104, %mul3A_959 : i32
      %lt3A_961 = vector.broadcast %sub3A_960 : i32 to vector<16xi32>
      %lt3A_962 = arith.cmpi slt, %iota3A, %lt3A_961 : vector<16xi32>
      %get3A = arith.index_cast %mul3A_957 : i32 to index
      %get3A_963 = tpu.vector_load %arg8[%get3A] {strides = array<i32>} : memref<2064xi32, #tpu.memory_space<vmem>>, vector<16xi32>,
      %add3A_964 = arith.constant 16384 : i32
      %add3A_965 = vector.broadcast %add3A_964 : i32 to vector<16xi32>
      %add3A_966 = arith.addi %get3A_963, %add3A_965 : vector<16xi32>
      %get3A_967 = arith.index_cast %mul3A_957 : i32 to index
      %get3A_968 = tpu.vector_load %arg12[%get3A_967] {strides = array<i32>} : memref<4096xf32, #tpu.memory_space<vmem>>, vector<16xf32>,
      tpu.vector_store_idx %arg9[%add3A_966], %get3A_968 masked %lt3A_962 : memref<32768xf32, #tpu.memory_space<vmem>>[vector<16xi32>], vector<16xf32>, vector<16xi1>
      %add3A_969 = arith.constant 1 : i32
      %add3A_970 = vector.broadcast %add3A_969 : i32 to vector<16xi32>
      %add3A_971 = arith.addi %add3A_966, %add3A_970 : vector<16xi32>
      %mul3A_972 = arith.constant 16 : i32
      %mul3A_973 = arith.muli %while3A_955, %mul3A_972 : i32
      %add3A_974 = arith.constant 2048 : i32
      %add3A_975 = arith.addi %add3A_974, %mul3A_973 : i32
      %get3A_976 = arith.index_cast %add3A_975 : i32 to index
      %get3A_977 = tpu.vector_load %arg12[%get3A_976] {strides = array<i32>} : memref<4096xf32, #tpu.memory_space<vmem>>, vector<16xf32>,
      tpu.vector_store_idx %arg9[%add3A_971], %get3A_977 masked %lt3A_962 : memref<32768xf32, #tpu.memory_space<vmem>>[vector<16xi32>], vector<16xf32>, vector<16xi1>
    }
    %while3A_800 = arith.constant 1 : i32
    scf.for %while3A_955 = %while3A_798 to %while3A_794 step %while3A_800  : i32 {
      %mul3A_956 = arith.constant 16 : i32
      %mul3A_957 = arith.muli %while3A_955, %mul3A_956 : i32
      %mul3A_958 = arith.constant 16 : i32
      %mul3A_959 = arith.muli %while3A_955, %mul3A_958 : i32
      %sub3A_960 = arith.subi %scan3A_104, %mul3A_959 : i32
      %lt3A_961 = vector.broadcast %sub3A_960 : i32 to vector<16xi32>
      %lt3A_962 = arith.cmpi slt, %iota3A, %lt3A_961 : vector<16xi32>
      %get3A = arith.index_cast %mul3A_957 : i32 to index
      %get3A_963 = tpu.vector_load %arg8[%get3A] {strides = array<i32>} : memref<2064xi32, #tpu.memory_space<vmem>>, vector<16xi32>,
      %add3A_964 = arith.constant 16384 : i32
      %add3A_965 = vector.broadcast %add3A_964 : i32 to vector<16xi32>
      %add3A_966 = arith.addi %get3A_963, %add3A_965 : vector<16xi32>
      %get3A_967 = arith.index_cast %mul3A_957 : i32 to index
      %get3A_968 = tpu.vector_load %arg12[%get3A_967] {strides = array<i32>} : memref<4096xf32, #tpu.memory_space<vmem>>, vector<16xf32>,
      tpu.vector_store_idx %arg9[%add3A_966], %get3A_968 masked %lt3A_962 : memref<32768xf32, #tpu.memory_space<vmem>>[vector<16xi32>], vector<16xf32>, vector<16xi1>
      %add3A_969 = arith.constant 1 : i32
      %add3A_970 = vector.broadcast %add3A_969 : i32 to vector<16xi32>
      %add3A_971 = arith.addi %add3A_966, %add3A_970 : vector<16xi32>
      %mul3A_972 = arith.constant 16 : i32
      %mul3A_973 = arith.muli %while3A_955, %mul3A_972 : i32
      %add3A_974 = arith.constant 2048 : i32
      %add3A_975 = arith.addi %add3A_974, %mul3A_973 : i32
      %get3A_976 = arith.index_cast %add3A_975 : i32 to index
      %get3A_977 = tpu.vector_load %arg12[%get3A_976] {strides = array<i32>} : memref<4096xf32, #tpu.memory_space<vmem>>, vector<16xf32>,
      tpu.vector_store_idx %arg9[%add3A_971], %get3A_977 masked %lt3A_962 : memref<32768xf32, #tpu.memory_space<vmem>>[vector<16xi32>], vector<16xf32>, vector<16xi1>
    }
    %add3A_801 = arith.constant 393216 : i32
    %add3A_802 = arith.addi %mul3A_37, %add3A_801 : i32
    %dma_start3A_803 = tpu.memref_slice %arg4[%add3A_802] : memref<16777216xf32, #tpu.memory_space<hbm>> -> memref<32768xf32, #tpu.memory_space<hbm>>
    %dma_start3A_804 = tpu.memref_slice %arg4[%add3A_802] : memref<16777216xf32, #tpu.memory_space<hbm>> -> memref<32768xf32, #tpu.memory_space<hbm>>
    tpu.enqueue_dma source(%arg9 : memref<32768xf32, #tpu.memory_space<vmem>>) target(%dma_start3A_804 : memref<32768xf32, #tpu.memory_space<hbm>>) target_semaphore(%arg16 : memref<!tpu.dma_semaphore, #tpu.memory_space<semaphore_mem>>)
    %dma_wait3A_805 = tpu.memref_slice %arg4[%add3A_802] : memref<16777216xf32, #tpu.memory_space<hbm>> -> memref<32768xf32, #tpu.memory_space<hbm>>
    %dma_wait3A_806 = tpu.memref_slice %arg4[%add3A_802] : memref<16777216xf32, #tpu.memory_space<hbm>> -> memref<32768xf32, #tpu.memory_space<hbm>>
    tpu.wait_dma2 semaphore(%arg16 : memref<!tpu.dma_semaphore, #tpu.memory_space<semaphore_mem>>) src(%arg9 : memref<32768xf32, #tpu.memory_space<vmem>>) dst(%dma_wait3A_806 : memref<32768xf32, #tpu.memory_space<hbm>>)
    %add3A_807 = arith.constant 491520 : i32
    %add3A_808 = arith.addi %mul3A_37, %add3A_807 : i32
    %dma_start3A_809 = tpu.memref_slice %arg2[%add3A_808] : memref<16777216xf32, #tpu.memory_space<hbm>> -> memref<32768xf32, #tpu.memory_space<hbm>>
    %dma_start3A_810 = tpu.memref_slice %arg2[%add3A_808] : memref<16777216xf32, #tpu.memory_space<hbm>> -> memref<32768xf32, #tpu.memory_space<hbm>>
    tpu.enqueue_dma source(%dma_start3A_810 : memref<32768xf32, #tpu.memory_space<hbm>>) target(%arg9 : memref<32768xf32, #tpu.memory_space<vmem>>) target_semaphore(%arg13 : memref<!tpu.dma_semaphore, #tpu.memory_space<semaphore_mem>>)
    %dma_wait3A_811 = tpu.memref_slice %arg2[%add3A_704] : memref<16777216xf32, #tpu.memory_space<hbm>> -> memref<32768xf32, #tpu.memory_space<hbm>>
    %dma_wait3A_812 = tpu.memref_slice %arg2[%add3A_704] : memref<16777216xf32, #tpu.memory_space<hbm>> -> memref<32768xf32, #tpu.memory_space<hbm>>
    tpu.wait_dma2 semaphore(%arg14 : memref<!tpu.dma_semaphore, #tpu.memory_space<semaphore_mem>>) src(%dma_wait3A_812 : memref<32768xf32, #tpu.memory_space<hbm>>) dst(%arg10 : memref<32768xf32, #tpu.memory_space<vmem>>)
    %while3A_813 = arith.constant 0 : i32
    %while3A_814 = arith.constant 0 : i32
    %while3A_815 = arith.subi %select_n3A_131, %while3A_814 : i32
    %while3A_816 = arith.addi %while3A_814, %while3A_815 : i32
    %while3A_817 = arith.constant 1 : i32
    %while3A_818 = arith.divsi %while3A_815, %while3A_817 : i32
    %while3A_819 = arith.muli %while3A_818, %while3A_817 : i32
    %while3A_820 = arith.addi %while3A_814, %while3A_819 : i32
    %while3A_821 = arith.constant 1 : i32
    scf.for %while3A_955 = %while3A_814 to %while3A_820 step %while3A_821  : i32 {
      %mul3A_956 = arith.constant 16 : i32
      %mul3A_957 = arith.muli %while3A_955, %mul3A_956 : i32
      %mul3A_958 = arith.constant 16 : i32
      %mul3A_959 = arith.muli %while3A_955, %mul3A_958 : i32
      %sub3A_960 = arith.subi %scan3A_104, %mul3A_959 : i32
      %lt3A_961 = vector.broadcast %sub3A_960 : i32 to vector<16xi32>
      %lt3A_962 = arith.cmpi slt, %iota3A, %lt3A_961 : vector<16xi32>
      %get3A = arith.index_cast %mul3A_957 : i32 to index
      %get3A_963 = tpu.vector_load %arg7[%get3A] {strides = array<i32>} : memref<2064xi32, #tpu.memory_space<vmem>>, vector<16xi32>,
      %add3A_964 = arith.constant 0 : i32
      %add3A_965 = vector.broadcast %add3A_964 : i32 to vector<16xi32>
      %add3A_966 = arith.addi %get3A_963, %add3A_965 : vector<16xi32>
      %gather3A = tpu.vector_load_idx %arg10[%add3A_966] masked %lt3A_962 : memref<32768xf32, #tpu.memory_space<vmem>>[vector<16xi32>], vector<16xf32>, vector<16xi1>
      %swap3A_967 = arith.index_cast %mul3A_957 : i32 to index
      %swap3A_968 = tpu.vector_load %arg12[%swap3A_967] {strides = array<i32>} : memref<4096xf32, #tpu.memory_space<vmem>>, vector<16xf32>,
      tpu.vector_store %arg12[%swap3A_967], %gather3A {strides = array<i32>} : memref<4096xf32, #tpu.memory_space<vmem>>, vector<16xf32>,
      %add3A_969 = arith.constant 1 : i32
      %add3A_970 = vector.broadcast %add3A_969 : i32 to vector<16xi32>
      %add3A_971 = arith.addi %add3A_966, %add3A_970 : vector<16xi32>
      %gather3A_972 = tpu.vector_load_idx %arg10[%add3A_971] masked %lt3A_962 : memref<32768xf32, #tpu.memory_space<vmem>>[vector<16xi32>], vector<16xf32>, vector<16xi1>
      %mul3A_973 = arith.constant 16 : i32
      %mul3A_974 = arith.muli %while3A_955, %mul3A_973 : i32
      %add3A_975 = arith.constant 2048 : i32
      %add3A_976 = arith.addi %add3A_975, %mul3A_974 : i32
      %swap3A_977 = arith.index_cast %add3A_976 : i32 to index
      %swap3A_978 = tpu.vector_load %arg12[%swap3A_977] {strides = array<i32>} : memref<4096xf32, #tpu.memory_space<vmem>>, vector<16xf32>,
      tpu.vector_store %arg12[%swap3A_977], %gather3A_972 {strides = array<i32>} : memref<4096xf32, #tpu.memory_space<vmem>>, vector<16xf32>,
    }
    %while3A_822 = arith.constant 1 : i32
    scf.for %while3A_955 = %while3A_820 to %while3A_816 step %while3A_822  : i32 {
      %mul3A_956 = arith.constant 16 : i32
      %mul3A_957 = arith.muli %while3A_955, %mul3A_956 : i32
      %mul3A_958 = arith.constant 16 : i32
      %mul3A_959 = arith.muli %while3A_955, %mul3A_958 : i32
      %sub3A_960 = arith.subi %scan3A_104, %mul3A_959 : i32
      %lt3A_961 = vector.broadcast %sub3A_960 : i32 to vector<16xi32>
      %lt3A_962 = arith.cmpi slt, %iota3A, %lt3A_961 : vector<16xi32>
      %get3A = arith.index_cast %mul3A_957 : i32 to index
      %get3A_963 = tpu.vector_load %arg7[%get3A] {strides = array<i32>} : memref<2064xi32, #tpu.memory_space<vmem>>, vector<16xi32>,
      %add3A_964 = arith.constant 0 : i32
      %add3A_965 = vector.broadcast %add3A_964 : i32 to vector<16xi32>
      %add3A_966 = arith.addi %get3A_963, %add3A_965 : vector<16xi32>
      %gather3A = tpu.vector_load_idx %arg10[%add3A_966] masked %lt3A_962 : memref<32768xf32, #tpu.memory_space<vmem>>[vector<16xi32>], vector<16xf32>, vector<16xi1>
      %swap3A_967 = arith.index_cast %mul3A_957 : i32 to index
      %swap3A_968 = tpu.vector_load %arg12[%swap3A_967] {strides = array<i32>} : memref<4096xf32, #tpu.memory_space<vmem>>, vector<16xf32>,
      tpu.vector_store %arg12[%swap3A_967], %gather3A {strides = array<i32>} : memref<4096xf32, #tpu.memory_space<vmem>>, vector<16xf32>,
      %add3A_969 = arith.constant 1 : i32
      %add3A_970 = vector.broadcast %add3A_969 : i32 to vector<16xi32>
      %add3A_971 = arith.addi %add3A_966, %add3A_970 : vector<16xi32>
      %gather3A_972 = tpu.vector_load_idx %arg10[%add3A_971] masked %lt3A_962 : memref<32768xf32, #tpu.memory_space<vmem>>[vector<16xi32>], vector<16xf32>, vector<16xi1>
      %mul3A_973 = arith.constant 16 : i32
      %mul3A_974 = arith.muli %while3A_955, %mul3A_973 : i32
      %add3A_975 = arith.constant 2048 : i32
      %add3A_976 = arith.addi %add3A_975, %mul3A_974 : i32
      %swap3A_977 = arith.index_cast %add3A_976 : i32 to index
      %swap3A_978 = tpu.vector_load %arg12[%swap3A_977] {strides = array<i32>} : memref<4096xf32, #tpu.memory_space<vmem>>, vector<16xf32>,
      tpu.vector_store %arg12[%swap3A_977], %gather3A_972 {strides = array<i32>} : memref<4096xf32, #tpu.memory_space<vmem>>, vector<16xf32>,
    }
    %while3A_823 = arith.constant 0 : i32
    %while3A_824 = arith.constant 0 : i32
    %while3A_825 = arith.subi %select_n3A_131, %while3A_824 : i32
    %while3A_826 = arith.addi %while3A_824, %while3A_825 : i32
    %while3A_827 = arith.constant 1 : i32
    %while3A_828 = arith.divsi %while3A_825, %while3A_827 : i32
    %while3A_829 = arith.muli %while3A_828, %while3A_827 : i32
    %while3A_830 = arith.addi %while3A_824, %while3A_829 : i32
    %while3A_831 = arith.constant 1 : i32
    scf.for %while3A_955 = %while3A_824 to %while3A_830 step %while3A_831  : i32 {
      %mul3A_956 = arith.constant 16 : i32
      %mul3A_957 = arith.muli %while3A_955, %mul3A_956 : i32
      %mul3A_958 = arith.constant 16 : i32
      %mul3A_959 = arith.muli %while3A_955, %mul3A_958 : i32
      %sub3A_960 = arith.subi %scan3A_104, %mul3A_959 : i32
      %lt3A_961 = vector.broadcast %sub3A_960 : i32 to vector<16xi32>
      %lt3A_962 = arith.cmpi slt, %iota3A, %lt3A_961 : vector<16xi32>
      %get3A = arith.index_cast %mul3A_957 : i32 to index
      %get3A_963 = tpu.vector_load %arg8[%get3A] {strides = array<i32>} : memref<2064xi32, #tpu.memory_space<vmem>>, vector<16xi32>,
      %add3A_964 = arith.constant 0 : i32
      %add3A_965 = vector.broadcast %add3A_964 : i32 to vector<16xi32>
      %add3A_966 = arith.addi %get3A_963, %add3A_965 : vector<16xi32>
      %get3A_967 = arith.index_cast %mul3A_957 : i32 to index
      %get3A_968 = tpu.vector_load %arg12[%get3A_967] {strides = array<i32>} : memref<4096xf32, #tpu.memory_space<vmem>>, vector<16xf32>,
      tpu.vector_store_idx %arg10[%add3A_966], %get3A_968 masked %lt3A_962 : memref<32768xf32, #tpu.memory_space<vmem>>[vector<16xi32>], vector<16xf32>, vector<16xi1>
      %add3A_969 = arith.constant 1 : i32
      %add3A_970 = vector.broadcast %add3A_969 : i32 to vector<16xi32>
      %add3A_971 = arith.addi %add3A_966, %add3A_970 : vector<16xi32>
      %mul3A_972 = arith.constant 16 : i32
      %mul3A_973 = arith.muli %while3A_955, %mul3A_972 : i32
      %add3A_974 = arith.constant 2048 : i32
      %add3A_975 = arith.addi %add3A_974, %mul3A_973 : i32
      %get3A_976 = arith.index_cast %add3A_975 : i32 to index
      %get3A_977 = tpu.vector_load %arg12[%get3A_976] {strides = array<i32>} : memref<4096xf32, #tpu.memory_space<vmem>>, vector<16xf32>,
      tpu.vector_store_idx %arg10[%add3A_971], %get3A_977 masked %lt3A_962 : memref<32768xf32, #tpu.memory_space<vmem>>[vector<16xi32>], vector<16xf32>, vector<16xi1>
    }
    %while3A_832 = arith.constant 1 : i32
    scf.for %while3A_955 = %while3A_830 to %while3A_826 step %while3A_832  : i32 {
      %mul3A_956 = arith.constant 16 : i32
      %mul3A_957 = arith.muli %while3A_955, %mul3A_956 : i32
      %mul3A_958 = arith.constant 16 : i32
      %mul3A_959 = arith.muli %while3A_955, %mul3A_958 : i32
      %sub3A_960 = arith.subi %scan3A_104, %mul3A_959 : i32
      %lt3A_961 = vector.broadcast %sub3A_960 : i32 to vector<16xi32>
      %lt3A_962 = arith.cmpi slt, %iota3A, %lt3A_961 : vector<16xi32>
      %get3A = arith.index_cast %mul3A_957 : i32 to index
      %get3A_963 = tpu.vector_load %arg8[%get3A] {strides = array<i32>} : memref<2064xi32, #tpu.memory_space<vmem>>, vector<16xi32>,
      %add3A_964 = arith.constant 0 : i32
      %add3A_965 = vector.broadcast %add3A_964 : i32 to vector<16xi32>
      %add3A_966 = arith.addi %get3A_963, %add3A_965 : vector<16xi32>
      %get3A_967 = arith.index_cast %mul3A_957 : i32 to index
      %get3A_968 = tpu.vector_load %arg12[%get3A_967] {strides = array<i32>} : memref<4096xf32, #tpu.memory_space<vmem>>, vector<16xf32>,
      tpu.vector_store_idx %arg10[%add3A_966], %get3A_968 masked %lt3A_962 : memref<32768xf32, #tpu.memory_space<vmem>>[vector<16xi32>], vector<16xf32>, vector<16xi1>
      %add3A_969 = arith.constant 1 : i32
      %add3A_970 = vector.broadcast %add3A_969 : i32 to vector<16xi32>
      %add3A_971 = arith.addi %add3A_966, %add3A_970 : vector<16xi32>
      %mul3A_972 = arith.constant 16 : i32
      %mul3A_973 = arith.muli %while3A_955, %mul3A_972 : i32
      %add3A_974 = arith.constant 2048 : i32
      %add3A_975 = arith.addi %add3A_974, %mul3A_973 : i32
      %get3A_976 = arith.index_cast %add3A_975 : i32 to index
      %get3A_977 = tpu.vector_load %arg12[%get3A_976] {strides = array<i32>} : memref<4096xf32, #tpu.memory_space<vmem>>, vector<16xf32>,
      tpu.vector_store_idx %arg10[%add3A_971], %get3A_977 masked %lt3A_962 : memref<32768xf32, #tpu.memory_space<vmem>>[vector<16xi32>], vector<16xf32>, vector<16xi1>
    }
    %while3A_833 = arith.constant 0 : i32
    %while3A_834 = arith.constant 0 : i32
    %while3A_835 = arith.subi %select_n3A_131, %while3A_834 : i32
    %while3A_836 = arith.addi %while3A_834, %while3A_835 : i32
    %while3A_837 = arith.constant 1 : i32
    %while3A_838 = arith.divsi %while3A_835, %while3A_837 : i32
    %while3A_839 = arith.muli %while3A_838, %while3A_837 : i32
    %while3A_840 = arith.addi %while3A_834, %while3A_839 : i32
    %while3A_841 = arith.constant 1 : i32
    scf.for %while3A_955 = %while3A_834 to %while3A_840 step %while3A_841  : i32 {
      %mul3A_956 = arith.constant 16 : i32
      %mul3A_957 = arith.muli %while3A_955, %mul3A_956 : i32
      %mul3A_958 = arith.constant 16 : i32
      %mul3A_959 = arith.muli %while3A_955, %mul3A_958 : i32
      %sub3A_960 = arith.subi %scan3A_104, %mul3A_959 : i32
      %lt3A_961 = vector.broadcast %sub3A_960 : i32 to vector<16xi32>
      %lt3A_962 = arith.cmpi slt, %iota3A, %lt3A_961 : vector<16xi32>
      %get3A = arith.index_cast %mul3A_957 : i32 to index
      %get3A_963 = tpu.vector_load %arg7[%get3A] {strides = array<i32>} : memref<2064xi32, #tpu.memory_space<vmem>>, vector<16xi32>,
      %add3A_964 = arith.constant 16384 : i32
      %add3A_965 = vector.broadcast %add3A_964 : i32 to vector<16xi32>
      %add3A_966 = arith.addi %get3A_963, %add3A_965 : vector<16xi32>
      %gather3A = tpu.vector_load_idx %arg10[%add3A_966] masked %lt3A_962 : memref<32768xf32, #tpu.memory_space<vmem>>[vector<16xi32>], vector<16xf32>, vector<16xi1>
      %swap3A_967 = arith.index_cast %mul3A_957 : i32 to index
      %swap3A_968 = tpu.vector_load %arg12[%swap3A_967] {strides = array<i32>} : memref<4096xf32, #tpu.memory_space<vmem>>, vector<16xf32>,
      tpu.vector_store %arg12[%swap3A_967], %gather3A {strides = array<i32>} : memref<4096xf32, #tpu.memory_space<vmem>>, vector<16xf32>,
      %add3A_969 = arith.constant 1 : i32
      %add3A_970 = vector.broadcast %add3A_969 : i32 to vector<16xi32>
      %add3A_971 = arith.addi %add3A_966, %add3A_970 : vector<16xi32>
      %gather3A_972 = tpu.vector_load_idx %arg10[%add3A_971] masked %lt3A_962 : memref<32768xf32, #tpu.memory_space<vmem>>[vector<16xi32>], vector<16xf32>, vector<16xi1>
      %mul3A_973 = arith.constant 16 : i32
      %mul3A_974 = arith.muli %while3A_955, %mul3A_973 : i32
      %add3A_975 = arith.constant 2048 : i32
      %add3A_976 = arith.addi %add3A_975, %mul3A_974 : i32
      %swap3A_977 = arith.index_cast %add3A_976 : i32 to index
      %swap3A_978 = tpu.vector_load %arg12[%swap3A_977] {strides = array<i32>} : memref<4096xf32, #tpu.memory_space<vmem>>, vector<16xf32>,
      tpu.vector_store %arg12[%swap3A_977], %gather3A_972 {strides = array<i32>} : memref<4096xf32, #tpu.memory_space<vmem>>, vector<16xf32>,
    }
    %while3A_842 = arith.constant 1 : i32
    scf.for %while3A_955 = %while3A_840 to %while3A_836 step %while3A_842  : i32 {
      %mul3A_956 = arith.constant 16 : i32
      %mul3A_957 = arith.muli %while3A_955, %mul3A_956 : i32
      %mul3A_958 = arith.constant 16 : i32
      %mul3A_959 = arith.muli %while3A_955, %mul3A_958 : i32
      %sub3A_960 = arith.subi %scan3A_104, %mul3A_959 : i32
      %lt3A_961 = vector.broadcast %sub3A_960 : i32 to vector<16xi32>
      %lt3A_962 = arith.cmpi slt, %iota3A, %lt3A_961 : vector<16xi32>
      %get3A = arith.index_cast %mul3A_957 : i32 to index
      %get3A_963 = tpu.vector_load %arg7[%get3A] {strides = array<i32>} : memref<2064xi32, #tpu.memory_space<vmem>>, vector<16xi32>,
      %add3A_964 = arith.constant 16384 : i32
      %add3A_965 = vector.broadcast %add3A_964 : i32 to vector<16xi32>
      %add3A_966 = arith.addi %get3A_963, %add3A_965 : vector<16xi32>
      %gather3A = tpu.vector_load_idx %arg10[%add3A_966] masked %lt3A_962 : memref<32768xf32, #tpu.memory_space<vmem>>[vector<16xi32>], vector<16xf32>, vector<16xi1>
      %swap3A_967 = arith.index_cast %mul3A_957 : i32 to index
      %swap3A_968 = tpu.vector_load %arg12[%swap3A_967] {strides = array<i32>} : memref<4096xf32, #tpu.memory_space<vmem>>, vector<16xf32>,
      tpu.vector_store %arg12[%swap3A_967], %gather3A {strides = array<i32>} : memref<4096xf32, #tpu.memory_space<vmem>>, vector<16xf32>,
      %add3A_969 = arith.constant 1 : i32
      %add3A_970 = vector.broadcast %add3A_969 : i32 to vector<16xi32>
      %add3A_971 = arith.addi %add3A_966, %add3A_970 : vector<16xi32>
      %gather3A_972 = tpu.vector_load_idx %arg10[%add3A_971] masked %lt3A_962 : memref<32768xf32, #tpu.memory_space<vmem>>[vector<16xi32>], vector<16xf32>, vector<16xi1>
      %mul3A_973 = arith.constant 16 : i32
      %mul3A_974 = arith.muli %while3A_955, %mul3A_973 : i32
      %add3A_975 = arith.constant 2048 : i32
      %add3A_976 = arith.addi %add3A_975, %mul3A_974 : i32
      %swap3A_977 = arith.index_cast %add3A_976 : i32 to index
      %swap3A_978 = tpu.vector_load %arg12[%swap3A_977] {strides = array<i32>} : memref<4096xf32, #tpu.memory_space<vmem>>, vector<16xf32>,
      tpu.vector_store %arg12[%swap3A_977], %gather3A_972 {strides = array<i32>} : memref<4096xf32, #tpu.memory_space<vmem>>, vector<16xf32>,
    }
    %while3A_843 = arith.constant 0 : i32
    %while3A_844 = arith.constant 0 : i32
    %while3A_845 = arith.subi %select_n3A_131, %while3A_844 : i32
    %while3A_846 = arith.addi %while3A_844, %while3A_845 : i32
    %while3A_847 = arith.constant 1 : i32
    %while3A_848 = arith.divsi %while3A_845, %while3A_847 : i32
    %while3A_849 = arith.muli %while3A_848, %while3A_847 : i32
    %while3A_850 = arith.addi %while3A_844, %while3A_849 : i32
    %while3A_851 = arith.constant 1 : i32
    scf.for %while3A_955 = %while3A_844 to %while3A_850 step %while3A_851  : i32 {
      %mul3A_956 = arith.constant 16 : i32
      %mul3A_957 = arith.muli %while3A_955, %mul3A_956 : i32
      %mul3A_958 = arith.constant 16 : i32
      %mul3A_959 = arith.muli %while3A_955, %mul3A_958 : i32
      %sub3A_960 = arith.subi %scan3A_104, %mul3A_959 : i32
      %lt3A_961 = vector.broadcast %sub3A_960 : i32 to vector<16xi32>
      %lt3A_962 = arith.cmpi slt, %iota3A, %lt3A_961 : vector<16xi32>
      %get3A = arith.index_cast %mul3A_957 : i32 to index
      %get3A_963 = tpu.vector_load %arg8[%get3A] {strides = array<i32>} : memref<2064xi32, #tpu.memory_space<vmem>>, vector<16xi32>,
      %add3A_964 = arith.constant 16384 : i32
      %add3A_965 = vector.broadcast %add3A_964 : i32 to vector<16xi32>
      %add3A_966 = arith.addi %get3A_963, %add3A_965 : vector<16xi32>
      %get3A_967 = arith.index_cast %mul3A_957 : i32 to index
      %get3A_968 = tpu.vector_load %arg12[%get3A_967] {strides = array<i32>} : memref<4096xf32, #tpu.memory_space<vmem>>, vector<16xf32>,
      tpu.vector_store_idx %arg10[%add3A_966], %get3A_968 masked %lt3A_962 : memref<32768xf32, #tpu.memory_space<vmem>>[vector<16xi32>], vector<16xf32>, vector<16xi1>
      %add3A_969 = arith.constant 1 : i32
      %add3A_970 = vector.broadcast %add3A_969 : i32 to vector<16xi32>
      %add3A_971 = arith.addi %add3A_966, %add3A_970 : vector<16xi32>
      %mul3A_972 = arith.constant 16 : i32
      %mul3A_973 = arith.muli %while3A_955, %mul3A_972 : i32
      %add3A_974 = arith.constant 2048 : i32
      %add3A_975 = arith.addi %add3A_974, %mul3A_973 : i32
      %get3A_976 = arith.index_cast %add3A_975 : i32 to index
      %get3A_977 = tpu.vector_load %arg12[%get3A_976] {strides = array<i32>} : memref<4096xf32, #tpu.memory_space<vmem>>, vector<16xf32>,
      tpu.vector_store_idx %arg10[%add3A_971], %get3A_977 masked %lt3A_962 : memref<32768xf32, #tpu.memory_space<vmem>>[vector<16xi32>], vector<16xf32>, vector<16xi1>
    }
    %while3A_852 = arith.constant 1 : i32
    scf.for %while3A_955 = %while3A_850 to %while3A_846 step %while3A_852  : i32 {
      %mul3A_956 = arith.constant 16 : i32
      %mul3A_957 = arith.muli %while3A_955, %mul3A_956 : i32
      %mul3A_958 = arith.constant 16 : i32
      %mul3A_959 = arith.muli %while3A_955, %mul3A_958 : i32
      %sub3A_960 = arith.subi %scan3A_104, %mul3A_959 : i32
      %lt3A_961 = vector.broadcast %sub3A_960 : i32 to vector<16xi32>
      %lt3A_962 = arith.cmpi slt, %iota3A, %lt3A_961 : vector<16xi32>
      %get3A = arith.index_cast %mul3A_957 : i32 to index
      %get3A_963 = tpu.vector_load %arg8[%get3A] {strides = array<i32>} : memref<2064xi32, #tpu.memory_space<vmem>>, vector<16xi32>,
      %add3A_964 = arith.constant 16384 : i32
      %add3A_965 = vector.broadcast %add3A_964 : i32 to vector<16xi32>
      %add3A_966 = arith.addi %get3A_963, %add3A_965 : vector<16xi32>
      %get3A_967 = arith.index_cast %mul3A_957 : i32 to index
      %get3A_968 = tpu.vector_load %arg12[%get3A_967] {strides = array<i32>} : memref<4096xf32, #tpu.memory_space<vmem>>, vector<16xf32>,
      tpu.vector_store_idx %arg10[%add3A_966], %get3A_968 masked %lt3A_962 : memref<32768xf32, #tpu.memory_space<vmem>>[vector<16xi32>], vector<16xf32>, vector<16xi1>
      %add3A_969 = arith.constant 1 : i32
      %add3A_970 = vector.broadcast %add3A_969 : i32 to vector<16xi32>
      %add3A_971 = arith.addi %add3A_966, %add3A_970 : vector<16xi32>
      %mul3A_972 = arith.constant 16 : i32
      %mul3A_973 = arith.muli %while3A_955, %mul3A_972 : i32
      %add3A_974 = arith.constant 2048 : i32
      %add3A_975 = arith.addi %add3A_974, %mul3A_973 : i32
      %get3A_976 = arith.index_cast %add3A_975 : i32 to index
      %get3A_977 = tpu.vector_load %arg12[%get3A_976] {strides = array<i32>} : memref<4096xf32, #tpu.memory_space<vmem>>, vector<16xf32>,
      tpu.vector_store_idx %arg10[%add3A_971], %get3A_977 masked %lt3A_962 : memref<32768xf32, #tpu.memory_space<vmem>>[vector<16xi32>], vector<16xf32>, vector<16xi1>
    }
    %add3A_853 = arith.constant 425984 : i32
    %add3A_854 = arith.addi %mul3A_37, %add3A_853 : i32
    %dma_start3A_855 = tpu.memref_slice %arg4[%add3A_854] : memref<16777216xf32, #tpu.memory_space<hbm>> -> memref<32768xf32, #tpu.memory_space<hbm>>
    %dma_start3A_856 = tpu.memref_slice %arg4[%add3A_854] : memref<16777216xf32, #tpu.memory_space<hbm>> -> memref<32768xf32, #tpu.memory_space<hbm>>
    tpu.enqueue_dma source(%arg10 : memref<32768xf32, #tpu.memory_space<vmem>>) target(%dma_start3A_856 : memref<32768xf32, #tpu.memory_space<hbm>>) target_semaphore(%arg17 : memref<!tpu.dma_semaphore, #tpu.memory_space<semaphore_mem>>)
    %dma_wait3A_857 = tpu.memref_slice %arg2[%add3A_756] : memref<16777216xf32, #tpu.memory_space<hbm>> -> memref<32768xf32, #tpu.memory_space<hbm>>
    %dma_wait3A_858 = tpu.memref_slice %arg2[%add3A_756] : memref<16777216xf32, #tpu.memory_space<hbm>> -> memref<32768xf32, #tpu.memory_space<hbm>>
    tpu.wait_dma2 semaphore(%arg15 : memref<!tpu.dma_semaphore, #tpu.memory_space<semaphore_mem>>) src(%dma_wait3A_858 : memref<32768xf32, #tpu.memory_space<hbm>>) dst(%arg11 : memref<32768xf32, #tpu.memory_space<vmem>>)
    %while3A_859 = arith.constant 0 : i32
    %while3A_860 = arith.constant 0 : i32
    %while3A_861 = arith.subi %select_n3A_131, %while3A_860 : i32
    %while3A_862 = arith.addi %while3A_860, %while3A_861 : i32
    %while3A_863 = arith.constant 1 : i32
    %while3A_864 = arith.divsi %while3A_861, %while3A_863 : i32
    %while3A_865 = arith.muli %while3A_864, %while3A_863 : i32
    %while3A_866 = arith.addi %while3A_860, %while3A_865 : i32
    %while3A_867 = arith.constant 1 : i32
    scf.for %while3A_955 = %while3A_860 to %while3A_866 step %while3A_867  : i32 {
      %mul3A_956 = arith.constant 16 : i32
      %mul3A_957 = arith.muli %while3A_955, %mul3A_956 : i32
      %mul3A_958 = arith.constant 16 : i32
      %mul3A_959 = arith.muli %while3A_955, %mul3A_958 : i32
      %sub3A_960 = arith.subi %scan3A_104, %mul3A_959 : i32
      %lt3A_961 = vector.broadcast %sub3A_960 : i32 to vector<16xi32>
      %lt3A_962 = arith.cmpi slt, %iota3A, %lt3A_961 : vector<16xi32>
      %get3A = arith.index_cast %mul3A_957 : i32 to index
      %get3A_963 = tpu.vector_load %arg7[%get3A] {strides = array<i32>} : memref<2064xi32, #tpu.memory_space<vmem>>, vector<16xi32>,
      %add3A_964 = arith.constant 0 : i32
      %add3A_965 = vector.broadcast %add3A_964 : i32 to vector<16xi32>
      %add3A_966 = arith.addi %get3A_963, %add3A_965 : vector<16xi32>
      %gather3A = tpu.vector_load_idx %arg11[%add3A_966] masked %lt3A_962 : memref<32768xf32, #tpu.memory_space<vmem>>[vector<16xi32>], vector<16xf32>, vector<16xi1>
      %swap3A_967 = arith.index_cast %mul3A_957 : i32 to index
      %swap3A_968 = tpu.vector_load %arg12[%swap3A_967] {strides = array<i32>} : memref<4096xf32, #tpu.memory_space<vmem>>, vector<16xf32>,
      tpu.vector_store %arg12[%swap3A_967], %gather3A {strides = array<i32>} : memref<4096xf32, #tpu.memory_space<vmem>>, vector<16xf32>,
      %add3A_969 = arith.constant 1 : i32
      %add3A_970 = vector.broadcast %add3A_969 : i32 to vector<16xi32>
      %add3A_971 = arith.addi %add3A_966, %add3A_970 : vector<16xi32>
      %gather3A_972 = tpu.vector_load_idx %arg11[%add3A_971] masked %lt3A_962 : memref<32768xf32, #tpu.memory_space<vmem>>[vector<16xi32>], vector<16xf32>, vector<16xi1>
      %mul3A_973 = arith.constant 16 : i32
      %mul3A_974 = arith.muli %while3A_955, %mul3A_973 : i32
      %add3A_975 = arith.constant 2048 : i32
      %add3A_976 = arith.addi %add3A_975, %mul3A_974 : i32
      %swap3A_977 = arith.index_cast %add3A_976 : i32 to index
      %swap3A_978 = tpu.vector_load %arg12[%swap3A_977] {strides = array<i32>} : memref<4096xf32, #tpu.memory_space<vmem>>, vector<16xf32>,
      tpu.vector_store %arg12[%swap3A_977], %gather3A_972 {strides = array<i32>} : memref<4096xf32, #tpu.memory_space<vmem>>, vector<16xf32>,
    }
    %while3A_868 = arith.constant 1 : i32
    scf.for %while3A_955 = %while3A_866 to %while3A_862 step %while3A_868  : i32 {
      %mul3A_956 = arith.constant 16 : i32
      %mul3A_957 = arith.muli %while3A_955, %mul3A_956 : i32
      %mul3A_958 = arith.constant 16 : i32
      %mul3A_959 = arith.muli %while3A_955, %mul3A_958 : i32
      %sub3A_960 = arith.subi %scan3A_104, %mul3A_959 : i32
      %lt3A_961 = vector.broadcast %sub3A_960 : i32 to vector<16xi32>
      %lt3A_962 = arith.cmpi slt, %iota3A, %lt3A_961 : vector<16xi32>
      %get3A = arith.index_cast %mul3A_957 : i32 to index
      %get3A_963 = tpu.vector_load %arg7[%get3A] {strides = array<i32>} : memref<2064xi32, #tpu.memory_space<vmem>>, vector<16xi32>,
      %add3A_964 = arith.constant 0 : i32
      %add3A_965 = vector.broadcast %add3A_964 : i32 to vector<16xi32>
      %add3A_966 = arith.addi %get3A_963, %add3A_965 : vector<16xi32>
      %gather3A = tpu.vector_load_idx %arg11[%add3A_966] masked %lt3A_962 : memref<32768xf32, #tpu.memory_space<vmem>>[vector<16xi32>], vector<16xf32>, vector<16xi1>
      %swap3A_967 = arith.index_cast %mul3A_957 : i32 to index
      %swap3A_968 = tpu.vector_load %arg12[%swap3A_967] {strides = array<i32>} : memref<4096xf32, #tpu.memory_space<vmem>>, vector<16xf32>,
      tpu.vector_store %arg12[%swap3A_967], %gather3A {strides = array<i32>} : memref<4096xf32, #tpu.memory_space<vmem>>, vector<16xf32>,
      %add3A_969 = arith.constant 1 : i32
      %add3A_970 = vector.broadcast %add3A_969 : i32 to vector<16xi32>
      %add3A_971 = arith.addi %add3A_966, %add3A_970 : vector<16xi32>
      %gather3A_972 = tpu.vector_load_idx %arg11[%add3A_971] masked %lt3A_962 : memref<32768xf32, #tpu.memory_space<vmem>>[vector<16xi32>], vector<16xf32>, vector<16xi1>
      %mul3A_973 = arith.constant 16 : i32
      %mul3A_974 = arith.muli %while3A_955, %mul3A_973 : i32
      %add3A_975 = arith.constant 2048 : i32
      %add3A_976 = arith.addi %add3A_975, %mul3A_974 : i32
      %swap3A_977 = arith.index_cast %add3A_976 : i32 to index
      %swap3A_978 = tpu.vector_load %arg12[%swap3A_977] {strides = array<i32>} : memref<4096xf32, #tpu.memory_space<vmem>>, vector<16xf32>,
      tpu.vector_store %arg12[%swap3A_977], %gather3A_972 {strides = array<i32>} : memref<4096xf32, #tpu.memory_space<vmem>>, vector<16xf32>,
    }
    %while3A_869 = arith.constant 0 : i32
    %while3A_870 = arith.constant 0 : i32
    %while3A_871 = arith.subi %select_n3A_131, %while3A_870 : i32
    %while3A_872 = arith.addi %while3A_870, %while3A_871 : i32
    %while3A_873 = arith.constant 1 : i32
    %while3A_874 = arith.divsi %while3A_871, %while3A_873 : i32
    %while3A_875 = arith.muli %while3A_874, %while3A_873 : i32
    %while3A_876 = arith.addi %while3A_870, %while3A_875 : i32
    %while3A_877 = arith.constant 1 : i32
    scf.for %while3A_955 = %while3A_870 to %while3A_876 step %while3A_877  : i32 {
      %mul3A_956 = arith.constant 16 : i32
      %mul3A_957 = arith.muli %while3A_955, %mul3A_956 : i32
      %mul3A_958 = arith.constant 16 : i32
      %mul3A_959 = arith.muli %while3A_955, %mul3A_958 : i32
      %sub3A_960 = arith.subi %scan3A_104, %mul3A_959 : i32
      %lt3A_961 = vector.broadcast %sub3A_960 : i32 to vector<16xi32>
      %lt3A_962 = arith.cmpi slt, %iota3A, %lt3A_961 : vector<16xi32>
      %get3A = arith.index_cast %mul3A_957 : i32 to index
      %get3A_963 = tpu.vector_load %arg8[%get3A] {strides = array<i32>} : memref<2064xi32, #tpu.memory_space<vmem>>, vector<16xi32>,
      %add3A_964 = arith.constant 0 : i32
      %add3A_965 = vector.broadcast %add3A_964 : i32 to vector<16xi32>
      %add3A_966 = arith.addi %get3A_963, %add3A_965 : vector<16xi32>
      %get3A_967 = arith.index_cast %mul3A_957 : i32 to index
      %get3A_968 = tpu.vector_load %arg12[%get3A_967] {strides = array<i32>} : memref<4096xf32, #tpu.memory_space<vmem>>, vector<16xf32>,
      tpu.vector_store_idx %arg11[%add3A_966], %get3A_968 masked %lt3A_962 : memref<32768xf32, #tpu.memory_space<vmem>>[vector<16xi32>], vector<16xf32>, vector<16xi1>
      %add3A_969 = arith.constant 1 : i32
      %add3A_970 = vector.broadcast %add3A_969 : i32 to vector<16xi32>
      %add3A_971 = arith.addi %add3A_966, %add3A_970 : vector<16xi32>
      %mul3A_972 = arith.constant 16 : i32
      %mul3A_973 = arith.muli %while3A_955, %mul3A_972 : i32
      %add3A_974 = arith.constant 2048 : i32
      %add3A_975 = arith.addi %add3A_974, %mul3A_973 : i32
      %get3A_976 = arith.index_cast %add3A_975 : i32 to index
      %get3A_977 = tpu.vector_load %arg12[%get3A_976] {strides = array<i32>} : memref<4096xf32, #tpu.memory_space<vmem>>, vector<16xf32>,
      tpu.vector_store_idx %arg11[%add3A_971], %get3A_977 masked %lt3A_962 : memref<32768xf32, #tpu.memory_space<vmem>>[vector<16xi32>], vector<16xf32>, vector<16xi1>
    }
    %while3A_878 = arith.constant 1 : i32
    scf.for %while3A_955 = %while3A_876 to %while3A_872 step %while3A_878  : i32 {
      %mul3A_956 = arith.constant 16 : i32
      %mul3A_957 = arith.muli %while3A_955, %mul3A_956 : i32
      %mul3A_958 = arith.constant 16 : i32
      %mul3A_959 = arith.muli %while3A_955, %mul3A_958 : i32
      %sub3A_960 = arith.subi %scan3A_104, %mul3A_959 : i32
      %lt3A_961 = vector.broadcast %sub3A_960 : i32 to vector<16xi32>
      %lt3A_962 = arith.cmpi slt, %iota3A, %lt3A_961 : vector<16xi32>
      %get3A = arith.index_cast %mul3A_957 : i32 to index
      %get3A_963 = tpu.vector_load %arg8[%get3A] {strides = array<i32>} : memref<2064xi32, #tpu.memory_space<vmem>>, vector<16xi32>,
      %add3A_964 = arith.constant 0 : i32
      %add3A_965 = vector.broadcast %add3A_964 : i32 to vector<16xi32>
      %add3A_966 = arith.addi %get3A_963, %add3A_965 : vector<16xi32>
      %get3A_967 = arith.index_cast %mul3A_957 : i32 to index
      %get3A_968 = tpu.vector_load %arg12[%get3A_967] {strides = array<i32>} : memref<4096xf32, #tpu.memory_space<vmem>>, vector<16xf32>,
      tpu.vector_store_idx %arg11[%add3A_966], %get3A_968 masked %lt3A_962 : memref<32768xf32, #tpu.memory_space<vmem>>[vector<16xi32>], vector<16xf32>, vector<16xi1>
      %add3A_969 = arith.constant 1 : i32
      %add3A_970 = vector.broadcast %add3A_969 : i32 to vector<16xi32>
      %add3A_971 = arith.addi %add3A_966, %add3A_970 : vector<16xi32>
      %mul3A_972 = arith.constant 16 : i32
      %mul3A_973 = arith.muli %while3A_955, %mul3A_972 : i32
      %add3A_974 = arith.constant 2048 : i32
      %add3A_975 = arith.addi %add3A_974, %mul3A_973 : i32
      %get3A_976 = arith.index_cast %add3A_975 : i32 to index
      %get3A_977 = tpu.vector_load %arg12[%get3A_976] {strides = array<i32>} : memref<4096xf32, #tpu.memory_space<vmem>>, vector<16xf32>,
      tpu.vector_store_idx %arg11[%add3A_971], %get3A_977 masked %lt3A_962 : memref<32768xf32, #tpu.memory_space<vmem>>[vector<16xi32>], vector<16xf32>, vector<16xi1>
    }
    %while3A_879 = arith.constant 0 : i32
    %while3A_880 = arith.constant 0 : i32
    %while3A_881 = arith.subi %select_n3A_131, %while3A_880 : i32
    %while3A_882 = arith.addi %while3A_880, %while3A_881 : i32
    %while3A_883 = arith.constant 1 : i32
    %while3A_884 = arith.divsi %while3A_881, %while3A_883 : i32
    %while3A_885 = arith.muli %while3A_884, %while3A_883 : i32
    %while3A_886 = arith.addi %while3A_880, %while3A_885 : i32
    %while3A_887 = arith.constant 1 : i32
    scf.for %while3A_955 = %while3A_880 to %while3A_886 step %while3A_887  : i32 {
      %mul3A_956 = arith.constant 16 : i32
      %mul3A_957 = arith.muli %while3A_955, %mul3A_956 : i32
      %mul3A_958 = arith.constant 16 : i32
      %mul3A_959 = arith.muli %while3A_955, %mul3A_958 : i32
      %sub3A_960 = arith.subi %scan3A_104, %mul3A_959 : i32
      %lt3A_961 = vector.broadcast %sub3A_960 : i32 to vector<16xi32>
      %lt3A_962 = arith.cmpi slt, %iota3A, %lt3A_961 : vector<16xi32>
      %get3A = arith.index_cast %mul3A_957 : i32 to index
      %get3A_963 = tpu.vector_load %arg7[%get3A] {strides = array<i32>} : memref<2064xi32, #tpu.memory_space<vmem>>, vector<16xi32>,
      %add3A_964 = arith.constant 16384 : i32
      %add3A_965 = vector.broadcast %add3A_964 : i32 to vector<16xi32>
      %add3A_966 = arith.addi %get3A_963, %add3A_965 : vector<16xi32>
      %gather3A = tpu.vector_load_idx %arg11[%add3A_966] masked %lt3A_962 : memref<32768xf32, #tpu.memory_space<vmem>>[vector<16xi32>], vector<16xf32>, vector<16xi1>
      %swap3A_967 = arith.index_cast %mul3A_957 : i32 to index
      %swap3A_968 = tpu.vector_load %arg12[%swap3A_967] {strides = array<i32>} : memref<4096xf32, #tpu.memory_space<vmem>>, vector<16xf32>,
      tpu.vector_store %arg12[%swap3A_967], %gather3A {strides = array<i32>} : memref<4096xf32, #tpu.memory_space<vmem>>, vector<16xf32>,
      %add3A_969 = arith.constant 1 : i32
      %add3A_970 = vector.broadcast %add3A_969 : i32 to vector<16xi32>
      %add3A_971 = arith.addi %add3A_966, %add3A_970 : vector<16xi32>
      %gather3A_972 = tpu.vector_load_idx %arg11[%add3A_971] masked %lt3A_962 : memref<32768xf32, #tpu.memory_space<vmem>>[vector<16xi32>], vector<16xf32>, vector<16xi1>
      %mul3A_973 = arith.constant 16 : i32
      %mul3A_974 = arith.muli %while3A_955, %mul3A_973 : i32
      %add3A_975 = arith.constant 2048 : i32
      %add3A_976 = arith.addi %add3A_975, %mul3A_974 : i32
      %swap3A_977 = arith.index_cast %add3A_976 : i32 to index
      %swap3A_978 = tpu.vector_load %arg12[%swap3A_977] {strides = array<i32>} : memref<4096xf32, #tpu.memory_space<vmem>>, vector<16xf32>,
      tpu.vector_store %arg12[%swap3A_977], %gather3A_972 {strides = array<i32>} : memref<4096xf32, #tpu.memory_space<vmem>>, vector<16xf32>,
    }
    %while3A_888 = arith.constant 1 : i32
    scf.for %while3A_955 = %while3A_886 to %while3A_882 step %while3A_888  : i32 {
      %mul3A_956 = arith.constant 16 : i32
      %mul3A_957 = arith.muli %while3A_955, %mul3A_956 : i32
      %mul3A_958 = arith.constant 16 : i32
      %mul3A_959 = arith.muli %while3A_955, %mul3A_958 : i32
      %sub3A_960 = arith.subi %scan3A_104, %mul3A_959 : i32
      %lt3A_961 = vector.broadcast %sub3A_960 : i32 to vector<16xi32>
      %lt3A_962 = arith.cmpi slt, %iota3A, %lt3A_961 : vector<16xi32>
      %get3A = arith.index_cast %mul3A_957 : i32 to index
      %get3A_963 = tpu.vector_load %arg7[%get3A] {strides = array<i32>} : memref<2064xi32, #tpu.memory_space<vmem>>, vector<16xi32>,
      %add3A_964 = arith.constant 16384 : i32
      %add3A_965 = vector.broadcast %add3A_964 : i32 to vector<16xi32>
      %add3A_966 = arith.addi %get3A_963, %add3A_965 : vector<16xi32>
      %gather3A = tpu.vector_load_idx %arg11[%add3A_966] masked %lt3A_962 : memref<32768xf32, #tpu.memory_space<vmem>>[vector<16xi32>], vector<16xf32>, vector<16xi1>
      %swap3A_967 = arith.index_cast %mul3A_957 : i32 to index
      %swap3A_968 = tpu.vector_load %arg12[%swap3A_967] {strides = array<i32>} : memref<4096xf32, #tpu.memory_space<vmem>>, vector<16xf32>,
      tpu.vector_store %arg12[%swap3A_967], %gather3A {strides = array<i32>} : memref<4096xf32, #tpu.memory_space<vmem>>, vector<16xf32>,
      %add3A_969 = arith.constant 1 : i32
      %add3A_970 = vector.broadcast %add3A_969 : i32 to vector<16xi32>
      %add3A_971 = arith.addi %add3A_966, %add3A_970 : vector<16xi32>
      %gather3A_972 = tpu.vector_load_idx %arg11[%add3A_971] masked %lt3A_962 : memref<32768xf32, #tpu.memory_space<vmem>>[vector<16xi32>], vector<16xf32>, vector<16xi1>
      %mul3A_973 = arith.constant 16 : i32
      %mul3A_974 = arith.muli %while3A_955, %mul3A_973 : i32
      %add3A_975 = arith.constant 2048 : i32
      %add3A_976 = arith.addi %add3A_975, %mul3A_974 : i32
      %swap3A_977 = arith.index_cast %add3A_976 : i32 to index
      %swap3A_978 = tpu.vector_load %arg12[%swap3A_977] {strides = array<i32>} : memref<4096xf32, #tpu.memory_space<vmem>>, vector<16xf32>,
      tpu.vector_store %arg12[%swap3A_977], %gather3A_972 {strides = array<i32>} : memref<4096xf32, #tpu.memory_space<vmem>>, vector<16xf32>,
    }
    %while3A_889 = arith.constant 0 : i32
    %while3A_890 = arith.constant 0 : i32
    %while3A_891 = arith.subi %select_n3A_131, %while3A_890 : i32
    %while3A_892 = arith.addi %while3A_890, %while3A_891 : i32
    %while3A_893 = arith.constant 1 : i32
    %while3A_894 = arith.divsi %while3A_891, %while3A_893 : i32
    %while3A_895 = arith.muli %while3A_894, %while3A_893 : i32
    %while3A_896 = arith.addi %while3A_890, %while3A_895 : i32
    %while3A_897 = arith.constant 1 : i32
    scf.for %while3A_955 = %while3A_890 to %while3A_896 step %while3A_897  : i32 {
      %mul3A_956 = arith.constant 16 : i32
      %mul3A_957 = arith.muli %while3A_955, %mul3A_956 : i32
      %mul3A_958 = arith.constant 16 : i32
      %mul3A_959 = arith.muli %while3A_955, %mul3A_958 : i32
      %sub3A_960 = arith.subi %scan3A_104, %mul3A_959 : i32
      %lt3A_961 = vector.broadcast %sub3A_960 : i32 to vector<16xi32>
      %lt3A_962 = arith.cmpi slt, %iota3A, %lt3A_961 : vector<16xi32>
      %get3A = arith.index_cast %mul3A_957 : i32 to index
      %get3A_963 = tpu.vector_load %arg8[%get3A] {strides = array<i32>} : memref<2064xi32, #tpu.memory_space<vmem>>, vector<16xi32>,
      %add3A_964 = arith.constant 16384 : i32
      %add3A_965 = vector.broadcast %add3A_964 : i32 to vector<16xi32>
      %add3A_966 = arith.addi %get3A_963, %add3A_965 : vector<16xi32>
      %get3A_967 = arith.index_cast %mul3A_957 : i32 to index
      %get3A_968 = tpu.vector_load %arg12[%get3A_967] {strides = array<i32>} : memref<4096xf32, #tpu.memory_space<vmem>>, vector<16xf32>,
      tpu.vector_store_idx %arg11[%add3A_966], %get3A_968 masked %lt3A_962 : memref<32768xf32, #tpu.memory_space<vmem>>[vector<16xi32>], vector<16xf32>, vector<16xi1>
      %add3A_969 = arith.constant 1 : i32
      %add3A_970 = vector.broadcast %add3A_969 : i32 to vector<16xi32>
      %add3A_971 = arith.addi %add3A_966, %add3A_970 : vector<16xi32>
      %mul3A_972 = arith.constant 16 : i32
      %mul3A_973 = arith.muli %while3A_955, %mul3A_972 : i32
      %add3A_974 = arith.constant 2048 : i32
      %add3A_975 = arith.addi %add3A_974, %mul3A_973 : i32
      %get3A_976 = arith.index_cast %add3A_975 : i32 to index
      %get3A_977 = tpu.vector_load %arg12[%get3A_976] {strides = array<i32>} : memref<4096xf32, #tpu.memory_space<vmem>>, vector<16xf32>,
      tpu.vector_store_idx %arg11[%add3A_971], %get3A_977 masked %lt3A_962 : memref<32768xf32, #tpu.memory_space<vmem>>[vector<16xi32>], vector<16xf32>, vector<16xi1>
    }
    %while3A_898 = arith.constant 1 : i32
    scf.for %while3A_955 = %while3A_896 to %while3A_892 step %while3A_898  : i32 {
      %mul3A_956 = arith.constant 16 : i32
      %mul3A_957 = arith.muli %while3A_955, %mul3A_956 : i32
      %mul3A_958 = arith.constant 16 : i32
      %mul3A_959 = arith.muli %while3A_955, %mul3A_958 : i32
      %sub3A_960 = arith.subi %scan3A_104, %mul3A_959 : i32
      %lt3A_961 = vector.broadcast %sub3A_960 : i32 to vector<16xi32>
      %lt3A_962 = arith.cmpi slt, %iota3A, %lt3A_961 : vector<16xi32>
      %get3A = arith.index_cast %mul3A_957 : i32 to index
      %get3A_963 = tpu.vector_load %arg8[%get3A] {strides = array<i32>} : memref<2064xi32, #tpu.memory_space<vmem>>, vector<16xi32>,
      %add3A_964 = arith.constant 16384 : i32
      %add3A_965 = vector.broadcast %add3A_964 : i32 to vector<16xi32>
      %add3A_966 = arith.addi %get3A_963, %add3A_965 : vector<16xi32>
      %get3A_967 = arith.index_cast %mul3A_957 : i32 to index
      %get3A_968 = tpu.vector_load %arg12[%get3A_967] {strides = array<i32>} : memref<4096xf32, #tpu.memory_space<vmem>>, vector<16xf32>,
      tpu.vector_store_idx %arg11[%add3A_966], %get3A_968 masked %lt3A_962 : memref<32768xf32, #tpu.memory_space<vmem>>[vector<16xi32>], vector<16xf32>, vector<16xi1>
      %add3A_969 = arith.constant 1 : i32
      %add3A_970 = vector.broadcast %add3A_969 : i32 to vector<16xi32>
      %add3A_971 = arith.addi %add3A_966, %add3A_970 : vector<16xi32>
      %mul3A_972 = arith.constant 16 : i32
      %mul3A_973 = arith.muli %while3A_955, %mul3A_972 : i32
      %add3A_974 = arith.constant 2048 : i32
      %add3A_975 = arith.addi %add3A_974, %mul3A_973 : i32
      %get3A_976 = arith.index_cast %add3A_975 : i32 to index
      %get3A_977 = tpu.vector_load %arg12[%get3A_976] {strides = array<i32>} : memref<4096xf32, #tpu.memory_space<vmem>>, vector<16xf32>,
      tpu.vector_store_idx %arg11[%add3A_971], %get3A_977 masked %lt3A_962 : memref<32768xf32, #tpu.memory_space<vmem>>[vector<16xi32>], vector<16xf32>, vector<16xi1>
    }
    %add3A_899 = arith.constant 458752 : i32
    %add3A_900 = arith.addi %mul3A_37, %add3A_899 : i32
    %dma_start3A_901 = tpu.memref_slice %arg4[%add3A_900] : memref<16777216xf32, #tpu.memory_space<hbm>> -> memref<32768xf32, #tpu.memory_space<hbm>>
    %dma_start3A_902 = tpu.memref_slice %arg4[%add3A_900] : memref<16777216xf32, #tpu.memory_space<hbm>> -> memref<32768xf32, #tpu.memory_space<hbm>>
    tpu.enqueue_dma source(%arg11 : memref<32768xf32, #tpu.memory_space<vmem>>) target(%dma_start3A_902 : memref<32768xf32, #tpu.memory_space<hbm>>) target_semaphore(%arg18 : memref<!tpu.dma_semaphore, #tpu.memory_space<semaphore_mem>>)
    %dma_wait3A_903 = tpu.memref_slice %arg2[%add3A_808] : memref<16777216xf32, #tpu.memory_space<hbm>> -> memref<32768xf32, #tpu.memory_space<hbm>>
    %dma_wait3A_904 = tpu.memref_slice %arg2[%add3A_808] : memref<16777216xf32, #tpu.memory_space<hbm>> -> memref<32768xf32, #tpu.memory_space<hbm>>
    tpu.wait_dma2 semaphore(%arg13 : memref<!tpu.dma_semaphore, #tpu.memory_space<semaphore_mem>>) src(%dma_wait3A_904 : memref<32768xf32, #tpu.memory_space<hbm>>) dst(%arg9 : memref<32768xf32, #tpu.memory_space<vmem>>)
    %while3A_905 = arith.constant 0 : i32
    %while3A_906 = arith.constant 0 : i32
    %while3A_907 = arith.subi %select_n3A_131, %while3A_906 : i32
    %while3A_908 = arith.addi %while3A_906, %while3A_907 : i32
    %while3A_909 = arith.constant 1 : i32
    %while3A_910 = arith.divsi %while3A_907, %while3A_909 : i32
    %while3A_911 = arith.muli %while3A_910, %while3A_909 : i32
    %while3A_912 = arith.addi %while3A_906, %while3A_911 : i32
    %while3A_913 = arith.constant 1 : i32
    scf.for %while3A_955 = %while3A_906 to %while3A_912 step %while3A_913  : i32 {
      %mul3A_956 = arith.constant 16 : i32
      %mul3A_957 = arith.muli %while3A_955, %mul3A_956 : i32
      %mul3A_958 = arith.constant 16 : i32
      %mul3A_959 = arith.muli %while3A_955, %mul3A_958 : i32
      %sub3A_960 = arith.subi %scan3A_104, %mul3A_959 : i32
      %lt3A_961 = vector.broadcast %sub3A_960 : i32 to vector<16xi32>
      %lt3A_962 = arith.cmpi slt, %iota3A, %lt3A_961 : vector<16xi32>
      %get3A = arith.index_cast %mul3A_957 : i32 to index
      %get3A_963 = tpu.vector_load %arg7[%get3A] {strides = array<i32>} : memref<2064xi32, #tpu.memory_space<vmem>>, vector<16xi32>,
      %add3A_964 = arith.constant 0 : i32
      %add3A_965 = vector.broadcast %add3A_964 : i32 to vector<16xi32>
      %add3A_966 = arith.addi %get3A_963, %add3A_965 : vector<16xi32>
      %gather3A = tpu.vector_load_idx %arg9[%add3A_966] masked %lt3A_962 : memref<32768xf32, #tpu.memory_space<vmem>>[vector<16xi32>], vector<16xf32>, vector<16xi1>
      %swap3A_967 = arith.index_cast %mul3A_957 : i32 to index
      %swap3A_968 = tpu.vector_load %arg12[%swap3A_967] {strides = array<i32>} : memref<4096xf32, #tpu.memory_space<vmem>>, vector<16xf32>,
      tpu.vector_store %arg12[%swap3A_967], %gather3A {strides = array<i32>} : memref<4096xf32, #tpu.memory_space<vmem>>, vector<16xf32>,
      %add3A_969 = arith.constant 1 : i32
      %add3A_970 = vector.broadcast %add3A_969 : i32 to vector<16xi32>
      %add3A_971 = arith.addi %add3A_966, %add3A_970 : vector<16xi32>
      %gather3A_972 = tpu.vector_load_idx %arg9[%add3A_971] masked %lt3A_962 : memref<32768xf32, #tpu.memory_space<vmem>>[vector<16xi32>], vector<16xf32>, vector<16xi1>
      %mul3A_973 = arith.constant 16 : i32
      %mul3A_974 = arith.muli %while3A_955, %mul3A_973 : i32
      %add3A_975 = arith.constant 2048 : i32
      %add3A_976 = arith.addi %add3A_975, %mul3A_974 : i32
      %swap3A_977 = arith.index_cast %add3A_976 : i32 to index
      %swap3A_978 = tpu.vector_load %arg12[%swap3A_977] {strides = array<i32>} : memref<4096xf32, #tpu.memory_space<vmem>>, vector<16xf32>,
      tpu.vector_store %arg12[%swap3A_977], %gather3A_972 {strides = array<i32>} : memref<4096xf32, #tpu.memory_space<vmem>>, vector<16xf32>,
    }
    %while3A_914 = arith.constant 1 : i32
    scf.for %while3A_955 = %while3A_912 to %while3A_908 step %while3A_914  : i32 {
      %mul3A_956 = arith.constant 16 : i32
      %mul3A_957 = arith.muli %while3A_955, %mul3A_956 : i32
      %mul3A_958 = arith.constant 16 : i32
      %mul3A_959 = arith.muli %while3A_955, %mul3A_958 : i32
      %sub3A_960 = arith.subi %scan3A_104, %mul3A_959 : i32
      %lt3A_961 = vector.broadcast %sub3A_960 : i32 to vector<16xi32>
      %lt3A_962 = arith.cmpi slt, %iota3A, %lt3A_961 : vector<16xi32>
      %get3A = arith.index_cast %mul3A_957 : i32 to index
      %get3A_963 = tpu.vector_load %arg7[%get3A] {strides = array<i32>} : memref<2064xi32, #tpu.memory_space<vmem>>, vector<16xi32>,
      %add3A_964 = arith.constant 0 : i32
      %add3A_965 = vector.broadcast %add3A_964 : i32 to vector<16xi32>
      %add3A_966 = arith.addi %get3A_963, %add3A_965 : vector<16xi32>
      %gather3A = tpu.vector_load_idx %arg9[%add3A_966] masked %lt3A_962 : memref<32768xf32, #tpu.memory_space<vmem>>[vector<16xi32>], vector<16xf32>, vector<16xi1>
      %swap3A_967 = arith.index_cast %mul3A_957 : i32 to index
      %swap3A_968 = tpu.vector_load %arg12[%swap3A_967] {strides = array<i32>} : memref<4096xf32, #tpu.memory_space<vmem>>, vector<16xf32>,
      tpu.vector_store %arg12[%swap3A_967], %gather3A {strides = array<i32>} : memref<4096xf32, #tpu.memory_space<vmem>>, vector<16xf32>,
      %add3A_969 = arith.constant 1 : i32
      %add3A_970 = vector.broadcast %add3A_969 : i32 to vector<16xi32>
      %add3A_971 = arith.addi %add3A_966, %add3A_970 : vector<16xi32>
      %gather3A_972 = tpu.vector_load_idx %arg9[%add3A_971] masked %lt3A_962 : memref<32768xf32, #tpu.memory_space<vmem>>[vector<16xi32>], vector<16xf32>, vector<16xi1>
      %mul3A_973 = arith.constant 16 : i32
      %mul3A_974 = arith.muli %while3A_955, %mul3A_973 : i32
      %add3A_975 = arith.constant 2048 : i32
      %add3A_976 = arith.addi %add3A_975, %mul3A_974 : i32
      %swap3A_977 = arith.index_cast %add3A_976 : i32 to index
      %swap3A_978 = tpu.vector_load %arg12[%swap3A_977] {strides = array<i32>} : memref<4096xf32, #tpu.memory_space<vmem>>, vector<16xf32>,
      tpu.vector_store %arg12[%swap3A_977], %gather3A_972 {strides = array<i32>} : memref<4096xf32, #tpu.memory_space<vmem>>, vector<16xf32>,
    }
    %while3A_915 = arith.constant 0 : i32
    %while3A_916 = arith.constant 0 : i32
    %while3A_917 = arith.subi %select_n3A_131, %while3A_916 : i32
    %while3A_918 = arith.addi %while3A_916, %while3A_917 : i32
    %while3A_919 = arith.constant 1 : i32
    %while3A_920 = arith.divsi %while3A_917, %while3A_919 : i32
    %while3A_921 = arith.muli %while3A_920, %while3A_919 : i32
    %while3A_922 = arith.addi %while3A_916, %while3A_921 : i32
    %while3A_923 = arith.constant 1 : i32
    scf.for %while3A_955 = %while3A_916 to %while3A_922 step %while3A_923  : i32 {
      %mul3A_956 = arith.constant 16 : i32
      %mul3A_957 = arith.muli %while3A_955, %mul3A_956 : i32
      %mul3A_958 = arith.constant 16 : i32
      %mul3A_959 = arith.muli %while3A_955, %mul3A_958 : i32
      %sub3A_960 = arith.subi %scan3A_104, %mul3A_959 : i32
      %lt3A_961 = vector.broadcast %sub3A_960 : i32 to vector<16xi32>
      %lt3A_962 = arith.cmpi slt, %iota3A, %lt3A_961 : vector<16xi32>
      %get3A = arith.index_cast %mul3A_957 : i32 to index
      %get3A_963 = tpu.vector_load %arg8[%get3A] {strides = array<i32>} : memref<2064xi32, #tpu.memory_space<vmem>>, vector<16xi32>,
      %add3A_964 = arith.constant 0 : i32
      %add3A_965 = vector.broadcast %add3A_964 : i32 to vector<16xi32>
      %add3A_966 = arith.addi %get3A_963, %add3A_965 : vector<16xi32>
      %get3A_967 = arith.index_cast %mul3A_957 : i32 to index
      %get3A_968 = tpu.vector_load %arg12[%get3A_967] {strides = array<i32>} : memref<4096xf32, #tpu.memory_space<vmem>>, vector<16xf32>,
      tpu.vector_store_idx %arg9[%add3A_966], %get3A_968 masked %lt3A_962 : memref<32768xf32, #tpu.memory_space<vmem>>[vector<16xi32>], vector<16xf32>, vector<16xi1>
      %add3A_969 = arith.constant 1 : i32
      %add3A_970 = vector.broadcast %add3A_969 : i32 to vector<16xi32>
      %add3A_971 = arith.addi %add3A_966, %add3A_970 : vector<16xi32>
      %mul3A_972 = arith.constant 16 : i32
      %mul3A_973 = arith.muli %while3A_955, %mul3A_972 : i32
      %add3A_974 = arith.constant 2048 : i32
      %add3A_975 = arith.addi %add3A_974, %mul3A_973 : i32
      %get3A_976 = arith.index_cast %add3A_975 : i32 to index
      %get3A_977 = tpu.vector_load %arg12[%get3A_976] {strides = array<i32>} : memref<4096xf32, #tpu.memory_space<vmem>>, vector<16xf32>,
      tpu.vector_store_idx %arg9[%add3A_971], %get3A_977 masked %lt3A_962 : memref<32768xf32, #tpu.memory_space<vmem>>[vector<16xi32>], vector<16xf32>, vector<16xi1>
    }
    %while3A_924 = arith.constant 1 : i32
    scf.for %while3A_955 = %while3A_922 to %while3A_918 step %while3A_924  : i32 {
      %mul3A_956 = arith.constant 16 : i32
      %mul3A_957 = arith.muli %while3A_955, %mul3A_956 : i32
      %mul3A_958 = arith.constant 16 : i32
      %mul3A_959 = arith.muli %while3A_955, %mul3A_958 : i32
      %sub3A_960 = arith.subi %scan3A_104, %mul3A_959 : i32
      %lt3A_961 = vector.broadcast %sub3A_960 : i32 to vector<16xi32>
      %lt3A_962 = arith.cmpi slt, %iota3A, %lt3A_961 : vector<16xi32>
      %get3A = arith.index_cast %mul3A_957 : i32 to index
      %get3A_963 = tpu.vector_load %arg8[%get3A] {strides = array<i32>} : memref<2064xi32, #tpu.memory_space<vmem>>, vector<16xi32>,
      %add3A_964 = arith.constant 0 : i32
      %add3A_965 = vector.broadcast %add3A_964 : i32 to vector<16xi32>
      %add3A_966 = arith.addi %get3A_963, %add3A_965 : vector<16xi32>
      %get3A_967 = arith.index_cast %mul3A_957 : i32 to index
      %get3A_968 = tpu.vector_load %arg12[%get3A_967] {strides = array<i32>} : memref<4096xf32, #tpu.memory_space<vmem>>, vector<16xf32>,
      tpu.vector_store_idx %arg9[%add3A_966], %get3A_968 masked %lt3A_962 : memref<32768xf32, #tpu.memory_space<vmem>>[vector<16xi32>], vector<16xf32>, vector<16xi1>
      %add3A_969 = arith.constant 1 : i32
      %add3A_970 = vector.broadcast %add3A_969 : i32 to vector<16xi32>
      %add3A_971 = arith.addi %add3A_966, %add3A_970 : vector<16xi32>
      %mul3A_972 = arith.constant 16 : i32
      %mul3A_973 = arith.muli %while3A_955, %mul3A_972 : i32
      %add3A_974 = arith.constant 2048 : i32
      %add3A_975 = arith.addi %add3A_974, %mul3A_973 : i32
      %get3A_976 = arith.index_cast %add3A_975 : i32 to index
      %get3A_977 = tpu.vector_load %arg12[%get3A_976] {strides = array<i32>} : memref<4096xf32, #tpu.memory_space<vmem>>, vector<16xf32>,
      tpu.vector_store_idx %arg9[%add3A_971], %get3A_977 masked %lt3A_962 : memref<32768xf32, #tpu.memory_space<vmem>>[vector<16xi32>], vector<16xf32>, vector<16xi1>
    }
    %while3A_925 = arith.constant 0 : i32
    %while3A_926 = arith.constant 0 : i32
    %while3A_927 = arith.subi %select_n3A_131, %while3A_926 : i32
    %while3A_928 = arith.addi %while3A_926, %while3A_927 : i32
    %while3A_929 = arith.constant 1 : i32
    %while3A_930 = arith.divsi %while3A_927, %while3A_929 : i32
    %while3A_931 = arith.muli %while3A_930, %while3A_929 : i32
    %while3A_932 = arith.addi %while3A_926, %while3A_931 : i32
    %while3A_933 = arith.constant 1 : i32
    scf.for %while3A_955 = %while3A_926 to %while3A_932 step %while3A_933  : i32 {
      %mul3A_956 = arith.constant 16 : i32
      %mul3A_957 = arith.muli %while3A_955, %mul3A_956 : i32
      %mul3A_958 = arith.constant 16 : i32
      %mul3A_959 = arith.muli %while3A_955, %mul3A_958 : i32
      %sub3A_960 = arith.subi %scan3A_104, %mul3A_959 : i32
      %lt3A_961 = vector.broadcast %sub3A_960 : i32 to vector<16xi32>
      %lt3A_962 = arith.cmpi slt, %iota3A, %lt3A_961 : vector<16xi32>
      %get3A = arith.index_cast %mul3A_957 : i32 to index
      %get3A_963 = tpu.vector_load %arg7[%get3A] {strides = array<i32>} : memref<2064xi32, #tpu.memory_space<vmem>>, vector<16xi32>,
      %add3A_964 = arith.constant 16384 : i32
      %add3A_965 = vector.broadcast %add3A_964 : i32 to vector<16xi32>
      %add3A_966 = arith.addi %get3A_963, %add3A_965 : vector<16xi32>
      %gather3A = tpu.vector_load_idx %arg9[%add3A_966] masked %lt3A_962 : memref<32768xf32, #tpu.memory_space<vmem>>[vector<16xi32>], vector<16xf32>, vector<16xi1>
      %swap3A_967 = arith.index_cast %mul3A_957 : i32 to index
      %swap3A_968 = tpu.vector_load %arg12[%swap3A_967] {strides = array<i32>} : memref<4096xf32, #tpu.memory_space<vmem>>, vector<16xf32>,
      tpu.vector_store %arg12[%swap3A_967], %gather3A {strides = array<i32>} : memref<4096xf32, #tpu.memory_space<vmem>>, vector<16xf32>,
      %add3A_969 = arith.constant 1 : i32
      %add3A_970 = vector.broadcast %add3A_969 : i32 to vector<16xi32>
      %add3A_971 = arith.addi %add3A_966, %add3A_970 : vector<16xi32>
      %gather3A_972 = tpu.vector_load_idx %arg9[%add3A_971] masked %lt3A_962 : memref<32768xf32, #tpu.memory_space<vmem>>[vector<16xi32>], vector<16xf32>, vector<16xi1>
      %mul3A_973 = arith.constant 16 : i32
      %mul3A_974 = arith.muli %while3A_955, %mul3A_973 : i32
      %add3A_975 = arith.constant 2048 : i32
      %add3A_976 = arith.addi %add3A_975, %mul3A_974 : i32
      %swap3A_977 = arith.index_cast %add3A_976 : i32 to index
      %swap3A_978 = tpu.vector_load %arg12[%swap3A_977] {strides = array<i32>} : memref<4096xf32, #tpu.memory_space<vmem>>, vector<16xf32>,
      tpu.vector_store %arg12[%swap3A_977], %gather3A_972 {strides = array<i32>} : memref<4096xf32, #tpu.memory_space<vmem>>, vector<16xf32>,
    }
    %while3A_934 = arith.constant 1 : i32
    scf.for %while3A_955 = %while3A_932 to %while3A_928 step %while3A_934  : i32 {
      %mul3A_956 = arith.constant 16 : i32
      %mul3A_957 = arith.muli %while3A_955, %mul3A_956 : i32
      %mul3A_958 = arith.constant 16 : i32
      %mul3A_959 = arith.muli %while3A_955, %mul3A_958 : i32
      %sub3A_960 = arith.subi %scan3A_104, %mul3A_959 : i32
      %lt3A_961 = vector.broadcast %sub3A_960 : i32 to vector<16xi32>
      %lt3A_962 = arith.cmpi slt, %iota3A, %lt3A_961 : vector<16xi32>
      %get3A = arith.index_cast %mul3A_957 : i32 to index
      %get3A_963 = tpu.vector_load %arg7[%get3A] {strides = array<i32>} : memref<2064xi32, #tpu.memory_space<vmem>>, vector<16xi32>,
      %add3A_964 = arith.constant 16384 : i32
      %add3A_965 = vector.broadcast %add3A_964 : i32 to vector<16xi32>
      %add3A_966 = arith.addi %get3A_963, %add3A_965 : vector<16xi32>
      %gather3A = tpu.vector_load_idx %arg9[%add3A_966] masked %lt3A_962 : memref<32768xf32, #tpu.memory_space<vmem>>[vector<16xi32>], vector<16xf32>, vector<16xi1>
      %swap3A_967 = arith.index_cast %mul3A_957 : i32 to index
      %swap3A_968 = tpu.vector_load %arg12[%swap3A_967] {strides = array<i32>} : memref<4096xf32, #tpu.memory_space<vmem>>, vector<16xf32>,
      tpu.vector_store %arg12[%swap3A_967], %gather3A {strides = array<i32>} : memref<4096xf32, #tpu.memory_space<vmem>>, vector<16xf32>,
      %add3A_969 = arith.constant 1 : i32
      %add3A_970 = vector.broadcast %add3A_969 : i32 to vector<16xi32>
      %add3A_971 = arith.addi %add3A_966, %add3A_970 : vector<16xi32>
      %gather3A_972 = tpu.vector_load_idx %arg9[%add3A_971] masked %lt3A_962 : memref<32768xf32, #tpu.memory_space<vmem>>[vector<16xi32>], vector<16xf32>, vector<16xi1>
      %mul3A_973 = arith.constant 16 : i32
      %mul3A_974 = arith.muli %while3A_955, %mul3A_973 : i32
      %add3A_975 = arith.constant 2048 : i32
      %add3A_976 = arith.addi %add3A_975, %mul3A_974 : i32
      %swap3A_977 = arith.index_cast %add3A_976 : i32 to index
      %swap3A_978 = tpu.vector_load %arg12[%swap3A_977] {strides = array<i32>} : memref<4096xf32, #tpu.memory_space<vmem>>, vector<16xf32>,
      tpu.vector_store %arg12[%swap3A_977], %gather3A_972 {strides = array<i32>} : memref<4096xf32, #tpu.memory_space<vmem>>, vector<16xf32>,
    }
    %while3A_935 = arith.constant 0 : i32
    %while3A_936 = arith.constant 0 : i32
    %while3A_937 = arith.subi %select_n3A_131, %while3A_936 : i32
    %while3A_938 = arith.addi %while3A_936, %while3A_937 : i32
    %while3A_939 = arith.constant 1 : i32
    %while3A_940 = arith.divsi %while3A_937, %while3A_939 : i32
    %while3A_941 = arith.muli %while3A_940, %while3A_939 : i32
    %while3A_942 = arith.addi %while3A_936, %while3A_941 : i32
    %while3A_943 = arith.constant 1 : i32
    scf.for %while3A_955 = %while3A_936 to %while3A_942 step %while3A_943  : i32 {
      %mul3A_956 = arith.constant 16 : i32
      %mul3A_957 = arith.muli %while3A_955, %mul3A_956 : i32
      %mul3A_958 = arith.constant 16 : i32
      %mul3A_959 = arith.muli %while3A_955, %mul3A_958 : i32
      %sub3A_960 = arith.subi %scan3A_104, %mul3A_959 : i32
      %lt3A_961 = vector.broadcast %sub3A_960 : i32 to vector<16xi32>
      %lt3A_962 = arith.cmpi slt, %iota3A, %lt3A_961 : vector<16xi32>
      %get3A = arith.index_cast %mul3A_957 : i32 to index
      %get3A_963 = tpu.vector_load %arg8[%get3A] {strides = array<i32>} : memref<2064xi32, #tpu.memory_space<vmem>>, vector<16xi32>,
      %add3A_964 = arith.constant 16384 : i32
      %add3A_965 = vector.broadcast %add3A_964 : i32 to vector<16xi32>
      %add3A_966 = arith.addi %get3A_963, %add3A_965 : vector<16xi32>
      %get3A_967 = arith.index_cast %mul3A_957 : i32 to index
      %get3A_968 = tpu.vector_load %arg12[%get3A_967] {strides = array<i32>} : memref<4096xf32, #tpu.memory_space<vmem>>, vector<16xf32>,
      tpu.vector_store_idx %arg9[%add3A_966], %get3A_968 masked %lt3A_962 : memref<32768xf32, #tpu.memory_space<vmem>>[vector<16xi32>], vector<16xf32>, vector<16xi1>
      %add3A_969 = arith.constant 1 : i32
      %add3A_970 = vector.broadcast %add3A_969 : i32 to vector<16xi32>
      %add3A_971 = arith.addi %add3A_966, %add3A_970 : vector<16xi32>
      %mul3A_972 = arith.constant 16 : i32
      %mul3A_973 = arith.muli %while3A_955, %mul3A_972 : i32
      %add3A_974 = arith.constant 2048 : i32
      %add3A_975 = arith.addi %add3A_974, %mul3A_973 : i32
      %get3A_976 = arith.index_cast %add3A_975 : i32 to index
      %get3A_977 = tpu.vector_load %arg12[%get3A_976] {strides = array<i32>} : memref<4096xf32, #tpu.memory_space<vmem>>, vector<16xf32>,
      tpu.vector_store_idx %arg9[%add3A_971], %get3A_977 masked %lt3A_962 : memref<32768xf32, #tpu.memory_space<vmem>>[vector<16xi32>], vector<16xf32>, vector<16xi1>
    }
    %while3A_944 = arith.constant 1 : i32
    scf.for %while3A_955 = %while3A_942 to %while3A_938 step %while3A_944  : i32 {
      %mul3A_956 = arith.constant 16 : i32
      %mul3A_957 = arith.muli %while3A_955, %mul3A_956 : i32
      %mul3A_958 = arith.constant 16 : i32
      %mul3A_959 = arith.muli %while3A_955, %mul3A_958 : i32
      %sub3A_960 = arith.subi %scan3A_104, %mul3A_959 : i32
      %lt3A_961 = vector.broadcast %sub3A_960 : i32 to vector<16xi32>
      %lt3A_962 = arith.cmpi slt, %iota3A, %lt3A_961 : vector<16xi32>
      %get3A = arith.index_cast %mul3A_957 : i32 to index
      %get3A_963 = tpu.vector_load %arg8[%get3A] {strides = array<i32>} : memref<2064xi32, #tpu.memory_space<vmem>>, vector<16xi32>,
      %add3A_964 = arith.constant 16384 : i32
      %add3A_965 = vector.broadcast %add3A_964 : i32 to vector<16xi32>
      %add3A_966 = arith.addi %get3A_963, %add3A_965 : vector<16xi32>
      %get3A_967 = arith.index_cast %mul3A_957 : i32 to index
      %get3A_968 = tpu.vector_load %arg12[%get3A_967] {strides = array<i32>} : memref<4096xf32, #tpu.memory_space<vmem>>, vector<16xf32>,
      tpu.vector_store_idx %arg9[%add3A_966], %get3A_968 masked %lt3A_962 : memref<32768xf32, #tpu.memory_space<vmem>>[vector<16xi32>], vector<16xf32>, vector<16xi1>
      %add3A_969 = arith.constant 1 : i32
      %add3A_970 = vector.broadcast %add3A_969 : i32 to vector<16xi32>
      %add3A_971 = arith.addi %add3A_966, %add3A_970 : vector<16xi32>
      %mul3A_972 = arith.constant 16 : i32
      %mul3A_973 = arith.muli %while3A_955, %mul3A_972 : i32
      %add3A_974 = arith.constant 2048 : i32
      %add3A_975 = arith.addi %add3A_974, %mul3A_973 : i32
      %get3A_976 = arith.index_cast %add3A_975 : i32 to index
      %get3A_977 = tpu.vector_load %arg12[%get3A_976] {strides = array<i32>} : memref<4096xf32, #tpu.memory_space<vmem>>, vector<16xf32>,
      tpu.vector_store_idx %arg9[%add3A_971], %get3A_977 masked %lt3A_962 : memref<32768xf32, #tpu.memory_space<vmem>>[vector<16xi32>], vector<16xf32>, vector<16xi1>
    }
    %add3A_945 = arith.constant 491520 : i32
    %add3A_946 = arith.addi %mul3A_37, %add3A_945 : i32
    %dma_start3A_947 = tpu.memref_slice %arg4[%add3A_946] : memref<16777216xf32, #tpu.memory_space<hbm>> -> memref<32768xf32, #tpu.memory_space<hbm>>
    %dma_start3A_948 = tpu.memref_slice %arg4[%add3A_946] : memref<16777216xf32, #tpu.memory_space<hbm>> -> memref<32768xf32, #tpu.memory_space<hbm>>
    tpu.enqueue_dma source(%arg9 : memref<32768xf32, #tpu.memory_space<vmem>>) target(%dma_start3A_948 : memref<32768xf32, #tpu.memory_space<hbm>>) target_semaphore(%arg16 : memref<!tpu.dma_semaphore, #tpu.memory_space<semaphore_mem>>)
    %dma_wait3A_949 = tpu.memref_slice %arg4[%add3A_854] : memref<16777216xf32, #tpu.memory_space<hbm>> -> memref<32768xf32, #tpu.memory_space<hbm>>
    %dma_wait3A_950 = tpu.memref_slice %arg4[%add3A_854] : memref<16777216xf32, #tpu.memory_space<hbm>> -> memref<32768xf32, #tpu.memory_space<hbm>>
    tpu.wait_dma2 semaphore(%arg17 : memref<!tpu.dma_semaphore, #tpu.memory_space<semaphore_mem>>) src(%arg10 : memref<32768xf32, #tpu.memory_space<vmem>>) dst(%dma_wait3A_950 : memref<32768xf32, #tpu.memory_space<hbm>>)
    %dma_wait3A_951 = tpu.memref_slice %arg4[%add3A_900] : memref<16777216xf32, #tpu.memory_space<hbm>> -> memref<32768xf32, #tpu.memory_space<hbm>>
    %dma_wait3A_952 = tpu.memref_slice %arg4[%add3A_900] : memref<16777216xf32, #tpu.memory_space<hbm>> -> memref<32768xf32, #tpu.memory_space<hbm>>
    tpu.wait_dma2 semaphore(%arg18 : memref<!tpu.dma_semaphore, #tpu.memory_space<semaphore_mem>>) src(%arg11 : memref<32768xf32, #tpu.memory_space<vmem>>) dst(%dma_wait3A_952 : memref<32768xf32, #tpu.memory_space<hbm>>)
    %dma_wait3A_953 = tpu.memref_slice %arg4[%add3A_946] : memref<16777216xf32, #tpu.memory_space<hbm>> -> memref<32768xf32, #tpu.memory_space<hbm>>
    %dma_wait3A_954 = tpu.memref_slice %arg4[%add3A_946] : memref<16777216xf32, #tpu.memory_space<hbm>> -> memref<32768xf32, #tpu.memory_space<hbm>>
    tpu.wait_dma2 semaphore(%arg16 : memref<!tpu.dma_semaphore, #tpu.memory_space<semaphore_mem>>) src(%arg9 : memref<32768xf32, #tpu.memory_space<vmem>>) dst(%dma_wait3A_954 : memref<32768xf32, #tpu.memory_space<hbm>>)
    return
  }
}

</mosaic_0001>

<sc_bundles>
// kernel: kernel.3.cloned.1.call-start
scs
__scs_entry_jumppad:
0x0: {  	(pc) =	sbr.rel $0x88, $3  }
0x1: {  	(tag) =	ssettag $0x0;
	lr =	simm.s32 $0x1  }
0x2: {  	[smem:$0x3F9F] =	sst lr;
	_ =	strace $0xD0000000  }
0x3: {  	_ = 	snop  }
0x4: {  	_ = 	snop  }
0x5: {  	_ = 	snop  }
0x6: {  	_ = 	snop  }
0x7: {  	_ = 	snop  }
__scs_overlays_trampoline_lowered:
0x8: {  	[smem:$0x3FAE] =	sst s0  }
0x9: {  	[smem:$0x3FAF] =	sst s1  }
0xa: {  	[smem:$0x3FB0] =	sst s2  }
0xb: {  	[smem:$0x3FB1] =	sst s3  }
0xc: {  	[smem:$0x3FB2] =	sst s4  }
0xd: {  	[smem:$0x3FB3] =	sst s5  }
0xe: {  	[smem:$0x3FB4] =	sst s6  }
0xf: {  	[smem:$0x3FB5] =	sst s7  }
0x10: {  	[smem:$0x3FB6] =	sst s8  }
0x11: {  	[smem:$0x3FB7] =	sst s9;
	s0 =	simm.s32 @!p0 $0x0  }
0x12: {  	s1 =	sld [smem:$0x3F9D];
	s0 =	simm.s32 @p0 $0x1  }
0x13: {  	[smem:$0x3FB8] =	sst s0;
	s0 =	simm.s32 @!p1 $0x0  }
0x14: {  	s2 =	sld [smem:$0x3F9C];
	s0 =	simm.s32 @p1 $0x1  }
0x15: {  	[smem:$0x3FB9] =	sst s0;
	s0 =	simm.s32 @!p2 $0x0  }
0x16: {  	s3 =	sld [smem:$0x3FDB];
	s0 =	simm.s32 @p2 $0x1  }
0x17: {  	s4 =	simm.s32 $0x1BF5;
	[smem:$0x3FBB] =	sst s0  }
0x18: {  	s0 =	sld [smem:$0x3F9E];
	_ =	swait.ge [sflag:s4], $0x0  }
0x19: {  	s7 =	sld [smem:$0x3F9F]  }
0x1a: {  	s8 =	sadd.s32 $0xFFFFE003, lr  }
0x1b: {  	s9 =	sadd.s32 $0xFFFFFEF7, lr;
	s5 =	simm.s32 $0xFFFFFFFF;
	p2 =	slt.u32 s8, $0xFFFFF086  }
0x1c: {  	p1 =	slt.u32 s9, $0xF7A;
	s5 =	simm.s32 @!p2 $0x0  }
0x1d: {  	s5 =	simm.s32 @p1 $0x1;
	p0 =	seq.s32 s7, s2  }
0x1e: {  	s7 =	smul.u32 @!p0 $0xF7A, s2;
	p2 =	seq.s32 @!p0 s5, $0x0  }
0x1f: {  	s9 =	smul.u32 $0xF7A, s1;
	s8 =	simm.s32 @!p0 $0x1BF5;
	p2 =	por !p2, p0  }
0x20: {  	[sflag:s8] =	ssyncset.s32 @!p0 $0xFFFFF086;
	s6 =	sadd.s32 @!p0 s3, s7;
	s7 =	simm.s32 @!p0 $0x108  }
0x21: {  	s3 =	sadd.s32 s3, s9;
	s6 =	sadd.s32 @!p0 $0x88, s6;
	s7 =	simm.s32 @p2 $0x1082  }
0x22: {  	[simem:s7], [sflag:s8] =	dma.local @!p0 [hbm:s6], $0xF7A  }
0x23: {  	s9 =	sor.u32 $0xD0000000, s2;
	s6 =	simm.s32 $0x108;
	_ =	swait.ge @!p0 [sflag:s8], $0x0  }
0x24: {  	s3 =	sadd.s32 $0x88, s3;
	s6 =	simm.s32 @!p1 $0x1082;
	[sflag:s4] =	ssyncset.s32 $0xFFFFF086  }
0x25: {  	[simem:s6], [sflag:s4] =	dma.local [hbm:s3], $0xF7A  }
0x26: {  	[smem:$0x3F9F] =	sst s1;
	(tag) =	ssettag s2;
	_ =	strace s9  }
0x27: {  	s1 =	sld [smem:$0x3FAF]  }
0x28: {  	s2 =	sld [smem:$0x3FB0]  }
0x29: {  	s4 =	sld [smem:$0x3FB2]  }
0x2a: {  	p0 =	seq.s32 s5, $0x0;
	s5 =	sld [smem:$0x3FB3]  }
0x2b: {  	s6 =	sld [smem:$0x3FB4]  }
0x2c: {  	s7 =	sld [smem:$0x3FB5]  }
0x2d: {  	s3 =	simm.s32 $0x108;
	s8 =	sld [smem:$0x3FB6]  }
0x2e: {  	s3 =	simm.s32 @!p0 $0x1082;
	s9 =	sld [smem:$0x3FB7]  }
0x2f: {  	lr =	sadd.s32 s0, s3;
	s0 =	sld [smem:$0x3FAE]  }
0x30: {  	s3 =	sld [smem:$0x3FB1]  }
0x31: {  	[smem:$0x3FBA] =	sst s10  }
0x32: {  	s10 =	sld [smem:$0x3FB8];
	_ =	sdelay $0x3  }
0x33: {  	p0 =	seq.s32 s10, $0x1;
	s10 =	sld [smem:$0x3FBA];
	_ =	sdelay $0x3  }
0x34: {  	[smem:$0x3FBA] =	sst s10  }
0x35: {  	s10 =	sld [smem:$0x3FB9];
	_ =	sdelay $0x3  }
0x36: {  	p1 =	seq.s32 s10, $0x1;
	s10 =	sld [smem:$0x3FBA];
	_ =	sdelay $0x3  }
0x37: {  	[smem:$0x3FBA] =	sst s10  }
0x38: {  	s10 =	sld [smem:$0x3FBB]  }
0x39: {  	_ = 	snop;
	(pc) =	sbr.ind lr, $3  }
0x3a: {  	_ = 	snop  }
0x3b: {  	_ = 	snop  }
0x3c: {  	p2 =	seq.s32 s10, $0x1;
	s10 =	sld [smem:$0x3FBA]  }
0x3d: {  	_ =	shalt  }
0x3e: {  	_ =	shalt  }
0x3f: {  	_ =	shalt  }
0x40: {  	_ =	shalt  }
0x41: {  	_ =	shalt  }
0x42: {  	_ =	shalt  }
0x43: {  	_ =	shalt  }
0x44: {  	_ =	shalt  }
0x45: {  	_ =	shalt  }
0x46: {  	_ =	shalt  }
0x47: {  	_ =	shalt  }
0x48: {  	_ =	shalt  }
0x49: {  	_ =	shalt  }
0x4a: {  	_ =	shalt  }
0x4b: {  	_ =	shalt  }
0x4c: {  	_ =	shalt  }
0x4d: {  	_ =	shalt  }
0x4e: {  	_ =	shalt  }
0x4f: {  	_ =	shalt  }
0x50: {  	_ =	shalt  }
0x51: {  	_ =	shalt  }
0x52: {  	_ =	shalt  }
0x53: {  	_ =	shalt  }
0x54: {  	_ =	shalt  }
0x55: {  	_ =	shalt  }
0x56: {  	_ =	shalt  }
0x57: {  	_ =	shalt  }
0x58: {  	_ =	shalt  }
0x59: {  	_ =	shalt  }
0x5a: {  	_ =	shalt  }
0x5b: {  	_ =	shalt  }
0x5c: {  	_ =	shalt  }
0x5d: {  	_ =	shalt  }
0x5e: {  	_ =	shalt  }
0x5f: {  	_ =	shalt  }
0x60: {  	_ =	shalt  }
0x61: {  	_ =	shalt  }
0x62: {  	_ =	shalt  }
0x63: {  	_ =	shalt  }
0x64: {  	_ =	shalt  }
0x65: {  	_ =	shalt  }
0x66: {  	_ =	shalt  }
0x67: {  	_ =	shalt  }
0x68: {  	_ =	shalt  }
0x69: {  	_ =	shalt  }
0x6a: {  	_ =	shalt  }
0x6b: {  	_ =	shalt  }
0x6c: {  	_ =	shalt  }
0x6d: {  	_ =	shalt  }
0x6e: {  	_ =	shalt  }
0x6f: {  	_ =	shalt  }
0x70: {  	_ =	shalt  }
0x71: {  	_ =	shalt  }
0x72: {  	_ =	shalt  }
0x73: {  	_ =	shalt  }
0x74: {  	_ =	shalt  }
0x75: {  	_ =	shalt  }
0x76: {  	_ =	shalt  }
0x77: {  	_ =	shalt  }
0x78: {  	_ =	shalt  }
0x79: {  	_ =	shalt  }
0x7a: {  	_ =	shalt  }
0x7b: {  	_ =	shalt  }
0x7c: {  	_ =	shalt  }
0x7d: {  	_ =	shalt  }
0x7e: {  	_ =	shalt  }
0x7f: {  	_ =	shalt  }
0x80: {  	_ =	shalt  }
0x81: {  	_ =	shalt  }
0x82: {  	_ =	shalt  }
0x83: {  	_ =	shalt  }
0x84: {  	_ =	shalt  }
0x85: {  	_ =	shalt  }
0x86: {  	_ =	shalt  }
0x87: {  	_ =	shalt  }
.Lfunc_end0:
.L_simem_size_0:
called_computation_lowered:
.L_overlay_start_0:
0x88: {  	s2 =	sld [smem:$0x3FD9]  }
0x89: {  	s3 =	sld [smem:$0x3FFE];
	_ =	sdelay $0x1  }
0x8a: {  	s1 =	srdreg.scid  }
0x8b: {  	s0 =	sand.u32 $0x1, s1  }
0x8c: {  	s18 =	sshll.u32 s0, $0xA;
	s2 =	sadd.s32 s3, s2  }
0x8d: {  	s2 =	sadd.s32 s2, s18  }
0x8e: {  	[smem:$0x3FC6] =	sst s2  }
0x8f: {  	_ = 	snop  }
0x90: {  	s2 =	sld [smem:$0x3FC9]  }
0x91: {  	s19 =	sld [smem:$0x3FC8]  }
0x92: {  	s4 =	sld [smem:$0x3FD0];
	(tm) =	ssettm $0x1  }
0x93: {  	s5 =	sld [smem:$0x3FFB];
	_ =	sdelay $0x3  }
0x94: {  	_ =	strace s5  }
0x95: {  	s5 =	sld [smem:$0x3FFC];
	_ =	sdelay $0x3  }
0x96: {  	_ =	strace s5  }
0x97: {  	s5 =	sld [smem:$0x3FFD];
	_ =	sdelay $0x3  }
0x98: {  	_ =	strace s5  }
0x99: {  	_ =	strace $0x8FFFFFFF  }
0x9a: {  	s20 =	sld [smem:$0x3FDB];
	_ =	sdelay $0x1  }
0x9b: {  	s6 =	simm.s32 $_scs_section_size  }
0x9c: {  	s7 =	simm.s32 $_size__tile_overlayer_lowered;
	s8 =	simm.s32 $_tile_overlayer_lowered  }
0x9d: {  	s23 =	simm.s32 $0x1BFF;
	s22 =	sshll.u32 s8, $0x1;
	s5 =	sadd.s32 s6, s20  }
0x9e: {  	s9 =	simm.s32 $0x0;
	s21 =	sshll.u32 s7, $0x1;
	s7 =	sadd.s32 s22, s5  }
0x9f: {  	[timem:s9], [sflag:s23] =	dma.local [hbm:s7], s21  }
0xa0: {  	_ =	swait.ge [sflag:s23], s21  }
0xa1: {  	s6 =	ssub.s32 $0x0, s21;
	[sflag:s23] =	ssyncset.done $0x0  }
0xa2: {  	[sflag:s23] =	ssyncadd.s32 s6;
	_ =	sdelay $0x1  }
0xa3: {  	s24 =	simm.s32 $0x1B8B  }
0xa4: {  	_ =	swait.ge [sflag:s24], $0x1  }
0xa5: {  	[sflag:s24] =	ssyncset.done $0x0  }
0xa6: {  	s25 =	simm.s32 $0x1B8E;
	[sflag:s24] =	ssyncadd.s32 $0xFFFFFFFF  }
0xa7: {  	s26 =	simm.s32 $execute0_lowered;
	[smem:$0x3FD2] =	sst s25  }
0xa8: {  	s6 =	sshll.u32 s26, $0x1;
	_ =	strace $0x80000046;
	[dreg:$0x1] =	wrdreg $0xFFFFFFFF  }
0xa9: {  	s28 =	simm.s32 $_size_execute0_lowered;
	s5 =	sadd.s32 s5, s6;
	[dreg:$0x0] =	wrdreg $0x0  }
0xaa: {  	s6 =	sshll.u32 s28, $0x1;
	[dreg:$0x2] =	wrdreg s5  }
0xab: {  	[dreg:$0x3] =	wrdreg s6  }
0xac: {  	[dreg:$0x4] =	wrdreg $0xC0  }
0xad: {  	_ =	task [dreg:s9], $0x5FFFF  }
0xae: {  	[dreg:$0x1] =	wrdreg $0xFFFFFFFF  }
0xaf: {  	[dreg:$0x0] =	wrdreg $0x60  }
0xb0: {  	[dreg:$0x2] =	wrdreg s2  }
0xb1: {  	[dreg:$0x3] =	wrdreg s19  }
0xb2: {  	[dreg:$0x4] =	wrdreg s4  }
0xb3: {  	[dreg:$0x5] =	wrdreg $0x9  }
0xb4: {  	_ =	task.clear_ibuf [dreg:s9], $0x6FFFF;
	_ =	strace $0x90000046  }
0xb5: {  	s29 =	simm.s32 $0x9;
	_ =	strace $0x80000048  }
0xb6: {  	_ =	swait.ge [sflag:s29], $0x1  }
0xb7: {  	[sflag:s29] =	ssyncadd.s32 $0xFFFFFFFF  }
0xb8: {  	_ =	strace $0x90000048  }
0xb9: {  	_ =	sfence  }
0xba: {  	s30 =	sld [smem:$0x0];
	_ =	sdelay $0x2  }
0xbb: {  	s31 =	sshll.u32 s1, $0xD;
	s1 =	sshrl.u32 s1, $0x2  }
0xbc: {  	s3 =	sand.u32 $0x4000, s31;
	s1 =	sadd.s32 s1, s30  }
0xbd: {  	s0 =	sor.u32 s3, s0;
	s1 =	sshll.u32 s1, $0x11  }
0xbe: {  	s0 =	sor.u32 s1, s0  }
0xbf: {  	s0 =	sadd.s32 $0x8F2B, s0  }
0xc0: {  	[sflag:s0] =	ssyncadd.remote.s32 $0x1  }
0xc1: {  	_ =	sfence.sel $0xFFFF  }
0xc2: {  	[dreg:$0x0] =	wrdreg $0xFFFFFFFF;
	(pc) =	sbr.abs _section_cstart, $3  }
0xc3: {  	[dreg:$0x1] =	wrdreg $0xFFFFFFFF  }
0xc4: {  	_ =	task.clear_ibuf [dreg:s9], $0x2FFFF;
	_ =	strace $0x9FFFFFFF  }
0xc5: {  	(tm) =	ssettm $0x7FFFFFFF  }
tec
execute0_lowered:
.L_overlay_start_1:
0x0: {  	(tag) =	ssettag $0x1  }
0x1: {  	s0 =	srdreg.scid  }
0x2: {  	s1 =	stileid.u32;
	s2 =	sand.u32 $0x1, s0  }
0x3: {  	s0 =	sor.u32 s2, s1  }
0x4: {  	p1 =	seq.s32 s2, $0x1;
	p0 =	seq.s32 s0, $0x0  }
0x5: {  	p0 =	por !p0, !p1  }
0x6: {  	s0 =	simm.s32 $0x1;
	p0 =	por !p0, !p0  }
0x7: {  	s3 =	rddreg [dreg:$0x2];
	s0 =	simm.s32 @!p0 $0x0  }
0x8: {  	s7 =	ssub.s32 $0x2, s2;
	s2 =	sshll.u32 s2, $0x13;
	s4 =	ssub.s32 s1, s0  }
0x9: {  	s16 =	sshrl.u32 s7, $0x1;
	s0 =	rddreg [dreg:$0x0];
	s1 =	sand.u32 $0xE0, s4  }
0xa: {  	s8 =	sshll.u32 s4, $0x14;
	p5 =	slt.s32 s4, $0x1;
	s5 =	sshrl.u32 s1, $0x5  }
0xb: {  	s1 =	simm.s32 $0x0;
	s2 =	sor.u32 s2, s8;
	s8 =	simm.s32 $0x1  }
0xc: {  	s5 =	sadd.s32 s5, s4;
	[smem:$0x7FF] =	sst s1;
	s2 =	sshrl.u32 s2, $0x3  }
0xd: {  	s6 =	sand.u32 $0xFFFFFFF8, s5;
	s9 =	sor.u32 $0x1000, s2;
	s5 =	sshrl.u32 s5, $0x3  }
0xe: {  	s18 =	sor.u32 $0x2000, s2;
	s20 =	sor.u32 $0x3000, s2;
	s17 =	sadd.s32 s0, s9  }
0xf: {  	s23 =	sor.u32 $0x4000, s2;
	s19 =	sadd.s32 s0, s18;
	[dreg:$0x4] =	wrdreg s17  }
0x10: {  	s25 =	sor.u32 $0x5000, s2;
	s21 =	sadd.s32 s0, s20;
	[dreg:$0x5] =	wrdreg s19  }
0x11: {  	s28 =	sor.u32 $0x6000, s2;
	s22 =	sadd.s32 s3, s9;
	[dreg:$0x6] =	wrdreg s21  }
0x12: {  	s6 =	ssub.s32 s4, s6;
	s24 =	sadd.s32 s0, s23;
	[dreg:$0x7] =	wrdreg s22  }
0x13: {  	s4 =	ssub.s32 s7, s16;
	s7 =	sadd.s32 s3, s18;
	[dreg:$0x8] =	wrdreg s24  }
0x14: {  	s31 =	sor.u32 $0x7000, s2;
	s26 =	sadd.s32 s0, s25;
	[dreg:$0x9] =	wrdreg s7  }
0x15: {  	s10 =	sor.u32 $0x8000, s2;
	s29 =	sadd.s32 s0, s28;
	[dreg:$0xa] =	wrdreg s26  }
0x16: {  	s12 =	sor.u32 $0x9000, s2;
	s9 =	sadd.s32 s0, s31;
	[dreg:$0xc] =	wrdreg s29  }
0x17: {  	s15 =	sor.u32 $0xA000, s2;
	s11 =	sadd.s32 s0, s10;
	[dreg:$0xe] =	wrdreg s9  }
0x18: {  	s13 =	sadd.s32 s0, s12;
	s16 =	sadd.s32 s0, s15;
	[dreg:$0x10] =	wrdreg s11  }
0x19: {  	s18 =	sor.u32 $0xB000, s2;
	p6 =	sne.s32 s6, $0x0;
	[dreg:$0x12] =	wrdreg s13  }
0x1a: {  	s6 =	sand.u32 $0x7, s6;
	s7 =	sadd.s32 s3, s25;
	[dreg:$0x16] =	wrdreg s16  }
0x1b: {  	s17 =	sadd.s32 s3, s15;
	s19 =	sor.u32 $0xC000, s2;
	s24 =	sadd.s32 s3, s2  }
0x1c: {  	s25 =	sor.u32 $0xD000, s2;
	s26 =	sor.u32 $0xE000, s2;
	s4 =	smax.u32 s4, $0x1  }
0x1d: {  	s9 =	simm.s32 $0x880;
	s11 =	simm.s32 $0x11980;
	s13 =	simm.s32 $0x5  }
0x1e: {  	s15 =	simm.s32 $0x6;
	s16 =	simm.s32 $0x0;
	[dreg:$0xf] =	wrdreg s7  }
0x1f: {  	p0 =	por !p5, !p6;
	s7 =	sadd.s32 s3, s10;
	[dreg:$0x17] =	wrdreg s17  }
0x20: {  	s21 =	sadd.s32 s0, s19;
	[dreg:$0x1d] =	wrdreg s24;
	p0 =	por !p0, !p0  }
0x21: {  	s22 =	sadd.s32 s3, s19;
	[dreg:$0x14] =	wrdreg s7;
	s8 =	simm.s32 @!p0 $0x0  }
0x22: {  	s29 =	sadd.s32 s0, s25;
	[dreg:$0x1a] =	wrdreg s21;
	s5 =	ssub.s32 s5, s8  }
0x23: {  	s30 =	sadd.s32 s3, s25;
	[dreg:$0x1b] =	wrdreg s22;
	s5 =	sshll.u32 s5, $0x7  }
0x24: {  	[dreg:$0x1e] =	wrdreg s29;
	s14 =	sor.u32 s6, s5;
	s5 =	sadd.s32 s3, s20  }
0x25: {  	s10 =	simm.s32 $0x1100;
	s6 =	sadd.s32 s3, s23;
	[dreg:$0xb] =	wrdreg s5  }
0x26: {  	s7 =	simm.s32 $0x9980;
	s20 =	sadd.s32 s0, s18;
	[dreg:$0xd] =	wrdreg s6  }
0x27: {  	s8 =	simm.s32 $0x4;
	s23 =	sadd.s32 s0, s2;
	[dreg:$0x18] =	wrdreg s20  }
0x28: {  	v0 =	vlaneseq.u32;
	s5 =	sadd.s32 s3, s28;
	s6 =	sadd.s32 s3, s31;
	[dreg:$0x1c] =	wrdreg s23  }
0x29: {  	v1 =	vmul.u32 $0x8, v0;
	s28 =	sor.u32 $0xF000, s2;
	s31 =	sadd.s32 s0, s26;
	[dreg:$0x11] =	wrdreg s5  }
.Ltmp0:
0x2a: {  	s2 =	sadd.s32 s3, s26;
	[dreg:$0x13] =	wrdreg s6;
	(pc) =	sbr.rel .LBB2_1-.Ltmp0, $4  }
0x2b: {  	v1 =	vor.u32 s14, v1;
	s14 =	simm.s32 $0x3;
	s5 =	sadd.s32 s3, s12;
	[dreg:$0x1f] =	wrdreg s31  }
0x2c: {  	s0 =	sadd.s32 s0, s28;
	[dreg:$0x15] =	wrdreg s5;
	s5 =	sadd.s32 s3, s18  }
0x2d: {  	s6 =	simm.s32 $0x1980;
	s12 =	simm.s32 $0x2;
	[dreg:$0x19] =	wrdreg s5  }
0x2e: {  	v2 =	vimm.s32 $0x0;
	s3 =	sadd.s32 s3, s28;
	s5 =	simm.s32 $0x1;
	_ =	strace $0x80000047  }
.LBB2_161:
0x2f: {  	_ =	sdelay $0x4  }
0x30: {  	[tilespmem:v3+s6+$0x0] =	vst.idx.msk vm0, v4  }
.LBB2_162:
0x31: {  	[hbm4b:s3+s1] =	stream.linear.scatter [tilespmem:s6], [sflag:$0x4], $0x8000, $0x38;
	[tilespmem:$0x1A980] =	vst v63  }
0x32: {  	_ =	swait.ge [sflag:s13], $0x8000  }
0x33: {  	[sflag:s13] =	ssyncset.done $0x0  }
0x34: {  	s16 =	sadd.s32 $0x1, s16;
	[sflag:s13] =	ssyncadd.s32 $0xFFFF8000  }
0x35: {  	p0 =	sne.s32 s16, s4;
	_ =	swait.ge [sflag:s15], $0x8000  }
.Ltmp1:
0x36: {  	[sflag:s15] =	ssyncset.done $0x0;
	(pc) =	sbr.rel @!p0 .LBB2_163-.Ltmp1, $4  }
0x37: {  	[sflag:s15] =	ssyncadd.s32 $0xFFFF8000  }
0x38: {  	_ =	swait.ge [sflag:s8], $0x8000  }
0x39: {  	[sflag:s8] =	ssyncset.done $0x0  }
0x3a: {  	[sflag:s8] =	ssyncadd.s32 $0xFFFF8000  }
.LBB2_1:
0x3b: {  	s17 =	rddreg [dreg:$0x1c]  }
0x3c: {  	[tilespmem:s6], [sflag:$0x1] =	stream.linear.gather [hbm4b:s17+s1], $0x8000, $0x38;
	[tilespmem:$0x1A980] =	vst v63  }
0x3d: {  	s23 =	rddreg [dreg:$0x4]  }
0x3e: {  	[tilespmem:s7], [sflag:$0x2] =	stream.linear.gather [hbm4b:s23+s1], $0x8000, $0x38;
	[tilespmem:$0x1A980] =	vst v63  }
0x3f: {  	s24 =	rddreg [dreg:$0x1];
	s18 =	simm.s32 $0x10;
	s19 =	simm.s32 $0x80;
	[tilespmem:$0x0] =	vst v1  }
0x40: {  	[tilespmem:s19], [sflag:$0x4] =	stream.indirect.gather [hbm4b:s24+s18], $0x80, s1, s18, $0xb8;
	[tilespmem:$0x1A980] =	vst v63  }
0x41: {  	s25 =	sand.u32 $0x1E00, s1;
	_ =	swait.ge [sflag:s8], $0x800  }
0x42: {  	s26 =	sand.u32 $0x70, s1;
	s17 =	sshrl.u32 s25, $0x2;
	[sflag:s8] =	ssyncset.done $0x0  }
0x43: {  	s17 =	sor.u32 s26, s17;
	[sflag:s8] =	ssyncadd.s32 $0xFFFFF800  }
0x44: {  	v3 =	vld [tilespmem:s17+$0x80];
	_ =	sdelay $0x3  }
0x45: {  	v4 =	vor.u32 s1, v0  }
0x46: {  	vm0 =	vne.s32 v3, v4  }
0x47: {  	v5 =	vsel vm0, $0x1, v2  }
0x48: {  	(xrf0) =	vadd.scan.msk.s32 $0xffff, v5  }
0x49: {  	v6 =	vmov s1  }
0x4a: {  	vm3 =	veq.s32 v6, v0  }
0x4b: {  	vm1 =	vlt.s32 v3, $0x1;
	v7 =	vshra.s32 v3, $0x1F;
	v5 =	vand.u32 $0x3F, v3  }
0x4c: {  	v7 =	vshrl.u32 v7, $0x1A;
	vm2 =	vne.s32 v5, $0x0;
	v5 =	vand.u32 $0x3F, v4  }
0x4d: {  	vm1 =	vmand vm1, vm2;
	vm2 =	vne.s32 v5, $0x0;
	v5 =	vsel vm0, $0xFFFFFFFF, v2  }
0x4e: {  	v6 =	vshrl.u32 v6, $0x6;
	v7 =	vadd.s32 v7, v3;
	v5 =	vadd.s32 s1, v5;
	v8, _, _ =	vpop (xrf0)  }
0x4f: {  	v3 =	vshll.u32 v3, $0x1;
	v7 =	vshrl.u32 v7, $0x6;
	v5 =	vadd.s32 v8, v5  }
0x50: {  	vm2 =	vmand vm3, vm2;
	v9 =	vsel vm1, $0xFFFFFFFF, v2;
	(v2sf) =	vpush v8, $0xF  }
0x51: {  	v4 =	vshll.u32 v4, $0x1;
	v7 =	vadd.s32 v9, v7;
	v63 =	vsel vm2, $0xFFFFFFFF, v2  }
0x52: {  	s28 =	simm.s32 $0x40;
	v3 =	vand.u32 $0x7E, v3;
	v7 =	vshll.u32 v7, $0x9;
	v6 =	vadd.s32 v63, v6  }
0x53: {  	s29 =	sand.u32 $0x1E00, s28;
	s17 =	simm.s32 $0x10;
	v4 =	vand.u32 $0x7E, v4;
	v3 =	vor.u32 v3, v7;
	v6 =	vshll.u32 v6, $0x9  }
0x54: {  	s18 =	sshrl.u32 s29, $0x2;
	s31 =	sand.u32 $0x70, s17;
	v4 =	vor.u32 v4, v6;
	[tilespmem:v5+s9+$0x0] =	vst.idx.msk vm0, v3  }
0x55: {  	s18 =	sor.u32 s31, s18;
	[tilespmem:v5+s10+$0x0] =	vst.idx.msk vm0, v4  }
0x56: {  	v3 =	vld [tilespmem:s18+$0x80];
	_ =	sdelay $0x3  }
0x57: {  	v4 =	vor.u32 s17, v0  }
0x58: {  	vm0 =	vne.s32 v3, v4  }
0x59: {  	v5 =	vsel vm0, $0x1, v2  }
0x5a: {  	(xrf0) =	vadd.scan.msk.s32 $0xffff, v5  }
0x5b: {  	s20 =	simm.s32 $0xC0;
	s19 =	simm.s32 $0x0;
	s18 =	simm.s32 $0x80  }
.LBB2_2:
0x5c: {  	p0 =	sne.s32 s20, $0x1FC0;
	v5 =	vmov s17;
	v6 =	vand.u32 $0x3F, v4;
	s21 =	spop (v2sf)  }
0x5d: {  	v4 =	vshll.u32 v4, $0x1;
	vm1 =	veq.s32 v5, v0;
	vm2 =	vne.s32 v6, $0x0;
	s19 =	sadd.s32 s19, s21  }
0x5e: {  	vm3 =	vlt.s32 v3, $0x1;
	v5 =	vshrl.u32 v5, $0x6;
	vm1 =	vmand vm1, vm2  }
0x5f: {  	v7 =	vshra.s32 v3, $0x1F;
	v9 =	vand.u32 $0x3F, v3;
	v6 =	vsel vm0, $0xFFFFFFFF, v2  }
0x60: {  	v7 =	vshrl.u32 v7, $0x1A;
	v6 =	vadd.s32 s19, v6;
	vm2 =	vne.s32 v9, $0x0;
	v8, _, _ =	vpop (xrf0)  }
0x61: {  	v7 =	vadd.s32 v7, v3;
	vm2 =	vmand vm3, vm2;
	v6 =	vadd.s32 v8, v6  }
0x62: {  	v7 =	vshrl.u32 v7, $0x6;
	v9 =	vsel vm2, $0xFFFFFFFF, v2;
	(v2sf) =	vpush v8, $0xF  }
0x63: {  	v3 =	vshll.u32 v3, $0x1;
	v7 =	vadd.s32 v9, v7;
	v8 =	vsel vm1, $0xFFFFFFFF, v2  }
0x64: {  	v3 =	vand.u32 $0x7E, v3;
	v7 =	vshll.u32 v7, $0x9;
	v5 =	vadd.s32 v8, v5  }
0x65: {  	s17 =	sadd.s32 $0x10, s17;
	s21 =	sand.u32 $0x1E00, s18;
	v4 =	vand.u32 $0x7E, v4;
	s18 =	smov.u32 s20;
	v3 =	vor.u32 v3, v7;
	v5 =	vshll.u32 v5, $0x9  }
0x66: {  	s22 =	sand.u32 $0x70, s17;
	s21 =	sshrl.u32 s21, $0x2;
	v4 =	vor.u32 v4, v5;
	[tilespmem:v6+s9+$0x0] =	vst.idx.msk vm0, v3  }
0x67: {  	s21 =	sor.u32 s22, s21;
	[tilespmem:v6+s10+$0x0] =	vst.idx.msk vm0, v4  }
0x68: {  	v3 =	vld [tilespmem:s21+$0x80];
	_ =	sdelay $0x3  }
.Ltmp2:
0x69: {  	v4 =	vor.u32 s17, v0;
	(pc) =	sbr.rel @p0 .LBB2_2-.Ltmp2, $4  }
0x6a: {  	vm0 =	vne.s32 v3, v4  }
0x6b: {  	v5 =	vsel vm0, $0x1, v2  }
0x6c: {  	(xrf0) =	vadd.scan.msk.s32 $0xffff, v5  }
0x6d: {  	s20 =	sadd.s32 $0x40, s20  }
0x6e: {  	v5 =	vand.u32 $0x3F, v3  }
0x6f: {  	v6 =	vmov s17;
	vm1 =	vlt.s32 v3, $0x1;
	v49 =	vand.u32 $0x3F, v4  }
0x70: {  	s20 =	spop (v2sf);
	v50 =	vsel vm0, $0xFFFFFFFF, v2;
	v7 =	vshra.s32 v3, $0x1F;
	v51 =	vshll.u32 v4, $0x1  }
0x71: {  	vm2 =	vne.s32 v5, $0x0;
	vm3 =	veq.s32 v6, v0;
	vm10 =	vne.s32 v49, $0x0;
	s19 =	sadd.s32 s19, s20  }
0x72: {  	v7 =	vshrl.u32 v7, $0x1A;
	v6 =	vshrl.u32 v6, $0x6;
	v5 =	vadd.s32 s19, v50;
	v8, _, _ =	vpop (xrf0)  }
0x73: {  	vm1 =	vmand vm1, vm2;
	v7 =	vadd.s32 v7, v3;
	v5 =	vadd.s32 v8, v5  }
0x74: {  	vm2 =	vmand vm3, vm10;
	v7 =	vshrl.u32 v7, $0x6;
	v9 =	vsel vm1, $0xFFFFFFFF, v2  }
0x75: {  	v3 =	vshll.u32 v3, $0x1;
	v52 =	vsel vm2, $0xFFFFFFFF, v2;
	v7 =	vadd.s32 v9, v7  }
0x76: {  	v3 =	vand.u32 $0x7E, v3;
	v6 =	vadd.s32 v52, v6;
	v7 =	vshll.u32 v7, $0x9  }
0x77: {  	s18 =	sand.u32 $0x1E00, s18;
	s24 =	sadd.s32 $0x10, s17;
	v4 =	vand.u32 $0x7E, v51;
	v6 =	vshll.u32 v6, $0x9;
	v3 =	vor.u32 v3, v7  }
0x78: {  	s25 =	sand.u32 $0x70, s24;
	s18 =	sshrl.u32 s18, $0x2;
	v4 =	vor.u32 v4, v6;
	[tilespmem:v5+s9+$0x0] =	vst.idx.msk vm0, v3  }
0x79: {  	s18 =	sor.u32 s25, s18;
	[tilespmem:v5+s10+$0x0] =	vst.idx.msk vm0, v4  }
0x7a: {  	v3 =	vld [tilespmem:s18+$0x80];
	_ =	sdelay $0x3  }
0x7b: {  	v53 =	vor.u32 s24, v0  }
0x7c: {  	vm11 =	vne.s32 v3, v53  }
0x7d: {  	v54 =	vsel vm11, $0x1, v2  }
0x7e: {  	(xrf0) =	vadd.scan.msk.s32 $0xffff, v54;
	_ =	sdelay $0x5  }
0x7f: {  	(v2sf) =	vpush v8, $0xF;
	v5, _, _ =	vpop (xrf0)  }
0x80: {  	(v2sf) =	vpush v5, $0xF;
	_ =	sdelay $0xc  }
0x81: {  	v56 =	vmov s24;
	v57 =	vand.u32 $0x3F, v53  }
0x82: {  	vm14 =	veq.s32 v56, v0;
	vm15 =	vne.s32 v57, $0x0;
	s26 =	spop (v2sf)  }
0x83: {  	vm2 =	vmand vm14, vm15;
	s19 =	sadd.s32 s19, s26;
	s20 =	spop (v2sf)  }
0x84: {  	v62 =	vsel vm2, $0xFFFFFFFF, v2;
	v55 =	vand.u32 $0x3F, v3;
	s17 =	sadd.s32 s19, s20  }
0x85: {  	vm12 =	vlt.s32 v3, $0x1;
	v59 =	vshra.s32 v3, $0x1F;
	v58 =	vsel vm11, $0xFFFFFFFF, v2;
	s17 =	sadd.s32 $0xF, s17  }
0x86: {  	vm13 =	vne.s32 v55, $0x0;
	v8 =	vshrl.u32 v59, $0x1A;
	v6 =	vadd.s32 s19, v58;
	s28 =	sand.u32 $0xF, s17  }
0x87: {  	vm1 =	vmand vm12, vm13;
	v60 =	vadd.s32 v8, v3;
	v5 =	vadd.s32 v5, v6;
	s29 =	sshra.s32 s17, $0x1F;
	p1 =	slt.s32 s17, $0x1;
	p0 =	sne.s32 s28, $0x0  }
0x88: {  	v7 =	vshrl.u32 v56, $0x6;
	v61 =	vsel vm1, $0xFFFFFFFF, v2;
	v6 =	vshrl.u32 v60, $0x6;
	s18 =	sshrl.u32 s29, $0x1C;
	p0 =	por !p1, !p0  }
0x89: {  	v7 =	vadd.s32 v62, v7;
	v3 =	vshll.u32 v3, $0x1;
	v6 =	vadd.s32 v61, v6;
	s17 =	sadd.s32 s18, s17;
	s18 =	simm.s32 $0x1;
	p0 =	por !p0, !p0  }
0x8a: {  	v4 =	vshll.u32 v53, $0x1;
	v3 =	vand.u32 $0x7E, v3;
	v6 =	vshll.u32 v6, $0x9;
	s17 =	sshra.s32 s17, $0x4;
	s18 =	simm.s32 @!p0 $0x0  }
0x8b: {  	v63 =	vshll.u32 v7, $0x9;
	v4 =	vand.u32 $0x7E, v4;
	v3 =	vor.u32 v3, v6;
	s31 =	ssub.s32 s17, s18  }
0x8c: {  	v4 =	vor.u32 v4, v63;
	[tilespmem:v5+s9+$0x0] =	vst.idx.msk vm11, v3;
	p0 =	slt.s32 s31, $0x1  }
.Ltmp3:
0x8d: {  	s21 =	rddreg [dreg:$0x5];
	[tilespmem:v5+s10+$0x0] =	vst.idx.msk vm11, v4;
	(pc) =	sbr.rel @p0 .LBB2_13-.Ltmp3, $4  }
0x8e: {  	[tilespmem:s11], [sflag:$0x3] =	stream.linear.gather [hbm4b:s21+s1], $0x8000, $0x38;
	[tilespmem:$0x1A980] =	vst v63  }
0x8f: {  	_ =	swait.ge [sflag:s5], $0x8000  }
0x90: {  	[sflag:s5] =	ssyncset.done $0x0  }
0x91: {  	[sflag:s5] =	ssyncadd.s32 $0xFFFF8000;
	s18 =	sadd.s32 s19, s20  }
0x92: {  	s21 =	sadd.s32 s19, s20;
	s22 =	simm.s32 $0x0  }
0x93: {  	s24 =	simm.s32 $0x880;
	s23 =	simm.s32 $0x19980;
	s26 =	simm.s32 $0x19980  }
0x94: {  	s28 =	simm.s32 $0x0;
	s17 =	smov.u32 s31;
	s25 =	smov.u32 s21  }
.LBB2_5:
0x95: {  	v3 =	vld [tilespmem:s24+$0x0]  }
0x96: {  	v4 =	vmov s25  }
0x97: {  	vm0 =	vgt.s32 v4, v0;
	_ =	sdelay $0x5  }
0x98: {  	v4 =	vld.idx.msk [tilespmem:v3+s6+$0x0], vm0  }
0x99: {  	v3 =	vadd.s32 $0x1, v3;
	_ =	sdelay $0x3  }
0x9a: {  	[tilespmem:s26+$0x0] =	vst v4  }
0x9b: {  	p1 =	sne.s32 s17, $0x1;
	v3 =	vld.idx.msk [tilespmem:v3+s6+$0x0], vm0  }
.Ltmp4:
0x9c: {  	_ = 	snop;
	(pc) =	sbr.rel @p1 .LBB2_5-.Ltmp4, $3  }
0x9d: {  	_ =	sdelay $0x1  }
0x9e: {  	s29 =	sand.u32 $0xFFFFFFF0, s28;
	s28 =	sadd.s32 $0x10, s28;
	s24 =	sadd.s32 $0x10, s24  }
0x9f: {  	s25 =	sadd.s32 $0xFFFFFFF0, s25;
	s17 =	sadd.s32 $0xFFFFFFFF, s17;
	s26 =	sadd.s32 $0x10, s26;
	[tilespmem:s29+$0x1A180] =	vst v3  }
0xa0: {  	s24 =	simm.s32 $0x1100;
	s25 =	smov.u32 s21;
	s17 =	smov.u32 s31  }
.LBB2_7:
0xa1: {  	v3 =	vld [tilespmem:s24+$0x0]  }
0xa2: {  	v4 =	vmov s25  }
0xa3: {  	vm0 =	vgt.s32 v4, v0  }
0xa4: {  	v63 =	vld [tilespmem:s23+$0x0];
	_ =	sdelay $0x4  }
0xa5: {  	s26 =	sand.u32 $0xFFFFFFF0, s22;
	[tilespmem:v3+s6+$0x0] =	vst.idx.msk vm0, v63  }
0xa6: {  	p1 =	sne.s32 s17, $0x1;
	v3 =	vadd.s32 $0x1, v3;
	v4 =	vld [tilespmem:s26+$0x1A180]  }
.Ltmp5:
0xa7: {  	_ = 	snop;
	(pc) =	sbr.rel @p1 .LBB2_7-.Ltmp5, $3  }
0xa8: {  	_ =	sdelay $0x1  }
0xa9: {  	s22 =	sadd.s32 $0x10, s22;
	s24 =	sadd.s32 $0x10, s24  }
0xaa: {  	s23 =	sadd.s32 $0x10, s23;
	s25 =	sadd.s32 $0xFFFFFFF0, s25;
	s17 =	sadd.s32 $0xFFFFFFFF, s17;
	[tilespmem:v3+s6+$0x0] =	vst.idx.msk vm0, v4  }
0xab: {  	s22 =	simm.s32 $0x0  }
0xac: {  	s24 =	simm.s32 $0x880;
	s23 =	simm.s32 $0x19980;
	s25 =	smov.u32 s21  }
0xad: {  	s26 =	simm.s32 $0x19980;
	s28 =	simm.s32 $0x0;
	s17 =	smov.u32 s31  }
.LBB2_9:
0xae: {  	v3 =	vld [tilespmem:s24+$0x0];
	_ =	sdelay $0x2  }
0xaf: {  	v4 =	vmov s25  }
0xb0: {  	vm0 =	vgt.s32 v4, v0  }
0xb1: {  	v63 =	vadd.s32 $0x4000, v3;
	_ =	sdelay $0x4  }
0xb2: {  	v4 =	vld.idx.msk [tilespmem:v63+s6+$0x0], vm0  }
0xb3: {  	v3 =	vadd.s32 $0x4001, v3;
	_ =	sdelay $0x3  }
0xb4: {  	[tilespmem:s26+$0x0] =	vst v4  }
0xb5: {  	p1 =	sne.s32 s17, $0x1;
	v3 =	vld.idx.msk [tilespmem:v3+s6+$0x0], vm0  }
.Ltmp6:
0xb6: {  	_ = 	snop;
	(pc) =	sbr.rel @p1 .LBB2_9-.Ltmp6, $3  }
0xb7: {  	_ =	sdelay $0x1  }
0xb8: {  	s29 =	sand.u32 $0xFFFFFFF0, s28;
	s28 =	sadd.s32 $0x10, s28;
	s24 =	sadd.s32 $0x10, s24  }
0xb9: {  	s25 =	sadd.s32 $0xFFFFFFF0, s25;
	s17 =	sadd.s32 $0xFFFFFFFF, s17;
	s26 =	sadd.s32 $0x10, s26;
	[tilespmem:s29+$0x1A180] =	vst v3  }
0xba: {  	s24 =	simm.s32 $0x1100  }
0xbb: {  	v3 =	vld [tilespmem:s24+$0x0];
	_ =	sdelay $0x2  }
0xbc: {  	v4 =	vmov s21  }
0xbd: {  	vm0 =	vgt.s32 v4, v0  }
0xbe: {  	v5 =	vld [tilespmem:s23+$0x0];
	v4 =	vadd.s32 $0x4000, v3;
	_ =	sdelay $0x4  }
0xbf: {  	p1 =	sne.s32 s31, $0x1;
	s17 =	sand.u32 $0xFFFFFFF0, s22;
	[tilespmem:v4+s6+$0x0] =	vst.idx.msk vm0, v5  }
.Ltmp7:
0xc0: {  	v3 =	vadd.s32 $0x4001, v3;
	v4 =	vld [tilespmem:s17+$0x1A180];
	(pc) =	sbr.rel @!p1 .LBB2_12-.Ltmp7, $2  }
0xc1: {  	_ =	sdelay $0x2  }
0xc2: {  	s25 =	sadd.s32 $0xFFFFFFFF, s31;
	s21 =	sadd.s32 $0xFFFFFFF0, s21  }
.LBB2_11:
0xc3: {  	[tilespmem:v3+s6+$0x0] =	vst.idx.msk vm0, v4;
	s22 =	sadd.s32 $0x10, s22;
	s24 =	sadd.s32 $0x10, s24;
	s23 =	sadd.s32 $0x10, s23  }
0xc4: {  	p1 =	sne.s32 s25, $0x1;
	s25 =	sadd.s32 $0xFFFFFFFF, s25;
	v3 =	vld [tilespmem:s24+$0x0];
	_ =	sdelay $0x2  }
0xc5: {  	v4 =	vmov s21  }
0xc6: {  	vm0 =	vgt.s32 v4, v0  }
0xc7: {  	v4 =	vadd.s32 $0x4000, v3;
	v5 =	vld [tilespmem:s23+$0x0];
	_ =	sdelay $0x4  }
0xc8: {  	s17 =	sand.u32 $0xFFFFFFF0, s22;
	[tilespmem:v4+s6+$0x0] =	vst.idx.msk vm0, v5  }
.Ltmp8:
0xc9: {  	v3 =	vadd.s32 $0x4001, v3;
	v4 =	vld [tilespmem:s17+$0x1A180];
	(pc) =	sbr.rel @p1 .LBB2_11-.Ltmp8, $2  }
0xca: {  	_ =	sdelay $0x2  }
0xcb: {  	s21 =	sadd.s32 $0xFFFFFFF0, s21  }
.LBB2_12:
0xcc: {  	_ =	sdelay $0x4  }
0xcd: {  	[tilespmem:v3+s6+$0x0] =	vst.idx.msk vm0, v4  }
.LBB2_13:
0xce: {  	s17 =	rddreg [dreg:$0x1d]  }
0xcf: {  	[hbm4b:s17+s1] =	stream.linear.scatter [tilespmem:s6], [sflag:$0x4], $0x8000, $0x38;
	[tilespmem:$0x1A980] =	vst v63  }
0xd0: {  	_ =	swait.ge [sflag:s8], $0x8000  }
0xd1: {  	[sflag:s8] =	ssyncset.done $0x0  }
.Ltmp9:
0xd2: {  	s29 =	rddreg [dreg:$0x6];
	[sflag:s8] =	ssyncadd.s32 $0xFFFF8000;
	(pc) =	sbr.rel @p0 .LBB2_23-.Ltmp9, $4  }
0xd3: {  	[tilespmem:s6], [sflag:$0x1] =	stream.linear.gather [hbm4b:s29+s1], $0x8000, $0x38;
	[tilespmem:$0x1A980] =	vst v63  }
0xd4: {  	_ =	swait.ge [sflag:s12], $0x8000  }
0xd5: {  	[sflag:s12] =	ssyncset.done $0x0  }
0xd6: {  	[sflag:s12] =	ssyncadd.s32 $0xFFFF8000  }
0xd7: {  	s21 =	sadd.s32 s19, s20;
	s22 =	simm.s32 $0x0  }
0xd8: {  	s24 =	simm.s32 $0x880;
	s23 =	simm.s32 $0x19980;
	s26 =	simm.s32 $0x19980  }
0xd9: {  	s17 =	simm.s32 $0x0;
	s28 =	smov.u32 s31;
	s25 =	smov.u32 s21  }
.LBB2_15:
0xda: {  	v3 =	vld [tilespmem:s24+$0x0]  }
0xdb: {  	v4 =	vmov s25  }
0xdc: {  	vm0 =	vgt.s32 v4, v0;
	_ =	sdelay $0x5  }
0xdd: {  	v4 =	vld.idx.msk [tilespmem:v3+s7+$0x0], vm0  }
0xde: {  	v3 =	vadd.s32 $0x1, v3;
	_ =	sdelay $0x3  }
0xdf: {  	[tilespmem:s26+$0x0] =	vst v4  }
0xe0: {  	p1 =	sne.s32 s28, $0x1;
	v3 =	vld.idx.msk [tilespmem:v3+s7+$0x0], vm0  }
.Ltmp10:
0xe1: {  	_ = 	snop;
	(pc) =	sbr.rel @p1 .LBB2_15-.Ltmp10, $3  }
0xe2: {  	_ =	sdelay $0x1  }
0xe3: {  	s29 =	sand.u32 $0xFFFFFFF0, s17;
	s17 =	sadd.s32 $0x10, s17;
	s24 =	sadd.s32 $0x10, s24  }
0xe4: {  	s25 =	sadd.s32 $0xFFFFFFF0, s25;
	s28 =	sadd.s32 $0xFFFFFFFF, s28;
	s26 =	sadd.s32 $0x10, s26;
	[tilespmem:s29+$0x1A180] =	vst v3  }
0xe5: {  	s24 =	simm.s32 $0x1100;
	s17 =	smov.u32 s21;
	s25 =	smov.u32 s31  }
.LBB2_17:
0xe6: {  	v3 =	vld [tilespmem:s24+$0x0]  }
0xe7: {  	v4 =	vmov s17  }
0xe8: {  	vm0 =	vgt.s32 v4, v0  }
0xe9: {  	v63 =	vld [tilespmem:s23+$0x0];
	_ =	sdelay $0x4  }
0xea: {  	s26 =	sand.u32 $0xFFFFFFF0, s22;
	[tilespmem:v3+s7+$0x0] =	vst.idx.msk vm0, v63  }
0xeb: {  	p1 =	sne.s32 s25, $0x1;
	v3 =	vadd.s32 $0x1, v3;
	v4 =	vld [tilespmem:s26+$0x1A180]  }
.Ltmp11:
0xec: {  	_ = 	snop;
	(pc) =	sbr.rel @p1 .LBB2_17-.Ltmp11, $3  }
0xed: {  	_ =	sdelay $0x1  }
0xee: {  	s22 =	sadd.s32 $0x10, s22;
	s24 =	sadd.s32 $0x10, s24  }
0xef: {  	s23 =	sadd.s32 $0x10, s23;
	s17 =	sadd.s32 $0xFFFFFFF0, s17;
	s25 =	sadd.s32 $0xFFFFFFFF, s25;
	[tilespmem:v3+s7+$0x0] =	vst.idx.msk vm0, v4  }
0xf0: {  	s22 =	simm.s32 $0x0  }
0xf1: {  	s24 =	simm.s32 $0x880;
	s23 =	simm.s32 $0x19980;
	s25 =	smov.u32 s21  }
0xf2: {  	s26 =	simm.s32 $0x19980;
	s28 =	simm.s32 $0x0;
	s17 =	smov.u32 s31  }
.LBB2_19:
0xf3: {  	v3 =	vld [tilespmem:s24+$0x0];
	_ =	sdelay $0x2  }
0xf4: {  	v4 =	vmov s25  }
0xf5: {  	vm0 =	vgt.s32 v4, v0  }
0xf6: {  	v63 =	vadd.s32 $0x4000, v3;
	_ =	sdelay $0x4  }
0xf7: {  	v4 =	vld.idx.msk [tilespmem:v63+s7+$0x0], vm0  }
0xf8: {  	v3 =	vadd.s32 $0x4001, v3;
	_ =	sdelay $0x3  }
0xf9: {  	[tilespmem:s26+$0x0] =	vst v4  }
0xfa: {  	p1 =	sne.s32 s17, $0x1;
	v3 =	vld.idx.msk [tilespmem:v3+s7+$0x0], vm0  }
.Ltmp12:
0xfb: {  	_ = 	snop;
	(pc) =	sbr.rel @p1 .LBB2_19-.Ltmp12, $3  }
0xfc: {  	_ =	sdelay $0x1  }
0xfd: {  	s29 =	sand.u32 $0xFFFFFFF0, s28;
	s28 =	sadd.s32 $0x10, s28;
	s24 =	sadd.s32 $0x10, s24  }
0xfe: {  	s25 =	sadd.s32 $0xFFFFFFF0, s25;
	s17 =	sadd.s32 $0xFFFFFFFF, s17;
	s26 =	sadd.s32 $0x10, s26;
	[tilespmem:s29+$0x1A180] =	vst v3  }
0xff: {  	s24 =	simm.s32 $0x1100  }
0x100: {  	v3 =	vld [tilespmem:s24+$0x0];
	_ =	sdelay $0x2  }
0x101: {  	v4 =	vmov s21  }
0x102: {  	vm0 =	vgt.s32 v4, v0  }
0x103: {  	v5 =	vld [tilespmem:s23+$0x0];
	v4 =	vadd.s32 $0x4000, v3;
	_ =	sdelay $0x4  }
0x104: {  	p1 =	sne.s32 s31, $0x1;
	s17 =	sand.u32 $0xFFFFFFF0, s22;
	[tilespmem:v4+s7+$0x0] =	vst.idx.msk vm0, v5  }
.Ltmp13:
0x105: {  	v3 =	vadd.s32 $0x4001, v3;
	v4 =	vld [tilespmem:s17+$0x1A180];
	(pc) =	sbr.rel @!p1 .LBB2_22-.Ltmp13, $2  }
0x106: {  	_ =	sdelay $0x2  }
0x107: {  	s25 =	sadd.s32 $0xFFFFFFFF, s31;
	s21 =	sadd.s32 $0xFFFFFFF0, s21  }
.LBB2_21:
0x108: {  	[tilespmem:v3+s7+$0x0] =	vst.idx.msk vm0, v4;
	s22 =	sadd.s32 $0x10, s22;
	s24 =	sadd.s32 $0x10, s24;
	s23 =	sadd.s32 $0x10, s23  }
0x109: {  	p1 =	sne.s32 s25, $0x1;
	s25 =	sadd.s32 $0xFFFFFFFF, s25;
	v3 =	vld [tilespmem:s24+$0x0];
	_ =	sdelay $0x2  }
0x10a: {  	v4 =	vmov s21  }
0x10b: {  	vm0 =	vgt.s32 v4, v0  }
0x10c: {  	v4 =	vadd.s32 $0x4000, v3;
	v5 =	vld [tilespmem:s23+$0x0];
	_ =	sdelay $0x4  }
0x10d: {  	s17 =	sand.u32 $0xFFFFFFF0, s22;
	[tilespmem:v4+s7+$0x0] =	vst.idx.msk vm0, v5  }
.Ltmp14:
0x10e: {  	v3 =	vadd.s32 $0x4001, v3;
	v4 =	vld [tilespmem:s17+$0x1A180];
	(pc) =	sbr.rel @p1 .LBB2_21-.Ltmp14, $2  }
0x10f: {  	_ =	sdelay $0x2  }
0x110: {  	s21 =	sadd.s32 $0xFFFFFFF0, s21  }
.LBB2_22:
0x111: {  	_ =	sdelay $0x4  }
0x112: {  	[tilespmem:v3+s7+$0x0] =	vst.idx.msk vm0, v4  }
.LBB2_23:
0x113: {  	s17 =	rddreg [dreg:$0x7]  }
0x114: {  	[hbm4b:s17+s1] =	stream.linear.scatter [tilespmem:s7], [sflag:$0x5], $0x8000, $0x38;
	[tilespmem:$0x1A980] =	vst v63  }
0x115: {  	_ =	swait.ge [sflag:s13], $0x8000  }
0x116: {  	[sflag:s13] =	ssyncset.done $0x0  }
.Ltmp15:
0x117: {  	s29 =	rddreg [dreg:$0x8];
	[sflag:s13] =	ssyncadd.s32 $0xFFFF8000;
	(pc) =	sbr.rel @p0 .LBB2_33-.Ltmp15, $4  }
0x118: {  	[tilespmem:s7], [sflag:$0x2] =	stream.linear.gather [hbm4b:s29+s1], $0x8000, $0x38;
	[tilespmem:$0x1A980] =	vst v63  }
0x119: {  	_ =	swait.ge [sflag:s14], $0x8000  }
0x11a: {  	[sflag:s14] =	ssyncset.done $0x0  }
0x11b: {  	[sflag:s14] =	ssyncadd.s32 $0xFFFF8000  }
0x11c: {  	s21 =	sadd.s32 s19, s20;
	s22 =	simm.s32 $0x0  }
0x11d: {  	s24 =	simm.s32 $0x880;
	s23 =	simm.s32 $0x19980;
	s26 =	simm.s32 $0x19980  }
0x11e: {  	s17 =	simm.s32 $0x0;
	s28 =	smov.u32 s31;
	s25 =	smov.u32 s21  }
.LBB2_25:
0x11f: {  	v3 =	vld [tilespmem:s24+$0x0]  }
0x120: {  	v4 =	vmov s25  }
0x121: {  	vm0 =	vgt.s32 v4, v0;
	_ =	sdelay $0x5  }
0x122: {  	v4 =	vld.idx.msk [tilespmem:v3+s11+$0x0], vm0  }
0x123: {  	v3 =	vadd.s32 $0x1, v3;
	_ =	sdelay $0x3  }
0x124: {  	[tilespmem:s26+$0x0] =	vst v4  }
0x125: {  	p1 =	sne.s32 s28, $0x1;
	v3 =	vld.idx.msk [tilespmem:v3+s11+$0x0], vm0  }
.Ltmp16:
0x126: {  	_ = 	snop;
	(pc) =	sbr.rel @p1 .LBB2_25-.Ltmp16, $3  }
0x127: {  	_ =	sdelay $0x1  }
0x128: {  	s29 =	sand.u32 $0xFFFFFFF0, s17;
	s17 =	sadd.s32 $0x10, s17;
	s24 =	sadd.s32 $0x10, s24  }
0x129: {  	s25 =	sadd.s32 $0xFFFFFFF0, s25;
	s28 =	sadd.s32 $0xFFFFFFFF, s28;
	s26 =	sadd.s32 $0x10, s26;
	[tilespmem:s29+$0x1A180] =	vst v3  }
0x12a: {  	s24 =	simm.s32 $0x1100;
	s17 =	smov.u32 s21;
	s25 =	smov.u32 s31  }
.LBB2_27:
0x12b: {  	v3 =	vld [tilespmem:s24+$0x0]  }
0x12c: {  	v4 =	vmov s17  }
0x12d: {  	vm0 =	vgt.s32 v4, v0  }
0x12e: {  	v63 =	vld [tilespmem:s23+$0x0];
	_ =	sdelay $0x4  }
0x12f: {  	s26 =	sand.u32 $0xFFFFFFF0, s22;
	[tilespmem:v3+s11+$0x0] =	vst.idx.msk vm0, v63  }
0x130: {  	p1 =	sne.s32 s25, $0x1;
	v3 =	vadd.s32 $0x1, v3;
	v4 =	vld [tilespmem:s26+$0x1A180]  }
.Ltmp17:
0x131: {  	_ = 	snop;
	(pc) =	sbr.rel @p1 .LBB2_27-.Ltmp17, $3  }
0x132: {  	_ =	sdelay $0x1  }
0x133: {  	s22 =	sadd.s32 $0x10, s22;
	s24 =	sadd.s32 $0x10, s24  }
0x134: {  	s23 =	sadd.s32 $0x10, s23;
	s17 =	sadd.s32 $0xFFFFFFF0, s17;
	s25 =	sadd.s32 $0xFFFFFFFF, s25;
	[tilespmem:v3+s11+$0x0] =	vst.idx.msk vm0, v4  }
0x135: {  	s22 =	simm.s32 $0x0  }
0x136: {  	s24 =	simm.s32 $0x880;
	s23 =	simm.s32 $0x19980;
	s25 =	smov.u32 s21  }
0x137: {  	s26 =	simm.s32 $0x19980;
	s28 =	simm.s32 $0x0;
	s17 =	smov.u32 s31  }
.LBB2_29:
0x138: {  	v3 =	vld [tilespmem:s24+$0x0];
	_ =	sdelay $0x2  }
0x139: {  	v4 =	vmov s25  }
0x13a: {  	vm0 =	vgt.s32 v4, v0  }
0x13b: {  	v63 =	vadd.s32 $0x4000, v3;
	_ =	sdelay $0x4  }
0x13c: {  	v4 =	vld.idx.msk [tilespmem:v63+s11+$0x0], vm0  }
0x13d: {  	v3 =	vadd.s32 $0x4001, v3;
	_ =	sdelay $0x3  }
0x13e: {  	[tilespmem:s26+$0x0] =	vst v4  }
0x13f: {  	p1 =	sne.s32 s17, $0x1;
	v3 =	vld.idx.msk [tilespmem:v3+s11+$0x0], vm0  }
.Ltmp18:
0x140: {  	_ = 	snop;
	(pc) =	sbr.rel @p1 .LBB2_29-.Ltmp18, $3  }
0x141: {  	_ =	sdelay $0x1  }
0x142: {  	s29 =	sand.u32 $0xFFFFFFF0, s28;
	s28 =	sadd.s32 $0x10, s28;
	s24 =	sadd.s32 $0x10, s24  }
0x143: {  	s25 =	sadd.s32 $0xFFFFFFF0, s25;
	s17 =	sadd.s32 $0xFFFFFFFF, s17;
	s26 =	sadd.s32 $0x10, s26;
	[tilespmem:s29+$0x1A180] =	vst v3  }
0x144: {  	s24 =	simm.s32 $0x1100  }
0x145: {  	v3 =	vld [tilespmem:s24+$0x0];
	_ =	sdelay $0x2  }
0x146: {  	v4 =	vmov s21  }
0x147: {  	vm0 =	vgt.s32 v4, v0  }
0x148: {  	v5 =	vld [tilespmem:s23+$0x0];
	v4 =	vadd.s32 $0x4000, v3;
	_ =	sdelay $0x4  }
0x149: {  	p1 =	sne.s32 s31, $0x1;
	s17 =	sand.u32 $0xFFFFFFF0, s22;
	[tilespmem:v4+s11+$0x0] =	vst.idx.msk vm0, v5  }
.Ltmp19:
0x14a: {  	v3 =	vadd.s32 $0x4001, v3;
	v4 =	vld [tilespmem:s17+$0x1A180];
	(pc) =	sbr.rel @!p1 .LBB2_32-.Ltmp19, $2  }
0x14b: {  	_ =	sdelay $0x2  }
0x14c: {  	s25 =	sadd.s32 $0xFFFFFFFF, s31;
	s21 =	sadd.s32 $0xFFFFFFF0, s21  }
.LBB2_31:
0x14d: {  	[tilespmem:v3+s11+$0x0] =	vst.idx.msk vm0, v4;
	s22 =	sadd.s32 $0x10, s22;
	s24 =	sadd.s32 $0x10, s24;
	s23 =	sadd.s32 $0x10, s23  }
0x14e: {  	p1 =	sne.s32 s25, $0x1;
	s25 =	sadd.s32 $0xFFFFFFFF, s25;
	v3 =	vld [tilespmem:s24+$0x0];
	_ =	sdelay $0x2  }
0x14f: {  	v4 =	vmov s21  }
0x150: {  	vm0 =	vgt.s32 v4, v0  }
0x151: {  	v4 =	vadd.s32 $0x4000, v3;
	v5 =	vld [tilespmem:s23+$0x0];
	_ =	sdelay $0x4  }
0x152: {  	s17 =	sand.u32 $0xFFFFFFF0, s22;
	[tilespmem:v4+s11+$0x0] =	vst.idx.msk vm0, v5  }
.Ltmp20:
0x153: {  	v3 =	vadd.s32 $0x4001, v3;
	v4 =	vld [tilespmem:s17+$0x1A180];
	(pc) =	sbr.rel @p1 .LBB2_31-.Ltmp20, $2  }
0x154: {  	_ =	sdelay $0x2  }
0x155: {  	s21 =	sadd.s32 $0xFFFFFFF0, s21  }
.LBB2_32:
0x156: {  	_ =	sdelay $0x4  }
0x157: {  	[tilespmem:v3+s11+$0x0] =	vst.idx.msk vm0, v4  }
.LBB2_33:
0x158: {  	s17 =	rddreg [dreg:$0x9]  }
0x159: {  	[hbm4b:s17+s1] =	stream.linear.scatter [tilespmem:s11], [sflag:$0x6], $0x8000, $0x38;
	[tilespmem:$0x1A980] =	vst v63  }
0x15a: {  	_ =	swait.ge [sflag:s15], $0x8000  }
0x15b: {  	[sflag:s15] =	ssyncset.done $0x0  }
.Ltmp21:
0x15c: {  	s29 =	rddreg [dreg:$0xa];
	[sflag:s15] =	ssyncadd.s32 $0xFFFF8000;
	(pc) =	sbr.rel @p0 .LBB2_43-.Ltmp21, $4  }
0x15d: {  	[tilespmem:s11], [sflag:$0x3] =	stream.linear.gather [hbm4b:s29+s1], $0x8000, $0x38;
	[tilespmem:$0x1A980] =	vst v63  }
0x15e: {  	_ =	swait.ge [sflag:s5], $0x8000  }
0x15f: {  	[sflag:s5] =	ssyncset.done $0x0  }
0x160: {  	[sflag:s5] =	ssyncadd.s32 $0xFFFF8000  }
0x161: {  	s21 =	sadd.s32 s19, s20;
	s22 =	simm.s32 $0x0  }
0x162: {  	s24 =	simm.s32 $0x880;
	s23 =	simm.s32 $0x19980;
	s26 =	simm.s32 $0x19980  }
0x163: {  	s17 =	simm.s32 $0x0;
	s28 =	smov.u32 s31;
	s25 =	smov.u32 s21  }
.LBB2_35:
0x164: {  	v3 =	vld [tilespmem:s24+$0x0]  }
0x165: {  	v4 =	vmov s25  }
0x166: {  	vm0 =	vgt.s32 v4, v0;
	_ =	sdelay $0x5  }
0x167: {  	v4 =	vld.idx.msk [tilespmem:v3+s6+$0x0], vm0  }
0x168: {  	v3 =	vadd.s32 $0x1, v3;
	_ =	sdelay $0x3  }
0x169: {  	[tilespmem:s26+$0x0] =	vst v4  }
0x16a: {  	p1 =	sne.s32 s28, $0x1;
	v3 =	vld.idx.msk [tilespmem:v3+s6+$0x0], vm0  }
.Ltmp22:
0x16b: {  	_ = 	snop;
	(pc) =	sbr.rel @p1 .LBB2_35-.Ltmp22, $3  }
0x16c: {  	_ =	sdelay $0x1  }
0x16d: {  	s29 =	sand.u32 $0xFFFFFFF0, s17;
	s17 =	sadd.s32 $0x10, s17;
	s24 =	sadd.s32 $0x10, s24  }
0x16e: {  	s25 =	sadd.s32 $0xFFFFFFF0, s25;
	s28 =	sadd.s32 $0xFFFFFFFF, s28;
	s26 =	sadd.s32 $0x10, s26;
	[tilespmem:s29+$0x1A180] =	vst v3  }
0x16f: {  	s24 =	simm.s32 $0x1100;
	s17 =	smov.u32 s21;
	s25 =	smov.u32 s31  }
.LBB2_37:
0x170: {  	v3 =	vld [tilespmem:s24+$0x0]  }
0x171: {  	v4 =	vmov s17  }
0x172: {  	vm0 =	vgt.s32 v4, v0  }
0x173: {  	v63 =	vld [tilespmem:s23+$0x0];
	_ =	sdelay $0x4  }
0x174: {  	s26 =	sand.u32 $0xFFFFFFF0, s22;
	[tilespmem:v3+s6+$0x0] =	vst.idx.msk vm0, v63  }
0x175: {  	p1 =	sne.s32 s25, $0x1;
	v3 =	vadd.s32 $0x1, v3;
	v4 =	vld [tilespmem:s26+$0x1A180]  }
.Ltmp23:
0x176: {  	_ = 	snop;
	(pc) =	sbr.rel @p1 .LBB2_37-.Ltmp23, $3  }
0x177: {  	_ =	sdelay $0x1  }
0x178: {  	s22 =	sadd.s32 $0x10, s22;
	s24 =	sadd.s32 $0x10, s24  }
0x179: {  	s23 =	sadd.s32 $0x10, s23;
	s17 =	sadd.s32 $0xFFFFFFF0, s17;
	s25 =	sadd.s32 $0xFFFFFFFF, s25;
	[tilespmem:v3+s6+$0x0] =	vst.idx.msk vm0, v4  }
0x17a: {  	s22 =	simm.s32 $0x0  }
0x17b: {  	s24 =	simm.s32 $0x880;
	s23 =	simm.s32 $0x19980;
	s25 =	smov.u32 s21  }
0x17c: {  	s26 =	simm.s32 $0x19980;
	s28 =	simm.s32 $0x0;
	s17 =	smov.u32 s31  }
.LBB2_39:
0x17d: {  	v3 =	vld [tilespmem:s24+$0x0];
	_ =	sdelay $0x2  }
0x17e: {  	v4 =	vmov s25  }
0x17f: {  	vm0 =	vgt.s32 v4, v0  }
0x180: {  	v63 =	vadd.s32 $0x4000, v3;
	_ =	sdelay $0x4  }
0x181: {  	v4 =	vld.idx.msk [tilespmem:v63+s6+$0x0], vm0  }
0x182: {  	v3 =	vadd.s32 $0x4001, v3;
	_ =	sdelay $0x3  }
0x183: {  	[tilespmem:s26+$0x0] =	vst v4  }
0x184: {  	p1 =	sne.s32 s17, $0x1;
	v3 =	vld.idx.msk [tilespmem:v3+s6+$0x0], vm0  }
.Ltmp24:
0x185: {  	_ = 	snop;
	(pc) =	sbr.rel @p1 .LBB2_39-.Ltmp24, $3  }
0x186: {  	_ =	sdelay $0x1  }
0x187: {  	s29 =	sand.u32 $0xFFFFFFF0, s28;
	s28 =	sadd.s32 $0x10, s28;
	s24 =	sadd.s32 $0x10, s24  }
0x188: {  	s25 =	sadd.s32 $0xFFFFFFF0, s25;
	s17 =	sadd.s32 $0xFFFFFFFF, s17;
	s26 =	sadd.s32 $0x10, s26;
	[tilespmem:s29+$0x1A180] =	vst v3  }
0x189: {  	s24 =	simm.s32 $0x1100  }
0x18a: {  	v3 =	vld [tilespmem:s24+$0x0];
	_ =	sdelay $0x2  }
0x18b: {  	v4 =	vmov s21  }
0x18c: {  	vm0 =	vgt.s32 v4, v0  }
0x18d: {  	v5 =	vld [tilespmem:s23+$0x0];
	v4 =	vadd.s32 $0x4000, v3;
	_ =	sdelay $0x4  }
0x18e: {  	p1 =	sne.s32 s31, $0x1;
	s17 =	sand.u32 $0xFFFFFFF0, s22;
	[tilespmem:v4+s6+$0x0] =	vst.idx.msk vm0, v5  }
.Ltmp25:
0x18f: {  	v3 =	vadd.s32 $0x4001, v3;
	v4 =	vld [tilespmem:s17+$0x1A180];
	(pc) =	sbr.rel @!p1 .LBB2_42-.Ltmp25, $2  }
0x190: {  	_ =	sdelay $0x2  }
0x191: {  	s25 =	sadd.s32 $0xFFFFFFFF, s31;
	s21 =	sadd.s32 $0xFFFFFFF0, s21  }
.LBB2_41:
0x192: {  	[tilespmem:v3+s6+$0x0] =	vst.idx.msk vm0, v4;
	s22 =	sadd.s32 $0x10, s22;
	s24 =	sadd.s32 $0x10, s24;
	s23 =	sadd.s32 $0x10, s23  }
0x193: {  	p1 =	sne.s32 s25, $0x1;
	s25 =	sadd.s32 $0xFFFFFFFF, s25;
	v3 =	vld [tilespmem:s24+$0x0];
	_ =	sdelay $0x2  }
0x194: {  	v4 =	vmov s21  }
0x195: {  	vm0 =	vgt.s32 v4, v0  }
0x196: {  	v4 =	vadd.s32 $0x4000, v3;
	v5 =	vld [tilespmem:s23+$0x0];
	_ =	sdelay $0x4  }
0x197: {  	s17 =	sand.u32 $0xFFFFFFF0, s22;
	[tilespmem:v4+s6+$0x0] =	vst.idx.msk vm0, v5  }
.Ltmp26:
0x198: {  	v3 =	vadd.s32 $0x4001, v3;
	v4 =	vld [tilespmem:s17+$0x1A180];
	(pc) =	sbr.rel @p1 .LBB2_41-.Ltmp26, $2  }
0x199: {  	_ =	sdelay $0x2  }
0x19a: {  	s21 =	sadd.s32 $0xFFFFFFF0, s21  }
.LBB2_42:
0x19b: {  	_ =	sdelay $0x4  }
0x19c: {  	[tilespmem:v3+s6+$0x0] =	vst.idx.msk vm0, v4  }
.LBB2_43:
0x19d: {  	s17 =	rddreg [dreg:$0xb]  }
0x19e: {  	[hbm4b:s17+s1] =	stream.linear.scatter [tilespmem:s6], [sflag:$0x4], $0x8000, $0x38;
	[tilespmem:$0x1A980] =	vst v63  }
0x19f: {  	_ =	swait.ge [sflag:s8], $0x8000  }
0x1a0: {  	[sflag:s8] =	ssyncset.done $0x0  }
.Ltmp27:
0x1a1: {  	s29 =	rddreg [dreg:$0xc];
	[sflag:s8] =	ssyncadd.s32 $0xFFFF8000;
	(pc) =	sbr.rel @p0 .LBB2_53-.Ltmp27, $4  }
0x1a2: {  	[tilespmem:s6], [sflag:$0x1] =	stream.linear.gather [hbm4b:s29+s1], $0x8000, $0x38;
	[tilespmem:$0x1A980] =	vst v63  }
0x1a3: {  	_ =	swait.ge [sflag:s12], $0x8000  }
0x1a4: {  	[sflag:s12] =	ssyncset.done $0x0  }
0x1a5: {  	[sflag:s12] =	ssyncadd.s32 $0xFFFF8000  }
0x1a6: {  	s21 =	sadd.s32 s19, s20;
	s22 =	simm.s32 $0x0  }
0x1a7: {  	s24 =	simm.s32 $0x880;
	s23 =	simm.s32 $0x19980;
	s26 =	simm.s32 $0x19980  }
0x1a8: {  	s17 =	simm.s32 $0x0;
	s28 =	smov.u32 s31;
	s25 =	smov.u32 s21  }
.LBB2_45:
0x1a9: {  	v3 =	vld [tilespmem:s24+$0x0]  }
0x1aa: {  	v4 =	vmov s25  }
0x1ab: {  	vm0 =	vgt.s32 v4, v0;
	_ =	sdelay $0x5  }
0x1ac: {  	v4 =	vld.idx.msk [tilespmem:v3+s7+$0x0], vm0  }
0x1ad: {  	v3 =	vadd.s32 $0x1, v3;
	_ =	sdelay $0x3  }
0x1ae: {  	[tilespmem:s26+$0x0] =	vst v4  }
0x1af: {  	p1 =	sne.s32 s28, $0x1;
	v3 =	vld.idx.msk [tilespmem:v3+s7+$0x0], vm0  }
.Ltmp28:
0x1b0: {  	_ = 	snop;
	(pc) =	sbr.rel @p1 .LBB2_45-.Ltmp28, $3  }
0x1b1: {  	_ =	sdelay $0x1  }
0x1b2: {  	s29 =	sand.u32 $0xFFFFFFF0, s17;
	s17 =	sadd.s32 $0x10, s17;
	s24 =	sadd.s32 $0x10, s24  }
0x1b3: {  	s25 =	sadd.s32 $0xFFFFFFF0, s25;
	s28 =	sadd.s32 $0xFFFFFFFF, s28;
	s26 =	sadd.s32 $0x10, s26;
	[tilespmem:s29+$0x1A180] =	vst v3  }
0x1b4: {  	s24 =	simm.s32 $0x1100;
	s17 =	smov.u32 s21;
	s25 =	smov.u32 s31  }
.LBB2_47:
0x1b5: {  	v3 =	vld [tilespmem:s24+$0x0]  }
0x1b6: {  	v4 =	vmov s17  }
0x1b7: {  	vm0 =	vgt.s32 v4, v0  }
0x1b8: {  	v63 =	vld [tilespmem:s23+$0x0];
	_ =	sdelay $0x4  }
0x1b9: {  	s26 =	sand.u32 $0xFFFFFFF0, s22;
	[tilespmem:v3+s7+$0x0] =	vst.idx.msk vm0, v63  }
0x1ba: {  	p1 =	sne.s32 s25, $0x1;
	v3 =	vadd.s32 $0x1, v3;
	v4 =	vld [tilespmem:s26+$0x1A180]  }
.Ltmp29:
0x1bb: {  	_ = 	snop;
	(pc) =	sbr.rel @p1 .LBB2_47-.Ltmp29, $3  }
0x1bc: {  	_ =	sdelay $0x1  }
0x1bd: {  	s22 =	sadd.s32 $0x10, s22;
	s24 =	sadd.s32 $0x10, s24  }
0x1be: {  	s23 =	sadd.s32 $0x10, s23;
	s17 =	sadd.s32 $0xFFFFFFF0, s17;
	s25 =	sadd.s32 $0xFFFFFFFF, s25;
	[tilespmem:v3+s7+$0x0] =	vst.idx.msk vm0, v4  }
0x1bf: {  	s22 =	simm.s32 $0x0  }
0x1c0: {  	s24 =	simm.s32 $0x880;
	s23 =	simm.s32 $0x19980;
	s25 =	smov.u32 s21  }
0x1c1: {  	s26 =	simm.s32 $0x19980;
	s28 =	simm.s32 $0x0;
	s17 =	smov.u32 s31  }
.LBB2_49:
0x1c2: {  	v3 =	vld [tilespmem:s24+$0x0];
	_ =	sdelay $0x2  }
0x1c3: {  	v4 =	vmov s25  }
0x1c4: {  	vm0 =	vgt.s32 v4, v0  }
0x1c5: {  	v63 =	vadd.s32 $0x4000, v3;
	_ =	sdelay $0x4  }
0x1c6: {  	v4 =	vld.idx.msk [tilespmem:v63+s7+$0x0], vm0  }
0x1c7: {  	v3 =	vadd.s32 $0x4001, v3;
	_ =	sdelay $0x3  }
0x1c8: {  	[tilespmem:s26+$0x0] =	vst v4  }
0x1c9: {  	p1 =	sne.s32 s17, $0x1;
	v3 =	vld.idx.msk [tilespmem:v3+s7+$0x0], vm0  }
.Ltmp30:
0x1ca: {  	_ = 	snop;
	(pc) =	sbr.rel @p1 .LBB2_49-.Ltmp30, $3  }
0x1cb: {  	_ =	sdelay $0x1  }
0x1cc: {  	s29 =	sand.u32 $0xFFFFFFF0, s28;
	s28 =	sadd.s32 $0x10, s28;
	s24 =	sadd.s32 $0x10, s24  }
0x1cd: {  	s25 =	sadd.s32 $0xFFFFFFF0, s25;
	s17 =	sadd.s32 $0xFFFFFFFF, s17;
	s26 =	sadd.s32 $0x10, s26;
	[tilespmem:s29+$0x1A180] =	vst v3  }
0x1ce: {  	s24 =	simm.s32 $0x1100  }
0x1cf: {  	v3 =	vld [tilespmem:s24+$0x0];
	_ =	sdelay $0x2  }
0x1d0: {  	v4 =	vmov s21  }
0x1d1: {  	vm0 =	vgt.s32 v4, v0  }
0x1d2: {  	v5 =	vld [tilespmem:s23+$0x0];
	v4 =	vadd.s32 $0x4000, v3;
	_ =	sdelay $0x4  }
0x1d3: {  	p1 =	sne.s32 s31, $0x1;
	s17 =	sand.u32 $0xFFFFFFF0, s22;
	[tilespmem:v4+s7+$0x0] =	vst.idx.msk vm0, v5  }
.Ltmp31:
0x1d4: {  	v3 =	vadd.s32 $0x4001, v3;
	v4 =	vld [tilespmem:s17+$0x1A180];
	(pc) =	sbr.rel @!p1 .LBB2_52-.Ltmp31, $2  }
0x1d5: {  	_ =	sdelay $0x2  }
0x1d6: {  	s25 =	sadd.s32 $0xFFFFFFFF, s31;
	s21 =	sadd.s32 $0xFFFFFFF0, s21  }
.LBB2_51:
0x1d7: {  	[tilespmem:v3+s7+$0x0] =	vst.idx.msk vm0, v4;
	s22 =	sadd.s32 $0x10, s22;
	s24 =	sadd.s32 $0x10, s24;
	s23 =	sadd.s32 $0x10, s23  }
0x1d8: {  	p1 =	sne.s32 s25, $0x1;
	s25 =	sadd.s32 $0xFFFFFFFF, s25;
	v3 =	vld [tilespmem:s24+$0x0];
	_ =	sdelay $0x2  }
0x1d9: {  	v4 =	vmov s21  }
0x1da: {  	vm0 =	vgt.s32 v4, v0  }
0x1db: {  	v4 =	vadd.s32 $0x4000, v3;
	v5 =	vld [tilespmem:s23+$0x0];
	_ =	sdelay $0x4  }
0x1dc: {  	s17 =	sand.u32 $0xFFFFFFF0, s22;
	[tilespmem:v4+s7+$0x0] =	vst.idx.msk vm0, v5  }
.Ltmp32:
0x1dd: {  	v3 =	vadd.s32 $0x4001, v3;
	v4 =	vld [tilespmem:s17+$0x1A180];
	(pc) =	sbr.rel @p1 .LBB2_51-.Ltmp32, $2  }
0x1de: {  	_ =	sdelay $0x2  }
0x1df: {  	s21 =	sadd.s32 $0xFFFFFFF0, s21  }
.LBB2_52:
0x1e0: {  	_ =	sdelay $0x4  }
0x1e1: {  	[tilespmem:v3+s7+$0x0] =	vst.idx.msk vm0, v4  }
.LBB2_53:
0x1e2: {  	s17 =	rddreg [dreg:$0xd]  }
0x1e3: {  	[hbm4b:s17+s1] =	stream.linear.scatter [tilespmem:s7], [sflag:$0x5], $0x8000, $0x38;
	[tilespmem:$0x1A980] =	vst v63  }
0x1e4: {  	_ =	swait.ge [sflag:s13], $0x8000  }
0x1e5: {  	[sflag:s13] =	ssyncset.done $0x0  }
.Ltmp33:
0x1e6: {  	s29 =	rddreg [dreg:$0xe];
	[sflag:s13] =	ssyncadd.s32 $0xFFFF8000;
	(pc) =	sbr.rel @p0 .LBB2_63-.Ltmp33, $4  }
0x1e7: {  	[tilespmem:s7], [sflag:$0x2] =	stream.linear.gather [hbm4b:s29+s1], $0x8000, $0x38;
	[tilespmem:$0x1A980] =	vst v63  }
0x1e8: {  	_ =	swait.ge [sflag:s14], $0x8000  }
0x1e9: {  	[sflag:s14] =	ssyncset.done $0x0  }
0x1ea: {  	[sflag:s14] =	ssyncadd.s32 $0xFFFF8000  }
0x1eb: {  	s21 =	sadd.s32 s19, s20;
	s22 =	simm.s32 $0x0  }
0x1ec: {  	s24 =	simm.s32 $0x880;
	s23 =	simm.s32 $0x19980;
	s26 =	simm.s32 $0x19980  }
0x1ed: {  	s17 =	simm.s32 $0x0;
	s28 =	smov.u32 s31;
	s25 =	smov.u32 s21  }
.LBB2_55:
0x1ee: {  	v3 =	vld [tilespmem:s24+$0x0]  }
0x1ef: {  	v4 =	vmov s25  }
0x1f0: {  	vm0 =	vgt.s32 v4, v0;
	_ =	sdelay $0x5  }
0x1f1: {  	v4 =	vld.idx.msk [tilespmem:v3+s11+$0x0], vm0  }
0x1f2: {  	v3 =	vadd.s32 $0x1, v3;
	_ =	sdelay $0x3  }
0x1f3: {  	[tilespmem:s26+$0x0] =	vst v4  }
0x1f4: {  	p1 =	sne.s32 s28, $0x1;
	v3 =	vld.idx.msk [tilespmem:v3+s11+$0x0], vm0  }
.Ltmp34:
0x1f5: {  	_ = 	snop;
	(pc) =	sbr.rel @p1 .LBB2_55-.Ltmp34, $3  }
0x1f6: {  	_ =	sdelay $0x1  }
0x1f7: {  	s29 =	sand.u32 $0xFFFFFFF0, s17;
	s17 =	sadd.s32 $0x10, s17;
	s24 =	sadd.s32 $0x10, s24  }
0x1f8: {  	s25 =	sadd.s32 $0xFFFFFFF0, s25;
	s28 =	sadd.s32 $0xFFFFFFFF, s28;
	s26 =	sadd.s32 $0x10, s26;
	[tilespmem:s29+$0x1A180] =	vst v3  }
0x1f9: {  	s24 =	simm.s32 $0x1100;
	s17 =	smov.u32 s21;
	s25 =	smov.u32 s31  }
.LBB2_57:
0x1fa: {  	v3 =	vld [tilespmem:s24+$0x0]  }
0x1fb: {  	v4 =	vmov s17  }
0x1fc: {  	vm0 =	vgt.s32 v4, v0  }
0x1fd: {  	v63 =	vld [tilespmem:s23+$0x0];
	_ =	sdelay $0x4  }
0x1fe: {  	s26 =	sand.u32 $0xFFFFFFF0, s22;
	[tilespmem:v3+s11+$0x0] =	vst.idx.msk vm0, v63  }
0x1ff: {  	p1 =	sne.s32 s25, $0x1;
	v3 =	vadd.s32 $0x1, v3;
	v4 =	vld [tilespmem:s26+$0x1A180]  }
.Ltmp35:
0x200: {  	_ = 	snop;
	(pc) =	sbr.rel @p1 .LBB2_57-.Ltmp35, $3  }
0x201: {  	_ =	sdelay $0x1  }
0x202: {  	s22 =	sadd.s32 $0x10, s22;
	s24 =	sadd.s32 $0x10, s24  }
0x203: {  	s23 =	sadd.s32 $0x10, s23;
	s17 =	sadd.s32 $0xFFFFFFF0, s17;
	s25 =	sadd.s32 $0xFFFFFFFF, s25;
	[tilespmem:v3+s11+$0x0] =	vst.idx.msk vm0, v4  }
0x204: {  	s22 =	simm.s32 $0x0  }
0x205: {  	s24 =	simm.s32 $0x880;
	s23 =	simm.s32 $0x19980;
	s25 =	smov.u32 s21  }
0x206: {  	s26 =	simm.s32 $0x19980;
	s28 =	simm.s32 $0x0;
	s17 =	smov.u32 s31  }
.LBB2_59:
0x207: {  	v3 =	vld [tilespmem:s24+$0x0];
	_ =	sdelay $0x2  }
0x208: {  	v4 =	vmov s25  }
0x209: {  	vm0 =	vgt.s32 v4, v0  }
0x20a: {  	v63 =	vadd.s32 $0x4000, v3;
	_ =	sdelay $0x4  }
0x20b: {  	v4 =	vld.idx.msk [tilespmem:v63+s11+$0x0], vm0  }
0x20c: {  	v3 =	vadd.s32 $0x4001, v3;
	_ =	sdelay $0x3  }
0x20d: {  	[tilespmem:s26+$0x0] =	vst v4  }
0x20e: {  	p1 =	sne.s32 s17, $0x1;
	v3 =	vld.idx.msk [tilespmem:v3+s11+$0x0], vm0  }
.Ltmp36:
0x20f: {  	_ = 	snop;
	(pc) =	sbr.rel @p1 .LBB2_59-.Ltmp36, $3  }
0x210: {  	_ =	sdelay $0x1  }
0x211: {  	s29 =	sand.u32 $0xFFFFFFF0, s28;
	s28 =	sadd.s32 $0x10, s28;
	s24 =	sadd.s32 $0x10, s24  }
0x212: {  	s25 =	sadd.s32 $0xFFFFFFF0, s25;
	s17 =	sadd.s32 $0xFFFFFFFF, s17;
	s26 =	sadd.s32 $0x10, s26;
	[tilespmem:s29+$0x1A180] =	vst v3  }
0x213: {  	s24 =	simm.s32 $0x1100  }
0x214: {  	v3 =	vld [tilespmem:s24+$0x0];
	_ =	sdelay $0x2  }
0x215: {  	v4 =	vmov s21  }
0x216: {  	vm0 =	vgt.s32 v4, v0  }
0x217: {  	v5 =	vld [tilespmem:s23+$0x0];
	v4 =	vadd.s32 $0x4000, v3;
	_ =	sdelay $0x4  }
0x218: {  	p1 =	sne.s32 s31, $0x1;
	s17 =	sand.u32 $0xFFFFFFF0, s22;
	[tilespmem:v4+s11+$0x0] =	vst.idx.msk vm0, v5  }
.Ltmp37:
0x219: {  	v3 =	vadd.s32 $0x4001, v3;
	v4 =	vld [tilespmem:s17+$0x1A180];
	(pc) =	sbr.rel @!p1 .LBB2_62-.Ltmp37, $2  }
0x21a: {  	_ =	sdelay $0x2  }
0x21b: {  	s25 =	sadd.s32 $0xFFFFFFFF, s31;
	s21 =	sadd.s32 $0xFFFFFFF0, s21  }
.LBB2_61:
0x21c: {  	[tilespmem:v3+s11+$0x0] =	vst.idx.msk vm0, v4;
	s22 =	sadd.s32 $0x10, s22;
	s24 =	sadd.s32 $0x10, s24;
	s23 =	sadd.s32 $0x10, s23  }
0x21d: {  	p1 =	sne.s32 s25, $0x1;
	s25 =	sadd.s32 $0xFFFFFFFF, s25;
	v3 =	vld [tilespmem:s24+$0x0];
	_ =	sdelay $0x2  }
0x21e: {  	v4 =	vmov s21  }
0x21f: {  	vm0 =	vgt.s32 v4, v0  }
0x220: {  	v4 =	vadd.s32 $0x4000, v3;
	v5 =	vld [tilespmem:s23+$0x0];
	_ =	sdelay $0x4  }
0x221: {  	s17 =	sand.u32 $0xFFFFFFF0, s22;
	[tilespmem:v4+s11+$0x0] =	vst.idx.msk vm0, v5  }
.Ltmp38:
0x222: {  	v3 =	vadd.s32 $0x4001, v3;
	v4 =	vld [tilespmem:s17+$0x1A180];
	(pc) =	sbr.rel @p1 .LBB2_61-.Ltmp38, $2  }
0x223: {  	_ =	sdelay $0x2  }
0x224: {  	s21 =	sadd.s32 $0xFFFFFFF0, s21  }
.LBB2_62:
0x225: {  	_ =	sdelay $0x4  }
0x226: {  	[tilespmem:v3+s11+$0x0] =	vst.idx.msk vm0, v4  }
.LBB2_63:
0x227: {  	s17 =	rddreg [dreg:$0xf]  }
0x228: {  	[hbm4b:s17+s1] =	stream.linear.scatter [tilespmem:s11], [sflag:$0x6], $0x8000, $0x38;
	[tilespmem:$0x1A980] =	vst v63  }
0x229: {  	_ =	swait.ge [sflag:s15], $0x8000  }
0x22a: {  	[sflag:s15] =	ssyncset.done $0x0  }
.Ltmp39:
0x22b: {  	s29 =	rddreg [dreg:$0x10];
	[sflag:s15] =	ssyncadd.s32 $0xFFFF8000;
	(pc) =	sbr.rel @p0 .LBB2_73-.Ltmp39, $4  }
0x22c: {  	[tilespmem:s11], [sflag:$0x3] =	stream.linear.gather [hbm4b:s29+s1], $0x8000, $0x38;
	[tilespmem:$0x1A980] =	vst v63  }
0x22d: {  	_ =	swait.ge [sflag:s5], $0x8000  }
0x22e: {  	[sflag:s5] =	ssyncset.done $0x0  }
0x22f: {  	[sflag:s5] =	ssyncadd.s32 $0xFFFF8000  }
0x230: {  	s21 =	sadd.s32 s19, s20;
	s22 =	simm.s32 $0x0  }
0x231: {  	s24 =	simm.s32 $0x880;
	s23 =	simm.s32 $0x19980;
	s26 =	simm.s32 $0x19980  }
0x232: {  	s17 =	simm.s32 $0x0;
	s28 =	smov.u32 s31;
	s25 =	smov.u32 s21  }
.LBB2_65:
0x233: {  	v3 =	vld [tilespmem:s24+$0x0]  }
0x234: {  	v4 =	vmov s25  }
0x235: {  	vm0 =	vgt.s32 v4, v0;
	_ =	sdelay $0x5  }
0x236: {  	v4 =	vld.idx.msk [tilespmem:v3+s6+$0x0], vm0  }
0x237: {  	v3 =	vadd.s32 $0x1, v3;
	_ =	sdelay $0x3  }
0x238: {  	[tilespmem:s26+$0x0] =	vst v4  }
0x239: {  	p1 =	sne.s32 s28, $0x1;
	v3 =	vld.idx.msk [tilespmem:v3+s6+$0x0], vm0  }
.Ltmp40:
0x23a: {  	_ = 	snop;
	(pc) =	sbr.rel @p1 .LBB2_65-.Ltmp40, $3  }
0x23b: {  	_ =	sdelay $0x1  }
0x23c: {  	s29 =	sand.u32 $0xFFFFFFF0, s17;
	s17 =	sadd.s32 $0x10, s17;
	s24 =	sadd.s32 $0x10, s24  }
0x23d: {  	s25 =	sadd.s32 $0xFFFFFFF0, s25;
	s28 =	sadd.s32 $0xFFFFFFFF, s28;
	s26 =	sadd.s32 $0x10, s26;
	[tilespmem:s29+$0x1A180] =	vst v3  }
0x23e: {  	s24 =	simm.s32 $0x1100;
	s17 =	smov.u32 s21;
	s25 =	smov.u32 s31  }
.LBB2_67:
0x23f: {  	v3 =	vld [tilespmem:s24+$0x0]  }
0x240: {  	v4 =	vmov s17  }
0x241: {  	vm0 =	vgt.s32 v4, v0  }
0x242: {  	v63 =	vld [tilespmem:s23+$0x0];
	_ =	sdelay $0x4  }
0x243: {  	s26 =	sand.u32 $0xFFFFFFF0, s22;
	[tilespmem:v3+s6+$0x0] =	vst.idx.msk vm0, v63  }
0x244: {  	p1 =	sne.s32 s25, $0x1;
	v3 =	vadd.s32 $0x1, v3;
	v4 =	vld [tilespmem:s26+$0x1A180]  }
.Ltmp41:
0x245: {  	_ = 	snop;
	(pc) =	sbr.rel @p1 .LBB2_67-.Ltmp41, $3  }
0x246: {  	_ =	sdelay $0x1  }
0x247: {  	s22 =	sadd.s32 $0x10, s22;
	s24 =	sadd.s32 $0x10, s24  }
0x248: {  	s23 =	sadd.s32 $0x10, s23;
	s17 =	sadd.s32 $0xFFFFFFF0, s17;
	s25 =	sadd.s32 $0xFFFFFFFF, s25;
	[tilespmem:v3+s6+$0x0] =	vst.idx.msk vm0, v4  }
0x249: {  	s22 =	simm.s32 $0x0  }
0x24a: {  	s24 =	simm.s32 $0x880;
	s23 =	simm.s32 $0x19980;
	s25 =	smov.u32 s21  }
0x24b: {  	s26 =	simm.s32 $0x19980;
	s28 =	simm.s32 $0x0;
	s17 =	smov.u32 s31  }
.LBB2_69:
0x24c: {  	v3 =	vld [tilespmem:s24+$0x0];
	_ =	sdelay $0x2  }
0x24d: {  	v4 =	vmov s25  }
0x24e: {  	vm0 =	vgt.s32 v4, v0  }
0x24f: {  	v63 =	vadd.s32 $0x4000, v3;
	_ =	sdelay $0x4  }
0x250: {  	v4 =	vld.idx.msk [tilespmem:v63+s6+$0x0], vm0  }
0x251: {  	v3 =	vadd.s32 $0x4001, v3;
	_ =	sdelay $0x3  }
0x252: {  	[tilespmem:s26+$0x0] =	vst v4  }
0x253: {  	p1 =	sne.s32 s17, $0x1;
	v3 =	vld.idx.msk [tilespmem:v3+s6+$0x0], vm0  }
.Ltmp42:
0x254: {  	_ = 	snop;
	(pc) =	sbr.rel @p1 .LBB2_69-.Ltmp42, $3  }
0x255: {  	_ =	sdelay $0x1  }
0x256: {  	s29 =	sand.u32 $0xFFFFFFF0, s28;
	s28 =	sadd.s32 $0x10, s28;
	s24 =	sadd.s32 $0x10, s24  }
0x257: {  	s25 =	sadd.s32 $0xFFFFFFF0, s25;
	s17 =	sadd.s32 $0xFFFFFFFF, s17;
	s26 =	sadd.s32 $0x10, s26;
	[tilespmem:s29+$0x1A180] =	vst v3  }
0x258: {  	s24 =	simm.s32 $0x1100  }
0x259: {  	v3 =	vld [tilespmem:s24+$0x0];
	_ =	sdelay $0x2  }
0x25a: {  	v4 =	vmov s21  }
0x25b: {  	vm0 =	vgt.s32 v4, v0  }
0x25c: {  	v5 =	vld [tilespmem:s23+$0x0];
	v4 =	vadd.s32 $0x4000, v3;
	_ =	sdelay $0x4  }
0x25d: {  	p1 =	sne.s32 s31, $0x1;
	s17 =	sand.u32 $0xFFFFFFF0, s22;
	[tilespmem:v4+s6+$0x0] =	vst.idx.msk vm0, v5  }
.Ltmp43:
0x25e: {  	v3 =	vadd.s32 $0x4001, v3;
	v4 =	vld [tilespmem:s17+$0x1A180];
	(pc) =	sbr.rel @!p1 .LBB2_72-.Ltmp43, $2  }
0x25f: {  	_ =	sdelay $0x2  }
0x260: {  	s25 =	sadd.s32 $0xFFFFFFFF, s31;
	s21 =	sadd.s32 $0xFFFFFFF0, s21  }
.LBB2_71:
0x261: {  	[tilespmem:v3+s6+$0x0] =	vst.idx.msk vm0, v4;
	s22 =	sadd.s32 $0x10, s22;
	s24 =	sadd.s32 $0x10, s24;
	s23 =	sadd.s32 $0x10, s23  }
0x262: {  	p1 =	sne.s32 s25, $0x1;
	s25 =	sadd.s32 $0xFFFFFFFF, s25;
	v3 =	vld [tilespmem:s24+$0x0];
	_ =	sdelay $0x2  }
0x263: {  	v4 =	vmov s21  }
0x264: {  	vm0 =	vgt.s32 v4, v0  }
0x265: {  	v4 =	vadd.s32 $0x4000, v3;
	v5 =	vld [tilespmem:s23+$0x0];
	_ =	sdelay $0x4  }
0x266: {  	s17 =	sand.u32 $0xFFFFFFF0, s22;
	[tilespmem:v4+s6+$0x0] =	vst.idx.msk vm0, v5  }
.Ltmp44:
0x267: {  	v3 =	vadd.s32 $0x4001, v3;
	v4 =	vld [tilespmem:s17+$0x1A180];
	(pc) =	sbr.rel @p1 .LBB2_71-.Ltmp44, $2  }
0x268: {  	_ =	sdelay $0x2  }
0x269: {  	s21 =	sadd.s32 $0xFFFFFFF0, s21  }
.LBB2_72:
0x26a: {  	_ =	sdelay $0x4  }
0x26b: {  	[tilespmem:v3+s6+$0x0] =	vst.idx.msk vm0, v4  }
.LBB2_73:
0x26c: {  	s17 =	rddreg [dreg:$0x11]  }
0x26d: {  	[hbm4b:s17+s1] =	stream.linear.scatter [tilespmem:s6], [sflag:$0x4], $0x8000, $0x38;
	[tilespmem:$0x1A980] =	vst v63  }
0x26e: {  	_ =	swait.ge [sflag:s8], $0x8000  }
0x26f: {  	[sflag:s8] =	ssyncset.done $0x0  }
.Ltmp45:
0x270: {  	s29 =	rddreg [dreg:$0x12];
	[sflag:s8] =	ssyncadd.s32 $0xFFFF8000;
	(pc) =	sbr.rel @p0 .LBB2_83-.Ltmp45, $4  }
0x271: {  	[tilespmem:s6], [sflag:$0x1] =	stream.linear.gather [hbm4b:s29+s1], $0x8000, $0x38;
	[tilespmem:$0x1A980] =	vst v63  }
0x272: {  	_ =	swait.ge [sflag:s12], $0x8000  }
0x273: {  	[sflag:s12] =	ssyncset.done $0x0  }
0x274: {  	[sflag:s12] =	ssyncadd.s32 $0xFFFF8000  }
0x275: {  	s21 =	sadd.s32 s19, s20;
	s22 =	simm.s32 $0x0  }
0x276: {  	s24 =	simm.s32 $0x880;
	s23 =	simm.s32 $0x19980;
	s26 =	simm.s32 $0x19980  }
0x277: {  	s17 =	simm.s32 $0x0;
	s28 =	smov.u32 s31;
	s25 =	smov.u32 s21  }
.LBB2_75:
0x278: {  	v3 =	vld [tilespmem:s24+$0x0]  }
0x279: {  	v4 =	vmov s25  }
0x27a: {  	vm0 =	vgt.s32 v4, v0;
	_ =	sdelay $0x5  }
0x27b: {  	v4 =	vld.idx.msk [tilespmem:v3+s7+$0x0], vm0  }
0x27c: {  	v3 =	vadd.s32 $0x1, v3;
	_ =	sdelay $0x3  }
0x27d: {  	[tilespmem:s26+$0x0] =	vst v4  }
0x27e: {  	p1 =	sne.s32 s28, $0x1;
	v3 =	vld.idx.msk [tilespmem:v3+s7+$0x0], vm0  }
.Ltmp46:
0x27f: {  	_ = 	snop;
	(pc) =	sbr.rel @p1 .LBB2_75-.Ltmp46, $3  }
0x280: {  	_ =	sdelay $0x1  }
0x281: {  	s29 =	sand.u32 $0xFFFFFFF0, s17;
	s17 =	sadd.s32 $0x10, s17;
	s24 =	sadd.s32 $0x10, s24  }
0x282: {  	s25 =	sadd.s32 $0xFFFFFFF0, s25;
	s28 =	sadd.s32 $0xFFFFFFFF, s28;
	s26 =	sadd.s32 $0x10, s26;
	[tilespmem:s29+$0x1A180] =	vst v3  }
0x283: {  	s24 =	simm.s32 $0x1100;
	s17 =	smov.u32 s21;
	s25 =	smov.u32 s31  }
.LBB2_77:
0x284: {  	v3 =	vld [tilespmem:s24+$0x0]  }
0x285: {  	v4 =	vmov s17  }
0x286: {  	vm0 =	vgt.s32 v4, v0  }
0x287: {  	v63 =	vld [tilespmem:s23+$0x0];
	_ =	sdelay $0x4  }
0x288: {  	s26 =	sand.u32 $0xFFFFFFF0, s22;
	[tilespmem:v3+s7+$0x0] =	vst.idx.msk vm0, v63  }
0x289: {  	p1 =	sne.s32 s25, $0x1;
	v3 =	vadd.s32 $0x1, v3;
	v4 =	vld [tilespmem:s26+$0x1A180]  }
.Ltmp47:
0x28a: {  	_ = 	snop;
	(pc) =	sbr.rel @p1 .LBB2_77-.Ltmp47, $3  }
0x28b: {  	_ =	sdelay $0x1  }
0x28c: {  	s22 =	sadd.s32 $0x10, s22;
	s24 =	sadd.s32 $0x10, s24  }
0x28d: {  	s23 =	sadd.s32 $0x10, s23;
	s17 =	sadd.s32 $0xFFFFFFF0, s17;
	s25 =	sadd.s32 $0xFFFFFFFF, s25;
	[tilespmem:v3+s7+$0x0] =	vst.idx.msk vm0, v4  }
0x28e: {  	s22 =	simm.s32 $0x0  }
0x28f: {  	s24 =	simm.s32 $0x880;
	s23 =	simm.s32 $0x19980;
	s25 =	smov.u32 s21  }
0x290: {  	s26 =	simm.s32 $0x19980;
	s28 =	simm.s32 $0x0;
	s17 =	smov.u32 s31  }
.LBB2_79:
0x291: {  	v3 =	vld [tilespmem:s24+$0x0];
	_ =	sdelay $0x2  }
0x292: {  	v4 =	vmov s25  }
0x293: {  	vm0 =	vgt.s32 v4, v0  }
0x294: {  	v63 =	vadd.s32 $0x4000, v3;
	_ =	sdelay $0x4  }
0x295: {  	v4 =	vld.idx.msk [tilespmem:v63+s7+$0x0], vm0  }
0x296: {  	v3 =	vadd.s32 $0x4001, v3;
	_ =	sdelay $0x3  }
0x297: {  	[tilespmem:s26+$0x0] =	vst v4  }
0x298: {  	p1 =	sne.s32 s17, $0x1;
	v3 =	vld.idx.msk [tilespmem:v3+s7+$0x0], vm0  }
.Ltmp48:
0x299: {  	_ = 	snop;
	(pc) =	sbr.rel @p1 .LBB2_79-.Ltmp48, $3  }
0x29a: {  	_ =	sdelay $0x1  }
0x29b: {  	s29 =	sand.u32 $0xFFFFFFF0, s28;
	s28 =	sadd.s32 $0x10, s28;
	s24 =	sadd.s32 $0x10, s24  }
0x29c: {  	s25 =	sadd.s32 $0xFFFFFFF0, s25;
	s17 =	sadd.s32 $0xFFFFFFFF, s17;
	s26 =	sadd.s32 $0x10, s26;
	[tilespmem:s29+$0x1A180] =	vst v3  }
0x29d: {  	s24 =	simm.s32 $0x1100  }
0x29e: {  	v3 =	vld [tilespmem:s24+$0x0];
	_ =	sdelay $0x2  }
0x29f: {  	v4 =	vmov s21  }
0x2a0: {  	vm0 =	vgt.s32 v4, v0  }
0x2a1: {  	v5 =	vld [tilespmem:s23+$0x0];
	v4 =	vadd.s32 $0x4000, v3;
	_ =	sdelay $0x4  }
0x2a2: {  	p1 =	sne.s32 s31, $0x1;
	s17 =	sand.u32 $0xFFFFFFF0, s22;
	[tilespmem:v4+s7+$0x0] =	vst.idx.msk vm0, v5  }
.Ltmp49:
0x2a3: {  	v3 =	vadd.s32 $0x4001, v3;
	v4 =	vld [tilespmem:s17+$0x1A180];
	(pc) =	sbr.rel @!p1 .LBB2_82-.Ltmp49, $2  }
0x2a4: {  	_ =	sdelay $0x2  }
0x2a5: {  	s25 =	sadd.s32 $0xFFFFFFFF, s31;
	s21 =	sadd.s32 $0xFFFFFFF0, s21  }
.LBB2_81:
0x2a6: {  	[tilespmem:v3+s7+$0x0] =	vst.idx.msk vm0, v4;
	s22 =	sadd.s32 $0x10, s22;
	s24 =	sadd.s32 $0x10, s24;
	s23 =	sadd.s32 $0x10, s23  }
0x2a7: {  	p1 =	sne.s32 s25, $0x1;
	s25 =	sadd.s32 $0xFFFFFFFF, s25;
	v3 =	vld [tilespmem:s24+$0x0];
	_ =	sdelay $0x2  }
0x2a8: {  	v4 =	vmov s21  }
0x2a9: {  	vm0 =	vgt.s32 v4, v0  }
0x2aa: {  	v4 =	vadd.s32 $0x4000, v3;
	v5 =	vld [tilespmem:s23+$0x0];
	_ =	sdelay $0x4  }
0x2ab: {  	s17 =	sand.u32 $0xFFFFFFF0, s22;
	[tilespmem:v4+s7+$0x0] =	vst.idx.msk vm0, v5  }
.Ltmp50:
0x2ac: {  	v3 =	vadd.s32 $0x4001, v3;
	v4 =	vld [tilespmem:s17+$0x1A180];
	(pc) =	sbr.rel @p1 .LBB2_81-.Ltmp50, $2  }
0x2ad: {  	_ =	sdelay $0x2  }
0x2ae: {  	s21 =	sadd.s32 $0xFFFFFFF0, s21  }
.LBB2_82:
0x2af: {  	_ =	sdelay $0x4  }
0x2b0: {  	[tilespmem:v3+s7+$0x0] =	vst.idx.msk vm0, v4  }
.LBB2_83:
0x2b1: {  	s17 =	rddreg [dreg:$0x13]  }
0x2b2: {  	[hbm4b:s17+s1] =	stream.linear.scatter [tilespmem:s7], [sflag:$0x5], $0x8000, $0x38;
	[tilespmem:$0x1A980] =	vst v63  }
0x2b3: {  	_ =	swait.ge [sflag:s13], $0x8000  }
0x2b4: {  	[sflag:s13] =	ssyncset.done $0x0  }
.Ltmp51:
0x2b5: {  	s29 =	rddreg [dreg:$0x16];
	[sflag:s13] =	ssyncadd.s32 $0xFFFF8000;
	(pc) =	sbr.rel @p0 .LBB2_93-.Ltmp51, $4  }
0x2b6: {  	[tilespmem:s7], [sflag:$0x2] =	stream.linear.gather [hbm4b:s29+s1], $0x8000, $0x38;
	[tilespmem:$0x1A980] =	vst v63  }
0x2b7: {  	_ =	swait.ge [sflag:s14], $0x8000  }
0x2b8: {  	[sflag:s14] =	ssyncset.done $0x0  }
0x2b9: {  	[sflag:s14] =	ssyncadd.s32 $0xFFFF8000  }
0x2ba: {  	s21 =	sadd.s32 s19, s20;
	s22 =	simm.s32 $0x0  }
0x2bb: {  	s24 =	simm.s32 $0x880;
	s23 =	simm.s32 $0x19980;
	s26 =	simm.s32 $0x19980  }
0x2bc: {  	s17 =	simm.s32 $0x0;
	s28 =	smov.u32 s31;
	s25 =	smov.u32 s21  }
.LBB2_85:
0x2bd: {  	v3 =	vld [tilespmem:s24+$0x0]  }
0x2be: {  	v4 =	vmov s25  }
0x2bf: {  	vm0 =	vgt.s32 v4, v0;
	_ =	sdelay $0x5  }
0x2c0: {  	v4 =	vld.idx.msk [tilespmem:v3+s11+$0x0], vm0  }
0x2c1: {  	v3 =	vadd.s32 $0x1, v3;
	_ =	sdelay $0x3  }
0x2c2: {  	[tilespmem:s26+$0x0] =	vst v4  }
0x2c3: {  	p1 =	sne.s32 s28, $0x1;
	v3 =	vld.idx.msk [tilespmem:v3+s11+$0x0], vm0  }
.Ltmp52:
0x2c4: {  	_ = 	snop;
	(pc) =	sbr.rel @p1 .LBB2_85-.Ltmp52, $3  }
0x2c5: {  	_ =	sdelay $0x1  }
0x2c6: {  	s29 =	sand.u32 $0xFFFFFFF0, s17;
	s17 =	sadd.s32 $0x10, s17;
	s24 =	sadd.s32 $0x10, s24  }
0x2c7: {  	s25 =	sadd.s32 $0xFFFFFFF0, s25;
	s28 =	sadd.s32 $0xFFFFFFFF, s28;
	s26 =	sadd.s32 $0x10, s26;
	[tilespmem:s29+$0x1A180] =	vst v3  }
0x2c8: {  	s24 =	simm.s32 $0x1100;
	s17 =	smov.u32 s21;
	s25 =	smov.u32 s31  }
.LBB2_87:
0x2c9: {  	v3 =	vld [tilespmem:s24+$0x0]  }
0x2ca: {  	v4 =	vmov s17  }
0x2cb: {  	vm0 =	vgt.s32 v4, v0  }
0x2cc: {  	v63 =	vld [tilespmem:s23+$0x0];
	_ =	sdelay $0x4  }
0x2cd: {  	s26 =	sand.u32 $0xFFFFFFF0, s22;
	[tilespmem:v3+s11+$0x0] =	vst.idx.msk vm0, v63  }
0x2ce: {  	p1 =	sne.s32 s25, $0x1;
	v3 =	vadd.s32 $0x1, v3;
	v4 =	vld [tilespmem:s26+$0x1A180]  }
.Ltmp53:
0x2cf: {  	_ = 	snop;
	(pc) =	sbr.rel @p1 .LBB2_87-.Ltmp53, $3  }
0x2d0: {  	_ =	sdelay $0x1  }
0x2d1: {  	s22 =	sadd.s32 $0x10, s22;
	s24 =	sadd.s32 $0x10, s24  }
0x2d2: {  	s23 =	sadd.s32 $0x10, s23;
	s17 =	sadd.s32 $0xFFFFFFF0, s17;
	s25 =	sadd.s32 $0xFFFFFFFF, s25;
	[tilespmem:v3+s11+$0x0] =	vst.idx.msk vm0, v4  }
0x2d3: {  	s22 =	simm.s32 $0x0  }
0x2d4: {  	s24 =	simm.s32 $0x880;
	s23 =	simm.s32 $0x19980;
	s25 =	smov.u32 s21  }
0x2d5: {  	s26 =	simm.s32 $0x19980;
	s28 =	simm.s32 $0x0;
	s17 =	smov.u32 s31  }
.LBB2_89:
0x2d6: {  	v3 =	vld [tilespmem:s24+$0x0];
	_ =	sdelay $0x2  }
0x2d7: {  	v4 =	vmov s25  }
0x2d8: {  	vm0 =	vgt.s32 v4, v0  }
0x2d9: {  	v63 =	vadd.s32 $0x4000, v3;
	_ =	sdelay $0x4  }
0x2da: {  	v4 =	vld.idx.msk [tilespmem:v63+s11+$0x0], vm0  }
0x2db: {  	v3 =	vadd.s32 $0x4001, v3;
	_ =	sdelay $0x3  }
0x2dc: {  	[tilespmem:s26+$0x0] =	vst v4  }
0x2dd: {  	p1 =	sne.s32 s17, $0x1;
	v3 =	vld.idx.msk [tilespmem:v3+s11+$0x0], vm0  }
.Ltmp54:
0x2de: {  	_ = 	snop;
	(pc) =	sbr.rel @p1 .LBB2_89-.Ltmp54, $3  }
0x2df: {  	_ =	sdelay $0x1  }
0x2e0: {  	s29 =	sand.u32 $0xFFFFFFF0, s28;
	s28 =	sadd.s32 $0x10, s28;
	s24 =	sadd.s32 $0x10, s24  }
0x2e1: {  	s25 =	sadd.s32 $0xFFFFFFF0, s25;
	s17 =	sadd.s32 $0xFFFFFFFF, s17;
	s26 =	sadd.s32 $0x10, s26;
	[tilespmem:s29+$0x1A180] =	vst v3  }
0x2e2: {  	s24 =	simm.s32 $0x1100  }
0x2e3: {  	v3 =	vld [tilespmem:s24+$0x0];
	_ =	sdelay $0x2  }
0x2e4: {  	v4 =	vmov s21  }
0x2e5: {  	vm0 =	vgt.s32 v4, v0  }
0x2e6: {  	v5 =	vld [tilespmem:s23+$0x0];
	v4 =	vadd.s32 $0x4000, v3;
	_ =	sdelay $0x4  }
0x2e7: {  	p1 =	sne.s32 s31, $0x1;
	s17 =	sand.u32 $0xFFFFFFF0, s22;
	[tilespmem:v4+s11+$0x0] =	vst.idx.msk vm0, v5  }
.Ltmp55:
0x2e8: {  	v3 =	vadd.s32 $0x4001, v3;
	v4 =	vld [tilespmem:s17+$0x1A180];
	(pc) =	sbr.rel @!p1 .LBB2_92-.Ltmp55, $2  }
0x2e9: {  	_ =	sdelay $0x2  }
0x2ea: {  	s25 =	sadd.s32 $0xFFFFFFFF, s31;
	s21 =	sadd.s32 $0xFFFFFFF0, s21  }
.LBB2_91:
0x2eb: {  	[tilespmem:v3+s11+$0x0] =	vst.idx.msk vm0, v4;
	s22 =	sadd.s32 $0x10, s22;
	s24 =	sadd.s32 $0x10, s24;
	s23 =	sadd.s32 $0x10, s23  }
0x2ec: {  	p1 =	sne.s32 s25, $0x1;
	s25 =	sadd.s32 $0xFFFFFFFF, s25;
	v3 =	vld [tilespmem:s24+$0x0];
	_ =	sdelay $0x2  }
0x2ed: {  	v4 =	vmov s21  }
0x2ee: {  	vm0 =	vgt.s32 v4, v0  }
0x2ef: {  	v4 =	vadd.s32 $0x4000, v3;
	v5 =	vld [tilespmem:s23+$0x0];
	_ =	sdelay $0x4  }
0x2f0: {  	s17 =	sand.u32 $0xFFFFFFF0, s22;
	[tilespmem:v4+s11+$0x0] =	vst.idx.msk vm0, v5  }
.Ltmp56:
0x2f1: {  	v3 =	vadd.s32 $0x4001, v3;
	v4 =	vld [tilespmem:s17+$0x1A180];
	(pc) =	sbr.rel @p1 .LBB2_91-.Ltmp56, $2  }
0x2f2: {  	_ =	sdelay $0x2  }
0x2f3: {  	s21 =	sadd.s32 $0xFFFFFFF0, s21  }
.LBB2_92:
0x2f4: {  	_ =	sdelay $0x4  }
0x2f5: {  	[tilespmem:v3+s11+$0x0] =	vst.idx.msk vm0, v4  }
.LBB2_93:
0x2f6: {  	s17 =	rddreg [dreg:$0x14]  }
0x2f7: {  	[hbm4b:s17+s1] =	stream.linear.scatter [tilespmem:s11], [sflag:$0x6], $0x8000, $0x38;
	[tilespmem:$0x1A980] =	vst v63  }
0x2f8: {  	_ =	swait.ge [sflag:s15], $0x8000  }
0x2f9: {  	[sflag:s15] =	ssyncset.done $0x0  }
.Ltmp57:
0x2fa: {  	s29 =	rddreg [dreg:$0x18];
	[sflag:s15] =	ssyncadd.s32 $0xFFFF8000;
	(pc) =	sbr.rel @p0 .LBB2_103-.Ltmp57, $4  }
0x2fb: {  	[tilespmem:s11], [sflag:$0x3] =	stream.linear.gather [hbm4b:s29+s1], $0x8000, $0x38;
	[tilespmem:$0x1A980] =	vst v63  }
0x2fc: {  	_ =	swait.ge [sflag:s5], $0x8000  }
0x2fd: {  	[sflag:s5] =	ssyncset.done $0x0  }
0x2fe: {  	[sflag:s5] =	ssyncadd.s32 $0xFFFF8000  }
0x2ff: {  	s21 =	sadd.s32 s19, s20;
	s22 =	simm.s32 $0x0  }
0x300: {  	s24 =	simm.s32 $0x880;
	s23 =	simm.s32 $0x19980;
	s26 =	simm.s32 $0x19980  }
0x301: {  	s17 =	simm.s32 $0x0;
	s28 =	smov.u32 s31;
	s25 =	smov.u32 s21  }
.LBB2_95:
0x302: {  	v3 =	vld [tilespmem:s24+$0x0]  }
0x303: {  	v4 =	vmov s25  }
0x304: {  	vm0 =	vgt.s32 v4, v0;
	_ =	sdelay $0x5  }
0x305: {  	v4 =	vld.idx.msk [tilespmem:v3+s6+$0x0], vm0  }
0x306: {  	v3 =	vadd.s32 $0x1, v3;
	_ =	sdelay $0x3  }
0x307: {  	[tilespmem:s26+$0x0] =	vst v4  }
0x308: {  	p1 =	sne.s32 s28, $0x1;
	v3 =	vld.idx.msk [tilespmem:v3+s6+$0x0], vm0  }
.Ltmp58:
0x309: {  	_ = 	snop;
	(pc) =	sbr.rel @p1 .LBB2_95-.Ltmp58, $3  }
0x30a: {  	_ =	sdelay $0x1  }
0x30b: {  	s29 =	sand.u32 $0xFFFFFFF0, s17;
	s17 =	sadd.s32 $0x10, s17;
	s24 =	sadd.s32 $0x10, s24  }
0x30c: {  	s25 =	sadd.s32 $0xFFFFFFF0, s25;
	s28 =	sadd.s32 $0xFFFFFFFF, s28;
	s26 =	sadd.s32 $0x10, s26;
	[tilespmem:s29+$0x1A180] =	vst v3  }
0x30d: {  	s24 =	simm.s32 $0x1100;
	s17 =	smov.u32 s21;
	s25 =	smov.u32 s31  }
.LBB2_97:
0x30e: {  	v3 =	vld [tilespmem:s24+$0x0]  }
0x30f: {  	v4 =	vmov s17  }
0x310: {  	vm0 =	vgt.s32 v4, v0  }
0x311: {  	v63 =	vld [tilespmem:s23+$0x0];
	_ =	sdelay $0x4  }
0x312: {  	s26 =	sand.u32 $0xFFFFFFF0, s22;
	[tilespmem:v3+s6+$0x0] =	vst.idx.msk vm0, v63  }
0x313: {  	p1 =	sne.s32 s25, $0x1;
	v3 =	vadd.s32 $0x1, v3;
	v4 =	vld [tilespmem:s26+$0x1A180]  }
.Ltmp59:
0x314: {  	_ = 	snop;
	(pc) =	sbr.rel @p1 .LBB2_97-.Ltmp59, $3  }
0x315: {  	_ =	sdelay $0x1  }
0x316: {  	s22 =	sadd.s32 $0x10, s22;
	s24 =	sadd.s32 $0x10, s24  }
0x317: {  	s23 =	sadd.s32 $0x10, s23;
	s17 =	sadd.s32 $0xFFFFFFF0, s17;
	s25 =	sadd.s32 $0xFFFFFFFF, s25;
	[tilespmem:v3+s6+$0x0] =	vst.idx.msk vm0, v4  }
0x318: {  	s22 =	simm.s32 $0x0  }
0x319: {  	s24 =	simm.s32 $0x880;
	s23 =	simm.s32 $0x19980;
	s25 =	smov.u32 s21  }
0x31a: {  	s26 =	simm.s32 $0x19980;
	s28 =	simm.s32 $0x0;
	s17 =	smov.u32 s31  }
.LBB2_99:
0x31b: {  	v3 =	vld [tilespmem:s24+$0x0];
	_ =	sdelay $0x2  }
0x31c: {  	v4 =	vmov s25  }
0x31d: {  	vm0 =	vgt.s32 v4, v0  }
0x31e: {  	v63 =	vadd.s32 $0x4000, v3;
	_ =	sdelay $0x4  }
0x31f: {  	v4 =	vld.idx.msk [tilespmem:v63+s6+$0x0], vm0  }
0x320: {  	v3 =	vadd.s32 $0x4001, v3;
	_ =	sdelay $0x3  }
0x321: {  	[tilespmem:s26+$0x0] =	vst v4  }
0x322: {  	p1 =	sne.s32 s17, $0x1;
	v3 =	vld.idx.msk [tilespmem:v3+s6+$0x0], vm0  }
.Ltmp60:
0x323: {  	_ = 	snop;
	(pc) =	sbr.rel @p1 .LBB2_99-.Ltmp60, $3  }
0x324: {  	_ =	sdelay $0x1  }
0x325: {  	s29 =	sand.u32 $0xFFFFFFF0, s28;
	s28 =	sadd.s32 $0x10, s28;
	s24 =	sadd.s32 $0x10, s24  }
0x326: {  	s25 =	sadd.s32 $0xFFFFFFF0, s25;
	s17 =	sadd.s32 $0xFFFFFFFF, s17;
	s26 =	sadd.s32 $0x10, s26;
	[tilespmem:s29+$0x1A180] =	vst v3  }
0x327: {  	s24 =	simm.s32 $0x1100  }
0x328: {  	v3 =	vld [tilespmem:s24+$0x0];
	_ =	sdelay $0x2  }
0x329: {  	v4 =	vmov s21  }
0x32a: {  	vm0 =	vgt.s32 v4, v0  }
0x32b: {  	v5 =	vld [tilespmem:s23+$0x0];
	v4 =	vadd.s32 $0x4000, v3;
	_ =	sdelay $0x4  }
0x32c: {  	p1 =	sne.s32 s31, $0x1;
	s17 =	sand.u32 $0xFFFFFFF0, s22;
	[tilespmem:v4+s6+$0x0] =	vst.idx.msk vm0, v5  }
.Ltmp61:
0x32d: {  	v3 =	vadd.s32 $0x4001, v3;
	v4 =	vld [tilespmem:s17+$0x1A180];
	(pc) =	sbr.rel @!p1 .LBB2_102-.Ltmp61, $2  }
0x32e: {  	_ =	sdelay $0x2  }
0x32f: {  	s25 =	sadd.s32 $0xFFFFFFFF, s31;
	s21 =	sadd.s32 $0xFFFFFFF0, s21  }
.LBB2_101:
0x330: {  	[tilespmem:v3+s6+$0x0] =	vst.idx.msk vm0, v4;
	s22 =	sadd.s32 $0x10, s22;
	s24 =	sadd.s32 $0x10, s24;
	s23 =	sadd.s32 $0x10, s23  }
0x331: {  	p1 =	sne.s32 s25, $0x1;
	s25 =	sadd.s32 $0xFFFFFFFF, s25;
	v3 =	vld [tilespmem:s24+$0x0];
	_ =	sdelay $0x2  }
0x332: {  	v4 =	vmov s21  }
0x333: {  	vm0 =	vgt.s32 v4, v0  }
0x334: {  	v4 =	vadd.s32 $0x4000, v3;
	v5 =	vld [tilespmem:s23+$0x0];
	_ =	sdelay $0x4  }
0x335: {  	s17 =	sand.u32 $0xFFFFFFF0, s22;
	[tilespmem:v4+s6+$0x0] =	vst.idx.msk vm0, v5  }
.Ltmp62:
0x336: {  	v3 =	vadd.s32 $0x4001, v3;
	v4 =	vld [tilespmem:s17+$0x1A180];
	(pc) =	sbr.rel @p1 .LBB2_101-.Ltmp62, $2  }
0x337: {  	_ =	sdelay $0x2  }
0x338: {  	s21 =	sadd.s32 $0xFFFFFFF0, s21  }
.LBB2_102:
0x339: {  	_ =	sdelay $0x4  }
0x33a: {  	[tilespmem:v3+s6+$0x0] =	vst.idx.msk vm0, v4  }
.LBB2_103:
0x33b: {  	s17 =	rddreg [dreg:$0x15]  }
0x33c: {  	[hbm4b:s17+s1] =	stream.linear.scatter [tilespmem:s6], [sflag:$0x4], $0x8000, $0x38;
	[tilespmem:$0x1A980] =	vst v63  }
0x33d: {  	_ =	swait.ge [sflag:s8], $0x8000  }
0x33e: {  	[sflag:s8] =	ssyncset.done $0x0  }
.Ltmp63:
0x33f: {  	s29 =	rddreg [dreg:$0x1a];
	[sflag:s8] =	ssyncadd.s32 $0xFFFF8000;
	(pc) =	sbr.rel @p0 .LBB2_113-.Ltmp63, $4  }
0x340: {  	[tilespmem:s6], [sflag:$0x1] =	stream.linear.gather [hbm4b:s29+s1], $0x8000, $0x38;
	[tilespmem:$0x1A980] =	vst v63  }
0x341: {  	_ =	swait.ge [sflag:s12], $0x8000  }
0x342: {  	[sflag:s12] =	ssyncset.done $0x0  }
0x343: {  	[sflag:s12] =	ssyncadd.s32 $0xFFFF8000  }
0x344: {  	s21 =	sadd.s32 s19, s20;
	s22 =	simm.s32 $0x0  }
0x345: {  	s24 =	simm.s32 $0x880;
	s23 =	simm.s32 $0x19980;
	s26 =	simm.s32 $0x19980  }
0x346: {  	s17 =	simm.s32 $0x0;
	s28 =	smov.u32 s31;
	s25 =	smov.u32 s21  }
.LBB2_105:
0x347: {  	v3 =	vld [tilespmem:s24+$0x0]  }
0x348: {  	v4 =	vmov s25  }
0x349: {  	vm0 =	vgt.s32 v4, v0;
	_ =	sdelay $0x5  }
0x34a: {  	v4 =	vld.idx.msk [tilespmem:v3+s7+$0x0], vm0  }
0x34b: {  	v3 =	vadd.s32 $0x1, v3;
	_ =	sdelay $0x3  }
0x34c: {  	[tilespmem:s26+$0x0] =	vst v4  }
0x34d: {  	p1 =	sne.s32 s28, $0x1;
	v3 =	vld.idx.msk [tilespmem:v3+s7+$0x0], vm0  }
.Ltmp64:
0x34e: {  	_ = 	snop;
	(pc) =	sbr.rel @p1 .LBB2_105-.Ltmp64, $3  }
0x34f: {  	_ =	sdelay $0x1  }
0x350: {  	s29 =	sand.u32 $0xFFFFFFF0, s17;
	s17 =	sadd.s32 $0x10, s17;
	s24 =	sadd.s32 $0x10, s24  }
0x351: {  	s25 =	sadd.s32 $0xFFFFFFF0, s25;
	s28 =	sadd.s32 $0xFFFFFFFF, s28;
	s26 =	sadd.s32 $0x10, s26;
	[tilespmem:s29+$0x1A180] =	vst v3  }
0x352: {  	s24 =	simm.s32 $0x1100;
	s17 =	smov.u32 s21;
	s25 =	smov.u32 s31  }
.LBB2_107:
0x353: {  	v3 =	vld [tilespmem:s24+$0x0]  }
0x354: {  	v4 =	vmov s17  }
0x355: {  	vm0 =	vgt.s32 v4, v0  }
0x356: {  	v63 =	vld [tilespmem:s23+$0x0];
	_ =	sdelay $0x4  }
0x357: {  	s26 =	sand.u32 $0xFFFFFFF0, s22;
	[tilespmem:v3+s7+$0x0] =	vst.idx.msk vm0, v63  }
0x358: {  	p1 =	sne.s32 s25, $0x1;
	v3 =	vadd.s32 $0x1, v3;
	v4 =	vld [tilespmem:s26+$0x1A180]  }
.Ltmp65:
0x359: {  	_ = 	snop;
	(pc) =	sbr.rel @p1 .LBB2_107-.Ltmp65, $3  }
0x35a: {  	_ =	sdelay $0x1  }
0x35b: {  	s22 =	sadd.s32 $0x10, s22;
	s24 =	sadd.s32 $0x10, s24  }
0x35c: {  	s23 =	sadd.s32 $0x10, s23;
	s17 =	sadd.s32 $0xFFFFFFF0, s17;
	s25 =	sadd.s32 $0xFFFFFFFF, s25;
	[tilespmem:v3+s7+$0x0] =	vst.idx.msk vm0, v4  }
0x35d: {  	s22 =	simm.s32 $0x0  }
0x35e: {  	s24 =	simm.s32 $0x880;
	s23 =	simm.s32 $0x19980;
	s25 =	smov.u32 s21  }
0x35f: {  	s26 =	simm.s32 $0x19980;
	s28 =	simm.s32 $0x0;
	s17 =	smov.u32 s31  }
.LBB2_109:
0x360: {  	v3 =	vld [tilespmem:s24+$0x0];
	_ =	sdelay $0x2  }
0x361: {  	v4 =	vmov s25  }
0x362: {  	vm0 =	vgt.s32 v4, v0  }
0x363: {  	v63 =	vadd.s32 $0x4000, v3;
	_ =	sdelay $0x4  }
0x364: {  	v4 =	vld.idx.msk [tilespmem:v63+s7+$0x0], vm0  }
0x365: {  	v3 =	vadd.s32 $0x4001, v3;
	_ =	sdelay $0x3  }
0x366: {  	[tilespmem:s26+$0x0] =	vst v4  }
0x367: {  	p1 =	sne.s32 s17, $0x1;
	v3 =	vld.idx.msk [tilespmem:v3+s7+$0x0], vm0  }
.Ltmp66:
0x368: {  	_ = 	snop;
	(pc) =	sbr.rel @p1 .LBB2_109-.Ltmp66, $3  }
0x369: {  	_ =	sdelay $0x1  }
0x36a: {  	s29 =	sand.u32 $0xFFFFFFF0, s28;
	s28 =	sadd.s32 $0x10, s28;
	s24 =	sadd.s32 $0x10, s24  }
0x36b: {  	s25 =	sadd.s32 $0xFFFFFFF0, s25;
	s17 =	sadd.s32 $0xFFFFFFFF, s17;
	s26 =	sadd.s32 $0x10, s26;
	[tilespmem:s29+$0x1A180] =	vst v3  }
0x36c: {  	s24 =	simm.s32 $0x1100  }
0x36d: {  	v3 =	vld [tilespmem:s24+$0x0];
	_ =	sdelay $0x2  }
0x36e: {  	v4 =	vmov s21  }
0x36f: {  	vm0 =	vgt.s32 v4, v0  }
0x370: {  	v5 =	vld [tilespmem:s23+$0x0];
	v4 =	vadd.s32 $0x4000, v3;
	_ =	sdelay $0x4  }
0x371: {  	p1 =	sne.s32 s31, $0x1;
	s17 =	sand.u32 $0xFFFFFFF0, s22;
	[tilespmem:v4+s7+$0x0] =	vst.idx.msk vm0, v5  }
.Ltmp67:
0x372: {  	v3 =	vadd.s32 $0x4001, v3;
	v4 =	vld [tilespmem:s17+$0x1A180];
	(pc) =	sbr.rel @!p1 .LBB2_112-.Ltmp67, $2  }
0x373: {  	_ =	sdelay $0x2  }
0x374: {  	s25 =	sadd.s32 $0xFFFFFFFF, s31;
	s21 =	sadd.s32 $0xFFFFFFF0, s21  }
.LBB2_111:
0x375: {  	[tilespmem:v3+s7+$0x0] =	vst.idx.msk vm0, v4;
	s22 =	sadd.s32 $0x10, s22;
	s24 =	sadd.s32 $0x10, s24;
	s23 =	sadd.s32 $0x10, s23  }
0x376: {  	p1 =	sne.s32 s25, $0x1;
	s25 =	sadd.s32 $0xFFFFFFFF, s25;
	v3 =	vld [tilespmem:s24+$0x0];
	_ =	sdelay $0x2  }
0x377: {  	v4 =	vmov s21  }
0x378: {  	vm0 =	vgt.s32 v4, v0  }
0x379: {  	v4 =	vadd.s32 $0x4000, v3;
	v5 =	vld [tilespmem:s23+$0x0];
	_ =	sdelay $0x4  }
0x37a: {  	s17 =	sand.u32 $0xFFFFFFF0, s22;
	[tilespmem:v4+s7+$0x0] =	vst.idx.msk vm0, v5  }
.Ltmp68:
0x37b: {  	v3 =	vadd.s32 $0x4001, v3;
	v4 =	vld [tilespmem:s17+$0x1A180];
	(pc) =	sbr.rel @p1 .LBB2_111-.Ltmp68, $2  }
0x37c: {  	_ =	sdelay $0x2  }
0x37d: {  	s21 =	sadd.s32 $0xFFFFFFF0, s21  }
.LBB2_112:
0x37e: {  	_ =	sdelay $0x4  }
0x37f: {  	[tilespmem:v3+s7+$0x0] =	vst.idx.msk vm0, v4  }
.LBB2_113:
0x380: {  	s17 =	rddreg [dreg:$0x17]  }
0x381: {  	[hbm4b:s17+s1] =	stream.linear.scatter [tilespmem:s7], [sflag:$0x5], $0x8000, $0x38;
	[tilespmem:$0x1A980] =	vst v63  }
0x382: {  	_ =	swait.ge [sflag:s13], $0x8000  }
0x383: {  	[sflag:s13] =	ssyncset.done $0x0  }
.Ltmp69:
0x384: {  	s29 =	rddreg [dreg:$0x1e];
	[sflag:s13] =	ssyncadd.s32 $0xFFFF8000;
	(pc) =	sbr.rel @p0 .LBB2_123-.Ltmp69, $4  }
0x385: {  	[tilespmem:s7], [sflag:$0x2] =	stream.linear.gather [hbm4b:s29+s1], $0x8000, $0x38;
	[tilespmem:$0x1A980] =	vst v63  }
0x386: {  	_ =	swait.ge [sflag:s14], $0x8000  }
0x387: {  	[sflag:s14] =	ssyncset.done $0x0  }
0x388: {  	[sflag:s14] =	ssyncadd.s32 $0xFFFF8000  }
0x389: {  	s21 =	sadd.s32 s19, s20;
	s22 =	simm.s32 $0x0  }
0x38a: {  	s24 =	simm.s32 $0x880;
	s23 =	simm.s32 $0x19980;
	s26 =	simm.s32 $0x19980  }
0x38b: {  	s17 =	simm.s32 $0x0;
	s28 =	smov.u32 s31;
	s25 =	smov.u32 s21  }
.LBB2_115:
0x38c: {  	v3 =	vld [tilespmem:s24+$0x0]  }
0x38d: {  	v4 =	vmov s25  }
0x38e: {  	vm0 =	vgt.s32 v4, v0;
	_ =	sdelay $0x5  }
0x38f: {  	v4 =	vld.idx.msk [tilespmem:v3+s11+$0x0], vm0  }
0x390: {  	v3 =	vadd.s32 $0x1, v3;
	_ =	sdelay $0x3  }
0x391: {  	[tilespmem:s26+$0x0] =	vst v4  }
0x392: {  	p1 =	sne.s32 s28, $0x1;
	v3 =	vld.idx.msk [tilespmem:v3+s11+$0x0], vm0  }
.Ltmp70:
0x393: {  	_ = 	snop;
	(pc) =	sbr.rel @p1 .LBB2_115-.Ltmp70, $3  }
0x394: {  	_ =	sdelay $0x1  }
0x395: {  	s29 =	sand.u32 $0xFFFFFFF0, s17;
	s17 =	sadd.s32 $0x10, s17;
	s24 =	sadd.s32 $0x10, s24  }
0x396: {  	s25 =	sadd.s32 $0xFFFFFFF0, s25;
	s28 =	sadd.s32 $0xFFFFFFFF, s28;
	s26 =	sadd.s32 $0x10, s26;
	[tilespmem:s29+$0x1A180] =	vst v3  }
0x397: {  	s24 =	simm.s32 $0x1100;
	s17 =	smov.u32 s21;
	s25 =	smov.u32 s31  }
.LBB2_117:
0x398: {  	v3 =	vld [tilespmem:s24+$0x0]  }
0x399: {  	v4 =	vmov s17  }
0x39a: {  	vm0 =	vgt.s32 v4, v0  }
0x39b: {  	v63 =	vld [tilespmem:s23+$0x0];
	_ =	sdelay $0x4  }
0x39c: {  	s26 =	sand.u32 $0xFFFFFFF0, s22;
	[tilespmem:v3+s11+$0x0] =	vst.idx.msk vm0, v63  }
0x39d: {  	p1 =	sne.s32 s25, $0x1;
	v3 =	vadd.s32 $0x1, v3;
	v4 =	vld [tilespmem:s26+$0x1A180]  }
.Ltmp71:
0x39e: {  	_ = 	snop;
	(pc) =	sbr.rel @p1 .LBB2_117-.Ltmp71, $3  }
0x39f: {  	_ =	sdelay $0x1  }
0x3a0: {  	s22 =	sadd.s32 $0x10, s22;
	s24 =	sadd.s32 $0x10, s24  }
0x3a1: {  	s23 =	sadd.s32 $0x10, s23;
	s17 =	sadd.s32 $0xFFFFFFF0, s17;
	s25 =	sadd.s32 $0xFFFFFFFF, s25;
	[tilespmem:v3+s11+$0x0] =	vst.idx.msk vm0, v4  }
0x3a2: {  	s22 =	simm.s32 $0x0  }
0x3a3: {  	s24 =	simm.s32 $0x880;
	s23 =	simm.s32 $0x19980;
	s25 =	smov.u32 s21  }
0x3a4: {  	s26 =	simm.s32 $0x19980;
	s28 =	simm.s32 $0x0;
	s17 =	smov.u32 s31  }
.LBB2_119:
0x3a5: {  	v3 =	vld [tilespmem:s24+$0x0];
	_ =	sdelay $0x2  }
0x3a6: {  	v4 =	vmov s25  }
0x3a7: {  	vm0 =	vgt.s32 v4, v0  }
0x3a8: {  	v63 =	vadd.s32 $0x4000, v3;
	_ =	sdelay $0x4  }
0x3a9: {  	v4 =	vld.idx.msk [tilespmem:v63+s11+$0x0], vm0  }
0x3aa: {  	v3 =	vadd.s32 $0x4001, v3;
	_ =	sdelay $0x3  }
0x3ab: {  	[tilespmem:s26+$0x0] =	vst v4  }
0x3ac: {  	p1 =	sne.s32 s17, $0x1;
	v3 =	vld.idx.msk [tilespmem:v3+s11+$0x0], vm0  }
.Ltmp72:
0x3ad: {  	_ = 	snop;
	(pc) =	sbr.rel @p1 .LBB2_119-.Ltmp72, $3  }
0x3ae: {  	_ =	sdelay $0x1  }
0x3af: {  	s29 =	sand.u32 $0xFFFFFFF0, s28;
	s28 =	sadd.s32 $0x10, s28;
	s24 =	sadd.s32 $0x10, s24  }
0x3b0: {  	s25 =	sadd.s32 $0xFFFFFFF0, s25;
	s17 =	sadd.s32 $0xFFFFFFFF, s17;
	s26 =	sadd.s32 $0x10, s26;
	[tilespmem:s29+$0x1A180] =	vst v3  }
0x3b1: {  	s24 =	simm.s32 $0x1100  }
0x3b2: {  	v3 =	vld [tilespmem:s24+$0x0];
	_ =	sdelay $0x2  }
0x3b3: {  	v4 =	vmov s21  }
0x3b4: {  	vm0 =	vgt.s32 v4, v0  }
0x3b5: {  	v5 =	vld [tilespmem:s23+$0x0];
	v4 =	vadd.s32 $0x4000, v3;
	_ =	sdelay $0x4  }
0x3b6: {  	p1 =	sne.s32 s31, $0x1;
	s17 =	sand.u32 $0xFFFFFFF0, s22;
	[tilespmem:v4+s11+$0x0] =	vst.idx.msk vm0, v5  }
.Ltmp73:
0x3b7: {  	v3 =	vadd.s32 $0x4001, v3;
	v4 =	vld [tilespmem:s17+$0x1A180];
	(pc) =	sbr.rel @!p1 .LBB2_122-.Ltmp73, $2  }
0x3b8: {  	_ =	sdelay $0x2  }
0x3b9: {  	s25 =	sadd.s32 $0xFFFFFFFF, s31;
	s21 =	sadd.s32 $0xFFFFFFF0, s21  }
.LBB2_121:
0x3ba: {  	[tilespmem:v3+s11+$0x0] =	vst.idx.msk vm0, v4;
	s22 =	sadd.s32 $0x10, s22;
	s24 =	sadd.s32 $0x10, s24;
	s23 =	sadd.s32 $0x10, s23  }
0x3bb: {  	p1 =	sne.s32 s25, $0x1;
	s25 =	sadd.s32 $0xFFFFFFFF, s25;
	v3 =	vld [tilespmem:s24+$0x0];
	_ =	sdelay $0x2  }
0x3bc: {  	v4 =	vmov s21  }
0x3bd: {  	vm0 =	vgt.s32 v4, v0  }
0x3be: {  	v4 =	vadd.s32 $0x4000, v3;
	v5 =	vld [tilespmem:s23+$0x0];
	_ =	sdelay $0x4  }
0x3bf: {  	s17 =	sand.u32 $0xFFFFFFF0, s22;
	[tilespmem:v4+s11+$0x0] =	vst.idx.msk vm0, v5  }
.Ltmp74:
0x3c0: {  	v3 =	vadd.s32 $0x4001, v3;
	v4 =	vld [tilespmem:s17+$0x1A180];
	(pc) =	sbr.rel @p1 .LBB2_121-.Ltmp74, $2  }
0x3c1: {  	_ =	sdelay $0x2  }
0x3c2: {  	s21 =	sadd.s32 $0xFFFFFFF0, s21  }
.LBB2_122:
0x3c3: {  	_ =	sdelay $0x4  }
0x3c4: {  	[tilespmem:v3+s11+$0x0] =	vst.idx.msk vm0, v4  }
.LBB2_123:
0x3c5: {  	s17 =	rddreg [dreg:$0x19]  }
0x3c6: {  	[hbm4b:s17+s1] =	stream.linear.scatter [tilespmem:s11], [sflag:$0x6], $0x8000, $0x38;
	[tilespmem:$0x1A980] =	vst v63  }
0x3c7: {  	_ =	swait.ge [sflag:s15], $0x8000  }
0x3c8: {  	[sflag:s15] =	ssyncset.done $0x0  }
.Ltmp75:
0x3c9: {  	s29 =	rddreg [dreg:$0x1f];
	[sflag:s15] =	ssyncadd.s32 $0xFFFF8000;
	(pc) =	sbr.rel @p0 .LBB2_133-.Ltmp75, $4  }
0x3ca: {  	[tilespmem:s11], [sflag:$0x3] =	stream.linear.gather [hbm4b:s29+s1], $0x8000, $0x38;
	[tilespmem:$0x1A980] =	vst v63  }
0x3cb: {  	_ =	swait.ge [sflag:s5], $0x8000  }
0x3cc: {  	[sflag:s5] =	ssyncset.done $0x0  }
0x3cd: {  	[sflag:s5] =	ssyncadd.s32 $0xFFFF8000  }
0x3ce: {  	s21 =	sadd.s32 s19, s20;
	s22 =	simm.s32 $0x0  }
0x3cf: {  	s24 =	simm.s32 $0x880;
	s23 =	simm.s32 $0x19980;
	s26 =	simm.s32 $0x19980  }
0x3d0: {  	s17 =	simm.s32 $0x0;
	s28 =	smov.u32 s31;
	s25 =	smov.u32 s21  }
.LBB2_125:
0x3d1: {  	v3 =	vld [tilespmem:s24+$0x0]  }
0x3d2: {  	v4 =	vmov s25  }
0x3d3: {  	vm0 =	vgt.s32 v4, v0;
	_ =	sdelay $0x5  }
0x3d4: {  	v4 =	vld.idx.msk [tilespmem:v3+s6+$0x0], vm0  }
0x3d5: {  	v3 =	vadd.s32 $0x1, v3;
	_ =	sdelay $0x3  }
0x3d6: {  	[tilespmem:s26+$0x0] =	vst v4  }
0x3d7: {  	p1 =	sne.s32 s28, $0x1;
	v3 =	vld.idx.msk [tilespmem:v3+s6+$0x0], vm0  }
.Ltmp76:
0x3d8: {  	_ = 	snop;
	(pc) =	sbr.rel @p1 .LBB2_125-.Ltmp76, $3  }
0x3d9: {  	_ =	sdelay $0x1  }
0x3da: {  	s29 =	sand.u32 $0xFFFFFFF0, s17;
	s17 =	sadd.s32 $0x10, s17;
	s24 =	sadd.s32 $0x10, s24  }
0x3db: {  	s25 =	sadd.s32 $0xFFFFFFF0, s25;
	s28 =	sadd.s32 $0xFFFFFFFF, s28;
	s26 =	sadd.s32 $0x10, s26;
	[tilespmem:s29+$0x1A180] =	vst v3  }
0x3dc: {  	s24 =	simm.s32 $0x1100;
	s17 =	smov.u32 s21;
	s25 =	smov.u32 s31  }
.LBB2_127:
0x3dd: {  	v3 =	vld [tilespmem:s24+$0x0]  }
0x3de: {  	v4 =	vmov s17  }
0x3df: {  	vm0 =	vgt.s32 v4, v0  }
0x3e0: {  	v63 =	vld [tilespmem:s23+$0x0];
	_ =	sdelay $0x4  }
0x3e1: {  	s26 =	sand.u32 $0xFFFFFFF0, s22;
	[tilespmem:v3+s6+$0x0] =	vst.idx.msk vm0, v63  }
0x3e2: {  	p1 =	sne.s32 s25, $0x1;
	v3 =	vadd.s32 $0x1, v3;
	v4 =	vld [tilespmem:s26+$0x1A180]  }
.Ltmp77:
0x3e3: {  	_ = 	snop;
	(pc) =	sbr.rel @p1 .LBB2_127-.Ltmp77, $3  }
0x3e4: {  	_ =	sdelay $0x1  }
0x3e5: {  	s22 =	sadd.s32 $0x10, s22;
	s24 =	sadd.s32 $0x10, s24  }
0x3e6: {  	s23 =	sadd.s32 $0x10, s23;
	s17 =	sadd.s32 $0xFFFFFFF0, s17;
	s25 =	sadd.s32 $0xFFFFFFFF, s25;
	[tilespmem:v3+s6+$0x0] =	vst.idx.msk vm0, v4  }
0x3e7: {  	s22 =	simm.s32 $0x0  }
0x3e8: {  	s24 =	simm.s32 $0x880;
	s23 =	simm.s32 $0x19980;
	s25 =	smov.u32 s21  }
0x3e9: {  	s26 =	simm.s32 $0x19980;
	s28 =	simm.s32 $0x0;
	s17 =	smov.u32 s31  }
.LBB2_129:
0x3ea: {  	v3 =	vld [tilespmem:s24+$0x0];
	_ =	sdelay $0x2  }
0x3eb: {  	v4 =	vmov s25  }
0x3ec: {  	vm0 =	vgt.s32 v4, v0  }
0x3ed: {  	v63 =	vadd.s32 $0x4000, v3;
	_ =	sdelay $0x4  }
0x3ee: {  	v4 =	vld.idx.msk [tilespmem:v63+s6+$0x0], vm0  }
0x3ef: {  	v3 =	vadd.s32 $0x4001, v3;
	_ =	sdelay $0x3  }
0x3f0: {  	[tilespmem:s26+$0x0] =	vst v4  }
0x3f1: {  	p1 =	sne.s32 s17, $0x1;
	v3 =	vld.idx.msk [tilespmem:v3+s6+$0x0], vm0  }
.Ltmp78:
0x3f2: {  	_ = 	snop;
	(pc) =	sbr.rel @p1 .LBB2_129-.Ltmp78, $3  }
0x3f3: {  	_ =	sdelay $0x1  }
0x3f4: {  	s29 =	sand.u32 $0xFFFFFFF0, s28;
	s28 =	sadd.s32 $0x10, s28;
	s24 =	sadd.s32 $0x10, s24  }
0x3f5: {  	s25 =	sadd.s32 $0xFFFFFFF0, s25;
	s17 =	sadd.s32 $0xFFFFFFFF, s17;
	s26 =	sadd.s32 $0x10, s26;
	[tilespmem:s29+$0x1A180] =	vst v3  }
0x3f6: {  	s24 =	simm.s32 $0x1100  }
0x3f7: {  	v3 =	vld [tilespmem:s24+$0x0];
	_ =	sdelay $0x2  }
0x3f8: {  	v4 =	vmov s21  }
0x3f9: {  	vm0 =	vgt.s32 v4, v0  }
0x3fa: {  	v5 =	vld [tilespmem:s23+$0x0];
	v4 =	vadd.s32 $0x4000, v3;
	_ =	sdelay $0x4  }
0x3fb: {  	p1 =	sne.s32 s31, $0x1;
	s17 =	sand.u32 $0xFFFFFFF0, s22;
	[tilespmem:v4+s6+$0x0] =	vst.idx.msk vm0, v5  }
.Ltmp79:
0x3fc: {  	v3 =	vadd.s32 $0x4001, v3;
	v4 =	vld [tilespmem:s17+$0x1A180];
	(pc) =	sbr.rel @!p1 .LBB2_132-.Ltmp79, $2  }
0x3fd: {  	_ =	sdelay $0x2  }
0x3fe: {  	s25 =	sadd.s32 $0xFFFFFFFF, s31;
	s21 =	sadd.s32 $0xFFFFFFF0, s21  }
.LBB2_131:
0x3ff: {  	[tilespmem:v3+s6+$0x0] =	vst.idx.msk vm0, v4;
	s22 =	sadd.s32 $0x10, s22;
	s24 =	sadd.s32 $0x10, s24;
	s23 =	sadd.s32 $0x10, s23  }
0x400: {  	p1 =	sne.s32 s25, $0x1;
	s25 =	sadd.s32 $0xFFFFFFFF, s25;
	v3 =	vld [tilespmem:s24+$0x0];
	_ =	sdelay $0x2  }
0x401: {  	v4 =	vmov s21  }
0x402: {  	vm0 =	vgt.s32 v4, v0  }
0x403: {  	v4 =	vadd.s32 $0x4000, v3;
	v5 =	vld [tilespmem:s23+$0x0];
	_ =	sdelay $0x4  }
0x404: {  	s17 =	sand.u32 $0xFFFFFFF0, s22;
	[tilespmem:v4+s6+$0x0] =	vst.idx.msk vm0, v5  }
.Ltmp80:
0x405: {  	v3 =	vadd.s32 $0x4001, v3;
	v4 =	vld [tilespmem:s17+$0x1A180];
	(pc) =	sbr.rel @p1 .LBB2_131-.Ltmp80, $2  }
0x406: {  	_ =	sdelay $0x2  }
0x407: {  	s21 =	sadd.s32 $0xFFFFFFF0, s21  }
.LBB2_132:
0x408: {  	_ =	sdelay $0x4  }
0x409: {  	[tilespmem:v3+s6+$0x0] =	vst.idx.msk vm0, v4  }
.LBB2_133:
0x40a: {  	s17 =	rddreg [dreg:$0x1b]  }
0x40b: {  	[hbm4b:s17+s1] =	stream.linear.scatter [tilespmem:s6], [sflag:$0x4], $0x8000, $0x38;
	[tilespmem:$0x1A980] =	vst v63  }
0x40c: {  	_ =	swait.ge [sflag:s8], $0x8000  }
0x40d: {  	[sflag:s8] =	ssyncset.done $0x0  }
.Ltmp81:
0x40e: {  	[sflag:s8] =	ssyncadd.s32 $0xFFFF8000;
	(pc) =	sbr.rel @p0 .LBB2_151-.Ltmp81, $4  }
0x40f: {  	[tilespmem:s6], [sflag:$0x1] =	stream.linear.gather [hbm4b:s0+s1], $0x8000, $0x38;
	[tilespmem:$0x1A980] =	vst v63  }
0x410: {  	_ =	swait.ge [sflag:s12], $0x8000  }
0x411: {  	[sflag:s12] =	ssyncset.done $0x0  }
0x412: {  	[sflag:s12] =	ssyncadd.s32 $0xFFFF8000  }
0x413: {  	s19 =	sadd.s32 s19, s20;
	s20 =	simm.s32 $0x0  }
0x414: {  	s22 =	simm.s32 $0x880;
	s21 =	simm.s32 $0x19980;
	s24 =	simm.s32 $0x19980  }
0x415: {  	s17 =	simm.s32 $0x0;
	s25 =	smov.u32 s31;
	s23 =	smov.u32 s19  }
.LBB2_135:
0x416: {  	v3 =	vld [tilespmem:s22+$0x0]  }
0x417: {  	v4 =	vmov s23  }
0x418: {  	vm0 =	vgt.s32 v4, v0;
	_ =	sdelay $0x5  }
0x419: {  	v4 =	vld.idx.msk [tilespmem:v3+s7+$0x0], vm0  }
0x41a: {  	v3 =	vadd.s32 $0x1, v3;
	_ =	sdelay $0x3  }
0x41b: {  	[tilespmem:s24+$0x0] =	vst v4  }
0x41c: {  	p1 =	sne.s32 s25, $0x1;
	v3 =	vld.idx.msk [tilespmem:v3+s7+$0x0], vm0  }
.Ltmp82:
0x41d: {  	_ = 	snop;
	(pc) =	sbr.rel @p1 .LBB2_135-.Ltmp82, $3  }
0x41e: {  	_ =	sdelay $0x1  }
0x41f: {  	s26 =	sand.u32 $0xFFFFFFF0, s17;
	s17 =	sadd.s32 $0x10, s17;
	s22 =	sadd.s32 $0x10, s22  }
0x420: {  	s23 =	sadd.s32 $0xFFFFFFF0, s23;
	s25 =	sadd.s32 $0xFFFFFFFF, s25;
	s24 =	sadd.s32 $0x10, s24;
	[tilespmem:s26+$0x1A180] =	vst v3  }
0x421: {  	s22 =	simm.s32 $0x1100;
	s17 =	smov.u32 s19;
	s23 =	smov.u32 s31  }
.LBB2_137:
0x422: {  	v3 =	vld [tilespmem:s22+$0x0]  }
0x423: {  	v4 =	vmov s17  }
0x424: {  	vm0 =	vgt.s32 v4, v0  }
0x425: {  	v63 =	vld [tilespmem:s21+$0x0];
	_ =	sdelay $0x4  }
0x426: {  	s24 =	sand.u32 $0xFFFFFFF0, s20;
	[tilespmem:v3+s7+$0x0] =	vst.idx.msk vm0, v63  }
0x427: {  	p1 =	sne.s32 s23, $0x1;
	v3 =	vadd.s32 $0x1, v3;
	v4 =	vld [tilespmem:s24+$0x1A180]  }
.Ltmp83:
0x428: {  	_ = 	snop;
	(pc) =	sbr.rel @p1 .LBB2_137-.Ltmp83, $3  }
0x429: {  	_ =	sdelay $0x1  }
0x42a: {  	s20 =	sadd.s32 $0x10, s20;
	s22 =	sadd.s32 $0x10, s22  }
0x42b: {  	s21 =	sadd.s32 $0x10, s21;
	s17 =	sadd.s32 $0xFFFFFFF0, s17;
	s23 =	sadd.s32 $0xFFFFFFFF, s23;
	[tilespmem:v3+s7+$0x0] =	vst.idx.msk vm0, v4  }
0x42c: {  	s20 =	simm.s32 $0x0  }
0x42d: {  	s22 =	simm.s32 $0x880;
	s21 =	simm.s32 $0x19980;
	s23 =	smov.u32 s19  }
0x42e: {  	s24 =	simm.s32 $0x19980;
	s25 =	simm.s32 $0x0;
	s17 =	smov.u32 s31  }
.LBB2_139:
0x42f: {  	v3 =	vld [tilespmem:s22+$0x0];
	_ =	sdelay $0x2  }
0x430: {  	v4 =	vmov s23  }
0x431: {  	vm0 =	vgt.s32 v4, v0  }
0x432: {  	v63 =	vadd.s32 $0x4000, v3;
	_ =	sdelay $0x4  }
0x433: {  	v4 =	vld.idx.msk [tilespmem:v63+s7+$0x0], vm0  }
0x434: {  	v3 =	vadd.s32 $0x4001, v3;
	_ =	sdelay $0x3  }
0x435: {  	[tilespmem:s24+$0x0] =	vst v4  }
0x436: {  	p1 =	sne.s32 s17, $0x1;
	v3 =	vld.idx.msk [tilespmem:v3+s7+$0x0], vm0  }
.Ltmp84:
0x437: {  	_ = 	snop;
	(pc) =	sbr.rel @p1 .LBB2_139-.Ltmp84, $3  }
0x438: {  	_ =	sdelay $0x1  }
0x439: {  	s26 =	sand.u32 $0xFFFFFFF0, s25;
	s25 =	sadd.s32 $0x10, s25;
	s22 =	sadd.s32 $0x10, s22  }
0x43a: {  	s23 =	sadd.s32 $0xFFFFFFF0, s23;
	s17 =	sadd.s32 $0xFFFFFFFF, s17;
	s24 =	sadd.s32 $0x10, s24;
	[tilespmem:s26+$0x1A180] =	vst v3  }
0x43b: {  	s22 =	simm.s32 $0x1100  }
0x43c: {  	v4 =	vld [tilespmem:s22+$0x0];
	_ =	sdelay $0x2  }
0x43d: {  	v3 =	vmov s19  }
0x43e: {  	vm0 =	vgt.s32 v3, v0  }
0x43f: {  	v6 =	vld [tilespmem:s21+$0x0];
	v5 =	vadd.s32 $0x4000, v4;
	_ =	sdelay $0x4  }
0x440: {  	p1 =	sne.s32 s31, $0x1;
	s17 =	sand.u32 $0xFFFFFFF0, s20;
	[tilespmem:v5+s7+$0x0] =	vst.idx.msk vm0, v6  }
.Ltmp85:
0x441: {  	v4 =	vadd.s32 $0x4001, v4;
	v5 =	vld [tilespmem:s17+$0x1A180];
	(pc) =	sbr.rel @!p1 .LBB2_142-.Ltmp85, $2  }
0x442: {  	_ =	sdelay $0x2  }
0x443: {  	s23 =	sadd.s32 $0xFFFFFFFF, s31;
	s24 =	sadd.s32 $0xFFFFFFF0, s19  }
.LBB2_141:
0x444: {  	[tilespmem:v4+s7+$0x0] =	vst.idx.msk vm0, v5;
	s20 =	sadd.s32 $0x10, s20;
	s22 =	sadd.s32 $0x10, s22;
	s21 =	sadd.s32 $0x10, s21  }
0x445: {  	p1 =	sne.s32 s23, $0x1;
	s23 =	sadd.s32 $0xFFFFFFFF, s23;
	v4 =	vld [tilespmem:s22+$0x0];
	_ =	sdelay $0x2  }
0x446: {  	v5 =	vmov s24  }
0x447: {  	vm0 =	vgt.s32 v5, v0  }
0x448: {  	v5 =	vadd.s32 $0x4000, v4;
	v6 =	vld [tilespmem:s21+$0x0];
	_ =	sdelay $0x4  }
0x449: {  	s17 =	sand.u32 $0xFFFFFFF0, s20;
	[tilespmem:v5+s7+$0x0] =	vst.idx.msk vm0, v6  }
.Ltmp86:
0x44a: {  	v4 =	vadd.s32 $0x4001, v4;
	v5 =	vld [tilespmem:s17+$0x1A180];
	(pc) =	sbr.rel @p1 .LBB2_141-.Ltmp86, $2  }
0x44b: {  	_ =	sdelay $0x2  }
0x44c: {  	s24 =	sadd.s32 $0xFFFFFFF0, s24  }
.LBB2_142:
0x44d: {  	_ =	sdelay $0x4  }
0x44e: {  	[tilespmem:v4+s7+$0x0] =	vst.idx.msk vm0, v5;
	s20 =	simm.s32 $0x0  }
0x44f: {  	[hbm4b:s30+s20] =	stream.linear.scatter [tilespmem:s7], [sflag:$0x5], $0x8000, $0x38;
	[tilespmem:$0x1A980] =	vst v63  }
0x450: {  	s22 =	simm.s32 $0x880;
	s21 =	simm.s32 $0x19980;
	_ =	swait.ge [sflag:s14], $0x8000  }
0x451: {  	s23 =	smov.u32 s19;
	s24 =	simm.s32 $0x19980;
	[sflag:s14] =	ssyncset.done $0x0  }
0x452: {  	s17 =	simm.s32 $0x0;
	s25 =	smov.u32 s31;
	[sflag:s14] =	ssyncadd.s32 $0xFFFF8000  }
.LBB2_143:
0x453: {  	v4 =	vld [tilespmem:s22+$0x0]  }
0x454: {  	v5 =	vmov s23  }
0x455: {  	vm0 =	vgt.s32 v5, v0;
	_ =	sdelay $0x5  }
0x456: {  	v5 =	vld.idx.msk [tilespmem:v4+s11+$0x0], vm0  }
0x457: {  	v4 =	vadd.s32 $0x1, v4;
	_ =	sdelay $0x3  }
0x458: {  	[tilespmem:s24+$0x0] =	vst v5  }
0x459: {  	p1 =	sne.s32 s25, $0x1;
	v4 =	vld.idx.msk [tilespmem:v4+s11+$0x0], vm0  }
.Ltmp87:
0x45a: {  	_ = 	snop;
	(pc) =	sbr.rel @p1 .LBB2_143-.Ltmp87, $3  }
0x45b: {  	_ =	sdelay $0x1  }
0x45c: {  	s26 =	sand.u32 $0xFFFFFFF0, s17;
	s17 =	sadd.s32 $0x10, s17;
	s22 =	sadd.s32 $0x10, s22  }
0x45d: {  	s23 =	sadd.s32 $0xFFFFFFF0, s23;
	s25 =	sadd.s32 $0xFFFFFFFF, s25;
	s24 =	sadd.s32 $0x10, s24;
	[tilespmem:s26+$0x1A180] =	vst v4  }
0x45e: {  	s22 =	simm.s32 $0x1100;
	s17 =	smov.u32 s19;
	s23 =	smov.u32 s31  }
.LBB2_145:
0x45f: {  	v4 =	vld [tilespmem:s22+$0x0]  }
0x460: {  	v5 =	vmov s17  }
0x461: {  	vm0 =	vgt.s32 v5, v0  }
0x462: {  	v5 =	vld [tilespmem:s21+$0x0];
	_ =	sdelay $0x4  }
0x463: {  	s24 =	sand.u32 $0xFFFFFFF0, s20;
	[tilespmem:v4+s11+$0x0] =	vst.idx.msk vm0, v5  }
0x464: {  	p1 =	sne.s32 s23, $0x1;
	v4 =	vadd.s32 $0x1, v4;
	v5 =	vld [tilespmem:s24+$0x1A180]  }
.Ltmp88:
0x465: {  	_ = 	snop;
	(pc) =	sbr.rel @p1 .LBB2_145-.Ltmp88, $3  }
0x466: {  	_ =	sdelay $0x1  }
0x467: {  	s20 =	sadd.s32 $0x10, s20;
	s22 =	sadd.s32 $0x10, s22  }
0x468: {  	s17 =	sadd.s32 $0xFFFFFFF0, s17;
	s23 =	sadd.s32 $0xFFFFFFFF, s23;
	s21 =	sadd.s32 $0x10, s21;
	[tilespmem:v4+s11+$0x0] =	vst.idx.msk vm0, v5  }
0x469: {  	s20 =	simm.s32 $0x0  }
0x46a: {  	s22 =	simm.s32 $0x880;
	s21 =	simm.s32 $0x19980;
	s23 =	smov.u32 s19  }
0x46b: {  	s24 =	simm.s32 $0x19980;
	s25 =	simm.s32 $0x0;
	s17 =	smov.u32 s31  }
.LBB2_147:
0x46c: {  	v4 =	vld [tilespmem:s22+$0x0];
	_ =	sdelay $0x2  }
0x46d: {  	v5 =	vmov s23  }
0x46e: {  	vm0 =	vgt.s32 v5, v0  }
0x46f: {  	v5 =	vadd.s32 $0x4000, v4;
	_ =	sdelay $0x4  }
0x470: {  	v5 =	vld.idx.msk [tilespmem:v5+s11+$0x0], vm0  }
0x471: {  	v4 =	vadd.s32 $0x4001, v4;
	_ =	sdelay $0x3  }
0x472: {  	[tilespmem:s24+$0x0] =	vst v5  }
0x473: {  	p1 =	sne.s32 s17, $0x1;
	v4 =	vld.idx.msk [tilespmem:v4+s11+$0x0], vm0  }
.Ltmp89:
0x474: {  	_ = 	snop;
	(pc) =	sbr.rel @p1 .LBB2_147-.Ltmp89, $3  }
0x475: {  	_ =	sdelay $0x1  }
0x476: {  	s26 =	sand.u32 $0xFFFFFFF0, s25;
	s25 =	sadd.s32 $0x10, s25;
	s22 =	sadd.s32 $0x10, s22  }
0x477: {  	s23 =	sadd.s32 $0xFFFFFFF0, s23;
	s17 =	sadd.s32 $0xFFFFFFFF, s17;
	s24 =	sadd.s32 $0x10, s24;
	[tilespmem:s26+$0x1A180] =	vst v4  }
0x478: {  	s22 =	simm.s32 $0x1100  }
0x479: {  	v4 =	vld [tilespmem:s22+$0x0];
	_ =	sdelay $0x3  }
0x47a: {  	vm0 =	vgt.s32 v3, v0  }
0x47b: {  	v5 =	vld [tilespmem:s21+$0x0];
	v3 =	vadd.s32 $0x4000, v4;
	_ =	sdelay $0x4  }
0x47c: {  	p1 =	seq.s32 s31, $0x1;
	s17 =	sand.u32 $0xFFFFFFF0, s20;
	[tilespmem:v3+s11+$0x0] =	vst.idx.msk vm0, v5  }
.Ltmp90:
0x47d: {  	v3 =	vadd.s32 $0x4001, v4;
	v4 =	vld [tilespmem:s17+$0x1A180];
	(pc) =	sbr.rel @p1 .LBB2_150-.Ltmp90, $2  }
0x47e: {  	_ =	sdelay $0x2  }
0x47f: {  	s23 =	sadd.s32 $0xFFFFFFFF, s31;
	s19 =	sadd.s32 $0xFFFFFFF0, s19  }
.LBB2_149:
0x480: {  	[tilespmem:v3+s11+$0x0] =	vst.idx.msk vm0, v4;
	s20 =	sadd.s32 $0x10, s20;
	s22 =	sadd.s32 $0x10, s22;
	s21 =	sadd.s32 $0x10, s21  }
0x481: {  	p1 =	seq.s32 s23, $0x1;
	s23 =	sadd.s32 $0xFFFFFFFF, s23;
	v3 =	vld [tilespmem:s22+$0x0];
	_ =	sdelay $0x2  }
0x482: {  	v4 =	vmov s19  }
0x483: {  	vm0 =	vgt.s32 v4, v0  }
0x484: {  	v4 =	vadd.s32 $0x4000, v3;
	v5 =	vld [tilespmem:s21+$0x0];
	_ =	sdelay $0x4  }
0x485: {  	s17 =	sand.u32 $0xFFFFFFF0, s20;
	[tilespmem:v4+s11+$0x0] =	vst.idx.msk vm0, v5  }
.Ltmp91:
0x486: {  	v3 =	vadd.s32 $0x4001, v3;
	v4 =	vld [tilespmem:s17+$0x1A180];
	(pc) =	sbr.rel @!p1 .LBB2_149-.Ltmp91, $2  }
0x487: {  	_ =	sdelay $0x2  }
0x488: {  	s19 =	sadd.s32 $0xFFFFFFF0, s19  }
.LBB2_150:
0x489: {  	_ = 	snop  }
.Ltmp92:
0x48a: {  	_ = 	snop;
	(pc) =	sbr.rel .LBB2_152-.Ltmp92, $2  }
0x48b: {  	_ =	sdelay $0x2  }
0x48c: {  	[tilespmem:v3+s11+$0x0] =	vst.idx.msk vm0, v4  }
.LBB2_151:
0x48d: {  	[hbm4b:s30+s1] =	stream.linear.scatter [tilespmem:s7], [sflag:$0x5], $0x8000, $0x38;
	[tilespmem:$0x1A980] =	vst v63  }
0x48e: {  	_ =	swait.ge [sflag:s14], $0x8000  }
0x48f: {  	[sflag:s14] =	ssyncset.done $0x0  }
0x490: {  	[sflag:s14] =	ssyncadd.s32 $0xFFFF8000  }
.LBB2_152:
.Ltmp93:
0x491: {  	(pc) =	sbr.rel @p0 .LBB2_162-.Ltmp93, $4  }
0x492: {  	[hbm4b:s2+s1] =	stream.linear.scatter [tilespmem:s11], [sflag:$0x6], $0x8000, $0x38;
	[tilespmem:$0x1A980] =	vst v63  }
0x493: {  	_ =	swait.ge [sflag:s5], $0x8000  }
0x494: {  	[sflag:s5] =	ssyncset.done $0x0  }
0x495: {  	[sflag:s5] =	ssyncadd.s32 $0xFFFF8000  }
0x496: {  	s19 =	simm.s32 $0x0  }
0x497: {  	s21 =	simm.s32 $0x880;
	s20 =	simm.s32 $0x19980;
	s22 =	smov.u32 s18  }
0x498: {  	s23 =	simm.s32 $0x19980;
	s17 =	simm.s32 $0x0;
	s24 =	smov.u32 s31  }
.LBB2_154:
0x499: {  	v3 =	vld [tilespmem:s21+$0x0]  }
0x49a: {  	v4 =	vmov s22  }
0x49b: {  	vm0 =	vgt.s32 v4, v0;
	_ =	sdelay $0x5  }
0x49c: {  	v4 =	vld.idx.msk [tilespmem:v3+s6+$0x0], vm0  }
0x49d: {  	v3 =	vadd.s32 $0x1, v3;
	_ =	sdelay $0x3  }
0x49e: {  	[tilespmem:s23+$0x0] =	vst v4  }
0x49f: {  	p0 =	sne.s32 s24, $0x1;
	v3 =	vld.idx.msk [tilespmem:v3+s6+$0x0], vm0  }
.Ltmp94:
0x4a0: {  	_ = 	snop;
	(pc) =	sbr.rel @p0 .LBB2_154-.Ltmp94, $3  }
0x4a1: {  	_ =	sdelay $0x1  }
0x4a2: {  	s25 =	sand.u32 $0xFFFFFFF0, s17;
	s17 =	sadd.s32 $0x10, s17;
	s21 =	sadd.s32 $0x10, s21  }
0x4a3: {  	s22 =	sadd.s32 $0xFFFFFFF0, s22;
	s24 =	sadd.s32 $0xFFFFFFFF, s24;
	s23 =	sadd.s32 $0x10, s23;
	[tilespmem:s25+$0x1A180] =	vst v3  }
0x4a4: {  	s21 =	simm.s32 $0x1100;
	s17 =	smov.u32 s18;
	s22 =	smov.u32 s31  }
.LBB2_156:
0x4a5: {  	v3 =	vld [tilespmem:s21+$0x0]  }
0x4a6: {  	v4 =	vmov s17  }
0x4a7: {  	vm0 =	vgt.s32 v4, v0  }
0x4a8: {  	v63 =	vld [tilespmem:s20+$0x0];
	_ =	sdelay $0x4  }
0x4a9: {  	s23 =	sand.u32 $0xFFFFFFF0, s19;
	[tilespmem:v3+s6+$0x0] =	vst.idx.msk vm0, v63  }
0x4aa: {  	p0 =	sne.s32 s22, $0x1;
	v3 =	vadd.s32 $0x1, v3;
	v4 =	vld [tilespmem:s23+$0x1A180]  }
.Ltmp95:
0x4ab: {  	_ = 	snop;
	(pc) =	sbr.rel @p0 .LBB2_156-.Ltmp95, $3  }
0x4ac: {  	_ =	sdelay $0x1  }
0x4ad: {  	s19 =	sadd.s32 $0x10, s19;
	s21 =	sadd.s32 $0x10, s21  }
0x4ae: {  	s20 =	sadd.s32 $0x10, s20;
	s17 =	sadd.s32 $0xFFFFFFF0, s17;
	s22 =	sadd.s32 $0xFFFFFFFF, s22;
	[tilespmem:v3+s6+$0x0] =	vst.idx.msk vm0, v4  }
0x4af: {  	s19 =	simm.s32 $0x0  }
0x4b0: {  	s21 =	simm.s32 $0x880;
	s20 =	simm.s32 $0x19980;
	s22 =	smov.u32 s18  }
0x4b1: {  	s23 =	simm.s32 $0x19980;
	s24 =	simm.s32 $0x0;
	s17 =	smov.u32 s31  }
.LBB2_158:
0x4b2: {  	v3 =	vld [tilespmem:s21+$0x0];
	_ =	sdelay $0x2  }
0x4b3: {  	v4 =	vmov s22  }
0x4b4: {  	vm0 =	vgt.s32 v4, v0  }
0x4b5: {  	v63 =	vadd.s32 $0x4000, v3;
	_ =	sdelay $0x4  }
0x4b6: {  	v4 =	vld.idx.msk [tilespmem:v63+s6+$0x0], vm0  }
0x4b7: {  	v3 =	vadd.s32 $0x4001, v3;
	_ =	sdelay $0x3  }
0x4b8: {  	[tilespmem:s23+$0x0] =	vst v4  }
0x4b9: {  	p0 =	sne.s32 s17, $0x1;
	v3 =	vld.idx.msk [tilespmem:v3+s6+$0x0], vm0  }
.Ltmp96:
0x4ba: {  	_ = 	snop;
	(pc) =	sbr.rel @p0 .LBB2_158-.Ltmp96, $3  }
0x4bb: {  	_ =	sdelay $0x1  }
0x4bc: {  	s25 =	sand.u32 $0xFFFFFFF0, s24;
	s24 =	sadd.s32 $0x10, s24;
	s21 =	sadd.s32 $0x10, s21  }
0x4bd: {  	s22 =	sadd.s32 $0xFFFFFFF0, s22;
	s17 =	sadd.s32 $0xFFFFFFFF, s17;
	s23 =	sadd.s32 $0x10, s23;
	[tilespmem:s25+$0x1A180] =	vst v3  }
0x4be: {  	s21 =	simm.s32 $0x1100  }
0x4bf: {  	v3 =	vld [tilespmem:s21+$0x0];
	_ =	sdelay $0x2  }
0x4c0: {  	v4 =	vmov s18  }
0x4c1: {  	vm0 =	vgt.s32 v4, v0  }
0x4c2: {  	v5 =	vld [tilespmem:s20+$0x0];
	v4 =	vadd.s32 $0x4000, v3;
	_ =	sdelay $0x4  }
0x4c3: {  	p0 =	sne.s32 s31, $0x1;
	s22 =	sand.u32 $0xFFFFFFF0, s19;
	[tilespmem:v4+s6+$0x0] =	vst.idx.msk vm0, v5  }
.Ltmp97:
0x4c4: {  	v3 =	vadd.s32 $0x4001, v3;
	v4 =	vld [tilespmem:s22+$0x1A180];
	(pc) =	sbr.rel @!p0 .LBB2_161-.Ltmp97, $2  }
0x4c5: {  	_ =	sdelay $0x2  }
0x4c6: {  	s17 =	sadd.s32 $0xFFFFFFFF, s31;
	s18 =	sadd.s32 $0xFFFFFFF0, s18  }
.LBB2_160:
0x4c7: {  	[tilespmem:v3+s6+$0x0] =	vst.idx.msk vm0, v4;
	s19 =	sadd.s32 $0x10, s19;
	s21 =	sadd.s32 $0x10, s21;
	s20 =	sadd.s32 $0x10, s20  }
0x4c8: {  	p0 =	sne.s32 s17, $0x1;
	s17 =	sadd.s32 $0xFFFFFFFF, s17;
	v3 =	vld [tilespmem:s21+$0x0];
	_ =	sdelay $0x2  }
0x4c9: {  	v4 =	vmov s18  }
0x4ca: {  	vm0 =	vgt.s32 v4, v0  }
0x4cb: {  	v4 =	vadd.s32 $0x4000, v3;
	v5 =	vld [tilespmem:s20+$0x0];
	_ =	sdelay $0x4  }
0x4cc: {  	s22 =	sand.u32 $0xFFFFFFF0, s19;
	[tilespmem:v4+s6+$0x0] =	vst.idx.msk vm0, v5  }
.Ltmp98:
0x4cd: {  	v3 =	vadd.s32 $0x4001, v3;
	v4 =	vld [tilespmem:s22+$0x1A180];
	(pc) =	sbr.rel @p0 .LBB2_160-.Ltmp98, $2  }
0x4ce: {  	_ =	sdelay $0x2  }
0x4cf: {  	s18 =	sadd.s32 $0xFFFFFFF0, s18  }
.Ltmp99:
0x4d0: {  	_ = 	snop;
	(pc) =	sbr.rel .LBB2_161-.Ltmp99, $1  }
0x4d1: {  	_ =	sdelay $0x3  }
.LBB2_163:
0x4d2: {  	_ =	sfence.sel $0x180000  }
0x4d3: {  	[bflag:$0x0] =	sbarrier.arrive $0xFFFF  }
0x4d4: {  	_ =	strace $0x90000047  }
0x4d5: {  	s0 =	stileid.u32;
	[bflag:$0x2] =	sbarrier.arrive $0xFFFF  }
0x4d6: {  	p0 =	sne.s32 s0, $0x0;
	s0 =	rddreg [dreg:$0x3]  }
0x4d7: {  	s0 =	sadd.s32 @!p0 $0x100000, s0  }
0x4d8: {  	[sflag:s0] =	ssyncadd.tile.s32 @!p0 $0x1;
	_ =	shalt  }
.Lfunc_end2:
_tile_overlayer_lowered:
.L_overlay_start_2:
0x4d9: {  	(tag) =	ssettag $0x2  }
0x4da: {  	s0 =	rddreg [dreg:$0x0];
	s2 =	stileid.u32  }
0x4db: {  	s1 =	rddreg [dreg:$0x1];
	p0 =	sne.s32 s2, $0x0  }
0x4dc: {  	s3 =	rddreg [dreg:$0x2];
	[bflag:$0x3] =	sbarrier.arrive $0xFFFF;
	s2 =	simm.s32 @!p0 $0x1C07  }
0x4dd: {  	[timem:s3], [sflag:s2] =	dma.local @!p0 [hbm:s0], s1  }
0x4de: {  	s0 =	simm.s32 @!p0 $0x7  }
0x4df: {  	_ =	swait.ge @!p0 [sflag:s0], s1  }
0x4e0: {  	s1 =	ssub.s32 @!p0 $0x0, s1;
	[sflag:s0] =	ssyncset.done @!p0 $0x0  }
0x4e1: {  	[sflag:s0] =	ssyncadd.s32 @!p0 s1  }
0x4e2: {  	[bflag:$0x3] =	sbarrier.arrive $0xFFFF  }
0x4e3: {  	_ =	shalt  }

</sc_bundles>
